<compile_context>
chip_gen: v7x
topology: tpu7x:2x2x1
jax: 0.10.2.dev20260603
libtpu: 0.0.44.dev20260713+nightly
codegen_flags: <defaults>
</compile_context>

<pallas_src>
import functools

import jax
import jax.numpy as jnp
from jax import lax
from jax.experimental import pallas as pl
from jax.experimental.pallas import tpu as pltpu
from jax.experimental.pallas import tpu_sc as plsc

_MU = 0.02
_MU2 = _MU * _MU
_NW = 32
_ROWS = 16
_SCH = 12
_PERW = _SCH * 256 // _NW
_NCH = _PERW // _ROWS
_U = 4
_TROWS = 512


def _sc_body(pred_hbm, tgt_hbm, out_hbm,
             bpa, b0a, b1a, bpb, b0b, b1b, acc, sema, semb):
    c = lax.axis_index("c")
    s = lax.axis_index("s")
    wid = s * 2 + c

    def zero_body(j, carry):
        acc[pl.ds(j * 16, 16)] = jnp.zeros((16,), jnp.float32)
        return carry

    lax.fori_loop(0, 32, zero_body, 0)

    lane = lax.iota(jnp.int32, 16)
    ones = jnp.ones((16,), jnp.float32)

    def start(ck, bp, b0, b1, sem):
        gr = wid * _PERW + ck * _ROWS
        bat = gr // 512
        r0 = gr % 512
        pltpu.async_copy(pred_hbm.at[bat, 0, pl.ds(r0, _ROWS), :], bp, sem)
        pltpu.async_copy(tgt_hbm.at[bat, 0, pl.ds(r0, _ROWS), :], b0, sem)
        pltpu.async_copy(tgt_hbm.at[bat, 1, pl.ds(r0, _ROWS), :], b1, sem)

    def drain(bp, b0, b1, sem):
        pltpu.make_async_copy(pred_hbm.at[0, 0, pl.ds(0, _ROWS), :], bp, sem).wait()
        pltpu.make_async_copy(pred_hbm.at[0, 0, pl.ds(0, _ROWS), :], b0, sem).wait()
        pltpu.make_async_copy(pred_hbm.at[0, 0, pl.ds(0, _ROWS), :], b1, sem).wait()

    def compute(bp, b0, b1):
        def vec_body(j, c2):
            row = j >> 3
            col = (j & 7) * (16 * _U)
            ps, as_, ts = [], [], []
            for u in range(_U):
                o = col + u * 16
                ps.append(bp[row, pl.ds(o, 16)])
                as_.append(b0[row, pl.ds(o, 16)])
                ts.append(b1[row, pl.ds(o, 16)])
            lts, idxs = [], []
            for u in range(_U):
                p, a, t = ps[u], as_[u], ts[u]
                d = (p - a) / (a + 1e-4)
                x = d * d + _MU2
                i = plsc.bitcast(x, jnp.int32)
                y = plsc.bitcast(0x5F3759DF - (i >> 1), jnp.float32)
                xh = 0.5 * x
                y = y * (1.5 - xh * y * y)
                lts.append((x * y - _MU) * t)
                g = jnp.abs(d) * y
                b = jnp.minimum(g * 10.0, 9.0).astype(jnp.int32)
                idxs.append(b * 16 + lane)
            for u in range(_U):
                plsc.addupdate_scatter(acc, [idxs[u]], lts[u])
                plsc.addupdate_scatter(acc, [idxs[u] + 256], ones,
                                       mask=ts[u] > 0)
            return c2

        lax.fori_loop(0, _ROWS * 512 // (16 * _U), vec_body, 0)

    bufs = ((bpa, b0a, b1a, sema), (bpb, b0b, b1b, semb))
    start(0, *bufs[0])
    for k in range(_NCH):
        cur = bufs[k % 2]
        if k + 1 < _NCH:
            start(k + 1, *bufs[(k + 1) % 2])
        drain(*cur)
        compute(cur[0], cur[1], cur[2])
    pltpu.sync_copy(acc, out_hbm.at[wid])


@functools.lru_cache(maxsize=1)
def _sc_pass():
    mesh = plsc.VectorSubcoreMesh(
        core_axis_name="c", subcore_axis_name="s", num_cores=2, num_subcores=16
    )
    return pl.kernel(
        _sc_body,
        out_type=jax.ShapeDtypeStruct((_NW, 512), jnp.float32),
        mesh=mesh,
        compiler_params=pltpu.CompilerParams(
            needs_layout_passes=False, use_tc_tiling_on_sc=True
        ),
        scratch_types=[
            pltpu.VMEM((_ROWS, 512), jnp.float32),
            pltpu.VMEM((_ROWS, 512), jnp.float32),
            pltpu.VMEM((_ROWS, 512), jnp.float32),
            pltpu.VMEM((_ROWS, 512), jnp.float32),
            pltpu.VMEM((_ROWS, 512), jnp.float32),
            pltpu.VMEM((_ROWS, 512), jnp.float32),
            pltpu.VMEM((512,), jnp.float32),
            pltpu.SemaphoreType.DMA,
            pltpu.SemaphoreType.DMA,
        ],
    )


def _tc_body(p_ref, t_ref, o_ref):
    i0 = pl.program_id(0)

    @pl.when(i0 == 0)
    def _():
        o_ref[...] = jnp.zeros_like(o_ref)

    p = p_ref[0, 0]
    a = t_ref[0, 0]
    t = t_ref[0, 1]
    d = (p - a) / (a + 1e-4)
    x = d * d + _MU2
    r = lax.rsqrt(x)
    lt = (x * r - _MU) * t
    g = jnp.abs(d) * r
    b = jnp.minimum(g * 10.0, 9.0).astype(jnp.int32)
    vld = t > 0
    ones_row = jnp.ones((1, _TROWS), jnp.float32)
    for i in range(10):
        m = b == i
        srow = jnp.dot(ones_row, jnp.where(m, lt, 0.0),
                       preferred_element_type=jnp.float32)
        o_ref[pl.ds(i, 1), :] += srow
        mc = jnp.logical_and(m, vld)
        crow = jnp.dot(ones_row, jnp.where(mc, 1.0, 0.0),
                       preferred_element_type=jnp.float32)
        o_ref[pl.ds(16 + i, 1), :] += crow


def _tc_pass(pred, target):
    return pl.pallas_call(
        _tc_body,
        grid=((32 - _SCH) // 2,),
        in_specs=[
            pl.BlockSpec((1, 1, _TROWS, 512),
                         lambda i: (i + _SCH // 2, 0, 0, 0)),
            pl.BlockSpec((1, 2, _TROWS, 512),
                         lambda i: (i + _SCH // 2, 0, 0, 0)),
        ],
        out_specs=pl.BlockSpec((32, 512), lambda i: (0, 0)),
        out_shape=jax.ShapeDtypeStruct((32, 512), jnp.float32),
    )(pred, target)


def _epi_body(xs_ref, xt_ref, o_ref):
    x = xs_ref[...]
    col = jnp.sum(x, axis=0, keepdims=True)
    wsel = lax.broadcasted_iota(jnp.int32, (32, 512), 1) // 16
    ksel = lax.broadcasted_iota(jnp.int32, (32, 512), 0)
    e = (wsel == ksel).astype(jnp.float32)
    slot = lax.dot_general(e, col, (((1,), (1,)), ((), ())),
                           preferred_element_type=jnp.float32)
    y = xt_ref[...]
    yrow = jnp.sum(y, axis=1, keepdims=True)
    both = slot + yrow
    sb = both[0:16]
    cb = both[16:32]
    tot = jnp.maximum(jnp.sum(cb), 1.0)
    has = cb > 0
    w = jnp.where(has, tot / jnp.maximum(0.25 * cb, 1e-12), 0.0)
    n = jnp.sum(jnp.where(has, 1.0, 0.0))
    o_ref[0, 0] = jnp.sum(w * sb) / jnp.maximum(n, 1.0) / tot


def _epilogue(sc_partials, tc_partials):
    return pl.pallas_call(
        _epi_body,
        out_shape=jax.ShapeDtypeStruct((1, 1), jnp.float32),
        out_specs=pl.BlockSpec(memory_space=pltpu.SMEM),
    )(sc_partials, tc_partials)


def kernel(pred, target):
    sc_partials = _sc_pass()(pred, target)
    tc_partials = _tc_pass(pred, target)
    res = _epilogue(sc_partials, tc_partials)
    return res[0, 0]

# --- scband reference (transcript-rebuilt; emitter-appended) ---
"""Pipeline reference for scband-ghmrloss-2216203125375 (READ-ONLY COPY).

The authoritative reference and input builder live on the scoring server;
editing this copy changes nothing except your own understanding.
"""

import jax, jax.numpy as jnp
import numpy as np

MU = 0.02
BINS = 10
MMT = 0.75
EDGES = [float(x) / BINS for x in range(BINS + 1)]
EDGES[-1] = 1000.0


def setup_inputs(seed: int = 0) -> dict:
    key = jax.random.key(seed)
    k1, k2 = jax.random.split(key)
    pred = jax.random.normal(k1, (16, 1, 512, 512), dtype=jnp.float32)
    target = jax.random.uniform(k2, (16, 2, 512, 512), dtype=jnp.float32)
    return {"pred": pred, "target": target}


def reference(pred, target):
    t0 = target[:, 0:1, :, :]
    t1 = target[:, 1:2, :, :]
    diff = (pred - t0) / (t0 + 0.0001)
    temp = jnp.sqrt(diff * diff + MU * MU)
    loss = temp - MU
    g = jax.lax.stop_gradient(jnp.abs(diff / temp))
    valid = t1 > 0
    tot = jnp.maximum(valid.astype(jnp.float32).sum(), 1.0)
    weights = jnp.zeros_like(g)
    n = jnp.zeros((), dtype=jnp.float32)
    for i in range(BINS):
        inds = (g >= EDGES[i]) & (g < EDGES[i + 1]) & valid
        num_in_bin = inds.astype(jnp.float32).sum()
        has = num_in_bin > 0
        # momentum update from freshly-initialized acc_sum (acc_sum[i] starts at 0.0):
        acc = MMT * 0.0 + (1.0 - MMT) * num_in_bin
        w_i = jnp.where(has, tot / jnp.maximum(acc, 1e-12), 0.0)
        weights = jnp.where(inds, w_i, weights)
        n = n + jnp.where(has, 1.0, 0.0)
    weights = jnp.where(n > 0, weights / jnp.maximum(n, 1.0), weights)
    loss = loss * weights * t1
    return loss.sum() / tot

if __name__ == "__main__":
    import jax
    _d = setup_inputs()
    print(jax.jit(kernel)(*tuple(_d.values())))

</pallas_src>

<mosaic_0001>
#map = affine_map<(d0, d1) -> (0, 0, 0, 0)>
#map1 = affine_map<(d0, d1) -> (0, 0)>
module attributes {stable_mosaic.version = 14 : i64} {
  func.func @_sc_body(%arg0: i32, %arg1: i32, %arg2: memref<16x1x512x512xf32, #tpu.memory_space<hbm>>, %arg3: memref<16x2x512x512xf32, #tpu.memory_space<hbm>>, %arg4: memref<32x512xf32, #tpu.memory_space<hbm>>, %arg5: memref<16x512xf32, #tpu.memory_space<vmem>>, %arg6: memref<16x512xf32, #tpu.memory_space<vmem>>, %arg7: memref<16x512xf32, #tpu.memory_space<vmem>>, %arg8: memref<16x512xf32, #tpu.memory_space<vmem>>, %arg9: memref<16x512xf32, #tpu.memory_space<vmem>>, %arg10: memref<16x512xf32, #tpu.memory_space<vmem>>, %arg11: memref<512xf32, #tpu.memory_space<vmem>>, %arg12: memref<!tpu.dma_semaphore, #tpu.memory_space<semaphore_mem>>, %arg13: memref<!tpu.dma_semaphore, #tpu.memory_space<semaphore_mem>>) attributes {dimension_semantics = [#tpu.dimension_semantics<core_parallel>, #tpu.dimension_semantics<subcore_parallel>], iteration_bounds = array<i64: 2, 16>, scalar_prefetch = 0 : i64, scratch_operands = 9 : i64, tpu.core_type = #tpu.core_type<sc_vector_subcore>, window_params = [{transform_indices = #map}, {transform_indices = #map}, {transform_indices = #map1}]} {
    %mul3A = arith.constant 2 : i32
    %mul3A_0 = arith.muli %arg1, %mul3A : i32
    %add3A = arith.addi %mul3A_0, %arg0 : i32
    %scan3A = arith.constant 0 : i32
    %scan3A_1 = arith.constant 0 : i32
    %scan3A_2 = arith.constant 32 : i32
    %scan3A_3 = arith.addi %scan3A_1, %scan3A_2 : i32
    %scan3A_4 = arith.constant 1 : i32
    scf.for %scan3A_601 = %scan3A_1 to %scan3A_3 step %scan3A_4  : i32 {
      %broadcast_in_dim3A_602 = arith.constant 0.000000e+00 : f32
      %broadcast_in_dim3A_603 = vector.broadcast %broadcast_in_dim3A_602 : f32 to vector<16xf32>
      %mul3A_604 = arith.constant 16 : i32
      %mul3A_605 = arith.muli %scan3A_601, %mul3A_604 : i32
      %swap3A = arith.index_cast %mul3A_605 : i32 to index
      %swap3A_606 = tpu.vector_load %arg11[%swap3A] {strides = array<i32>} : memref<512xf32, #tpu.memory_space<vmem>>, vector<16xf32>,
      tpu.vector_store %arg11[%swap3A], %broadcast_in_dim3A_603 {strides = array<i32>} : memref<512xf32, #tpu.memory_space<vmem>>, vector<16xf32>,
    }
    %scan3A_5 = arith.constant 32 : i32
    %iota3A = tpu.iota {dimensions = array<i32: 0>} : vector<16xi32>
    %broadcast_in_dim3A = arith.constant 1.000000e+00 : f32
    %broadcast_in_dim3A_6 = vector.broadcast %broadcast_in_dim3A : f32 to vector<16xf32>
    %mul3A_7 = arith.constant 96 : i32
    %mul3A_8 = arith.muli %add3A, %mul3A_7 : i32
    %add3A_9 = arith.constant 0 : i32
    %add3A_10 = arith.addi %mul3A_8, %add3A_9 : i32
    %jit3A = arith.constant 512 : i32
    %div3A = arith.divsi %add3A_10, %jit3A : i32
    %sign3A = arith.constant 0 : i32
    %sign3A_11 = arith.cmpi sgt, %add3A_10, %sign3A : i32
    %sign3A_12 = arith.extui %sign3A_11 : i1 to i32
    %sign3A_13 = arith.constant 0 : i32
    %sign3A_14 = arith.cmpi slt, %add3A_10, %sign3A_13 : i32
    %sign3A_15 = arith.extui %sign3A_14 : i1 to i32
    %sign3A_16 = arith.subi %sign3A_12, %sign3A_15 : i32
    %sign3A_17 = arith.constant 0 : i32
    %sign3A_18 = arith.cmpi sgt, %jit3A, %sign3A_17 : i32
    %sign3A_19 = arith.extui %sign3A_18 : i1 to i32
    %sign3A_20 = arith.constant 0 : i32
    %sign3A_21 = arith.cmpi slt, %jit3A, %sign3A_20 : i32
    %sign3A_22 = arith.extui %sign3A_21 : i1 to i32
    %sign3A_23 = arith.subi %sign3A_19, %sign3A_22 : i32
    %ne3A = arith.cmpi ne, %sign3A_16, %sign3A_23 : i32
    %rem3A = arith.remsi %add3A_10, %jit3A : i32
    %ne3A_24 = arith.constant 0 : i32
    %ne3A_25 = arith.cmpi ne, %rem3A, %ne3A_24 : i32
    %and3A = arith.andi %ne3A, %ne3A_25 : i1
    %sub3A = arith.constant 1 : i32
    %sub3A_26 = arith.subi %div3A, %sub3A : i32
    %select_n3A = arith.select %and3A, %sub3A_26, %div3A : i32
    %jit3A_27 = arith.constant 512 : i32
    %eq3A = arith.constant 0 : i32
    %eq3A_28 = arith.cmpi eq, %jit3A_27, %eq3A : i32
    %jit3A_29 = arith.constant 1 : i32
    %select_n3A_30 = arith.select %eq3A_28, %jit3A_29, %jit3A_27 : i32
    %rem3A_31 = arith.remsi %add3A_10, %select_n3A_30 : i32
    %ne3A_32 = arith.constant 0 : i32
    %ne3A_33 = arith.cmpi ne, %rem3A_31, %ne3A_32 : i32
    %lt3A = arith.constant 0 : i32
    %lt3A_34 = arith.cmpi slt, %rem3A_31, %lt3A : i32
    %lt3A_35 = arith.constant 0 : i32
    %lt3A_36 = arith.cmpi slt, %select_n3A_30, %lt3A_35 : i32
    %ne3A_37 = arith.xori %lt3A_34, %lt3A_36 : i1
    %and3A_38 = arith.andi %ne3A_37, %ne3A_33 : i1
    %add3A_39 = arith.addi %rem3A_31, %select_n3A_30 : i32
    %select_n3A_40 = arith.select %and3A_38, %add3A_39, %rem3A_31 : i32
    %dma_start3A = arith.constant 0 : i32
    %dma_start3A_41 = arith.constant 0 : i32
    %dma_start3A_42 = tpu.memref_slice %arg2[%select_n3A, %dma_start3A, %select_n3A_40, %dma_start3A_41] : memref<16x1x512x512xf32, #tpu.memory_space<hbm>> -> memref<1x1x16x512xf32, #tpu.memory_space<hbm>>
    %dma_start3A_43 = tpu.memref_squeeze %dma_start3A_42 : memref<1x1x16x512xf32, #tpu.memory_space<hbm>> -> memref<16x512xf32, #tpu.memory_space<hbm>>
    %dma_start3A_44 = arith.constant 0 : i32
    %dma_start3A_45 = tpu.memref_slice %arg2[%select_n3A, %dma_start3A, %select_n3A_40, %dma_start3A_44] : memref<16x1x512x512xf32, #tpu.memory_space<hbm>> -> memref<1x1x16x512xf32, #tpu.memory_space<hbm>>
    %dma_start3A_46 = tpu.memref_squeeze %dma_start3A_45 : memref<1x1x16x512xf32, #tpu.memory_space<hbm>> -> memref<16x512xf32, #tpu.memory_space<hbm>>
    tpu.enqueue_dma source(%dma_start3A_46 : memref<16x512xf32, #tpu.memory_space<hbm>>) target(%arg5 : memref<16x512xf32, #tpu.memory_space<vmem>>) target_semaphore(%arg12 : memref<!tpu.dma_semaphore, #tpu.memory_space<semaphore_mem>>)
    %dma_start3A_47 = arith.constant 0 : i32
    %dma_start3A_48 = arith.constant 0 : i32
    %dma_start3A_49 = tpu.memref_slice %arg3[%select_n3A, %dma_start3A_47, %select_n3A_40, %dma_start3A_48] : memref<16x2x512x512xf32, #tpu.memory_space<hbm>> -> memref<1x1x16x512xf32, #tpu.memory_space<hbm>>
    %dma_start3A_50 = tpu.memref_squeeze %dma_start3A_49 : memref<1x1x16x512xf32, #tpu.memory_space<hbm>> -> memref<16x512xf32, #tpu.memory_space<hbm>>
    %dma_start3A_51 = arith.constant 0 : i32
    %dma_start3A_52 = tpu.memref_slice %arg3[%select_n3A, %dma_start3A_47, %select_n3A_40, %dma_start3A_51] : memref<16x2x512x512xf32, #tpu.memory_space<hbm>> -> memref<1x1x16x512xf32, #tpu.memory_space<hbm>>
    %dma_start3A_53 = tpu.memref_squeeze %dma_start3A_52 : memref<1x1x16x512xf32, #tpu.memory_space<hbm>> -> memref<16x512xf32, #tpu.memory_space<hbm>>
    tpu.enqueue_dma source(%dma_start3A_53 : memref<16x512xf32, #tpu.memory_space<hbm>>) target(%arg6 : memref<16x512xf32, #tpu.memory_space<vmem>>) target_semaphore(%arg12 : memref<!tpu.dma_semaphore, #tpu.memory_space<semaphore_mem>>)
    %dma_start3A_54 = arith.constant 1 : i32
    %dma_start3A_55 = arith.constant 0 : i32
    %dma_start3A_56 = tpu.memref_slice %arg3[%select_n3A, %dma_start3A_54, %select_n3A_40, %dma_start3A_55] : memref<16x2x512x512xf32, #tpu.memory_space<hbm>> -> memref<1x1x16x512xf32, #tpu.memory_space<hbm>>
    %dma_start3A_57 = tpu.memref_squeeze %dma_start3A_56 : memref<1x1x16x512xf32, #tpu.memory_space<hbm>> -> memref<16x512xf32, #tpu.memory_space<hbm>>
    %dma_start3A_58 = arith.constant 0 : i32
    %dma_start3A_59 = tpu.memref_slice %arg3[%select_n3A, %dma_start3A_54, %select_n3A_40, %dma_start3A_58] : memref<16x2x512x512xf32, #tpu.memory_space<hbm>> -> memref<1x1x16x512xf32, #tpu.memory_space<hbm>>
    %dma_start3A_60 = tpu.memref_squeeze %dma_start3A_59 : memref<1x1x16x512xf32, #tpu.memory_space<hbm>> -> memref<16x512xf32, #tpu.memory_space<hbm>>
    tpu.enqueue_dma source(%dma_start3A_60 : memref<16x512xf32, #tpu.memory_space<hbm>>) target(%arg7 : memref<16x512xf32, #tpu.memory_space<vmem>>) target_semaphore(%arg12 : memref<!tpu.dma_semaphore, #tpu.memory_space<semaphore_mem>>)
    %mul3A_61 = arith.constant 96 : i32
    %mul3A_62 = arith.muli %add3A, %mul3A_61 : i32
    %add3A_63 = arith.constant 16 : i32
    %add3A_64 = arith.addi %mul3A_62, %add3A_63 : i32
    %jit3A_65 = arith.constant 512 : i32
    %div3A_66 = arith.divsi %add3A_64, %jit3A_65 : i32
    %sign3A_67 = arith.constant 0 : i32
    %sign3A_68 = arith.cmpi sgt, %add3A_64, %sign3A_67 : i32
    %sign3A_69 = arith.extui %sign3A_68 : i1 to i32
    %sign3A_70 = arith.constant 0 : i32
    %sign3A_71 = arith.cmpi slt, %add3A_64, %sign3A_70 : i32
    %sign3A_72 = arith.extui %sign3A_71 : i1 to i32
    %sign3A_73 = arith.subi %sign3A_69, %sign3A_72 : i32
    %sign3A_74 = arith.constant 0 : i32
    %sign3A_75 = arith.cmpi sgt, %jit3A_65, %sign3A_74 : i32
    %sign3A_76 = arith.extui %sign3A_75 : i1 to i32
    %sign3A_77 = arith.constant 0 : i32
    %sign3A_78 = arith.cmpi slt, %jit3A_65, %sign3A_77 : i32
    %sign3A_79 = arith.extui %sign3A_78 : i1 to i32
    %sign3A_80 = arith.subi %sign3A_76, %sign3A_79 : i32
    %ne3A_81 = arith.cmpi ne, %sign3A_73, %sign3A_80 : i32
    %rem3A_82 = arith.remsi %add3A_64, %jit3A_65 : i32
    %ne3A_83 = arith.constant 0 : i32
    %ne3A_84 = arith.cmpi ne, %rem3A_82, %ne3A_83 : i32
    %and3A_85 = arith.andi %ne3A_81, %ne3A_84 : i1
    %sub3A_86 = arith.constant 1 : i32
    %sub3A_87 = arith.subi %div3A_66, %sub3A_86 : i32
    %select_n3A_88 = arith.select %and3A_85, %sub3A_87, %div3A_66 : i32
    %jit3A_89 = arith.constant 512 : i32
    %eq3A_90 = arith.constant 0 : i32
    %eq3A_91 = arith.cmpi eq, %jit3A_89, %eq3A_90 : i32
    %jit3A_92 = arith.constant 1 : i32
    %select_n3A_93 = arith.select %eq3A_91, %jit3A_92, %jit3A_89 : i32
    %rem3A_94 = arith.remsi %add3A_64, %select_n3A_93 : i32
    %ne3A_95 = arith.constant 0 : i32
    %ne3A_96 = arith.cmpi ne, %rem3A_94, %ne3A_95 : i32
    %lt3A_97 = arith.constant 0 : i32
    %lt3A_98 = arith.cmpi slt, %rem3A_94, %lt3A_97 : i32
    %lt3A_99 = arith.constant 0 : i32
    %lt3A_100 = arith.cmpi slt, %select_n3A_93, %lt3A_99 : i32
    %ne3A_101 = arith.xori %lt3A_98, %lt3A_100 : i1
    %and3A_102 = arith.andi %ne3A_101, %ne3A_96 : i1
    %add3A_103 = arith.addi %rem3A_94, %select_n3A_93 : i32
    %select_n3A_104 = arith.select %and3A_102, %add3A_103, %rem3A_94 : i32
    %dma_start3A_105 = arith.constant 0 : i32
    %dma_start3A_106 = arith.constant 0 : i32
    %dma_start3A_107 = tpu.memref_slice %arg2[%select_n3A_88, %dma_start3A_105, %select_n3A_104, %dma_start3A_106] : memref<16x1x512x512xf32, #tpu.memory_space<hbm>> -> memref<1x1x16x512xf32, #tpu.memory_space<hbm>>
    %dma_start3A_108 = tpu.memref_squeeze %dma_start3A_107 : memref<1x1x16x512xf32, #tpu.memory_space<hbm>> -> memref<16x512xf32, #tpu.memory_space<hbm>>
    %dma_start3A_109 = arith.constant 0 : i32
    %dma_start3A_110 = tpu.memref_slice %arg2[%select_n3A_88, %dma_start3A_105, %select_n3A_104, %dma_start3A_109] : memref<16x1x512x512xf32, #tpu.memory_space<hbm>> -> memref<1x1x16x512xf32, #tpu.memory_space<hbm>>
    %dma_start3A_111 = tpu.memref_squeeze %dma_start3A_110 : memref<1x1x16x512xf32, #tpu.memory_space<hbm>> -> memref<16x512xf32, #tpu.memory_space<hbm>>
    tpu.enqueue_dma source(%dma_start3A_111 : memref<16x512xf32, #tpu.memory_space<hbm>>) target(%arg8 : memref<16x512xf32, #tpu.memory_space<vmem>>) target_semaphore(%arg13 : memref<!tpu.dma_semaphore, #tpu.memory_space<semaphore_mem>>)
    %dma_start3A_112 = arith.constant 0 : i32
    %dma_start3A_113 = arith.constant 0 : i32
    %dma_start3A_114 = tpu.memref_slice %arg3[%select_n3A_88, %dma_start3A_112, %select_n3A_104, %dma_start3A_113] : memref<16x2x512x512xf32, #tpu.memory_space<hbm>> -> memref<1x1x16x512xf32, #tpu.memory_space<hbm>>
    %dma_start3A_115 = tpu.memref_squeeze %dma_start3A_114 : memref<1x1x16x512xf32, #tpu.memory_space<hbm>> -> memref<16x512xf32, #tpu.memory_space<hbm>>
    %dma_start3A_116 = arith.constant 0 : i32
    %dma_start3A_117 = tpu.memref_slice %arg3[%select_n3A_88, %dma_start3A_112, %select_n3A_104, %dma_start3A_116] : memref<16x2x512x512xf32, #tpu.memory_space<hbm>> -> memref<1x1x16x512xf32, #tpu.memory_space<hbm>>
    %dma_start3A_118 = tpu.memref_squeeze %dma_start3A_117 : memref<1x1x16x512xf32, #tpu.memory_space<hbm>> -> memref<16x512xf32, #tpu.memory_space<hbm>>
    tpu.enqueue_dma source(%dma_start3A_118 : memref<16x512xf32, #tpu.memory_space<hbm>>) target(%arg9 : memref<16x512xf32, #tpu.memory_space<vmem>>) target_semaphore(%arg13 : memref<!tpu.dma_semaphore, #tpu.memory_space<semaphore_mem>>)
    %dma_start3A_119 = arith.constant 1 : i32
    %dma_start3A_120 = arith.constant 0 : i32
    %dma_start3A_121 = tpu.memref_slice %arg3[%select_n3A_88, %dma_start3A_119, %select_n3A_104, %dma_start3A_120] : memref<16x2x512x512xf32, #tpu.memory_space<hbm>> -> memref<1x1x16x512xf32, #tpu.memory_space<hbm>>
    %dma_start3A_122 = tpu.memref_squeeze %dma_start3A_121 : memref<1x1x16x512xf32, #tpu.memory_space<hbm>> -> memref<16x512xf32, #tpu.memory_space<hbm>>
    %dma_start3A_123 = arith.constant 0 : i32
    %dma_start3A_124 = tpu.memref_slice %arg3[%select_n3A_88, %dma_start3A_119, %select_n3A_104, %dma_start3A_123] : memref<16x2x512x512xf32, #tpu.memory_space<hbm>> -> memref<1x1x16x512xf32, #tpu.memory_space<hbm>>
    %dma_start3A_125 = tpu.memref_squeeze %dma_start3A_124 : memref<1x1x16x512xf32, #tpu.memory_space<hbm>> -> memref<16x512xf32, #tpu.memory_space<hbm>>
    tpu.enqueue_dma source(%dma_start3A_125 : memref<16x512xf32, #tpu.memory_space<hbm>>) target(%arg10 : memref<16x512xf32, #tpu.memory_space<vmem>>) target_semaphore(%arg13 : memref<!tpu.dma_semaphore, #tpu.memory_space<semaphore_mem>>)
    %dma_wait3A = arith.constant 0 : i32
    %dma_wait3A_126 = arith.constant 0 : i32
    %dma_wait3A_127 = arith.constant 0 : i32
    %dma_wait3A_128 = arith.constant 0 : i32
    %dma_wait3A_129 = tpu.memref_slice %arg2[%dma_wait3A, %dma_wait3A_126, %dma_wait3A_127, %dma_wait3A_128] : memref<16x1x512x512xf32, #tpu.memory_space<hbm>> -> memref<1x1x16x512xf32, #tpu.memory_space<hbm>>
    %dma_wait3A_130 = tpu.memref_squeeze %dma_wait3A_129 : memref<1x1x16x512xf32, #tpu.memory_space<hbm>> -> memref<16x512xf32, #tpu.memory_space<hbm>>
    %dma_wait3A_131 = arith.constant 0 : i32
    %dma_wait3A_132 = arith.constant 0 : i32
    %dma_wait3A_133 = tpu.memref_slice %arg2[%dma_wait3A, %dma_wait3A_126, %dma_wait3A_131, %dma_wait3A_132] : memref<16x1x512x512xf32, #tpu.memory_space<hbm>> -> memref<1x1x16x512xf32, #tpu.memory_space<hbm>>
    %dma_wait3A_134 = tpu.memref_squeeze %dma_wait3A_133 : memref<1x1x16x512xf32, #tpu.memory_space<hbm>> -> memref<16x512xf32, #tpu.memory_space<hbm>>
    tpu.wait_dma2 semaphore(%arg12 : memref<!tpu.dma_semaphore, #tpu.memory_space<semaphore_mem>>) src(%dma_wait3A_134 : memref<16x512xf32, #tpu.memory_space<hbm>>) dst(%arg5 : memref<16x512xf32, #tpu.memory_space<vmem>>)
    %dma_wait3A_135 = arith.constant 0 : i32
    %dma_wait3A_136 = arith.constant 0 : i32
    %dma_wait3A_137 = arith.constant 0 : i32
    %dma_wait3A_138 = arith.constant 0 : i32
    %dma_wait3A_139 = tpu.memref_slice %arg2[%dma_wait3A_135, %dma_wait3A_136, %dma_wait3A_137, %dma_wait3A_138] : memref<16x1x512x512xf32, #tpu.memory_space<hbm>> -> memref<1x1x16x512xf32, #tpu.memory_space<hbm>>
    %dma_wait3A_140 = tpu.memref_squeeze %dma_wait3A_139 : memref<1x1x16x512xf32, #tpu.memory_space<hbm>> -> memref<16x512xf32, #tpu.memory_space<hbm>>
    %dma_wait3A_141 = arith.constant 0 : i32
    %dma_wait3A_142 = arith.constant 0 : i32
    %dma_wait3A_143 = tpu.memref_slice %arg2[%dma_wait3A_135, %dma_wait3A_136, %dma_wait3A_141, %dma_wait3A_142] : memref<16x1x512x512xf32, #tpu.memory_space<hbm>> -> memref<1x1x16x512xf32, #tpu.memory_space<hbm>>
    %dma_wait3A_144 = tpu.memref_squeeze %dma_wait3A_143 : memref<1x1x16x512xf32, #tpu.memory_space<hbm>> -> memref<16x512xf32, #tpu.memory_space<hbm>>
    tpu.wait_dma2 semaphore(%arg12 : memref<!tpu.dma_semaphore, #tpu.memory_space<semaphore_mem>>) src(%dma_wait3A_144 : memref<16x512xf32, #tpu.memory_space<hbm>>) dst(%arg6 : memref<16x512xf32, #tpu.memory_space<vmem>>)
    %dma_wait3A_145 = arith.constant 0 : i32
    %dma_wait3A_146 = arith.constant 0 : i32
    %dma_wait3A_147 = arith.constant 0 : i32
    %dma_wait3A_148 = arith.constant 0 : i32
    %dma_wait3A_149 = tpu.memref_slice %arg2[%dma_wait3A_145, %dma_wait3A_146, %dma_wait3A_147, %dma_wait3A_148] : memref<16x1x512x512xf32, #tpu.memory_space<hbm>> -> memref<1x1x16x512xf32, #tpu.memory_space<hbm>>
    %dma_wait3A_150 = tpu.memref_squeeze %dma_wait3A_149 : memref<1x1x16x512xf32, #tpu.memory_space<hbm>> -> memref<16x512xf32, #tpu.memory_space<hbm>>
    %dma_wait3A_151 = arith.constant 0 : i32
    %dma_wait3A_152 = arith.constant 0 : i32
    %dma_wait3A_153 = tpu.memref_slice %arg2[%dma_wait3A_145, %dma_wait3A_146, %dma_wait3A_151, %dma_wait3A_152] : memref<16x1x512x512xf32, #tpu.memory_space<hbm>> -> memref<1x1x16x512xf32, #tpu.memory_space<hbm>>
    %dma_wait3A_154 = tpu.memref_squeeze %dma_wait3A_153 : memref<1x1x16x512xf32, #tpu.memory_space<hbm>> -> memref<16x512xf32, #tpu.memory_space<hbm>>
    tpu.wait_dma2 semaphore(%arg12 : memref<!tpu.dma_semaphore, #tpu.memory_space<semaphore_mem>>) src(%dma_wait3A_154 : memref<16x512xf32, #tpu.memory_space<hbm>>) dst(%arg7 : memref<16x512xf32, #tpu.memory_space<vmem>>)
    %scan3A_155 = arith.constant 0 : i32
    %scan3A_156 = arith.constant 0 : i32
    %scan3A_157 = arith.constant 128 : i32
    %scan3A_158 = arith.addi %scan3A_156, %scan3A_157 : i32
    %scan3A_159 = arith.constant 1 : i32
    scf.for %scan3A_601 = %scan3A_156 to %scan3A_158 step %scan3A_159  : i32 {
      %shift_right_arithmetic3A = arith.constant 3 : i32
      %shift_right_arithmetic3A_602 = arith.shrsi %scan3A_601, %shift_right_arithmetic3A : i32
      %and3A_603 = arith.constant 7 : i32
      %and3A_604 = arith.andi %scan3A_601, %and3A_603 : i32
      %mul3A_605 = arith.constant 64 : i32
      %mul3A_606 = arith.muli %and3A_604, %mul3A_605 : i32
      %add3A_607 = arith.constant 0 : i32
      %add3A_608 = arith.addi %mul3A_606, %add3A_607 : i32
      %get3A = arith.index_cast %shift_right_arithmetic3A_602 : i32 to index
      %get3A_609 = arith.index_cast %add3A_608 : i32 to index
      %get3A_610 = tpu.vector_load %arg5[%get3A, %get3A_609] {strides = array<i32>} : memref<16x512xf32, #tpu.memory_space<vmem>>, vector<16xf32>,
      %get3A_611 = arith.index_cast %shift_right_arithmetic3A_602 : i32 to index
      %get3A_612 = arith.index_cast %add3A_608 : i32 to index
      %get3A_613 = tpu.vector_load %arg6[%get3A_611, %get3A_612] {strides = array<i32>} : memref<16x512xf32, #tpu.memory_space<vmem>>, vector<16xf32>,
      %get3A_614 = arith.index_cast %shift_right_arithmetic3A_602 : i32 to index
      %get3A_615 = arith.index_cast %add3A_608 : i32 to index
      %get3A_616 = tpu.vector_load %arg7[%get3A_614, %get3A_615] {strides = array<i32>} : memref<16x512xf32, #tpu.memory_space<vmem>>, vector<16xf32>,
      %add3A_617 = arith.constant 16 : i32
      %add3A_618 = arith.addi %mul3A_606, %add3A_617 : i32
      %get3A_619 = arith.index_cast %shift_right_arithmetic3A_602 : i32 to index
      %get3A_620 = arith.index_cast %add3A_618 : i32 to index
      %get3A_621 = tpu.vector_load %arg5[%get3A_619, %get3A_620] {strides = array<i32>} : memref<16x512xf32, #tpu.memory_space<vmem>>, vector<16xf32>,
      %get3A_622 = arith.index_cast %shift_right_arithmetic3A_602 : i32 to index
      %get3A_623 = arith.index_cast %add3A_618 : i32 to index
      %get3A_624 = tpu.vector_load %arg6[%get3A_622, %get3A_623] {strides = array<i32>} : memref<16x512xf32, #tpu.memory_space<vmem>>, vector<16xf32>,
      %get3A_625 = arith.index_cast %shift_right_arithmetic3A_602 : i32 to index
      %get3A_626 = arith.index_cast %add3A_618 : i32 to index
      %get3A_627 = tpu.vector_load %arg7[%get3A_625, %get3A_626] {strides = array<i32>} : memref<16x512xf32, #tpu.memory_space<vmem>>, vector<16xf32>,
      %add3A_628 = arith.constant 32 : i32
      %add3A_629 = arith.addi %mul3A_606, %add3A_628 : i32
      %get3A_630 = arith.index_cast %shift_right_arithmetic3A_602 : i32 to index
      %get3A_631 = arith.index_cast %add3A_629 : i32 to index
      %get3A_632 = tpu.vector_load %arg5[%get3A_630, %get3A_631] {strides = array<i32>} : memref<16x512xf32, #tpu.memory_space<vmem>>, vector<16xf32>,
      %get3A_633 = arith.index_cast %shift_right_arithmetic3A_602 : i32 to index
      %get3A_634 = arith.index_cast %add3A_629 : i32 to index
      %get3A_635 = tpu.vector_load %arg6[%get3A_633, %get3A_634] {strides = array<i32>} : memref<16x512xf32, #tpu.memory_space<vmem>>, vector<16xf32>,
      %get3A_636 = arith.index_cast %shift_right_arithmetic3A_602 : i32 to index
      %get3A_637 = arith.index_cast %add3A_629 : i32 to index
      %get3A_638 = tpu.vector_load %arg7[%get3A_636, %get3A_637] {strides = array<i32>} : memref<16x512xf32, #tpu.memory_space<vmem>>, vector<16xf32>,
      %add3A_639 = arith.constant 48 : i32
      %add3A_640 = arith.addi %mul3A_606, %add3A_639 : i32
      %get3A_641 = arith.index_cast %shift_right_arithmetic3A_602 : i32 to index
      %get3A_642 = arith.index_cast %add3A_640 : i32 to index
      %get3A_643 = tpu.vector_load %arg5[%get3A_641, %get3A_642] {strides = array<i32>} : memref<16x512xf32, #tpu.memory_space<vmem>>, vector<16xf32>,
      %get3A_644 = arith.index_cast %shift_right_arithmetic3A_602 : i32 to index
      %get3A_645 = arith.index_cast %add3A_640 : i32 to index
      %get3A_646 = tpu.vector_load %arg6[%get3A_644, %get3A_645] {strides = array<i32>} : memref<16x512xf32, #tpu.memory_space<vmem>>, vector<16xf32>,
      %get3A_647 = arith.index_cast %shift_right_arithmetic3A_602 : i32 to index
      %get3A_648 = arith.index_cast %add3A_640 : i32 to index
      %get3A_649 = tpu.vector_load %arg7[%get3A_647, %get3A_648] {strides = array<i32>} : memref<16x512xf32, #tpu.memory_space<vmem>>, vector<16xf32>,
      %sub3A_650 = arith.subf %get3A_610, %get3A_613 : vector<16xf32>
      %add3A_651 = arith.constant 9.99999974E-5 : f32
      %add3A_652 = vector.broadcast %add3A_651 : f32 to vector<16xf32>
      %add3A_653 = arith.addf %get3A_613, %add3A_652 : vector<16xf32>
      %div3A_654 = arith.divf %sub3A_650, %add3A_653 : vector<16xf32>
      %mul3A_655 = arith.mulf %div3A_654, %div3A_654 : vector<16xf32>
      %add3A_656 = arith.constant 4.000000e-04 : f32
      %add3A_657 = vector.broadcast %add3A_656 : f32 to vector<16xf32>
      %add3A_658 = arith.addf %mul3A_655, %add3A_657 : vector<16xf32>
      %bitcast3A = vector.bitcast %add3A_658 : vector<16xf32> to vector<16xi32>
      %shift_right_arithmetic3A_659 = arith.constant 1 : i32
      %shift_right_arithmetic3A_660 = vector.broadcast %shift_right_arithmetic3A_659 : i32 to vector<16xi32>
      %shift_right_arithmetic3A_661 = arith.shrsi %bitcast3A, %shift_right_arithmetic3A_660 : vector<16xi32>
      %sub3A_662 = arith.constant 1597463007 : i32
      %sub3A_663 = vector.broadcast %sub3A_662 : i32 to vector<16xi32>
      %sub3A_664 = arith.subi %sub3A_663, %shift_right_arithmetic3A_661 : vector<16xi32>
      %bitcast3A_665 = vector.bitcast %sub3A_664 : vector<16xi32> to vector<16xf32>
      %mul3A_666 = arith.constant 5.000000e-01 : f32
      %mul3A_667 = vector.broadcast %mul3A_666 : f32 to vector<16xf32>
      %mul3A_668 = arith.mulf %mul3A_667, %add3A_658 : vector<16xf32>
      %mul3A_669 = arith.mulf %mul3A_668, %bitcast3A_665 : vector<16xf32>
      %mul3A_670 = arith.mulf %mul3A_669, %bitcast3A_665 : vector<16xf32>
      %sub3A_671 = arith.constant 1.500000e+00 : f32
      %sub3A_672 = vector.broadcast %sub3A_671 : f32 to vector<16xf32>
      %sub3A_673 = arith.subf %sub3A_672, %mul3A_670 : vector<16xf32>
      %mul3A_674 = arith.mulf %bitcast3A_665, %sub3A_673 : vector<16xf32>
      %mul3A_675 = arith.mulf %add3A_658, %mul3A_674 : vector<16xf32>
      %sub3A_676 = arith.constant 2.000000e-02 : f32
      %sub3A_677 = vector.broadcast %sub3A_676 : f32 to vector<16xf32>
      %sub3A_678 = arith.subf %mul3A_675, %sub3A_677 : vector<16xf32>
      %mul3A_679 = arith.mulf %sub3A_678, %get3A_616 : vector<16xf32>
      %abs3A = math.absf %div3A_654 : vector<16xf32>
      %mul3A_680 = arith.mulf %abs3A, %mul3A_674 : vector<16xf32>
      %mul3A_681 = arith.constant 1.000000e+01 : f32
      %mul3A_682 = vector.broadcast %mul3A_681 : f32 to vector<16xf32>
      %mul3A_683 = arith.mulf %mul3A_680, %mul3A_682 : vector<16xf32>
      %min3A = arith.constant 9.000000e+00 : f32
      %min3A_684 = vector.broadcast %min3A : f32 to vector<16xf32>
      %min3A_685 = arith.minimumf %mul3A_683, %min3A_684 : vector<16xf32>
      %convert_element_type3A = arith.fptosi %min3A_685 : vector<16xf32> to vector<16xi32>
      %mul3A_686 = arith.constant 16 : i32
      %mul3A_687 = vector.broadcast %mul3A_686 : i32 to vector<16xi32>
      %mul3A_688 = arith.muli %convert_element_type3A, %mul3A_687 : vector<16xi32>
      %add3A_689 = arith.addi %mul3A_688, %iota3A : vector<16xi32>
      %sub3A_690 = arith.subf %get3A_621, %get3A_624 : vector<16xf32>
      %add3A_691 = arith.constant 9.99999974E-5 : f32
      %add3A_692 = vector.broadcast %add3A_691 : f32 to vector<16xf32>
      %add3A_693 = arith.addf %get3A_624, %add3A_692 : vector<16xf32>
      %div3A_694 = arith.divf %sub3A_690, %add3A_693 : vector<16xf32>
      %mul3A_695 = arith.mulf %div3A_694, %div3A_694 : vector<16xf32>
      %add3A_696 = arith.constant 4.000000e-04 : f32
      %add3A_697 = vector.broadcast %add3A_696 : f32 to vector<16xf32>
      %add3A_698 = arith.addf %mul3A_695, %add3A_697 : vector<16xf32>
      %bitcast3A_699 = vector.bitcast %add3A_698 : vector<16xf32> to vector<16xi32>
      %shift_right_arithmetic3A_700 = arith.constant 1 : i32
      %shift_right_arithmetic3A_701 = vector.broadcast %shift_right_arithmetic3A_700 : i32 to vector<16xi32>
      %shift_right_arithmetic3A_702 = arith.shrsi %bitcast3A_699, %shift_right_arithmetic3A_701 : vector<16xi32>
      %sub3A_703 = arith.constant 1597463007 : i32
      %sub3A_704 = vector.broadcast %sub3A_703 : i32 to vector<16xi32>
      %sub3A_705 = arith.subi %sub3A_704, %shift_right_arithmetic3A_702 : vector<16xi32>
      %bitcast3A_706 = vector.bitcast %sub3A_705 : vector<16xi32> to vector<16xf32>
      %mul3A_707 = arith.constant 5.000000e-01 : f32
      %mul3A_708 = vector.broadcast %mul3A_707 : f32 to vector<16xf32>
      %mul3A_709 = arith.mulf %mul3A_708, %add3A_698 : vector<16xf32>
      %mul3A_710 = arith.mulf %mul3A_709, %bitcast3A_706 : vector<16xf32>
      %mul3A_711 = arith.mulf %mul3A_710, %bitcast3A_706 : vector<16xf32>
      %sub3A_712 = arith.constant 1.500000e+00 : f32
      %sub3A_713 = vector.broadcast %sub3A_712 : f32 to vector<16xf32>
      %sub3A_714 = arith.subf %sub3A_713, %mul3A_711 : vector<16xf32>
      %mul3A_715 = arith.mulf %bitcast3A_706, %sub3A_714 : vector<16xf32>
      %mul3A_716 = arith.mulf %add3A_698, %mul3A_715 : vector<16xf32>
      %sub3A_717 = arith.constant 2.000000e-02 : f32
      %sub3A_718 = vector.broadcast %sub3A_717 : f32 to vector<16xf32>
      %sub3A_719 = arith.subf %mul3A_716, %sub3A_718 : vector<16xf32>
      %mul3A_720 = arith.mulf %sub3A_719, %get3A_627 : vector<16xf32>
      %abs3A_721 = math.absf %div3A_694 : vector<16xf32>
      %mul3A_722 = arith.mulf %abs3A_721, %mul3A_715 : vector<16xf32>
      %mul3A_723 = arith.constant 1.000000e+01 : f32
      %mul3A_724 = vector.broadcast %mul3A_723 : f32 to vector<16xf32>
      %mul3A_725 = arith.mulf %mul3A_722, %mul3A_724 : vector<16xf32>
      %min3A_726 = arith.constant 9.000000e+00 : f32
      %min3A_727 = vector.broadcast %min3A_726 : f32 to vector<16xf32>
      %min3A_728 = arith.minimumf %mul3A_725, %min3A_727 : vector<16xf32>
      %convert_element_type3A_729 = arith.fptosi %min3A_728 : vector<16xf32> to vector<16xi32>
      %mul3A_730 = arith.constant 16 : i32
      %mul3A_731 = vector.broadcast %mul3A_730 : i32 to vector<16xi32>
      %mul3A_732 = arith.muli %convert_element_type3A_729, %mul3A_731 : vector<16xi32>
      %add3A_733 = arith.addi %mul3A_732, %iota3A : vector<16xi32>
      %sub3A_734 = arith.subf %get3A_632, %get3A_635 : vector<16xf32>
      %add3A_735 = arith.constant 9.99999974E-5 : f32
      %add3A_736 = vector.broadcast %add3A_735 : f32 to vector<16xf32>
      %add3A_737 = arith.addf %get3A_635, %add3A_736 : vector<16xf32>
      %div3A_738 = arith.divf %sub3A_734, %add3A_737 : vector<16xf32>
      %mul3A_739 = arith.mulf %div3A_738, %div3A_738 : vector<16xf32>
      %add3A_740 = arith.constant 4.000000e-04 : f32
      %add3A_741 = vector.broadcast %add3A_740 : f32 to vector<16xf32>
      %add3A_742 = arith.addf %mul3A_739, %add3A_741 : vector<16xf32>
      %bitcast3A_743 = vector.bitcast %add3A_742 : vector<16xf32> to vector<16xi32>
      %shift_right_arithmetic3A_744 = arith.constant 1 : i32
      %shift_right_arithmetic3A_745 = vector.broadcast %shift_right_arithmetic3A_744 : i32 to vector<16xi32>
      %shift_right_arithmetic3A_746 = arith.shrsi %bitcast3A_743, %shift_right_arithmetic3A_745 : vector<16xi32>
      %sub3A_747 = arith.constant 1597463007 : i32
      %sub3A_748 = vector.broadcast %sub3A_747 : i32 to vector<16xi32>
      %sub3A_749 = arith.subi %sub3A_748, %shift_right_arithmetic3A_746 : vector<16xi32>
      %bitcast3A_750 = vector.bitcast %sub3A_749 : vector<16xi32> to vector<16xf32>
      %mul3A_751 = arith.constant 5.000000e-01 : f32
      %mul3A_752 = vector.broadcast %mul3A_751 : f32 to vector<16xf32>
      %mul3A_753 = arith.mulf %mul3A_752, %add3A_742 : vector<16xf32>
      %mul3A_754 = arith.mulf %mul3A_753, %bitcast3A_750 : vector<16xf32>
      %mul3A_755 = arith.mulf %mul3A_754, %bitcast3A_750 : vector<16xf32>
      %sub3A_756 = arith.constant 1.500000e+00 : f32
      %sub3A_757 = vector.broadcast %sub3A_756 : f32 to vector<16xf32>
      %sub3A_758 = arith.subf %sub3A_757, %mul3A_755 : vector<16xf32>
      %mul3A_759 = arith.mulf %bitcast3A_750, %sub3A_758 : vector<16xf32>
      %mul3A_760 = arith.mulf %add3A_742, %mul3A_759 : vector<16xf32>
      %sub3A_761 = arith.constant 2.000000e-02 : f32
      %sub3A_762 = vector.broadcast %sub3A_761 : f32 to vector<16xf32>
      %sub3A_763 = arith.subf %mul3A_760, %sub3A_762 : vector<16xf32>
      %mul3A_764 = arith.mulf %sub3A_763, %get3A_638 : vector<16xf32>
      %abs3A_765 = math.absf %div3A_738 : vector<16xf32>
      %mul3A_766 = arith.mulf %abs3A_765, %mul3A_759 : vector<16xf32>
      %mul3A_767 = arith.constant 1.000000e+01 : f32
      %mul3A_768 = vector.broadcast %mul3A_767 : f32 to vector<16xf32>
      %mul3A_769 = arith.mulf %mul3A_766, %mul3A_768 : vector<16xf32>
      %min3A_770 = arith.constant 9.000000e+00 : f32
      %min3A_771 = vector.broadcast %min3A_770 : f32 to vector<16xf32>
      %min3A_772 = arith.minimumf %mul3A_769, %min3A_771 : vector<16xf32>
      %convert_element_type3A_773 = arith.fptosi %min3A_772 : vector<16xf32> to vector<16xi32>
      %mul3A_774 = arith.constant 16 : i32
      %mul3A_775 = vector.broadcast %mul3A_774 : i32 to vector<16xi32>
      %mul3A_776 = arith.muli %convert_element_type3A_773, %mul3A_775 : vector<16xi32>
      %add3A_777 = arith.addi %mul3A_776, %iota3A : vector<16xi32>
      %sub3A_778 = arith.subf %get3A_643, %get3A_646 : vector<16xf32>
      %add3A_779 = arith.constant 9.99999974E-5 : f32
      %add3A_780 = vector.broadcast %add3A_779 : f32 to vector<16xf32>
      %add3A_781 = arith.addf %get3A_646, %add3A_780 : vector<16xf32>
      %div3A_782 = arith.divf %sub3A_778, %add3A_781 : vector<16xf32>
      %mul3A_783 = arith.mulf %div3A_782, %div3A_782 : vector<16xf32>
      %add3A_784 = arith.constant 4.000000e-04 : f32
      %add3A_785 = vector.broadcast %add3A_784 : f32 to vector<16xf32>
      %add3A_786 = arith.addf %mul3A_783, %add3A_785 : vector<16xf32>
      %bitcast3A_787 = vector.bitcast %add3A_786 : vector<16xf32> to vector<16xi32>
      %shift_right_arithmetic3A_788 = arith.constant 1 : i32
      %shift_right_arithmetic3A_789 = vector.broadcast %shift_right_arithmetic3A_788 : i32 to vector<16xi32>
      %shift_right_arithmetic3A_790 = arith.shrsi %bitcast3A_787, %shift_right_arithmetic3A_789 : vector<16xi32>
      %sub3A_791 = arith.constant 1597463007 : i32
      %sub3A_792 = vector.broadcast %sub3A_791 : i32 to vector<16xi32>
      %sub3A_793 = arith.subi %sub3A_792, %shift_right_arithmetic3A_790 : vector<16xi32>
      %bitcast3A_794 = vector.bitcast %sub3A_793 : vector<16xi32> to vector<16xf32>
      %mul3A_795 = arith.constant 5.000000e-01 : f32
      %mul3A_796 = vector.broadcast %mul3A_795 : f32 to vector<16xf32>
      %mul3A_797 = arith.mulf %mul3A_796, %add3A_786 : vector<16xf32>
      %mul3A_798 = arith.mulf %mul3A_797, %bitcast3A_794 : vector<16xf32>
      %mul3A_799 = arith.mulf %mul3A_798, %bitcast3A_794 : vector<16xf32>
      %sub3A_800 = arith.constant 1.500000e+00 : f32
      %sub3A_801 = vector.broadcast %sub3A_800 : f32 to vector<16xf32>
      %sub3A_802 = arith.subf %sub3A_801, %mul3A_799 : vector<16xf32>
      %mul3A_803 = arith.mulf %bitcast3A_794, %sub3A_802 : vector<16xf32>
      %mul3A_804 = arith.mulf %add3A_786, %mul3A_803 : vector<16xf32>
      %sub3A_805 = arith.constant 2.000000e-02 : f32
      %sub3A_806 = vector.broadcast %sub3A_805 : f32 to vector<16xf32>
      %sub3A_807 = arith.subf %mul3A_804, %sub3A_806 : vector<16xf32>
      %mul3A_808 = arith.mulf %sub3A_807, %get3A_649 : vector<16xf32>
      %abs3A_809 = math.absf %div3A_782 : vector<16xf32>
      %mul3A_810 = arith.mulf %abs3A_809, %mul3A_803 : vector<16xf32>
      %mul3A_811 = arith.constant 1.000000e+01 : f32
      %mul3A_812 = vector.broadcast %mul3A_811 : f32 to vector<16xf32>
      %mul3A_813 = arith.mulf %mul3A_810, %mul3A_812 : vector<16xf32>
      %min3A_814 = arith.constant 9.000000e+00 : f32
      %min3A_815 = vector.broadcast %min3A_814 : f32 to vector<16xf32>
      %min3A_816 = arith.minimumf %mul3A_813, %min3A_815 : vector<16xf32>
      %convert_element_type3A_817 = arith.fptosi %min3A_816 : vector<16xf32> to vector<16xi32>
      %mul3A_818 = arith.constant 16 : i32
      %mul3A_819 = vector.broadcast %mul3A_818 : i32 to vector<16xi32>
      %mul3A_820 = arith.muli %convert_element_type3A_817, %mul3A_819 : vector<16xi32>
      %add3A_821 = arith.addi %mul3A_820, %iota3A : vector<16xi32>
      tpu.vector_store_idx %arg11[%add3A_689], %mul3A_679 {add = true} : memref<512xf32, #tpu.memory_space<vmem>>[vector<16xi32>], vector<16xf32>,
      %add3A_822 = arith.constant 256 : i32
      %add3A_823 = vector.broadcast %add3A_822 : i32 to vector<16xi32>
      %add3A_824 = arith.addi %add3A_689, %add3A_823 : vector<16xi32>
      %gt3A = arith.constant 0.000000e+00 : f32
      %gt3A_825 = vector.broadcast %gt3A : f32 to vector<16xf32>
      %gt3A_826 = arith.cmpf ogt, %get3A_616, %gt3A_825 : vector<16xf32>
      tpu.vector_store_idx %arg11[%add3A_824], %broadcast_in_dim3A_6 masked %gt3A_826 {add = true} : memref<512xf32, #tpu.memory_space<vmem>>[vector<16xi32>], vector<16xf32>, vector<16xi1>
      tpu.vector_store_idx %arg11[%add3A_733], %mul3A_720 {add = true} : memref<512xf32, #tpu.memory_space<vmem>>[vector<16xi32>], vector<16xf32>,
      %add3A_827 = arith.constant 256 : i32
      %add3A_828 = vector.broadcast %add3A_827 : i32 to vector<16xi32>
      %add3A_829 = arith.addi %add3A_733, %add3A_828 : vector<16xi32>
      %gt3A_830 = arith.constant 0.000000e+00 : f32
      %gt3A_831 = vector.broadcast %gt3A_830 : f32 to vector<16xf32>
      %gt3A_832 = arith.cmpf ogt, %get3A_627, %gt3A_831 : vector<16xf32>
      tpu.vector_store_idx %arg11[%add3A_829], %broadcast_in_dim3A_6 masked %gt3A_832 {add = true} : memref<512xf32, #tpu.memory_space<vmem>>[vector<16xi32>], vector<16xf32>, vector<16xi1>
      tpu.vector_store_idx %arg11[%add3A_777], %mul3A_764 {add = true} : memref<512xf32, #tpu.memory_space<vmem>>[vector<16xi32>], vector<16xf32>,
      %add3A_833 = arith.constant 256 : i32
      %add3A_834 = vector.broadcast %add3A_833 : i32 to vector<16xi32>
      %add3A_835 = arith.addi %add3A_777, %add3A_834 : vector<16xi32>
      %gt3A_836 = arith.constant 0.000000e+00 : f32
      %gt3A_837 = vector.broadcast %gt3A_836 : f32 to vector<16xf32>
      %gt3A_838 = arith.cmpf ogt, %get3A_638, %gt3A_837 : vector<16xf32>
      tpu.vector_store_idx %arg11[%add3A_835], %broadcast_in_dim3A_6 masked %gt3A_838 {add = true} : memref<512xf32, #tpu.memory_space<vmem>>[vector<16xi32>], vector<16xf32>, vector<16xi1>
      tpu.vector_store_idx %arg11[%add3A_821], %mul3A_808 {add = true} : memref<512xf32, #tpu.memory_space<vmem>>[vector<16xi32>], vector<16xf32>,
      %add3A_839 = arith.constant 256 : i32
      %add3A_840 = vector.broadcast %add3A_839 : i32 to vector<16xi32>
      %add3A_841 = arith.addi %add3A_821, %add3A_840 : vector<16xi32>
      %gt3A_842 = arith.constant 0.000000e+00 : f32
      %gt3A_843 = vector.broadcast %gt3A_842 : f32 to vector<16xf32>
      %gt3A_844 = arith.cmpf ogt, %get3A_649, %gt3A_843 : vector<16xf32>
      tpu.vector_store_idx %arg11[%add3A_841], %broadcast_in_dim3A_6 masked %gt3A_844 {add = true} : memref<512xf32, #tpu.memory_space<vmem>>[vector<16xi32>], vector<16xf32>, vector<16xi1>
    }
    %scan3A_160 = arith.constant 128 : i32
    %mul3A_161 = arith.constant 96 : i32
    %mul3A_162 = arith.muli %add3A, %mul3A_161 : i32
    %add3A_163 = arith.constant 32 : i32
    %add3A_164 = arith.addi %mul3A_162, %add3A_163 : i32
    %jit3A_165 = arith.constant 512 : i32
    %div3A_166 = arith.divsi %add3A_164, %jit3A_165 : i32
    %sign3A_167 = arith.constant 0 : i32
    %sign3A_168 = arith.cmpi sgt, %add3A_164, %sign3A_167 : i32
    %sign3A_169 = arith.extui %sign3A_168 : i1 to i32
    %sign3A_170 = arith.constant 0 : i32
    %sign3A_171 = arith.cmpi slt, %add3A_164, %sign3A_170 : i32
    %sign3A_172 = arith.extui %sign3A_171 : i1 to i32
    %sign3A_173 = arith.subi %sign3A_169, %sign3A_172 : i32
    %sign3A_174 = arith.constant 0 : i32
    %sign3A_175 = arith.cmpi sgt, %jit3A_165, %sign3A_174 : i32
    %sign3A_176 = arith.extui %sign3A_175 : i1 to i32
    %sign3A_177 = arith.constant 0 : i32
    %sign3A_178 = arith.cmpi slt, %jit3A_165, %sign3A_177 : i32
    %sign3A_179 = arith.extui %sign3A_178 : i1 to i32
    %sign3A_180 = arith.subi %sign3A_176, %sign3A_179 : i32
    %ne3A_181 = arith.cmpi ne, %sign3A_173, %sign3A_180 : i32
    %rem3A_182 = arith.remsi %add3A_164, %jit3A_165 : i32
    %ne3A_183 = arith.constant 0 : i32
    %ne3A_184 = arith.cmpi ne, %rem3A_182, %ne3A_183 : i32
    %and3A_185 = arith.andi %ne3A_181, %ne3A_184 : i1
    %sub3A_186 = arith.constant 1 : i32
    %sub3A_187 = arith.subi %div3A_166, %sub3A_186 : i32
    %select_n3A_188 = arith.select %and3A_185, %sub3A_187, %div3A_166 : i32
    %jit3A_189 = arith.constant 512 : i32
    %eq3A_190 = arith.constant 0 : i32
    %eq3A_191 = arith.cmpi eq, %jit3A_189, %eq3A_190 : i32
    %jit3A_192 = arith.constant 1 : i32
    %select_n3A_193 = arith.select %eq3A_191, %jit3A_192, %jit3A_189 : i32
    %rem3A_194 = arith.remsi %add3A_164, %select_n3A_193 : i32
    %ne3A_195 = arith.constant 0 : i32
    %ne3A_196 = arith.cmpi ne, %rem3A_194, %ne3A_195 : i32
    %lt3A_197 = arith.constant 0 : i32
    %lt3A_198 = arith.cmpi slt, %rem3A_194, %lt3A_197 : i32
    %lt3A_199 = arith.constant 0 : i32
    %lt3A_200 = arith.cmpi slt, %select_n3A_193, %lt3A_199 : i32
    %ne3A_201 = arith.xori %lt3A_198, %lt3A_200 : i1
    %and3A_202 = arith.andi %ne3A_201, %ne3A_196 : i1
    %add3A_203 = arith.addi %rem3A_194, %select_n3A_193 : i32
    %select_n3A_204 = arith.select %and3A_202, %add3A_203, %rem3A_194 : i32
    %dma_start3A_205 = arith.constant 0 : i32
    %dma_start3A_206 = arith.constant 0 : i32
    %dma_start3A_207 = tpu.memref_slice %arg2[%select_n3A_188, %dma_start3A_205, %select_n3A_204, %dma_start3A_206] : memref<16x1x512x512xf32, #tpu.memory_space<hbm>> -> memref<1x1x16x512xf32, #tpu.memory_space<hbm>>
    %dma_start3A_208 = tpu.memref_squeeze %dma_start3A_207 : memref<1x1x16x512xf32, #tpu.memory_space<hbm>> -> memref<16x512xf32, #tpu.memory_space<hbm>>
    %dma_start3A_209 = arith.constant 0 : i32
    %dma_start3A_210 = tpu.memref_slice %arg2[%select_n3A_188, %dma_start3A_205, %select_n3A_204, %dma_start3A_209] : memref<16x1x512x512xf32, #tpu.memory_space<hbm>> -> memref<1x1x16x512xf32, #tpu.memory_space<hbm>>
    %dma_start3A_211 = tpu.memref_squeeze %dma_start3A_210 : memref<1x1x16x512xf32, #tpu.memory_space<hbm>> -> memref<16x512xf32, #tpu.memory_space<hbm>>
    tpu.enqueue_dma source(%dma_start3A_211 : memref<16x512xf32, #tpu.memory_space<hbm>>) target(%arg5 : memref<16x512xf32, #tpu.memory_space<vmem>>) target_semaphore(%arg12 : memref<!tpu.dma_semaphore, #tpu.memory_space<semaphore_mem>>)
    %dma_start3A_212 = arith.constant 0 : i32
    %dma_start3A_213 = arith.constant 0 : i32
    %dma_start3A_214 = tpu.memref_slice %arg3[%select_n3A_188, %dma_start3A_212, %select_n3A_204, %dma_start3A_213] : memref<16x2x512x512xf32, #tpu.memory_space<hbm>> -> memref<1x1x16x512xf32, #tpu.memory_space<hbm>>
    %dma_start3A_215 = tpu.memref_squeeze %dma_start3A_214 : memref<1x1x16x512xf32, #tpu.memory_space<hbm>> -> memref<16x512xf32, #tpu.memory_space<hbm>>
    %dma_start3A_216 = arith.constant 0 : i32
    %dma_start3A_217 = tpu.memref_slice %arg3[%select_n3A_188, %dma_start3A_212, %select_n3A_204, %dma_start3A_216] : memref<16x2x512x512xf32, #tpu.memory_space<hbm>> -> memref<1x1x16x512xf32, #tpu.memory_space<hbm>>
    %dma_start3A_218 = tpu.memref_squeeze %dma_start3A_217 : memref<1x1x16x512xf32, #tpu.memory_space<hbm>> -> memref<16x512xf32, #tpu.memory_space<hbm>>
    tpu.enqueue_dma source(%dma_start3A_218 : memref<16x512xf32, #tpu.memory_space<hbm>>) target(%arg6 : memref<16x512xf32, #tpu.memory_space<vmem>>) target_semaphore(%arg12 : memref<!tpu.dma_semaphore, #tpu.memory_space<semaphore_mem>>)
    %dma_start3A_219 = arith.constant 1 : i32
    %dma_start3A_220 = arith.constant 0 : i32
    %dma_start3A_221 = tpu.memref_slice %arg3[%select_n3A_188, %dma_start3A_219, %select_n3A_204, %dma_start3A_220] : memref<16x2x512x512xf32, #tpu.memory_space<hbm>> -> memref<1x1x16x512xf32, #tpu.memory_space<hbm>>
    %dma_start3A_222 = tpu.memref_squeeze %dma_start3A_221 : memref<1x1x16x512xf32, #tpu.memory_space<hbm>> -> memref<16x512xf32, #tpu.memory_space<hbm>>
    %dma_start3A_223 = arith.constant 0 : i32
    %dma_start3A_224 = tpu.memref_slice %arg3[%select_n3A_188, %dma_start3A_219, %select_n3A_204, %dma_start3A_223] : memref<16x2x512x512xf32, #tpu.memory_space<hbm>> -> memref<1x1x16x512xf32, #tpu.memory_space<hbm>>
    %dma_start3A_225 = tpu.memref_squeeze %dma_start3A_224 : memref<1x1x16x512xf32, #tpu.memory_space<hbm>> -> memref<16x512xf32, #tpu.memory_space<hbm>>
    tpu.enqueue_dma source(%dma_start3A_225 : memref<16x512xf32, #tpu.memory_space<hbm>>) target(%arg7 : memref<16x512xf32, #tpu.memory_space<vmem>>) target_semaphore(%arg12 : memref<!tpu.dma_semaphore, #tpu.memory_space<semaphore_mem>>)
    %dma_wait3A_226 = arith.constant 0 : i32
    %dma_wait3A_227 = arith.constant 0 : i32
    %dma_wait3A_228 = arith.constant 0 : i32
    %dma_wait3A_229 = arith.constant 0 : i32
    %dma_wait3A_230 = tpu.memref_slice %arg2[%dma_wait3A_226, %dma_wait3A_227, %dma_wait3A_228, %dma_wait3A_229] : memref<16x1x512x512xf32, #tpu.memory_space<hbm>> -> memref<1x1x16x512xf32, #tpu.memory_space<hbm>>
    %dma_wait3A_231 = tpu.memref_squeeze %dma_wait3A_230 : memref<1x1x16x512xf32, #tpu.memory_space<hbm>> -> memref<16x512xf32, #tpu.memory_space<hbm>>
    %dma_wait3A_232 = arith.constant 0 : i32
    %dma_wait3A_233 = arith.constant 0 : i32
    %dma_wait3A_234 = tpu.memref_slice %arg2[%dma_wait3A_226, %dma_wait3A_227, %dma_wait3A_232, %dma_wait3A_233] : memref<16x1x512x512xf32, #tpu.memory_space<hbm>> -> memref<1x1x16x512xf32, #tpu.memory_space<hbm>>
    %dma_wait3A_235 = tpu.memref_squeeze %dma_wait3A_234 : memref<1x1x16x512xf32, #tpu.memory_space<hbm>> -> memref<16x512xf32, #tpu.memory_space<hbm>>
    tpu.wait_dma2 semaphore(%arg13 : memref<!tpu.dma_semaphore, #tpu.memory_space<semaphore_mem>>) src(%dma_wait3A_235 : memref<16x512xf32, #tpu.memory_space<hbm>>) dst(%arg8 : memref<16x512xf32, #tpu.memory_space<vmem>>)
    %dma_wait3A_236 = arith.constant 0 : i32
    %dma_wait3A_237 = arith.constant 0 : i32
    %dma_wait3A_238 = arith.constant 0 : i32
    %dma_wait3A_239 = arith.constant 0 : i32
    %dma_wait3A_240 = tpu.memref_slice %arg2[%dma_wait3A_236, %dma_wait3A_237, %dma_wait3A_238, %dma_wait3A_239] : memref<16x1x512x512xf32, #tpu.memory_space<hbm>> -> memref<1x1x16x512xf32, #tpu.memory_space<hbm>>
    %dma_wait3A_241 = tpu.memref_squeeze %dma_wait3A_240 : memref<1x1x16x512xf32, #tpu.memory_space<hbm>> -> memref<16x512xf32, #tpu.memory_space<hbm>>
    %dma_wait3A_242 = arith.constant 0 : i32
    %dma_wait3A_243 = arith.constant 0 : i32
    %dma_wait3A_244 = tpu.memref_slice %arg2[%dma_wait3A_236, %dma_wait3A_237, %dma_wait3A_242, %dma_wait3A_243] : memref<16x1x512x512xf32, #tpu.memory_space<hbm>> -> memref<1x1x16x512xf32, #tpu.memory_space<hbm>>
    %dma_wait3A_245 = tpu.memref_squeeze %dma_wait3A_244 : memref<1x1x16x512xf32, #tpu.memory_space<hbm>> -> memref<16x512xf32, #tpu.memory_space<hbm>>
    tpu.wait_dma2 semaphore(%arg13 : memref<!tpu.dma_semaphore, #tpu.memory_space<semaphore_mem>>) src(%dma_wait3A_245 : memref<16x512xf32, #tpu.memory_space<hbm>>) dst(%arg9 : memref<16x512xf32, #tpu.memory_space<vmem>>)
    %dma_wait3A_246 = arith.constant 0 : i32
    %dma_wait3A_247 = arith.constant 0 : i32
    %dma_wait3A_248 = arith.constant 0 : i32
    %dma_wait3A_249 = arith.constant 0 : i32
    %dma_wait3A_250 = tpu.memref_slice %arg2[%dma_wait3A_246, %dma_wait3A_247, %dma_wait3A_248, %dma_wait3A_249] : memref<16x1x512x512xf32, #tpu.memory_space<hbm>> -> memref<1x1x16x512xf32, #tpu.memory_space<hbm>>
    %dma_wait3A_251 = tpu.memref_squeeze %dma_wait3A_250 : memref<1x1x16x512xf32, #tpu.memory_space<hbm>> -> memref<16x512xf32, #tpu.memory_space<hbm>>
    %dma_wait3A_252 = arith.constant 0 : i32
    %dma_wait3A_253 = arith.constant 0 : i32
    %dma_wait3A_254 = tpu.memref_slice %arg2[%dma_wait3A_246, %dma_wait3A_247, %dma_wait3A_252, %dma_wait3A_253] : memref<16x1x512x512xf32, #tpu.memory_space<hbm>> -> memref<1x1x16x512xf32, #tpu.memory_space<hbm>>
    %dma_wait3A_255 = tpu.memref_squeeze %dma_wait3A_254 : memref<1x1x16x512xf32, #tpu.memory_space<hbm>> -> memref<16x512xf32, #tpu.memory_space<hbm>>
    tpu.wait_dma2 semaphore(%arg13 : memref<!tpu.dma_semaphore, #tpu.memory_space<semaphore_mem>>) src(%dma_wait3A_255 : memref<16x512xf32, #tpu.memory_space<hbm>>) dst(%arg10 : memref<16x512xf32, #tpu.memory_space<vmem>>)
    %scan3A_256 = arith.constant 0 : i32
    %scan3A_257 = arith.constant 0 : i32
    %scan3A_258 = arith.constant 128 : i32
    %scan3A_259 = arith.addi %scan3A_257, %scan3A_258 : i32
    %scan3A_260 = arith.constant 1 : i32
    scf.for %scan3A_601 = %scan3A_257 to %scan3A_259 step %scan3A_260  : i32 {
      %shift_right_arithmetic3A = arith.constant 3 : i32
      %shift_right_arithmetic3A_602 = arith.shrsi %scan3A_601, %shift_right_arithmetic3A : i32
      %and3A_603 = arith.constant 7 : i32
      %and3A_604 = arith.andi %scan3A_601, %and3A_603 : i32
      %mul3A_605 = arith.constant 64 : i32
      %mul3A_606 = arith.muli %and3A_604, %mul3A_605 : i32
      %add3A_607 = arith.constant 0 : i32
      %add3A_608 = arith.addi %mul3A_606, %add3A_607 : i32
      %get3A = arith.index_cast %shift_right_arithmetic3A_602 : i32 to index
      %get3A_609 = arith.index_cast %add3A_608 : i32 to index
      %get3A_610 = tpu.vector_load %arg8[%get3A, %get3A_609] {strides = array<i32>} : memref<16x512xf32, #tpu.memory_space<vmem>>, vector<16xf32>,
      %get3A_611 = arith.index_cast %shift_right_arithmetic3A_602 : i32 to index
      %get3A_612 = arith.index_cast %add3A_608 : i32 to index
      %get3A_613 = tpu.vector_load %arg9[%get3A_611, %get3A_612] {strides = array<i32>} : memref<16x512xf32, #tpu.memory_space<vmem>>, vector<16xf32>,
      %get3A_614 = arith.index_cast %shift_right_arithmetic3A_602 : i32 to index
      %get3A_615 = arith.index_cast %add3A_608 : i32 to index
      %get3A_616 = tpu.vector_load %arg10[%get3A_614, %get3A_615] {strides = array<i32>} : memref<16x512xf32, #tpu.memory_space<vmem>>, vector<16xf32>,
      %add3A_617 = arith.constant 16 : i32
      %add3A_618 = arith.addi %mul3A_606, %add3A_617 : i32
      %get3A_619 = arith.index_cast %shift_right_arithmetic3A_602 : i32 to index
      %get3A_620 = arith.index_cast %add3A_618 : i32 to index
      %get3A_621 = tpu.vector_load %arg8[%get3A_619, %get3A_620] {strides = array<i32>} : memref<16x512xf32, #tpu.memory_space<vmem>>, vector<16xf32>,
      %get3A_622 = arith.index_cast %shift_right_arithmetic3A_602 : i32 to index
      %get3A_623 = arith.index_cast %add3A_618 : i32 to index
      %get3A_624 = tpu.vector_load %arg9[%get3A_622, %get3A_623] {strides = array<i32>} : memref<16x512xf32, #tpu.memory_space<vmem>>, vector<16xf32>,
      %get3A_625 = arith.index_cast %shift_right_arithmetic3A_602 : i32 to index
      %get3A_626 = arith.index_cast %add3A_618 : i32 to index
      %get3A_627 = tpu.vector_load %arg10[%get3A_625, %get3A_626] {strides = array<i32>} : memref<16x512xf32, #tpu.memory_space<vmem>>, vector<16xf32>,
      %add3A_628 = arith.constant 32 : i32
      %add3A_629 = arith.addi %mul3A_606, %add3A_628 : i32
      %get3A_630 = arith.index_cast %shift_right_arithmetic3A_602 : i32 to index
      %get3A_631 = arith.index_cast %add3A_629 : i32 to index
      %get3A_632 = tpu.vector_load %arg8[%get3A_630, %get3A_631] {strides = array<i32>} : memref<16x512xf32, #tpu.memory_space<vmem>>, vector<16xf32>,
      %get3A_633 = arith.index_cast %shift_right_arithmetic3A_602 : i32 to index
      %get3A_634 = arith.index_cast %add3A_629 : i32 to index
      %get3A_635 = tpu.vector_load %arg9[%get3A_633, %get3A_634] {strides = array<i32>} : memref<16x512xf32, #tpu.memory_space<vmem>>, vector<16xf32>,
      %get3A_636 = arith.index_cast %shift_right_arithmetic3A_602 : i32 to index
      %get3A_637 = arith.index_cast %add3A_629 : i32 to index
      %get3A_638 = tpu.vector_load %arg10[%get3A_636, %get3A_637] {strides = array<i32>} : memref<16x512xf32, #tpu.memory_space<vmem>>, vector<16xf32>,
      %add3A_639 = arith.constant 48 : i32
      %add3A_640 = arith.addi %mul3A_606, %add3A_639 : i32
      %get3A_641 = arith.index_cast %shift_right_arithmetic3A_602 : i32 to index
      %get3A_642 = arith.index_cast %add3A_640 : i32 to index
      %get3A_643 = tpu.vector_load %arg8[%get3A_641, %get3A_642] {strides = array<i32>} : memref<16x512xf32, #tpu.memory_space<vmem>>, vector<16xf32>,
      %get3A_644 = arith.index_cast %shift_right_arithmetic3A_602 : i32 to index
      %get3A_645 = arith.index_cast %add3A_640 : i32 to index
      %get3A_646 = tpu.vector_load %arg9[%get3A_644, %get3A_645] {strides = array<i32>} : memref<16x512xf32, #tpu.memory_space<vmem>>, vector<16xf32>,
      %get3A_647 = arith.index_cast %shift_right_arithmetic3A_602 : i32 to index
      %get3A_648 = arith.index_cast %add3A_640 : i32 to index
      %get3A_649 = tpu.vector_load %arg10[%get3A_647, %get3A_648] {strides = array<i32>} : memref<16x512xf32, #tpu.memory_space<vmem>>, vector<16xf32>,
      %sub3A_650 = arith.subf %get3A_610, %get3A_613 : vector<16xf32>
      %add3A_651 = arith.constant 9.99999974E-5 : f32
      %add3A_652 = vector.broadcast %add3A_651 : f32 to vector<16xf32>
      %add3A_653 = arith.addf %get3A_613, %add3A_652 : vector<16xf32>
      %div3A_654 = arith.divf %sub3A_650, %add3A_653 : vector<16xf32>
      %mul3A_655 = arith.mulf %div3A_654, %div3A_654 : vector<16xf32>
      %add3A_656 = arith.constant 4.000000e-04 : f32
      %add3A_657 = vector.broadcast %add3A_656 : f32 to vector<16xf32>
      %add3A_658 = arith.addf %mul3A_655, %add3A_657 : vector<16xf32>
      %bitcast3A = vector.bitcast %add3A_658 : vector<16xf32> to vector<16xi32>
      %shift_right_arithmetic3A_659 = arith.constant 1 : i32
      %shift_right_arithmetic3A_660 = vector.broadcast %shift_right_arithmetic3A_659 : i32 to vector<16xi32>
      %shift_right_arithmetic3A_661 = arith.shrsi %bitcast3A, %shift_right_arithmetic3A_660 : vector<16xi32>
      %sub3A_662 = arith.constant 1597463007 : i32
      %sub3A_663 = vector.broadcast %sub3A_662 : i32 to vector<16xi32>
      %sub3A_664 = arith.subi %sub3A_663, %shift_right_arithmetic3A_661 : vector<16xi32>
      %bitcast3A_665 = vector.bitcast %sub3A_664 : vector<16xi32> to vector<16xf32>
      %mul3A_666 = arith.constant 5.000000e-01 : f32
      %mul3A_667 = vector.broadcast %mul3A_666 : f32 to vector<16xf32>
      %mul3A_668 = arith.mulf %mul3A_667, %add3A_658 : vector<16xf32>
      %mul3A_669 = arith.mulf %mul3A_668, %bitcast3A_665 : vector<16xf32>
      %mul3A_670 = arith.mulf %mul3A_669, %bitcast3A_665 : vector<16xf32>
      %sub3A_671 = arith.constant 1.500000e+00 : f32
      %sub3A_672 = vector.broadcast %sub3A_671 : f32 to vector<16xf32>
      %sub3A_673 = arith.subf %sub3A_672, %mul3A_670 : vector<16xf32>
      %mul3A_674 = arith.mulf %bitcast3A_665, %sub3A_673 : vector<16xf32>
      %mul3A_675 = arith.mulf %add3A_658, %mul3A_674 : vector<16xf32>
      %sub3A_676 = arith.constant 2.000000e-02 : f32
      %sub3A_677 = vector.broadcast %sub3A_676 : f32 to vector<16xf32>
      %sub3A_678 = arith.subf %mul3A_675, %sub3A_677 : vector<16xf32>
      %mul3A_679 = arith.mulf %sub3A_678, %get3A_616 : vector<16xf32>
      %abs3A = math.absf %div3A_654 : vector<16xf32>
      %mul3A_680 = arith.mulf %abs3A, %mul3A_674 : vector<16xf32>
      %mul3A_681 = arith.constant 1.000000e+01 : f32
      %mul3A_682 = vector.broadcast %mul3A_681 : f32 to vector<16xf32>
      %mul3A_683 = arith.mulf %mul3A_680, %mul3A_682 : vector<16xf32>
      %min3A = arith.constant 9.000000e+00 : f32
      %min3A_684 = vector.broadcast %min3A : f32 to vector<16xf32>
      %min3A_685 = arith.minimumf %mul3A_683, %min3A_684 : vector<16xf32>
      %convert_element_type3A = arith.fptosi %min3A_685 : vector<16xf32> to vector<16xi32>
      %mul3A_686 = arith.constant 16 : i32
      %mul3A_687 = vector.broadcast %mul3A_686 : i32 to vector<16xi32>
      %mul3A_688 = arith.muli %convert_element_type3A, %mul3A_687 : vector<16xi32>
      %add3A_689 = arith.addi %mul3A_688, %iota3A : vector<16xi32>
      %sub3A_690 = arith.subf %get3A_621, %get3A_624 : vector<16xf32>
      %add3A_691 = arith.constant 9.99999974E-5 : f32
      %add3A_692 = vector.broadcast %add3A_691 : f32 to vector<16xf32>
      %add3A_693 = arith.addf %get3A_624, %add3A_692 : vector<16xf32>
      %div3A_694 = arith.divf %sub3A_690, %add3A_693 : vector<16xf32>
      %mul3A_695 = arith.mulf %div3A_694, %div3A_694 : vector<16xf32>
      %add3A_696 = arith.constant 4.000000e-04 : f32
      %add3A_697 = vector.broadcast %add3A_696 : f32 to vector<16xf32>
      %add3A_698 = arith.addf %mul3A_695, %add3A_697 : vector<16xf32>
      %bitcast3A_699 = vector.bitcast %add3A_698 : vector<16xf32> to vector<16xi32>
      %shift_right_arithmetic3A_700 = arith.constant 1 : i32
      %shift_right_arithmetic3A_701 = vector.broadcast %shift_right_arithmetic3A_700 : i32 to vector<16xi32>
      %shift_right_arithmetic3A_702 = arith.shrsi %bitcast3A_699, %shift_right_arithmetic3A_701 : vector<16xi32>
      %sub3A_703 = arith.constant 1597463007 : i32
      %sub3A_704 = vector.broadcast %sub3A_703 : i32 to vector<16xi32>
      %sub3A_705 = arith.subi %sub3A_704, %shift_right_arithmetic3A_702 : vector<16xi32>
      %bitcast3A_706 = vector.bitcast %sub3A_705 : vector<16xi32> to vector<16xf32>
      %mul3A_707 = arith.constant 5.000000e-01 : f32
      %mul3A_708 = vector.broadcast %mul3A_707 : f32 to vector<16xf32>
      %mul3A_709 = arith.mulf %mul3A_708, %add3A_698 : vector<16xf32>
      %mul3A_710 = arith.mulf %mul3A_709, %bitcast3A_706 : vector<16xf32>
      %mul3A_711 = arith.mulf %mul3A_710, %bitcast3A_706 : vector<16xf32>
      %sub3A_712 = arith.constant 1.500000e+00 : f32
      %sub3A_713 = vector.broadcast %sub3A_712 : f32 to vector<16xf32>
      %sub3A_714 = arith.subf %sub3A_713, %mul3A_711 : vector<16xf32>
      %mul3A_715 = arith.mulf %bitcast3A_706, %sub3A_714 : vector<16xf32>
      %mul3A_716 = arith.mulf %add3A_698, %mul3A_715 : vector<16xf32>
      %sub3A_717 = arith.constant 2.000000e-02 : f32
      %sub3A_718 = vector.broadcast %sub3A_717 : f32 to vector<16xf32>
      %sub3A_719 = arith.subf %mul3A_716, %sub3A_718 : vector<16xf32>
      %mul3A_720 = arith.mulf %sub3A_719, %get3A_627 : vector<16xf32>
      %abs3A_721 = math.absf %div3A_694 : vector<16xf32>
      %mul3A_722 = arith.mulf %abs3A_721, %mul3A_715 : vector<16xf32>
      %mul3A_723 = arith.constant 1.000000e+01 : f32
      %mul3A_724 = vector.broadcast %mul3A_723 : f32 to vector<16xf32>
      %mul3A_725 = arith.mulf %mul3A_722, %mul3A_724 : vector<16xf32>
      %min3A_726 = arith.constant 9.000000e+00 : f32
      %min3A_727 = vector.broadcast %min3A_726 : f32 to vector<16xf32>
      %min3A_728 = arith.minimumf %mul3A_725, %min3A_727 : vector<16xf32>
      %convert_element_type3A_729 = arith.fptosi %min3A_728 : vector<16xf32> to vector<16xi32>
      %mul3A_730 = arith.constant 16 : i32
      %mul3A_731 = vector.broadcast %mul3A_730 : i32 to vector<16xi32>
      %mul3A_732 = arith.muli %convert_element_type3A_729, %mul3A_731 : vector<16xi32>
      %add3A_733 = arith.addi %mul3A_732, %iota3A : vector<16xi32>
      %sub3A_734 = arith.subf %get3A_632, %get3A_635 : vector<16xf32>
      %add3A_735 = arith.constant 9.99999974E-5 : f32
      %add3A_736 = vector.broadcast %add3A_735 : f32 to vector<16xf32>
      %add3A_737 = arith.addf %get3A_635, %add3A_736 : vector<16xf32>
      %div3A_738 = arith.divf %sub3A_734, %add3A_737 : vector<16xf32>
      %mul3A_739 = arith.mulf %div3A_738, %div3A_738 : vector<16xf32>
      %add3A_740 = arith.constant 4.000000e-04 : f32
      %add3A_741 = vector.broadcast %add3A_740 : f32 to vector<16xf32>
      %add3A_742 = arith.addf %mul3A_739, %add3A_741 : vector<16xf32>
      %bitcast3A_743 = vector.bitcast %add3A_742 : vector<16xf32> to vector<16xi32>
      %shift_right_arithmetic3A_744 = arith.constant 1 : i32
      %shift_right_arithmetic3A_745 = vector.broadcast %shift_right_arithmetic3A_744 : i32 to vector<16xi32>
      %shift_right_arithmetic3A_746 = arith.shrsi %bitcast3A_743, %shift_right_arithmetic3A_745 : vector<16xi32>
      %sub3A_747 = arith.constant 1597463007 : i32
      %sub3A_748 = vector.broadcast %sub3A_747 : i32 to vector<16xi32>
      %sub3A_749 = arith.subi %sub3A_748, %shift_right_arithmetic3A_746 : vector<16xi32>
      %bitcast3A_750 = vector.bitcast %sub3A_749 : vector<16xi32> to vector<16xf32>
      %mul3A_751 = arith.constant 5.000000e-01 : f32
      %mul3A_752 = vector.broadcast %mul3A_751 : f32 to vector<16xf32>
      %mul3A_753 = arith.mulf %mul3A_752, %add3A_742 : vector<16xf32>
      %mul3A_754 = arith.mulf %mul3A_753, %bitcast3A_750 : vector<16xf32>
      %mul3A_755 = arith.mulf %mul3A_754, %bitcast3A_750 : vector<16xf32>
      %sub3A_756 = arith.constant 1.500000e+00 : f32
      %sub3A_757 = vector.broadcast %sub3A_756 : f32 to vector<16xf32>
      %sub3A_758 = arith.subf %sub3A_757, %mul3A_755 : vector<16xf32>
      %mul3A_759 = arith.mulf %bitcast3A_750, %sub3A_758 : vector<16xf32>
      %mul3A_760 = arith.mulf %add3A_742, %mul3A_759 : vector<16xf32>
      %sub3A_761 = arith.constant 2.000000e-02 : f32
      %sub3A_762 = vector.broadcast %sub3A_761 : f32 to vector<16xf32>
      %sub3A_763 = arith.subf %mul3A_760, %sub3A_762 : vector<16xf32>
      %mul3A_764 = arith.mulf %sub3A_763, %get3A_638 : vector<16xf32>
      %abs3A_765 = math.absf %div3A_738 : vector<16xf32>
      %mul3A_766 = arith.mulf %abs3A_765, %mul3A_759 : vector<16xf32>
      %mul3A_767 = arith.constant 1.000000e+01 : f32
      %mul3A_768 = vector.broadcast %mul3A_767 : f32 to vector<16xf32>
      %mul3A_769 = arith.mulf %mul3A_766, %mul3A_768 : vector<16xf32>
      %min3A_770 = arith.constant 9.000000e+00 : f32
      %min3A_771 = vector.broadcast %min3A_770 : f32 to vector<16xf32>
      %min3A_772 = arith.minimumf %mul3A_769, %min3A_771 : vector<16xf32>
      %convert_element_type3A_773 = arith.fptosi %min3A_772 : vector<16xf32> to vector<16xi32>
      %mul3A_774 = arith.constant 16 : i32
      %mul3A_775 = vector.broadcast %mul3A_774 : i32 to vector<16xi32>
      %mul3A_776 = arith.muli %convert_element_type3A_773, %mul3A_775 : vector<16xi32>
      %add3A_777 = arith.addi %mul3A_776, %iota3A : vector<16xi32>
      %sub3A_778 = arith.subf %get3A_643, %get3A_646 : vector<16xf32>
      %add3A_779 = arith.constant 9.99999974E-5 : f32
      %add3A_780 = vector.broadcast %add3A_779 : f32 to vector<16xf32>
      %add3A_781 = arith.addf %get3A_646, %add3A_780 : vector<16xf32>
      %div3A_782 = arith.divf %sub3A_778, %add3A_781 : vector<16xf32>
      %mul3A_783 = arith.mulf %div3A_782, %div3A_782 : vector<16xf32>
      %add3A_784 = arith.constant 4.000000e-04 : f32
      %add3A_785 = vector.broadcast %add3A_784 : f32 to vector<16xf32>
      %add3A_786 = arith.addf %mul3A_783, %add3A_785 : vector<16xf32>
      %bitcast3A_787 = vector.bitcast %add3A_786 : vector<16xf32> to vector<16xi32>
      %shift_right_arithmetic3A_788 = arith.constant 1 : i32
      %shift_right_arithmetic3A_789 = vector.broadcast %shift_right_arithmetic3A_788 : i32 to vector<16xi32>
      %shift_right_arithmetic3A_790 = arith.shrsi %bitcast3A_787, %shift_right_arithmetic3A_789 : vector<16xi32>
      %sub3A_791 = arith.constant 1597463007 : i32
      %sub3A_792 = vector.broadcast %sub3A_791 : i32 to vector<16xi32>
      %sub3A_793 = arith.subi %sub3A_792, %shift_right_arithmetic3A_790 : vector<16xi32>
      %bitcast3A_794 = vector.bitcast %sub3A_793 : vector<16xi32> to vector<16xf32>
      %mul3A_795 = arith.constant 5.000000e-01 : f32
      %mul3A_796 = vector.broadcast %mul3A_795 : f32 to vector<16xf32>
      %mul3A_797 = arith.mulf %mul3A_796, %add3A_786 : vector<16xf32>
      %mul3A_798 = arith.mulf %mul3A_797, %bitcast3A_794 : vector<16xf32>
      %mul3A_799 = arith.mulf %mul3A_798, %bitcast3A_794 : vector<16xf32>
      %sub3A_800 = arith.constant 1.500000e+00 : f32
      %sub3A_801 = vector.broadcast %sub3A_800 : f32 to vector<16xf32>
      %sub3A_802 = arith.subf %sub3A_801, %mul3A_799 : vector<16xf32>
      %mul3A_803 = arith.mulf %bitcast3A_794, %sub3A_802 : vector<16xf32>
      %mul3A_804 = arith.mulf %add3A_786, %mul3A_803 : vector<16xf32>
      %sub3A_805 = arith.constant 2.000000e-02 : f32
      %sub3A_806 = vector.broadcast %sub3A_805 : f32 to vector<16xf32>
      %sub3A_807 = arith.subf %mul3A_804, %sub3A_806 : vector<16xf32>
      %mul3A_808 = arith.mulf %sub3A_807, %get3A_649 : vector<16xf32>
      %abs3A_809 = math.absf %div3A_782 : vector<16xf32>
      %mul3A_810 = arith.mulf %abs3A_809, %mul3A_803 : vector<16xf32>
      %mul3A_811 = arith.constant 1.000000e+01 : f32
      %mul3A_812 = vector.broadcast %mul3A_811 : f32 to vector<16xf32>
      %mul3A_813 = arith.mulf %mul3A_810, %mul3A_812 : vector<16xf32>
      %min3A_814 = arith.constant 9.000000e+00 : f32
      %min3A_815 = vector.broadcast %min3A_814 : f32 to vector<16xf32>
      %min3A_816 = arith.minimumf %mul3A_813, %min3A_815 : vector<16xf32>
      %convert_element_type3A_817 = arith.fptosi %min3A_816 : vector<16xf32> to vector<16xi32>
      %mul3A_818 = arith.constant 16 : i32
      %mul3A_819 = vector.broadcast %mul3A_818 : i32 to vector<16xi32>
      %mul3A_820 = arith.muli %convert_element_type3A_817, %mul3A_819 : vector<16xi32>
      %add3A_821 = arith.addi %mul3A_820, %iota3A : vector<16xi32>
      tpu.vector_store_idx %arg11[%add3A_689], %mul3A_679 {add = true} : memref<512xf32, #tpu.memory_space<vmem>>[vector<16xi32>], vector<16xf32>,
      %add3A_822 = arith.constant 256 : i32
      %add3A_823 = vector.broadcast %add3A_822 : i32 to vector<16xi32>
      %add3A_824 = arith.addi %add3A_689, %add3A_823 : vector<16xi32>
      %gt3A = arith.constant 0.000000e+00 : f32
      %gt3A_825 = vector.broadcast %gt3A : f32 to vector<16xf32>
      %gt3A_826 = arith.cmpf ogt, %get3A_616, %gt3A_825 : vector<16xf32>
      tpu.vector_store_idx %arg11[%add3A_824], %broadcast_in_dim3A_6 masked %gt3A_826 {add = true} : memref<512xf32, #tpu.memory_space<vmem>>[vector<16xi32>], vector<16xf32>, vector<16xi1>
      tpu.vector_store_idx %arg11[%add3A_733], %mul3A_720 {add = true} : memref<512xf32, #tpu.memory_space<vmem>>[vector<16xi32>], vector<16xf32>,
      %add3A_827 = arith.constant 256 : i32
      %add3A_828 = vector.broadcast %add3A_827 : i32 to vector<16xi32>
      %add3A_829 = arith.addi %add3A_733, %add3A_828 : vector<16xi32>
      %gt3A_830 = arith.constant 0.000000e+00 : f32
      %gt3A_831 = vector.broadcast %gt3A_830 : f32 to vector<16xf32>
      %gt3A_832 = arith.cmpf ogt, %get3A_627, %gt3A_831 : vector<16xf32>
      tpu.vector_store_idx %arg11[%add3A_829], %broadcast_in_dim3A_6 masked %gt3A_832 {add = true} : memref<512xf32, #tpu.memory_space<vmem>>[vector<16xi32>], vector<16xf32>, vector<16xi1>
      tpu.vector_store_idx %arg11[%add3A_777], %mul3A_764 {add = true} : memref<512xf32, #tpu.memory_space<vmem>>[vector<16xi32>], vector<16xf32>,
      %add3A_833 = arith.constant 256 : i32
      %add3A_834 = vector.broadcast %add3A_833 : i32 to vector<16xi32>
      %add3A_835 = arith.addi %add3A_777, %add3A_834 : vector<16xi32>
      %gt3A_836 = arith.constant 0.000000e+00 : f32
      %gt3A_837 = vector.broadcast %gt3A_836 : f32 to vector<16xf32>
      %gt3A_838 = arith.cmpf ogt, %get3A_638, %gt3A_837 : vector<16xf32>
      tpu.vector_store_idx %arg11[%add3A_835], %broadcast_in_dim3A_6 masked %gt3A_838 {add = true} : memref<512xf32, #tpu.memory_space<vmem>>[vector<16xi32>], vector<16xf32>, vector<16xi1>
      tpu.vector_store_idx %arg11[%add3A_821], %mul3A_808 {add = true} : memref<512xf32, #tpu.memory_space<vmem>>[vector<16xi32>], vector<16xf32>,
      %add3A_839 = arith.constant 256 : i32
      %add3A_840 = vector.broadcast %add3A_839 : i32 to vector<16xi32>
      %add3A_841 = arith.addi %add3A_821, %add3A_840 : vector<16xi32>
      %gt3A_842 = arith.constant 0.000000e+00 : f32
      %gt3A_843 = vector.broadcast %gt3A_842 : f32 to vector<16xf32>
      %gt3A_844 = arith.cmpf ogt, %get3A_649, %gt3A_843 : vector<16xf32>
      tpu.vector_store_idx %arg11[%add3A_841], %broadcast_in_dim3A_6 masked %gt3A_844 {add = true} : memref<512xf32, #tpu.memory_space<vmem>>[vector<16xi32>], vector<16xf32>, vector<16xi1>
    }
    %scan3A_261 = arith.constant 128 : i32
    %mul3A_262 = arith.constant 96 : i32
    %mul3A_263 = arith.muli %add3A, %mul3A_262 : i32
    %add3A_264 = arith.constant 48 : i32
    %add3A_265 = arith.addi %mul3A_263, %add3A_264 : i32
    %jit3A_266 = arith.constant 512 : i32
    %div3A_267 = arith.divsi %add3A_265, %jit3A_266 : i32
    %sign3A_268 = arith.constant 0 : i32
    %sign3A_269 = arith.cmpi sgt, %add3A_265, %sign3A_268 : i32
    %sign3A_270 = arith.extui %sign3A_269 : i1 to i32
    %sign3A_271 = arith.constant 0 : i32
    %sign3A_272 = arith.cmpi slt, %add3A_265, %sign3A_271 : i32
    %sign3A_273 = arith.extui %sign3A_272 : i1 to i32
    %sign3A_274 = arith.subi %sign3A_270, %sign3A_273 : i32
    %sign3A_275 = arith.constant 0 : i32
    %sign3A_276 = arith.cmpi sgt, %jit3A_266, %sign3A_275 : i32
    %sign3A_277 = arith.extui %sign3A_276 : i1 to i32
    %sign3A_278 = arith.constant 0 : i32
    %sign3A_279 = arith.cmpi slt, %jit3A_266, %sign3A_278 : i32
    %sign3A_280 = arith.extui %sign3A_279 : i1 to i32
    %sign3A_281 = arith.subi %sign3A_277, %sign3A_280 : i32
    %ne3A_282 = arith.cmpi ne, %sign3A_274, %sign3A_281 : i32
    %rem3A_283 = arith.remsi %add3A_265, %jit3A_266 : i32
    %ne3A_284 = arith.constant 0 : i32
    %ne3A_285 = arith.cmpi ne, %rem3A_283, %ne3A_284 : i32
    %and3A_286 = arith.andi %ne3A_282, %ne3A_285 : i1
    %sub3A_287 = arith.constant 1 : i32
    %sub3A_288 = arith.subi %div3A_267, %sub3A_287 : i32
    %select_n3A_289 = arith.select %and3A_286, %sub3A_288, %div3A_267 : i32
    %jit3A_290 = arith.constant 512 : i32
    %eq3A_291 = arith.constant 0 : i32
    %eq3A_292 = arith.cmpi eq, %jit3A_290, %eq3A_291 : i32
    %jit3A_293 = arith.constant 1 : i32
    %select_n3A_294 = arith.select %eq3A_292, %jit3A_293, %jit3A_290 : i32
    %rem3A_295 = arith.remsi %add3A_265, %select_n3A_294 : i32
    %ne3A_296 = arith.constant 0 : i32
    %ne3A_297 = arith.cmpi ne, %rem3A_295, %ne3A_296 : i32
    %lt3A_298 = arith.constant 0 : i32
    %lt3A_299 = arith.cmpi slt, %rem3A_295, %lt3A_298 : i32
    %lt3A_300 = arith.constant 0 : i32
    %lt3A_301 = arith.cmpi slt, %select_n3A_294, %lt3A_300 : i32
    %ne3A_302 = arith.xori %lt3A_299, %lt3A_301 : i1
    %and3A_303 = arith.andi %ne3A_302, %ne3A_297 : i1
    %add3A_304 = arith.addi %rem3A_295, %select_n3A_294 : i32
    %select_n3A_305 = arith.select %and3A_303, %add3A_304, %rem3A_295 : i32
    %dma_start3A_306 = arith.constant 0 : i32
    %dma_start3A_307 = arith.constant 0 : i32
    %dma_start3A_308 = tpu.memref_slice %arg2[%select_n3A_289, %dma_start3A_306, %select_n3A_305, %dma_start3A_307] : memref<16x1x512x512xf32, #tpu.memory_space<hbm>> -> memref<1x1x16x512xf32, #tpu.memory_space<hbm>>
    %dma_start3A_309 = tpu.memref_squeeze %dma_start3A_308 : memref<1x1x16x512xf32, #tpu.memory_space<hbm>> -> memref<16x512xf32, #tpu.memory_space<hbm>>
    %dma_start3A_310 = arith.constant 0 : i32
    %dma_start3A_311 = tpu.memref_slice %arg2[%select_n3A_289, %dma_start3A_306, %select_n3A_305, %dma_start3A_310] : memref<16x1x512x512xf32, #tpu.memory_space<hbm>> -> memref<1x1x16x512xf32, #tpu.memory_space<hbm>>
    %dma_start3A_312 = tpu.memref_squeeze %dma_start3A_311 : memref<1x1x16x512xf32, #tpu.memory_space<hbm>> -> memref<16x512xf32, #tpu.memory_space<hbm>>
    tpu.enqueue_dma source(%dma_start3A_312 : memref<16x512xf32, #tpu.memory_space<hbm>>) target(%arg8 : memref<16x512xf32, #tpu.memory_space<vmem>>) target_semaphore(%arg13 : memref<!tpu.dma_semaphore, #tpu.memory_space<semaphore_mem>>)
    %dma_start3A_313 = arith.constant 0 : i32
    %dma_start3A_314 = arith.constant 0 : i32
    %dma_start3A_315 = tpu.memref_slice %arg3[%select_n3A_289, %dma_start3A_313, %select_n3A_305, %dma_start3A_314] : memref<16x2x512x512xf32, #tpu.memory_space<hbm>> -> memref<1x1x16x512xf32, #tpu.memory_space<hbm>>
    %dma_start3A_316 = tpu.memref_squeeze %dma_start3A_315 : memref<1x1x16x512xf32, #tpu.memory_space<hbm>> -> memref<16x512xf32, #tpu.memory_space<hbm>>
    %dma_start3A_317 = arith.constant 0 : i32
    %dma_start3A_318 = tpu.memref_slice %arg3[%select_n3A_289, %dma_start3A_313, %select_n3A_305, %dma_start3A_317] : memref<16x2x512x512xf32, #tpu.memory_space<hbm>> -> memref<1x1x16x512xf32, #tpu.memory_space<hbm>>
    %dma_start3A_319 = tpu.memref_squeeze %dma_start3A_318 : memref<1x1x16x512xf32, #tpu.memory_space<hbm>> -> memref<16x512xf32, #tpu.memory_space<hbm>>
    tpu.enqueue_dma source(%dma_start3A_319 : memref<16x512xf32, #tpu.memory_space<hbm>>) target(%arg9 : memref<16x512xf32, #tpu.memory_space<vmem>>) target_semaphore(%arg13 : memref<!tpu.dma_semaphore, #tpu.memory_space<semaphore_mem>>)
    %dma_start3A_320 = arith.constant 1 : i32
    %dma_start3A_321 = arith.constant 0 : i32
    %dma_start3A_322 = tpu.memref_slice %arg3[%select_n3A_289, %dma_start3A_320, %select_n3A_305, %dma_start3A_321] : memref<16x2x512x512xf32, #tpu.memory_space<hbm>> -> memref<1x1x16x512xf32, #tpu.memory_space<hbm>>
    %dma_start3A_323 = tpu.memref_squeeze %dma_start3A_322 : memref<1x1x16x512xf32, #tpu.memory_space<hbm>> -> memref<16x512xf32, #tpu.memory_space<hbm>>
    %dma_start3A_324 = arith.constant 0 : i32
    %dma_start3A_325 = tpu.memref_slice %arg3[%select_n3A_289, %dma_start3A_320, %select_n3A_305, %dma_start3A_324] : memref<16x2x512x512xf32, #tpu.memory_space<hbm>> -> memref<1x1x16x512xf32, #tpu.memory_space<hbm>>
    %dma_start3A_326 = tpu.memref_squeeze %dma_start3A_325 : memref<1x1x16x512xf32, #tpu.memory_space<hbm>> -> memref<16x512xf32, #tpu.memory_space<hbm>>
    tpu.enqueue_dma source(%dma_start3A_326 : memref<16x512xf32, #tpu.memory_space<hbm>>) target(%arg10 : memref<16x512xf32, #tpu.memory_space<vmem>>) target_semaphore(%arg13 : memref<!tpu.dma_semaphore, #tpu.memory_space<semaphore_mem>>)
    %dma_wait3A_327 = arith.constant 0 : i32
    %dma_wait3A_328 = arith.constant 0 : i32
    %dma_wait3A_329 = arith.constant 0 : i32
    %dma_wait3A_330 = arith.constant 0 : i32
    %dma_wait3A_331 = tpu.memref_slice %arg2[%dma_wait3A_327, %dma_wait3A_328, %dma_wait3A_329, %dma_wait3A_330] : memref<16x1x512x512xf32, #tpu.memory_space<hbm>> -> memref<1x1x16x512xf32, #tpu.memory_space<hbm>>
    %dma_wait3A_332 = tpu.memref_squeeze %dma_wait3A_331 : memref<1x1x16x512xf32, #tpu.memory_space<hbm>> -> memref<16x512xf32, #tpu.memory_space<hbm>>
    %dma_wait3A_333 = arith.constant 0 : i32
    %dma_wait3A_334 = arith.constant 0 : i32
    %dma_wait3A_335 = tpu.memref_slice %arg2[%dma_wait3A_327, %dma_wait3A_328, %dma_wait3A_333, %dma_wait3A_334] : memref<16x1x512x512xf32, #tpu.memory_space<hbm>> -> memref<1x1x16x512xf32, #tpu.memory_space<hbm>>
    %dma_wait3A_336 = tpu.memref_squeeze %dma_wait3A_335 : memref<1x1x16x512xf32, #tpu.memory_space<hbm>> -> memref<16x512xf32, #tpu.memory_space<hbm>>
    tpu.wait_dma2 semaphore(%arg12 : memref<!tpu.dma_semaphore, #tpu.memory_space<semaphore_mem>>) src(%dma_wait3A_336 : memref<16x512xf32, #tpu.memory_space<hbm>>) dst(%arg5 : memref<16x512xf32, #tpu.memory_space<vmem>>)
    %dma_wait3A_337 = arith.constant 0 : i32
    %dma_wait3A_338 = arith.constant 0 : i32
    %dma_wait3A_339 = arith.constant 0 : i32
    %dma_wait3A_340 = arith.constant 0 : i32
    %dma_wait3A_341 = tpu.memref_slice %arg2[%dma_wait3A_337, %dma_wait3A_338, %dma_wait3A_339, %dma_wait3A_340] : memref<16x1x512x512xf32, #tpu.memory_space<hbm>> -> memref<1x1x16x512xf32, #tpu.memory_space<hbm>>
    %dma_wait3A_342 = tpu.memref_squeeze %dma_wait3A_341 : memref<1x1x16x512xf32, #tpu.memory_space<hbm>> -> memref<16x512xf32, #tpu.memory_space<hbm>>
    %dma_wait3A_343 = arith.constant 0 : i32
    %dma_wait3A_344 = arith.constant 0 : i32
    %dma_wait3A_345 = tpu.memref_slice %arg2[%dma_wait3A_337, %dma_wait3A_338, %dma_wait3A_343, %dma_wait3A_344] : memref<16x1x512x512xf32, #tpu.memory_space<hbm>> -> memref<1x1x16x512xf32, #tpu.memory_space<hbm>>
    %dma_wait3A_346 = tpu.memref_squeeze %dma_wait3A_345 : memref<1x1x16x512xf32, #tpu.memory_space<hbm>> -> memref<16x512xf32, #tpu.memory_space<hbm>>
    tpu.wait_dma2 semaphore(%arg12 : memref<!tpu.dma_semaphore, #tpu.memory_space<semaphore_mem>>) src(%dma_wait3A_346 : memref<16x512xf32, #tpu.memory_space<hbm>>) dst(%arg6 : memref<16x512xf32, #tpu.memory_space<vmem>>)
    %dma_wait3A_347 = arith.constant 0 : i32
    %dma_wait3A_348 = arith.constant 0 : i32
    %dma_wait3A_349 = arith.constant 0 : i32
    %dma_wait3A_350 = arith.constant 0 : i32
    %dma_wait3A_351 = tpu.memref_slice %arg2[%dma_wait3A_347, %dma_wait3A_348, %dma_wait3A_349, %dma_wait3A_350] : memref<16x1x512x512xf32, #tpu.memory_space<hbm>> -> memref<1x1x16x512xf32, #tpu.memory_space<hbm>>
    %dma_wait3A_352 = tpu.memref_squeeze %dma_wait3A_351 : memref<1x1x16x512xf32, #tpu.memory_space<hbm>> -> memref<16x512xf32, #tpu.memory_space<hbm>>
    %dma_wait3A_353 = arith.constant 0 : i32
    %dma_wait3A_354 = arith.constant 0 : i32
    %dma_wait3A_355 = tpu.memref_slice %arg2[%dma_wait3A_347, %dma_wait3A_348, %dma_wait3A_353, %dma_wait3A_354] : memref<16x1x512x512xf32, #tpu.memory_space<hbm>> -> memref<1x1x16x512xf32, #tpu.memory_space<hbm>>
    %dma_wait3A_356 = tpu.memref_squeeze %dma_wait3A_355 : memref<1x1x16x512xf32, #tpu.memory_space<hbm>> -> memref<16x512xf32, #tpu.memory_space<hbm>>
    tpu.wait_dma2 semaphore(%arg12 : memref<!tpu.dma_semaphore, #tpu.memory_space<semaphore_mem>>) src(%dma_wait3A_356 : memref<16x512xf32, #tpu.memory_space<hbm>>) dst(%arg7 : memref<16x512xf32, #tpu.memory_space<vmem>>)
    %scan3A_357 = arith.constant 0 : i32
    %scan3A_358 = arith.constant 0 : i32
    %scan3A_359 = arith.constant 128 : i32
    %scan3A_360 = arith.addi %scan3A_358, %scan3A_359 : i32
    %scan3A_361 = arith.constant 1 : i32
    scf.for %scan3A_601 = %scan3A_358 to %scan3A_360 step %scan3A_361  : i32 {
      %shift_right_arithmetic3A = arith.constant 3 : i32
      %shift_right_arithmetic3A_602 = arith.shrsi %scan3A_601, %shift_right_arithmetic3A : i32
      %and3A_603 = arith.constant 7 : i32
      %and3A_604 = arith.andi %scan3A_601, %and3A_603 : i32
      %mul3A_605 = arith.constant 64 : i32
      %mul3A_606 = arith.muli %and3A_604, %mul3A_605 : i32
      %add3A_607 = arith.constant 0 : i32
      %add3A_608 = arith.addi %mul3A_606, %add3A_607 : i32
      %get3A = arith.index_cast %shift_right_arithmetic3A_602 : i32 to index
      %get3A_609 = arith.index_cast %add3A_608 : i32 to index
      %get3A_610 = tpu.vector_load %arg5[%get3A, %get3A_609] {strides = array<i32>} : memref<16x512xf32, #tpu.memory_space<vmem>>, vector<16xf32>,
      %get3A_611 = arith.index_cast %shift_right_arithmetic3A_602 : i32 to index
      %get3A_612 = arith.index_cast %add3A_608 : i32 to index
      %get3A_613 = tpu.vector_load %arg6[%get3A_611, %get3A_612] {strides = array<i32>} : memref<16x512xf32, #tpu.memory_space<vmem>>, vector<16xf32>,
      %get3A_614 = arith.index_cast %shift_right_arithmetic3A_602 : i32 to index
      %get3A_615 = arith.index_cast %add3A_608 : i32 to index
      %get3A_616 = tpu.vector_load %arg7[%get3A_614, %get3A_615] {strides = array<i32>} : memref<16x512xf32, #tpu.memory_space<vmem>>, vector<16xf32>,
      %add3A_617 = arith.constant 16 : i32
      %add3A_618 = arith.addi %mul3A_606, %add3A_617 : i32
      %get3A_619 = arith.index_cast %shift_right_arithmetic3A_602 : i32 to index
      %get3A_620 = arith.index_cast %add3A_618 : i32 to index
      %get3A_621 = tpu.vector_load %arg5[%get3A_619, %get3A_620] {strides = array<i32>} : memref<16x512xf32, #tpu.memory_space<vmem>>, vector<16xf32>,
      %get3A_622 = arith.index_cast %shift_right_arithmetic3A_602 : i32 to index
      %get3A_623 = arith.index_cast %add3A_618 : i32 to index
      %get3A_624 = tpu.vector_load %arg6[%get3A_622, %get3A_623] {strides = array<i32>} : memref<16x512xf32, #tpu.memory_space<vmem>>, vector<16xf32>,
      %get3A_625 = arith.index_cast %shift_right_arithmetic3A_602 : i32 to index
      %get3A_626 = arith.index_cast %add3A_618 : i32 to index
      %get3A_627 = tpu.vector_load %arg7[%get3A_625, %get3A_626] {strides = array<i32>} : memref<16x512xf32, #tpu.memory_space<vmem>>, vector<16xf32>,
      %add3A_628 = arith.constant 32 : i32
      %add3A_629 = arith.addi %mul3A_606, %add3A_628 : i32
      %get3A_630 = arith.index_cast %shift_right_arithmetic3A_602 : i32 to index
      %get3A_631 = arith.index_cast %add3A_629 : i32 to index
      %get3A_632 = tpu.vector_load %arg5[%get3A_630, %get3A_631] {strides = array<i32>} : memref<16x512xf32, #tpu.memory_space<vmem>>, vector<16xf32>,
      %get3A_633 = arith.index_cast %shift_right_arithmetic3A_602 : i32 to index
      %get3A_634 = arith.index_cast %add3A_629 : i32 to index
      %get3A_635 = tpu.vector_load %arg6[%get3A_633, %get3A_634] {strides = array<i32>} : memref<16x512xf32, #tpu.memory_space<vmem>>, vector<16xf32>,
      %get3A_636 = arith.index_cast %shift_right_arithmetic3A_602 : i32 to index
      %get3A_637 = arith.index_cast %add3A_629 : i32 to index
      %get3A_638 = tpu.vector_load %arg7[%get3A_636, %get3A_637] {strides = array<i32>} : memref<16x512xf32, #tpu.memory_space<vmem>>, vector<16xf32>,
      %add3A_639 = arith.constant 48 : i32
      %add3A_640 = arith.addi %mul3A_606, %add3A_639 : i32
      %get3A_641 = arith.index_cast %shift_right_arithmetic3A_602 : i32 to index
      %get3A_642 = arith.index_cast %add3A_640 : i32 to index
      %get3A_643 = tpu.vector_load %arg5[%get3A_641, %get3A_642] {strides = array<i32>} : memref<16x512xf32, #tpu.memory_space<vmem>>, vector<16xf32>,
      %get3A_644 = arith.index_cast %shift_right_arithmetic3A_602 : i32 to index
      %get3A_645 = arith.index_cast %add3A_640 : i32 to index
      %get3A_646 = tpu.vector_load %arg6[%get3A_644, %get3A_645] {strides = array<i32>} : memref<16x512xf32, #tpu.memory_space<vmem>>, vector<16xf32>,
      %get3A_647 = arith.index_cast %shift_right_arithmetic3A_602 : i32 to index
      %get3A_648 = arith.index_cast %add3A_640 : i32 to index
      %get3A_649 = tpu.vector_load %arg7[%get3A_647, %get3A_648] {strides = array<i32>} : memref<16x512xf32, #tpu.memory_space<vmem>>, vector<16xf32>,
      %sub3A_650 = arith.subf %get3A_610, %get3A_613 : vector<16xf32>
      %add3A_651 = arith.constant 9.99999974E-5 : f32
      %add3A_652 = vector.broadcast %add3A_651 : f32 to vector<16xf32>
      %add3A_653 = arith.addf %get3A_613, %add3A_652 : vector<16xf32>
      %div3A_654 = arith.divf %sub3A_650, %add3A_653 : vector<16xf32>
      %mul3A_655 = arith.mulf %div3A_654, %div3A_654 : vector<16xf32>
      %add3A_656 = arith.constant 4.000000e-04 : f32
      %add3A_657 = vector.broadcast %add3A_656 : f32 to vector<16xf32>
      %add3A_658 = arith.addf %mul3A_655, %add3A_657 : vector<16xf32>
      %bitcast3A = vector.bitcast %add3A_658 : vector<16xf32> to vector<16xi32>
      %shift_right_arithmetic3A_659 = arith.constant 1 : i32
      %shift_right_arithmetic3A_660 = vector.broadcast %shift_right_arithmetic3A_659 : i32 to vector<16xi32>
      %shift_right_arithmetic3A_661 = arith.shrsi %bitcast3A, %shift_right_arithmetic3A_660 : vector<16xi32>
      %sub3A_662 = arith.constant 1597463007 : i32
      %sub3A_663 = vector.broadcast %sub3A_662 : i32 to vector<16xi32>
      %sub3A_664 = arith.subi %sub3A_663, %shift_right_arithmetic3A_661 : vector<16xi32>
      %bitcast3A_665 = vector.bitcast %sub3A_664 : vector<16xi32> to vector<16xf32>
      %mul3A_666 = arith.constant 5.000000e-01 : f32
      %mul3A_667 = vector.broadcast %mul3A_666 : f32 to vector<16xf32>
      %mul3A_668 = arith.mulf %mul3A_667, %add3A_658 : vector<16xf32>
      %mul3A_669 = arith.mulf %mul3A_668, %bitcast3A_665 : vector<16xf32>
      %mul3A_670 = arith.mulf %mul3A_669, %bitcast3A_665 : vector<16xf32>
      %sub3A_671 = arith.constant 1.500000e+00 : f32
      %sub3A_672 = vector.broadcast %sub3A_671 : f32 to vector<16xf32>
      %sub3A_673 = arith.subf %sub3A_672, %mul3A_670 : vector<16xf32>
      %mul3A_674 = arith.mulf %bitcast3A_665, %sub3A_673 : vector<16xf32>
      %mul3A_675 = arith.mulf %add3A_658, %mul3A_674 : vector<16xf32>
      %sub3A_676 = arith.constant 2.000000e-02 : f32
      %sub3A_677 = vector.broadcast %sub3A_676 : f32 to vector<16xf32>
      %sub3A_678 = arith.subf %mul3A_675, %sub3A_677 : vector<16xf32>
      %mul3A_679 = arith.mulf %sub3A_678, %get3A_616 : vector<16xf32>
      %abs3A = math.absf %div3A_654 : vector<16xf32>
      %mul3A_680 = arith.mulf %abs3A, %mul3A_674 : vector<16xf32>
      %mul3A_681 = arith.constant 1.000000e+01 : f32
      %mul3A_682 = vector.broadcast %mul3A_681 : f32 to vector<16xf32>
      %mul3A_683 = arith.mulf %mul3A_680, %mul3A_682 : vector<16xf32>
      %min3A = arith.constant 9.000000e+00 : f32
      %min3A_684 = vector.broadcast %min3A : f32 to vector<16xf32>
      %min3A_685 = arith.minimumf %mul3A_683, %min3A_684 : vector<16xf32>
      %convert_element_type3A = arith.fptosi %min3A_685 : vector<16xf32> to vector<16xi32>
      %mul3A_686 = arith.constant 16 : i32
      %mul3A_687 = vector.broadcast %mul3A_686 : i32 to vector<16xi32>
      %mul3A_688 = arith.muli %convert_element_type3A, %mul3A_687 : vector<16xi32>
      %add3A_689 = arith.addi %mul3A_688, %iota3A : vector<16xi32>
      %sub3A_690 = arith.subf %get3A_621, %get3A_624 : vector<16xf32>
      %add3A_691 = arith.constant 9.99999974E-5 : f32
      %add3A_692 = vector.broadcast %add3A_691 : f32 to vector<16xf32>
      %add3A_693 = arith.addf %get3A_624, %add3A_692 : vector<16xf32>
      %div3A_694 = arith.divf %sub3A_690, %add3A_693 : vector<16xf32>
      %mul3A_695 = arith.mulf %div3A_694, %div3A_694 : vector<16xf32>
      %add3A_696 = arith.constant 4.000000e-04 : f32
      %add3A_697 = vector.broadcast %add3A_696 : f32 to vector<16xf32>
      %add3A_698 = arith.addf %mul3A_695, %add3A_697 : vector<16xf32>
      %bitcast3A_699 = vector.bitcast %add3A_698 : vector<16xf32> to vector<16xi32>
      %shift_right_arithmetic3A_700 = arith.constant 1 : i32
      %shift_right_arithmetic3A_701 = vector.broadcast %shift_right_arithmetic3A_700 : i32 to vector<16xi32>
      %shift_right_arithmetic3A_702 = arith.shrsi %bitcast3A_699, %shift_right_arithmetic3A_701 : vector<16xi32>
      %sub3A_703 = arith.constant 1597463007 : i32
      %sub3A_704 = vector.broadcast %sub3A_703 : i32 to vector<16xi32>
      %sub3A_705 = arith.subi %sub3A_704, %shift_right_arithmetic3A_702 : vector<16xi32>
      %bitcast3A_706 = vector.bitcast %sub3A_705 : vector<16xi32> to vector<16xf32>
      %mul3A_707 = arith.constant 5.000000e-01 : f32
      %mul3A_708 = vector.broadcast %mul3A_707 : f32 to vector<16xf32>
      %mul3A_709 = arith.mulf %mul3A_708, %add3A_698 : vector<16xf32>
      %mul3A_710 = arith.mulf %mul3A_709, %bitcast3A_706 : vector<16xf32>
      %mul3A_711 = arith.mulf %mul3A_710, %bitcast3A_706 : vector<16xf32>
      %sub3A_712 = arith.constant 1.500000e+00 : f32
      %sub3A_713 = vector.broadcast %sub3A_712 : f32 to vector<16xf32>
      %sub3A_714 = arith.subf %sub3A_713, %mul3A_711 : vector<16xf32>
      %mul3A_715 = arith.mulf %bitcast3A_706, %sub3A_714 : vector<16xf32>
      %mul3A_716 = arith.mulf %add3A_698, %mul3A_715 : vector<16xf32>
      %sub3A_717 = arith.constant 2.000000e-02 : f32
      %sub3A_718 = vector.broadcast %sub3A_717 : f32 to vector<16xf32>
      %sub3A_719 = arith.subf %mul3A_716, %sub3A_718 : vector<16xf32>
      %mul3A_720 = arith.mulf %sub3A_719, %get3A_627 : vector<16xf32>
      %abs3A_721 = math.absf %div3A_694 : vector<16xf32>
      %mul3A_722 = arith.mulf %abs3A_721, %mul3A_715 : vector<16xf32>
      %mul3A_723 = arith.constant 1.000000e+01 : f32
      %mul3A_724 = vector.broadcast %mul3A_723 : f32 to vector<16xf32>
      %mul3A_725 = arith.mulf %mul3A_722, %mul3A_724 : vector<16xf32>
      %min3A_726 = arith.constant 9.000000e+00 : f32
      %min3A_727 = vector.broadcast %min3A_726 : f32 to vector<16xf32>
      %min3A_728 = arith.minimumf %mul3A_725, %min3A_727 : vector<16xf32>
      %convert_element_type3A_729 = arith.fptosi %min3A_728 : vector<16xf32> to vector<16xi32>
      %mul3A_730 = arith.constant 16 : i32
      %mul3A_731 = vector.broadcast %mul3A_730 : i32 to vector<16xi32>
      %mul3A_732 = arith.muli %convert_element_type3A_729, %mul3A_731 : vector<16xi32>
      %add3A_733 = arith.addi %mul3A_732, %iota3A : vector<16xi32>
      %sub3A_734 = arith.subf %get3A_632, %get3A_635 : vector<16xf32>
      %add3A_735 = arith.constant 9.99999974E-5 : f32
      %add3A_736 = vector.broadcast %add3A_735 : f32 to vector<16xf32>
      %add3A_737 = arith.addf %get3A_635, %add3A_736 : vector<16xf32>
      %div3A_738 = arith.divf %sub3A_734, %add3A_737 : vector<16xf32>
      %mul3A_739 = arith.mulf %div3A_738, %div3A_738 : vector<16xf32>
      %add3A_740 = arith.constant 4.000000e-04 : f32
      %add3A_741 = vector.broadcast %add3A_740 : f32 to vector<16xf32>
      %add3A_742 = arith.addf %mul3A_739, %add3A_741 : vector<16xf32>
      %bitcast3A_743 = vector.bitcast %add3A_742 : vector<16xf32> to vector<16xi32>
      %shift_right_arithmetic3A_744 = arith.constant 1 : i32
      %shift_right_arithmetic3A_745 = vector.broadcast %shift_right_arithmetic3A_744 : i32 to vector<16xi32>
      %shift_right_arithmetic3A_746 = arith.shrsi %bitcast3A_743, %shift_right_arithmetic3A_745 : vector<16xi32>
      %sub3A_747 = arith.constant 1597463007 : i32
      %sub3A_748 = vector.broadcast %sub3A_747 : i32 to vector<16xi32>
      %sub3A_749 = arith.subi %sub3A_748, %shift_right_arithmetic3A_746 : vector<16xi32>
      %bitcast3A_750 = vector.bitcast %sub3A_749 : vector<16xi32> to vector<16xf32>
      %mul3A_751 = arith.constant 5.000000e-01 : f32
      %mul3A_752 = vector.broadcast %mul3A_751 : f32 to vector<16xf32>
      %mul3A_753 = arith.mulf %mul3A_752, %add3A_742 : vector<16xf32>
      %mul3A_754 = arith.mulf %mul3A_753, %bitcast3A_750 : vector<16xf32>
      %mul3A_755 = arith.mulf %mul3A_754, %bitcast3A_750 : vector<16xf32>
      %sub3A_756 = arith.constant 1.500000e+00 : f32
      %sub3A_757 = vector.broadcast %sub3A_756 : f32 to vector<16xf32>
      %sub3A_758 = arith.subf %sub3A_757, %mul3A_755 : vector<16xf32>
      %mul3A_759 = arith.mulf %bitcast3A_750, %sub3A_758 : vector<16xf32>
      %mul3A_760 = arith.mulf %add3A_742, %mul3A_759 : vector<16xf32>
      %sub3A_761 = arith.constant 2.000000e-02 : f32
      %sub3A_762 = vector.broadcast %sub3A_761 : f32 to vector<16xf32>
      %sub3A_763 = arith.subf %mul3A_760, %sub3A_762 : vector<16xf32>
      %mul3A_764 = arith.mulf %sub3A_763, %get3A_638 : vector<16xf32>
      %abs3A_765 = math.absf %div3A_738 : vector<16xf32>
      %mul3A_766 = arith.mulf %abs3A_765, %mul3A_759 : vector<16xf32>
      %mul3A_767 = arith.constant 1.000000e+01 : f32
      %mul3A_768 = vector.broadcast %mul3A_767 : f32 to vector<16xf32>
      %mul3A_769 = arith.mulf %mul3A_766, %mul3A_768 : vector<16xf32>
      %min3A_770 = arith.constant 9.000000e+00 : f32
      %min3A_771 = vector.broadcast %min3A_770 : f32 to vector<16xf32>
      %min3A_772 = arith.minimumf %mul3A_769, %min3A_771 : vector<16xf32>
      %convert_element_type3A_773 = arith.fptosi %min3A_772 : vector<16xf32> to vector<16xi32>
      %mul3A_774 = arith.constant 16 : i32
      %mul3A_775 = vector.broadcast %mul3A_774 : i32 to vector<16xi32>
      %mul3A_776 = arith.muli %convert_element_type3A_773, %mul3A_775 : vector<16xi32>
      %add3A_777 = arith.addi %mul3A_776, %iota3A : vector<16xi32>
      %sub3A_778 = arith.subf %get3A_643, %get3A_646 : vector<16xf32>
      %add3A_779 = arith.constant 9.99999974E-5 : f32
      %add3A_780 = vector.broadcast %add3A_779 : f32 to vector<16xf32>
      %add3A_781 = arith.addf %get3A_646, %add3A_780 : vector<16xf32>
      %div3A_782 = arith.divf %sub3A_778, %add3A_781 : vector<16xf32>
      %mul3A_783 = arith.mulf %div3A_782, %div3A_782 : vector<16xf32>
      %add3A_784 = arith.constant 4.000000e-04 : f32
      %add3A_785 = vector.broadcast %add3A_784 : f32 to vector<16xf32>
      %add3A_786 = arith.addf %mul3A_783, %add3A_785 : vector<16xf32>
      %bitcast3A_787 = vector.bitcast %add3A_786 : vector<16xf32> to vector<16xi32>
      %shift_right_arithmetic3A_788 = arith.constant 1 : i32
      %shift_right_arithmetic3A_789 = vector.broadcast %shift_right_arithmetic3A_788 : i32 to vector<16xi32>
      %shift_right_arithmetic3A_790 = arith.shrsi %bitcast3A_787, %shift_right_arithmetic3A_789 : vector<16xi32>
      %sub3A_791 = arith.constant 1597463007 : i32
      %sub3A_792 = vector.broadcast %sub3A_791 : i32 to vector<16xi32>
      %sub3A_793 = arith.subi %sub3A_792, %shift_right_arithmetic3A_790 : vector<16xi32>
      %bitcast3A_794 = vector.bitcast %sub3A_793 : vector<16xi32> to vector<16xf32>
      %mul3A_795 = arith.constant 5.000000e-01 : f32
      %mul3A_796 = vector.broadcast %mul3A_795 : f32 to vector<16xf32>
      %mul3A_797 = arith.mulf %mul3A_796, %add3A_786 : vector<16xf32>
      %mul3A_798 = arith.mulf %mul3A_797, %bitcast3A_794 : vector<16xf32>
      %mul3A_799 = arith.mulf %mul3A_798, %bitcast3A_794 : vector<16xf32>
      %sub3A_800 = arith.constant 1.500000e+00 : f32
      %sub3A_801 = vector.broadcast %sub3A_800 : f32 to vector<16xf32>
      %sub3A_802 = arith.subf %sub3A_801, %mul3A_799 : vector<16xf32>
      %mul3A_803 = arith.mulf %bitcast3A_794, %sub3A_802 : vector<16xf32>
      %mul3A_804 = arith.mulf %add3A_786, %mul3A_803 : vector<16xf32>
      %sub3A_805 = arith.constant 2.000000e-02 : f32
      %sub3A_806 = vector.broadcast %sub3A_805 : f32 to vector<16xf32>
      %sub3A_807 = arith.subf %mul3A_804, %sub3A_806 : vector<16xf32>
      %mul3A_808 = arith.mulf %sub3A_807, %get3A_649 : vector<16xf32>
      %abs3A_809 = math.absf %div3A_782 : vector<16xf32>
      %mul3A_810 = arith.mulf %abs3A_809, %mul3A_803 : vector<16xf32>
      %mul3A_811 = arith.constant 1.000000e+01 : f32
      %mul3A_812 = vector.broadcast %mul3A_811 : f32 to vector<16xf32>
      %mul3A_813 = arith.mulf %mul3A_810, %mul3A_812 : vector<16xf32>
      %min3A_814 = arith.constant 9.000000e+00 : f32
      %min3A_815 = vector.broadcast %min3A_814 : f32 to vector<16xf32>
      %min3A_816 = arith.minimumf %mul3A_813, %min3A_815 : vector<16xf32>
      %convert_element_type3A_817 = arith.fptosi %min3A_816 : vector<16xf32> to vector<16xi32>
      %mul3A_818 = arith.constant 16 : i32
      %mul3A_819 = vector.broadcast %mul3A_818 : i32 to vector<16xi32>
      %mul3A_820 = arith.muli %convert_element_type3A_817, %mul3A_819 : vector<16xi32>
      %add3A_821 = arith.addi %mul3A_820, %iota3A : vector<16xi32>
      tpu.vector_store_idx %arg11[%add3A_689], %mul3A_679 {add = true} : memref<512xf32, #tpu.memory_space<vmem>>[vector<16xi32>], vector<16xf32>,
      %add3A_822 = arith.constant 256 : i32
      %add3A_823 = vector.broadcast %add3A_822 : i32 to vector<16xi32>
      %add3A_824 = arith.addi %add3A_689, %add3A_823 : vector<16xi32>
      %gt3A = arith.constant 0.000000e+00 : f32
      %gt3A_825 = vector.broadcast %gt3A : f32 to vector<16xf32>
      %gt3A_826 = arith.cmpf ogt, %get3A_616, %gt3A_825 : vector<16xf32>
      tpu.vector_store_idx %arg11[%add3A_824], %broadcast_in_dim3A_6 masked %gt3A_826 {add = true} : memref<512xf32, #tpu.memory_space<vmem>>[vector<16xi32>], vector<16xf32>, vector<16xi1>
      tpu.vector_store_idx %arg11[%add3A_733], %mul3A_720 {add = true} : memref<512xf32, #tpu.memory_space<vmem>>[vector<16xi32>], vector<16xf32>,
      %add3A_827 = arith.constant 256 : i32
      %add3A_828 = vector.broadcast %add3A_827 : i32 to vector<16xi32>
      %add3A_829 = arith.addi %add3A_733, %add3A_828 : vector<16xi32>
      %gt3A_830 = arith.constant 0.000000e+00 : f32
      %gt3A_831 = vector.broadcast %gt3A_830 : f32 to vector<16xf32>
      %gt3A_832 = arith.cmpf ogt, %get3A_627, %gt3A_831 : vector<16xf32>
      tpu.vector_store_idx %arg11[%add3A_829], %broadcast_in_dim3A_6 masked %gt3A_832 {add = true} : memref<512xf32, #tpu.memory_space<vmem>>[vector<16xi32>], vector<16xf32>, vector<16xi1>
      tpu.vector_store_idx %arg11[%add3A_777], %mul3A_764 {add = true} : memref<512xf32, #tpu.memory_space<vmem>>[vector<16xi32>], vector<16xf32>,
      %add3A_833 = arith.constant 256 : i32
      %add3A_834 = vector.broadcast %add3A_833 : i32 to vector<16xi32>
      %add3A_835 = arith.addi %add3A_777, %add3A_834 : vector<16xi32>
      %gt3A_836 = arith.constant 0.000000e+00 : f32
      %gt3A_837 = vector.broadcast %gt3A_836 : f32 to vector<16xf32>
      %gt3A_838 = arith.cmpf ogt, %get3A_638, %gt3A_837 : vector<16xf32>
      tpu.vector_store_idx %arg11[%add3A_835], %broadcast_in_dim3A_6 masked %gt3A_838 {add = true} : memref<512xf32, #tpu.memory_space<vmem>>[vector<16xi32>], vector<16xf32>, vector<16xi1>
      tpu.vector_store_idx %arg11[%add3A_821], %mul3A_808 {add = true} : memref<512xf32, #tpu.memory_space<vmem>>[vector<16xi32>], vector<16xf32>,
      %add3A_839 = arith.constant 256 : i32
      %add3A_840 = vector.broadcast %add3A_839 : i32 to vector<16xi32>
      %add3A_841 = arith.addi %add3A_821, %add3A_840 : vector<16xi32>
      %gt3A_842 = arith.constant 0.000000e+00 : f32
      %gt3A_843 = vector.broadcast %gt3A_842 : f32 to vector<16xf32>
      %gt3A_844 = arith.cmpf ogt, %get3A_649, %gt3A_843 : vector<16xf32>
      tpu.vector_store_idx %arg11[%add3A_841], %broadcast_in_dim3A_6 masked %gt3A_844 {add = true} : memref<512xf32, #tpu.memory_space<vmem>>[vector<16xi32>], vector<16xf32>, vector<16xi1>
    }
    %scan3A_362 = arith.constant 128 : i32
    %mul3A_363 = arith.constant 96 : i32
    %mul3A_364 = arith.muli %add3A, %mul3A_363 : i32
    %add3A_365 = arith.constant 64 : i32
    %add3A_366 = arith.addi %mul3A_364, %add3A_365 : i32
    %jit3A_367 = arith.constant 512 : i32
    %div3A_368 = arith.divsi %add3A_366, %jit3A_367 : i32
    %sign3A_369 = arith.constant 0 : i32
    %sign3A_370 = arith.cmpi sgt, %add3A_366, %sign3A_369 : i32
    %sign3A_371 = arith.extui %sign3A_370 : i1 to i32
    %sign3A_372 = arith.constant 0 : i32
    %sign3A_373 = arith.cmpi slt, %add3A_366, %sign3A_372 : i32
    %sign3A_374 = arith.extui %sign3A_373 : i1 to i32
    %sign3A_375 = arith.subi %sign3A_371, %sign3A_374 : i32
    %sign3A_376 = arith.constant 0 : i32
    %sign3A_377 = arith.cmpi sgt, %jit3A_367, %sign3A_376 : i32
    %sign3A_378 = arith.extui %sign3A_377 : i1 to i32
    %sign3A_379 = arith.constant 0 : i32
    %sign3A_380 = arith.cmpi slt, %jit3A_367, %sign3A_379 : i32
    %sign3A_381 = arith.extui %sign3A_380 : i1 to i32
    %sign3A_382 = arith.subi %sign3A_378, %sign3A_381 : i32
    %ne3A_383 = arith.cmpi ne, %sign3A_375, %sign3A_382 : i32
    %rem3A_384 = arith.remsi %add3A_366, %jit3A_367 : i32
    %ne3A_385 = arith.constant 0 : i32
    %ne3A_386 = arith.cmpi ne, %rem3A_384, %ne3A_385 : i32
    %and3A_387 = arith.andi %ne3A_383, %ne3A_386 : i1
    %sub3A_388 = arith.constant 1 : i32
    %sub3A_389 = arith.subi %div3A_368, %sub3A_388 : i32
    %select_n3A_390 = arith.select %and3A_387, %sub3A_389, %div3A_368 : i32
    %jit3A_391 = arith.constant 512 : i32
    %eq3A_392 = arith.constant 0 : i32
    %eq3A_393 = arith.cmpi eq, %jit3A_391, %eq3A_392 : i32
    %jit3A_394 = arith.constant 1 : i32
    %select_n3A_395 = arith.select %eq3A_393, %jit3A_394, %jit3A_391 : i32
    %rem3A_396 = arith.remsi %add3A_366, %select_n3A_395 : i32
    %ne3A_397 = arith.constant 0 : i32
    %ne3A_398 = arith.cmpi ne, %rem3A_396, %ne3A_397 : i32
    %lt3A_399 = arith.constant 0 : i32
    %lt3A_400 = arith.cmpi slt, %rem3A_396, %lt3A_399 : i32
    %lt3A_401 = arith.constant 0 : i32
    %lt3A_402 = arith.cmpi slt, %select_n3A_395, %lt3A_401 : i32
    %ne3A_403 = arith.xori %lt3A_400, %lt3A_402 : i1
    %and3A_404 = arith.andi %ne3A_403, %ne3A_398 : i1
    %add3A_405 = arith.addi %rem3A_396, %select_n3A_395 : i32
    %select_n3A_406 = arith.select %and3A_404, %add3A_405, %rem3A_396 : i32
    %dma_start3A_407 = arith.constant 0 : i32
    %dma_start3A_408 = arith.constant 0 : i32
    %dma_start3A_409 = tpu.memref_slice %arg2[%select_n3A_390, %dma_start3A_407, %select_n3A_406, %dma_start3A_408] : memref<16x1x512x512xf32, #tpu.memory_space<hbm>> -> memref<1x1x16x512xf32, #tpu.memory_space<hbm>>
    %dma_start3A_410 = tpu.memref_squeeze %dma_start3A_409 : memref<1x1x16x512xf32, #tpu.memory_space<hbm>> -> memref<16x512xf32, #tpu.memory_space<hbm>>
    %dma_start3A_411 = arith.constant 0 : i32
    %dma_start3A_412 = tpu.memref_slice %arg2[%select_n3A_390, %dma_start3A_407, %select_n3A_406, %dma_start3A_411] : memref<16x1x512x512xf32, #tpu.memory_space<hbm>> -> memref<1x1x16x512xf32, #tpu.memory_space<hbm>>
    %dma_start3A_413 = tpu.memref_squeeze %dma_start3A_412 : memref<1x1x16x512xf32, #tpu.memory_space<hbm>> -> memref<16x512xf32, #tpu.memory_space<hbm>>
    tpu.enqueue_dma source(%dma_start3A_413 : memref<16x512xf32, #tpu.memory_space<hbm>>) target(%arg5 : memref<16x512xf32, #tpu.memory_space<vmem>>) target_semaphore(%arg12 : memref<!tpu.dma_semaphore, #tpu.memory_space<semaphore_mem>>)
    %dma_start3A_414 = arith.constant 0 : i32
    %dma_start3A_415 = arith.constant 0 : i32
    %dma_start3A_416 = tpu.memref_slice %arg3[%select_n3A_390, %dma_start3A_414, %select_n3A_406, %dma_start3A_415] : memref<16x2x512x512xf32, #tpu.memory_space<hbm>> -> memref<1x1x16x512xf32, #tpu.memory_space<hbm>>
    %dma_start3A_417 = tpu.memref_squeeze %dma_start3A_416 : memref<1x1x16x512xf32, #tpu.memory_space<hbm>> -> memref<16x512xf32, #tpu.memory_space<hbm>>
    %dma_start3A_418 = arith.constant 0 : i32
    %dma_start3A_419 = tpu.memref_slice %arg3[%select_n3A_390, %dma_start3A_414, %select_n3A_406, %dma_start3A_418] : memref<16x2x512x512xf32, #tpu.memory_space<hbm>> -> memref<1x1x16x512xf32, #tpu.memory_space<hbm>>
    %dma_start3A_420 = tpu.memref_squeeze %dma_start3A_419 : memref<1x1x16x512xf32, #tpu.memory_space<hbm>> -> memref<16x512xf32, #tpu.memory_space<hbm>>
    tpu.enqueue_dma source(%dma_start3A_420 : memref<16x512xf32, #tpu.memory_space<hbm>>) target(%arg6 : memref<16x512xf32, #tpu.memory_space<vmem>>) target_semaphore(%arg12 : memref<!tpu.dma_semaphore, #tpu.memory_space<semaphore_mem>>)
    %dma_start3A_421 = arith.constant 1 : i32
    %dma_start3A_422 = arith.constant 0 : i32
    %dma_start3A_423 = tpu.memref_slice %arg3[%select_n3A_390, %dma_start3A_421, %select_n3A_406, %dma_start3A_422] : memref<16x2x512x512xf32, #tpu.memory_space<hbm>> -> memref<1x1x16x512xf32, #tpu.memory_space<hbm>>
    %dma_start3A_424 = tpu.memref_squeeze %dma_start3A_423 : memref<1x1x16x512xf32, #tpu.memory_space<hbm>> -> memref<16x512xf32, #tpu.memory_space<hbm>>
    %dma_start3A_425 = arith.constant 0 : i32
    %dma_start3A_426 = tpu.memref_slice %arg3[%select_n3A_390, %dma_start3A_421, %select_n3A_406, %dma_start3A_425] : memref<16x2x512x512xf32, #tpu.memory_space<hbm>> -> memref<1x1x16x512xf32, #tpu.memory_space<hbm>>
    %dma_start3A_427 = tpu.memref_squeeze %dma_start3A_426 : memref<1x1x16x512xf32, #tpu.memory_space<hbm>> -> memref<16x512xf32, #tpu.memory_space<hbm>>
    tpu.enqueue_dma source(%dma_start3A_427 : memref<16x512xf32, #tpu.memory_space<hbm>>) target(%arg7 : memref<16x512xf32, #tpu.memory_space<vmem>>) target_semaphore(%arg12 : memref<!tpu.dma_semaphore, #tpu.memory_space<semaphore_mem>>)
    %dma_wait3A_428 = arith.constant 0 : i32
    %dma_wait3A_429 = arith.constant 0 : i32
    %dma_wait3A_430 = arith.constant 0 : i32
    %dma_wait3A_431 = arith.constant 0 : i32
    %dma_wait3A_432 = tpu.memref_slice %arg2[%dma_wait3A_428, %dma_wait3A_429, %dma_wait3A_430, %dma_wait3A_431] : memref<16x1x512x512xf32, #tpu.memory_space<hbm>> -> memref<1x1x16x512xf32, #tpu.memory_space<hbm>>
    %dma_wait3A_433 = tpu.memref_squeeze %dma_wait3A_432 : memref<1x1x16x512xf32, #tpu.memory_space<hbm>> -> memref<16x512xf32, #tpu.memory_space<hbm>>
    %dma_wait3A_434 = arith.constant 0 : i32
    %dma_wait3A_435 = arith.constant 0 : i32
    %dma_wait3A_436 = tpu.memref_slice %arg2[%dma_wait3A_428, %dma_wait3A_429, %dma_wait3A_434, %dma_wait3A_435] : memref<16x1x512x512xf32, #tpu.memory_space<hbm>> -> memref<1x1x16x512xf32, #tpu.memory_space<hbm>>
    %dma_wait3A_437 = tpu.memref_squeeze %dma_wait3A_436 : memref<1x1x16x512xf32, #tpu.memory_space<hbm>> -> memref<16x512xf32, #tpu.memory_space<hbm>>
    tpu.wait_dma2 semaphore(%arg13 : memref<!tpu.dma_semaphore, #tpu.memory_space<semaphore_mem>>) src(%dma_wait3A_437 : memref<16x512xf32, #tpu.memory_space<hbm>>) dst(%arg8 : memref<16x512xf32, #tpu.memory_space<vmem>>)
    %dma_wait3A_438 = arith.constant 0 : i32
    %dma_wait3A_439 = arith.constant 0 : i32
    %dma_wait3A_440 = arith.constant 0 : i32
    %dma_wait3A_441 = arith.constant 0 : i32
    %dma_wait3A_442 = tpu.memref_slice %arg2[%dma_wait3A_438, %dma_wait3A_439, %dma_wait3A_440, %dma_wait3A_441] : memref<16x1x512x512xf32, #tpu.memory_space<hbm>> -> memref<1x1x16x512xf32, #tpu.memory_space<hbm>>
    %dma_wait3A_443 = tpu.memref_squeeze %dma_wait3A_442 : memref<1x1x16x512xf32, #tpu.memory_space<hbm>> -> memref<16x512xf32, #tpu.memory_space<hbm>>
    %dma_wait3A_444 = arith.constant 0 : i32
    %dma_wait3A_445 = arith.constant 0 : i32
    %dma_wait3A_446 = tpu.memref_slice %arg2[%dma_wait3A_438, %dma_wait3A_439, %dma_wait3A_444, %dma_wait3A_445] : memref<16x1x512x512xf32, #tpu.memory_space<hbm>> -> memref<1x1x16x512xf32, #tpu.memory_space<hbm>>
    %dma_wait3A_447 = tpu.memref_squeeze %dma_wait3A_446 : memref<1x1x16x512xf32, #tpu.memory_space<hbm>> -> memref<16x512xf32, #tpu.memory_space<hbm>>
    tpu.wait_dma2 semaphore(%arg13 : memref<!tpu.dma_semaphore, #tpu.memory_space<semaphore_mem>>) src(%dma_wait3A_447 : memref<16x512xf32, #tpu.memory_space<hbm>>) dst(%arg9 : memref<16x512xf32, #tpu.memory_space<vmem>>)
    %dma_wait3A_448 = arith.constant 0 : i32
    %dma_wait3A_449 = arith.constant 0 : i32
    %dma_wait3A_450 = arith.constant 0 : i32
    %dma_wait3A_451 = arith.constant 0 : i32
    %dma_wait3A_452 = tpu.memref_slice %arg2[%dma_wait3A_448, %dma_wait3A_449, %dma_wait3A_450, %dma_wait3A_451] : memref<16x1x512x512xf32, #tpu.memory_space<hbm>> -> memref<1x1x16x512xf32, #tpu.memory_space<hbm>>
    %dma_wait3A_453 = tpu.memref_squeeze %dma_wait3A_452 : memref<1x1x16x512xf32, #tpu.memory_space<hbm>> -> memref<16x512xf32, #tpu.memory_space<hbm>>
    %dma_wait3A_454 = arith.constant 0 : i32
    %dma_wait3A_455 = arith.constant 0 : i32
    %dma_wait3A_456 = tpu.memref_slice %arg2[%dma_wait3A_448, %dma_wait3A_449, %dma_wait3A_454, %dma_wait3A_455] : memref<16x1x512x512xf32, #tpu.memory_space<hbm>> -> memref<1x1x16x512xf32, #tpu.memory_space<hbm>>
    %dma_wait3A_457 = tpu.memref_squeeze %dma_wait3A_456 : memref<1x1x16x512xf32, #tpu.memory_space<hbm>> -> memref<16x512xf32, #tpu.memory_space<hbm>>
    tpu.wait_dma2 semaphore(%arg13 : memref<!tpu.dma_semaphore, #tpu.memory_space<semaphore_mem>>) src(%dma_wait3A_457 : memref<16x512xf32, #tpu.memory_space<hbm>>) dst(%arg10 : memref<16x512xf32, #tpu.memory_space<vmem>>)
    %scan3A_458 = arith.constant 0 : i32
    %scan3A_459 = arith.constant 0 : i32
    %scan3A_460 = arith.constant 128 : i32
    %scan3A_461 = arith.addi %scan3A_459, %scan3A_460 : i32
    %scan3A_462 = arith.constant 1 : i32
    scf.for %scan3A_601 = %scan3A_459 to %scan3A_461 step %scan3A_462  : i32 {
      %shift_right_arithmetic3A = arith.constant 3 : i32
      %shift_right_arithmetic3A_602 = arith.shrsi %scan3A_601, %shift_right_arithmetic3A : i32
      %and3A_603 = arith.constant 7 : i32
      %and3A_604 = arith.andi %scan3A_601, %and3A_603 : i32
      %mul3A_605 = arith.constant 64 : i32
      %mul3A_606 = arith.muli %and3A_604, %mul3A_605 : i32
      %add3A_607 = arith.constant 0 : i32
      %add3A_608 = arith.addi %mul3A_606, %add3A_607 : i32
      %get3A = arith.index_cast %shift_right_arithmetic3A_602 : i32 to index
      %get3A_609 = arith.index_cast %add3A_608 : i32 to index
      %get3A_610 = tpu.vector_load %arg8[%get3A, %get3A_609] {strides = array<i32>} : memref<16x512xf32, #tpu.memory_space<vmem>>, vector<16xf32>,
      %get3A_611 = arith.index_cast %shift_right_arithmetic3A_602 : i32 to index
      %get3A_612 = arith.index_cast %add3A_608 : i32 to index
      %get3A_613 = tpu.vector_load %arg9[%get3A_611, %get3A_612] {strides = array<i32>} : memref<16x512xf32, #tpu.memory_space<vmem>>, vector<16xf32>,
      %get3A_614 = arith.index_cast %shift_right_arithmetic3A_602 : i32 to index
      %get3A_615 = arith.index_cast %add3A_608 : i32 to index
      %get3A_616 = tpu.vector_load %arg10[%get3A_614, %get3A_615] {strides = array<i32>} : memref<16x512xf32, #tpu.memory_space<vmem>>, vector<16xf32>,
      %add3A_617 = arith.constant 16 : i32
      %add3A_618 = arith.addi %mul3A_606, %add3A_617 : i32
      %get3A_619 = arith.index_cast %shift_right_arithmetic3A_602 : i32 to index
      %get3A_620 = arith.index_cast %add3A_618 : i32 to index
      %get3A_621 = tpu.vector_load %arg8[%get3A_619, %get3A_620] {strides = array<i32>} : memref<16x512xf32, #tpu.memory_space<vmem>>, vector<16xf32>,
      %get3A_622 = arith.index_cast %shift_right_arithmetic3A_602 : i32 to index
      %get3A_623 = arith.index_cast %add3A_618 : i32 to index
      %get3A_624 = tpu.vector_load %arg9[%get3A_622, %get3A_623] {strides = array<i32>} : memref<16x512xf32, #tpu.memory_space<vmem>>, vector<16xf32>,
      %get3A_625 = arith.index_cast %shift_right_arithmetic3A_602 : i32 to index
      %get3A_626 = arith.index_cast %add3A_618 : i32 to index
      %get3A_627 = tpu.vector_load %arg10[%get3A_625, %get3A_626] {strides = array<i32>} : memref<16x512xf32, #tpu.memory_space<vmem>>, vector<16xf32>,
      %add3A_628 = arith.constant 32 : i32
      %add3A_629 = arith.addi %mul3A_606, %add3A_628 : i32
      %get3A_630 = arith.index_cast %shift_right_arithmetic3A_602 : i32 to index
      %get3A_631 = arith.index_cast %add3A_629 : i32 to index
      %get3A_632 = tpu.vector_load %arg8[%get3A_630, %get3A_631] {strides = array<i32>} : memref<16x512xf32, #tpu.memory_space<vmem>>, vector<16xf32>,
      %get3A_633 = arith.index_cast %shift_right_arithmetic3A_602 : i32 to index
      %get3A_634 = arith.index_cast %add3A_629 : i32 to index
      %get3A_635 = tpu.vector_load %arg9[%get3A_633, %get3A_634] {strides = array<i32>} : memref<16x512xf32, #tpu.memory_space<vmem>>, vector<16xf32>,
      %get3A_636 = arith.index_cast %shift_right_arithmetic3A_602 : i32 to index
      %get3A_637 = arith.index_cast %add3A_629 : i32 to index
      %get3A_638 = tpu.vector_load %arg10[%get3A_636, %get3A_637] {strides = array<i32>} : memref<16x512xf32, #tpu.memory_space<vmem>>, vector<16xf32>,
      %add3A_639 = arith.constant 48 : i32
      %add3A_640 = arith.addi %mul3A_606, %add3A_639 : i32
      %get3A_641 = arith.index_cast %shift_right_arithmetic3A_602 : i32 to index
      %get3A_642 = arith.index_cast %add3A_640 : i32 to index
      %get3A_643 = tpu.vector_load %arg8[%get3A_641, %get3A_642] {strides = array<i32>} : memref<16x512xf32, #tpu.memory_space<vmem>>, vector<16xf32>,
      %get3A_644 = arith.index_cast %shift_right_arithmetic3A_602 : i32 to index
      %get3A_645 = arith.index_cast %add3A_640 : i32 to index
      %get3A_646 = tpu.vector_load %arg9[%get3A_644, %get3A_645] {strides = array<i32>} : memref<16x512xf32, #tpu.memory_space<vmem>>, vector<16xf32>,
      %get3A_647 = arith.index_cast %shift_right_arithmetic3A_602 : i32 to index
      %get3A_648 = arith.index_cast %add3A_640 : i32 to index
      %get3A_649 = tpu.vector_load %arg10[%get3A_647, %get3A_648] {strides = array<i32>} : memref<16x512xf32, #tpu.memory_space<vmem>>, vector<16xf32>,
      %sub3A_650 = arith.subf %get3A_610, %get3A_613 : vector<16xf32>
      %add3A_651 = arith.constant 9.99999974E-5 : f32
      %add3A_652 = vector.broadcast %add3A_651 : f32 to vector<16xf32>
      %add3A_653 = arith.addf %get3A_613, %add3A_652 : vector<16xf32>
      %div3A_654 = arith.divf %sub3A_650, %add3A_653 : vector<16xf32>
      %mul3A_655 = arith.mulf %div3A_654, %div3A_654 : vector<16xf32>
      %add3A_656 = arith.constant 4.000000e-04 : f32
      %add3A_657 = vector.broadcast %add3A_656 : f32 to vector<16xf32>
      %add3A_658 = arith.addf %mul3A_655, %add3A_657 : vector<16xf32>
      %bitcast3A = vector.bitcast %add3A_658 : vector<16xf32> to vector<16xi32>
      %shift_right_arithmetic3A_659 = arith.constant 1 : i32
      %shift_right_arithmetic3A_660 = vector.broadcast %shift_right_arithmetic3A_659 : i32 to vector<16xi32>
      %shift_right_arithmetic3A_661 = arith.shrsi %bitcast3A, %shift_right_arithmetic3A_660 : vector<16xi32>
      %sub3A_662 = arith.constant 1597463007 : i32
      %sub3A_663 = vector.broadcast %sub3A_662 : i32 to vector<16xi32>
      %sub3A_664 = arith.subi %sub3A_663, %shift_right_arithmetic3A_661 : vector<16xi32>
      %bitcast3A_665 = vector.bitcast %sub3A_664 : vector<16xi32> to vector<16xf32>
      %mul3A_666 = arith.constant 5.000000e-01 : f32
      %mul3A_667 = vector.broadcast %mul3A_666 : f32 to vector<16xf32>
      %mul3A_668 = arith.mulf %mul3A_667, %add3A_658 : vector<16xf32>
      %mul3A_669 = arith.mulf %mul3A_668, %bitcast3A_665 : vector<16xf32>
      %mul3A_670 = arith.mulf %mul3A_669, %bitcast3A_665 : vector<16xf32>
      %sub3A_671 = arith.constant 1.500000e+00 : f32
      %sub3A_672 = vector.broadcast %sub3A_671 : f32 to vector<16xf32>
      %sub3A_673 = arith.subf %sub3A_672, %mul3A_670 : vector<16xf32>
      %mul3A_674 = arith.mulf %bitcast3A_665, %sub3A_673 : vector<16xf32>
      %mul3A_675 = arith.mulf %add3A_658, %mul3A_674 : vector<16xf32>
      %sub3A_676 = arith.constant 2.000000e-02 : f32
      %sub3A_677 = vector.broadcast %sub3A_676 : f32 to vector<16xf32>
      %sub3A_678 = arith.subf %mul3A_675, %sub3A_677 : vector<16xf32>
      %mul3A_679 = arith.mulf %sub3A_678, %get3A_616 : vector<16xf32>
      %abs3A = math.absf %div3A_654 : vector<16xf32>
      %mul3A_680 = arith.mulf %abs3A, %mul3A_674 : vector<16xf32>
      %mul3A_681 = arith.constant 1.000000e+01 : f32
      %mul3A_682 = vector.broadcast %mul3A_681 : f32 to vector<16xf32>
      %mul3A_683 = arith.mulf %mul3A_680, %mul3A_682 : vector<16xf32>
      %min3A = arith.constant 9.000000e+00 : f32
      %min3A_684 = vector.broadcast %min3A : f32 to vector<16xf32>
      %min3A_685 = arith.minimumf %mul3A_683, %min3A_684 : vector<16xf32>
      %convert_element_type3A = arith.fptosi %min3A_685 : vector<16xf32> to vector<16xi32>
      %mul3A_686 = arith.constant 16 : i32
      %mul3A_687 = vector.broadcast %mul3A_686 : i32 to vector<16xi32>
      %mul3A_688 = arith.muli %convert_element_type3A, %mul3A_687 : vector<16xi32>
      %add3A_689 = arith.addi %mul3A_688, %iota3A : vector<16xi32>
      %sub3A_690 = arith.subf %get3A_621, %get3A_624 : vector<16xf32>
      %add3A_691 = arith.constant 9.99999974E-5 : f32
      %add3A_692 = vector.broadcast %add3A_691 : f32 to vector<16xf32>
      %add3A_693 = arith.addf %get3A_624, %add3A_692 : vector<16xf32>
      %div3A_694 = arith.divf %sub3A_690, %add3A_693 : vector<16xf32>
      %mul3A_695 = arith.mulf %div3A_694, %div3A_694 : vector<16xf32>
      %add3A_696 = arith.constant 4.000000e-04 : f32
      %add3A_697 = vector.broadcast %add3A_696 : f32 to vector<16xf32>
      %add3A_698 = arith.addf %mul3A_695, %add3A_697 : vector<16xf32>
      %bitcast3A_699 = vector.bitcast %add3A_698 : vector<16xf32> to vector<16xi32>
      %shift_right_arithmetic3A_700 = arith.constant 1 : i32
      %shift_right_arithmetic3A_701 = vector.broadcast %shift_right_arithmetic3A_700 : i32 to vector<16xi32>
      %shift_right_arithmetic3A_702 = arith.shrsi %bitcast3A_699, %shift_right_arithmetic3A_701 : vector<16xi32>
      %sub3A_703 = arith.constant 1597463007 : i32
      %sub3A_704 = vector.broadcast %sub3A_703 : i32 to vector<16xi32>
      %sub3A_705 = arith.subi %sub3A_704, %shift_right_arithmetic3A_702 : vector<16xi32>
      %bitcast3A_706 = vector.bitcast %sub3A_705 : vector<16xi32> to vector<16xf32>
      %mul3A_707 = arith.constant 5.000000e-01 : f32
      %mul3A_708 = vector.broadcast %mul3A_707 : f32 to vector<16xf32>
      %mul3A_709 = arith.mulf %mul3A_708, %add3A_698 : vector<16xf32>
      %mul3A_710 = arith.mulf %mul3A_709, %bitcast3A_706 : vector<16xf32>
      %mul3A_711 = arith.mulf %mul3A_710, %bitcast3A_706 : vector<16xf32>
      %sub3A_712 = arith.constant 1.500000e+00 : f32
      %sub3A_713 = vector.broadcast %sub3A_712 : f32 to vector<16xf32>
      %sub3A_714 = arith.subf %sub3A_713, %mul3A_711 : vector<16xf32>
      %mul3A_715 = arith.mulf %bitcast3A_706, %sub3A_714 : vector<16xf32>
      %mul3A_716 = arith.mulf %add3A_698, %mul3A_715 : vector<16xf32>
      %sub3A_717 = arith.constant 2.000000e-02 : f32
      %sub3A_718 = vector.broadcast %sub3A_717 : f32 to vector<16xf32>
      %sub3A_719 = arith.subf %mul3A_716, %sub3A_718 : vector<16xf32>
      %mul3A_720 = arith.mulf %sub3A_719, %get3A_627 : vector<16xf32>
      %abs3A_721 = math.absf %div3A_694 : vector<16xf32>
      %mul3A_722 = arith.mulf %abs3A_721, %mul3A_715 : vector<16xf32>
      %mul3A_723 = arith.constant 1.000000e+01 : f32
      %mul3A_724 = vector.broadcast %mul3A_723 : f32 to vector<16xf32>
      %mul3A_725 = arith.mulf %mul3A_722, %mul3A_724 : vector<16xf32>
      %min3A_726 = arith.constant 9.000000e+00 : f32
      %min3A_727 = vector.broadcast %min3A_726 : f32 to vector<16xf32>
      %min3A_728 = arith.minimumf %mul3A_725, %min3A_727 : vector<16xf32>
      %convert_element_type3A_729 = arith.fptosi %min3A_728 : vector<16xf32> to vector<16xi32>
      %mul3A_730 = arith.constant 16 : i32
      %mul3A_731 = vector.broadcast %mul3A_730 : i32 to vector<16xi32>
      %mul3A_732 = arith.muli %convert_element_type3A_729, %mul3A_731 : vector<16xi32>
      %add3A_733 = arith.addi %mul3A_732, %iota3A : vector<16xi32>
      %sub3A_734 = arith.subf %get3A_632, %get3A_635 : vector<16xf32>
      %add3A_735 = arith.constant 9.99999974E-5 : f32
      %add3A_736 = vector.broadcast %add3A_735 : f32 to vector<16xf32>
      %add3A_737 = arith.addf %get3A_635, %add3A_736 : vector<16xf32>
      %div3A_738 = arith.divf %sub3A_734, %add3A_737 : vector<16xf32>
      %mul3A_739 = arith.mulf %div3A_738, %div3A_738 : vector<16xf32>
      %add3A_740 = arith.constant 4.000000e-04 : f32
      %add3A_741 = vector.broadcast %add3A_740 : f32 to vector<16xf32>
      %add3A_742 = arith.addf %mul3A_739, %add3A_741 : vector<16xf32>
      %bitcast3A_743 = vector.bitcast %add3A_742 : vector<16xf32> to vector<16xi32>
      %shift_right_arithmetic3A_744 = arith.constant 1 : i32
      %shift_right_arithmetic3A_745 = vector.broadcast %shift_right_arithmetic3A_744 : i32 to vector<16xi32>
      %shift_right_arithmetic3A_746 = arith.shrsi %bitcast3A_743, %shift_right_arithmetic3A_745 : vector<16xi32>
      %sub3A_747 = arith.constant 1597463007 : i32
      %sub3A_748 = vector.broadcast %sub3A_747 : i32 to vector<16xi32>
      %sub3A_749 = arith.subi %sub3A_748, %shift_right_arithmetic3A_746 : vector<16xi32>
      %bitcast3A_750 = vector.bitcast %sub3A_749 : vector<16xi32> to vector<16xf32>
      %mul3A_751 = arith.constant 5.000000e-01 : f32
      %mul3A_752 = vector.broadcast %mul3A_751 : f32 to vector<16xf32>
      %mul3A_753 = arith.mulf %mul3A_752, %add3A_742 : vector<16xf32>
      %mul3A_754 = arith.mulf %mul3A_753, %bitcast3A_750 : vector<16xf32>
      %mul3A_755 = arith.mulf %mul3A_754, %bitcast3A_750 : vector<16xf32>
      %sub3A_756 = arith.constant 1.500000e+00 : f32
      %sub3A_757 = vector.broadcast %sub3A_756 : f32 to vector<16xf32>
      %sub3A_758 = arith.subf %sub3A_757, %mul3A_755 : vector<16xf32>
      %mul3A_759 = arith.mulf %bitcast3A_750, %sub3A_758 : vector<16xf32>
      %mul3A_760 = arith.mulf %add3A_742, %mul3A_759 : vector<16xf32>
      %sub3A_761 = arith.constant 2.000000e-02 : f32
      %sub3A_762 = vector.broadcast %sub3A_761 : f32 to vector<16xf32>
      %sub3A_763 = arith.subf %mul3A_760, %sub3A_762 : vector<16xf32>
      %mul3A_764 = arith.mulf %sub3A_763, %get3A_638 : vector<16xf32>
      %abs3A_765 = math.absf %div3A_738 : vector<16xf32>
      %mul3A_766 = arith.mulf %abs3A_765, %mul3A_759 : vector<16xf32>
      %mul3A_767 = arith.constant 1.000000e+01 : f32
      %mul3A_768 = vector.broadcast %mul3A_767 : f32 to vector<16xf32>
      %mul3A_769 = arith.mulf %mul3A_766, %mul3A_768 : vector<16xf32>
      %min3A_770 = arith.constant 9.000000e+00 : f32
      %min3A_771 = vector.broadcast %min3A_770 : f32 to vector<16xf32>
      %min3A_772 = arith.minimumf %mul3A_769, %min3A_771 : vector<16xf32>
      %convert_element_type3A_773 = arith.fptosi %min3A_772 : vector<16xf32> to vector<16xi32>
      %mul3A_774 = arith.constant 16 : i32
      %mul3A_775 = vector.broadcast %mul3A_774 : i32 to vector<16xi32>
      %mul3A_776 = arith.muli %convert_element_type3A_773, %mul3A_775 : vector<16xi32>
      %add3A_777 = arith.addi %mul3A_776, %iota3A : vector<16xi32>
      %sub3A_778 = arith.subf %get3A_643, %get3A_646 : vector<16xf32>
      %add3A_779 = arith.constant 9.99999974E-5 : f32
      %add3A_780 = vector.broadcast %add3A_779 : f32 to vector<16xf32>
      %add3A_781 = arith.addf %get3A_646, %add3A_780 : vector<16xf32>
      %div3A_782 = arith.divf %sub3A_778, %add3A_781 : vector<16xf32>
      %mul3A_783 = arith.mulf %div3A_782, %div3A_782 : vector<16xf32>
      %add3A_784 = arith.constant 4.000000e-04 : f32
      %add3A_785 = vector.broadcast %add3A_784 : f32 to vector<16xf32>
      %add3A_786 = arith.addf %mul3A_783, %add3A_785 : vector<16xf32>
      %bitcast3A_787 = vector.bitcast %add3A_786 : vector<16xf32> to vector<16xi32>
      %shift_right_arithmetic3A_788 = arith.constant 1 : i32
      %shift_right_arithmetic3A_789 = vector.broadcast %shift_right_arithmetic3A_788 : i32 to vector<16xi32>
      %shift_right_arithmetic3A_790 = arith.shrsi %bitcast3A_787, %shift_right_arithmetic3A_789 : vector<16xi32>
      %sub3A_791 = arith.constant 1597463007 : i32
      %sub3A_792 = vector.broadcast %sub3A_791 : i32 to vector<16xi32>
      %sub3A_793 = arith.subi %sub3A_792, %shift_right_arithmetic3A_790 : vector<16xi32>
      %bitcast3A_794 = vector.bitcast %sub3A_793 : vector<16xi32> to vector<16xf32>
      %mul3A_795 = arith.constant 5.000000e-01 : f32
      %mul3A_796 = vector.broadcast %mul3A_795 : f32 to vector<16xf32>
      %mul3A_797 = arith.mulf %mul3A_796, %add3A_786 : vector<16xf32>
      %mul3A_798 = arith.mulf %mul3A_797, %bitcast3A_794 : vector<16xf32>
      %mul3A_799 = arith.mulf %mul3A_798, %bitcast3A_794 : vector<16xf32>
      %sub3A_800 = arith.constant 1.500000e+00 : f32
      %sub3A_801 = vector.broadcast %sub3A_800 : f32 to vector<16xf32>
      %sub3A_802 = arith.subf %sub3A_801, %mul3A_799 : vector<16xf32>
      %mul3A_803 = arith.mulf %bitcast3A_794, %sub3A_802 : vector<16xf32>
      %mul3A_804 = arith.mulf %add3A_786, %mul3A_803 : vector<16xf32>
      %sub3A_805 = arith.constant 2.000000e-02 : f32
      %sub3A_806 = vector.broadcast %sub3A_805 : f32 to vector<16xf32>
      %sub3A_807 = arith.subf %mul3A_804, %sub3A_806 : vector<16xf32>
      %mul3A_808 = arith.mulf %sub3A_807, %get3A_649 : vector<16xf32>
      %abs3A_809 = math.absf %div3A_782 : vector<16xf32>
      %mul3A_810 = arith.mulf %abs3A_809, %mul3A_803 : vector<16xf32>
      %mul3A_811 = arith.constant 1.000000e+01 : f32
      %mul3A_812 = vector.broadcast %mul3A_811 : f32 to vector<16xf32>
      %mul3A_813 = arith.mulf %mul3A_810, %mul3A_812 : vector<16xf32>
      %min3A_814 = arith.constant 9.000000e+00 : f32
      %min3A_815 = vector.broadcast %min3A_814 : f32 to vector<16xf32>
      %min3A_816 = arith.minimumf %mul3A_813, %min3A_815 : vector<16xf32>
      %convert_element_type3A_817 = arith.fptosi %min3A_816 : vector<16xf32> to vector<16xi32>
      %mul3A_818 = arith.constant 16 : i32
      %mul3A_819 = vector.broadcast %mul3A_818 : i32 to vector<16xi32>
      %mul3A_820 = arith.muli %convert_element_type3A_817, %mul3A_819 : vector<16xi32>
      %add3A_821 = arith.addi %mul3A_820, %iota3A : vector<16xi32>
      tpu.vector_store_idx %arg11[%add3A_689], %mul3A_679 {add = true} : memref<512xf32, #tpu.memory_space<vmem>>[vector<16xi32>], vector<16xf32>,
      %add3A_822 = arith.constant 256 : i32
      %add3A_823 = vector.broadcast %add3A_822 : i32 to vector<16xi32>
      %add3A_824 = arith.addi %add3A_689, %add3A_823 : vector<16xi32>
      %gt3A = arith.constant 0.000000e+00 : f32
      %gt3A_825 = vector.broadcast %gt3A : f32 to vector<16xf32>
      %gt3A_826 = arith.cmpf ogt, %get3A_616, %gt3A_825 : vector<16xf32>
      tpu.vector_store_idx %arg11[%add3A_824], %broadcast_in_dim3A_6 masked %gt3A_826 {add = true} : memref<512xf32, #tpu.memory_space<vmem>>[vector<16xi32>], vector<16xf32>, vector<16xi1>
      tpu.vector_store_idx %arg11[%add3A_733], %mul3A_720 {add = true} : memref<512xf32, #tpu.memory_space<vmem>>[vector<16xi32>], vector<16xf32>,
      %add3A_827 = arith.constant 256 : i32
      %add3A_828 = vector.broadcast %add3A_827 : i32 to vector<16xi32>
      %add3A_829 = arith.addi %add3A_733, %add3A_828 : vector<16xi32>
      %gt3A_830 = arith.constant 0.000000e+00 : f32
      %gt3A_831 = vector.broadcast %gt3A_830 : f32 to vector<16xf32>
      %gt3A_832 = arith.cmpf ogt, %get3A_627, %gt3A_831 : vector<16xf32>
      tpu.vector_store_idx %arg11[%add3A_829], %broadcast_in_dim3A_6 masked %gt3A_832 {add = true} : memref<512xf32, #tpu.memory_space<vmem>>[vector<16xi32>], vector<16xf32>, vector<16xi1>
      tpu.vector_store_idx %arg11[%add3A_777], %mul3A_764 {add = true} : memref<512xf32, #tpu.memory_space<vmem>>[vector<16xi32>], vector<16xf32>,
      %add3A_833 = arith.constant 256 : i32
      %add3A_834 = vector.broadcast %add3A_833 : i32 to vector<16xi32>
      %add3A_835 = arith.addi %add3A_777, %add3A_834 : vector<16xi32>
      %gt3A_836 = arith.constant 0.000000e+00 : f32
      %gt3A_837 = vector.broadcast %gt3A_836 : f32 to vector<16xf32>
      %gt3A_838 = arith.cmpf ogt, %get3A_638, %gt3A_837 : vector<16xf32>
      tpu.vector_store_idx %arg11[%add3A_835], %broadcast_in_dim3A_6 masked %gt3A_838 {add = true} : memref<512xf32, #tpu.memory_space<vmem>>[vector<16xi32>], vector<16xf32>, vector<16xi1>
      tpu.vector_store_idx %arg11[%add3A_821], %mul3A_808 {add = true} : memref<512xf32, #tpu.memory_space<vmem>>[vector<16xi32>], vector<16xf32>,
      %add3A_839 = arith.constant 256 : i32
      %add3A_840 = vector.broadcast %add3A_839 : i32 to vector<16xi32>
      %add3A_841 = arith.addi %add3A_821, %add3A_840 : vector<16xi32>
      %gt3A_842 = arith.constant 0.000000e+00 : f32
      %gt3A_843 = vector.broadcast %gt3A_842 : f32 to vector<16xf32>
      %gt3A_844 = arith.cmpf ogt, %get3A_649, %gt3A_843 : vector<16xf32>
      tpu.vector_store_idx %arg11[%add3A_841], %broadcast_in_dim3A_6 masked %gt3A_844 {add = true} : memref<512xf32, #tpu.memory_space<vmem>>[vector<16xi32>], vector<16xf32>, vector<16xi1>
    }
    %scan3A_463 = arith.constant 128 : i32
    %mul3A_464 = arith.constant 96 : i32
    %mul3A_465 = arith.muli %add3A, %mul3A_464 : i32
    %add3A_466 = arith.constant 80 : i32
    %add3A_467 = arith.addi %mul3A_465, %add3A_466 : i32
    %jit3A_468 = arith.constant 512 : i32
    %div3A_469 = arith.divsi %add3A_467, %jit3A_468 : i32
    %sign3A_470 = arith.constant 0 : i32
    %sign3A_471 = arith.cmpi sgt, %add3A_467, %sign3A_470 : i32
    %sign3A_472 = arith.extui %sign3A_471 : i1 to i32
    %sign3A_473 = arith.constant 0 : i32
    %sign3A_474 = arith.cmpi slt, %add3A_467, %sign3A_473 : i32
    %sign3A_475 = arith.extui %sign3A_474 : i1 to i32
    %sign3A_476 = arith.subi %sign3A_472, %sign3A_475 : i32
    %sign3A_477 = arith.constant 0 : i32
    %sign3A_478 = arith.cmpi sgt, %jit3A_468, %sign3A_477 : i32
    %sign3A_479 = arith.extui %sign3A_478 : i1 to i32
    %sign3A_480 = arith.constant 0 : i32
    %sign3A_481 = arith.cmpi slt, %jit3A_468, %sign3A_480 : i32
    %sign3A_482 = arith.extui %sign3A_481 : i1 to i32
    %sign3A_483 = arith.subi %sign3A_479, %sign3A_482 : i32
    %ne3A_484 = arith.cmpi ne, %sign3A_476, %sign3A_483 : i32
    %rem3A_485 = arith.remsi %add3A_467, %jit3A_468 : i32
    %ne3A_486 = arith.constant 0 : i32
    %ne3A_487 = arith.cmpi ne, %rem3A_485, %ne3A_486 : i32
    %and3A_488 = arith.andi %ne3A_484, %ne3A_487 : i1
    %sub3A_489 = arith.constant 1 : i32
    %sub3A_490 = arith.subi %div3A_469, %sub3A_489 : i32
    %select_n3A_491 = arith.select %and3A_488, %sub3A_490, %div3A_469 : i32
    %jit3A_492 = arith.constant 512 : i32
    %eq3A_493 = arith.constant 0 : i32
    %eq3A_494 = arith.cmpi eq, %jit3A_492, %eq3A_493 : i32
    %jit3A_495 = arith.constant 1 : i32
    %select_n3A_496 = arith.select %eq3A_494, %jit3A_495, %jit3A_492 : i32
    %rem3A_497 = arith.remsi %add3A_467, %select_n3A_496 : i32
    %ne3A_498 = arith.constant 0 : i32
    %ne3A_499 = arith.cmpi ne, %rem3A_497, %ne3A_498 : i32
    %lt3A_500 = arith.constant 0 : i32
    %lt3A_501 = arith.cmpi slt, %rem3A_497, %lt3A_500 : i32
    %lt3A_502 = arith.constant 0 : i32
    %lt3A_503 = arith.cmpi slt, %select_n3A_496, %lt3A_502 : i32
    %ne3A_504 = arith.xori %lt3A_501, %lt3A_503 : i1
    %and3A_505 = arith.andi %ne3A_504, %ne3A_499 : i1
    %add3A_506 = arith.addi %rem3A_497, %select_n3A_496 : i32
    %select_n3A_507 = arith.select %and3A_505, %add3A_506, %rem3A_497 : i32
    %dma_start3A_508 = arith.constant 0 : i32
    %dma_start3A_509 = arith.constant 0 : i32
    %dma_start3A_510 = tpu.memref_slice %arg2[%select_n3A_491, %dma_start3A_508, %select_n3A_507, %dma_start3A_509] : memref<16x1x512x512xf32, #tpu.memory_space<hbm>> -> memref<1x1x16x512xf32, #tpu.memory_space<hbm>>
    %dma_start3A_511 = tpu.memref_squeeze %dma_start3A_510 : memref<1x1x16x512xf32, #tpu.memory_space<hbm>> -> memref<16x512xf32, #tpu.memory_space<hbm>>
    %dma_start3A_512 = arith.constant 0 : i32
    %dma_start3A_513 = tpu.memref_slice %arg2[%select_n3A_491, %dma_start3A_508, %select_n3A_507, %dma_start3A_512] : memref<16x1x512x512xf32, #tpu.memory_space<hbm>> -> memref<1x1x16x512xf32, #tpu.memory_space<hbm>>
    %dma_start3A_514 = tpu.memref_squeeze %dma_start3A_513 : memref<1x1x16x512xf32, #tpu.memory_space<hbm>> -> memref<16x512xf32, #tpu.memory_space<hbm>>
    tpu.enqueue_dma source(%dma_start3A_514 : memref<16x512xf32, #tpu.memory_space<hbm>>) target(%arg8 : memref<16x512xf32, #tpu.memory_space<vmem>>) target_semaphore(%arg13 : memref<!tpu.dma_semaphore, #tpu.memory_space<semaphore_mem>>)
    %dma_start3A_515 = arith.constant 0 : i32
    %dma_start3A_516 = arith.constant 0 : i32
    %dma_start3A_517 = tpu.memref_slice %arg3[%select_n3A_491, %dma_start3A_515, %select_n3A_507, %dma_start3A_516] : memref<16x2x512x512xf32, #tpu.memory_space<hbm>> -> memref<1x1x16x512xf32, #tpu.memory_space<hbm>>
    %dma_start3A_518 = tpu.memref_squeeze %dma_start3A_517 : memref<1x1x16x512xf32, #tpu.memory_space<hbm>> -> memref<16x512xf32, #tpu.memory_space<hbm>>
    %dma_start3A_519 = arith.constant 0 : i32
    %dma_start3A_520 = tpu.memref_slice %arg3[%select_n3A_491, %dma_start3A_515, %select_n3A_507, %dma_start3A_519] : memref<16x2x512x512xf32, #tpu.memory_space<hbm>> -> memref<1x1x16x512xf32, #tpu.memory_space<hbm>>
    %dma_start3A_521 = tpu.memref_squeeze %dma_start3A_520 : memref<1x1x16x512xf32, #tpu.memory_space<hbm>> -> memref<16x512xf32, #tpu.memory_space<hbm>>
    tpu.enqueue_dma source(%dma_start3A_521 : memref<16x512xf32, #tpu.memory_space<hbm>>) target(%arg9 : memref<16x512xf32, #tpu.memory_space<vmem>>) target_semaphore(%arg13 : memref<!tpu.dma_semaphore, #tpu.memory_space<semaphore_mem>>)
    %dma_start3A_522 = arith.constant 1 : i32
    %dma_start3A_523 = arith.constant 0 : i32
    %dma_start3A_524 = tpu.memref_slice %arg3[%select_n3A_491, %dma_start3A_522, %select_n3A_507, %dma_start3A_523] : memref<16x2x512x512xf32, #tpu.memory_space<hbm>> -> memref<1x1x16x512xf32, #tpu.memory_space<hbm>>
    %dma_start3A_525 = tpu.memref_squeeze %dma_start3A_524 : memref<1x1x16x512xf32, #tpu.memory_space<hbm>> -> memref<16x512xf32, #tpu.memory_space<hbm>>
    %dma_start3A_526 = arith.constant 0 : i32
    %dma_start3A_527 = tpu.memref_slice %arg3[%select_n3A_491, %dma_start3A_522, %select_n3A_507, %dma_start3A_526] : memref<16x2x512x512xf32, #tpu.memory_space<hbm>> -> memref<1x1x16x512xf32, #tpu.memory_space<hbm>>
    %dma_start3A_528 = tpu.memref_squeeze %dma_start3A_527 : memref<1x1x16x512xf32, #tpu.memory_space<hbm>> -> memref<16x512xf32, #tpu.memory_space<hbm>>
    tpu.enqueue_dma source(%dma_start3A_528 : memref<16x512xf32, #tpu.memory_space<hbm>>) target(%arg10 : memref<16x512xf32, #tpu.memory_space<vmem>>) target_semaphore(%arg13 : memref<!tpu.dma_semaphore, #tpu.memory_space<semaphore_mem>>)
    %dma_wait3A_529 = arith.constant 0 : i32
    %dma_wait3A_530 = arith.constant 0 : i32
    %dma_wait3A_531 = arith.constant 0 : i32
    %dma_wait3A_532 = arith.constant 0 : i32
    %dma_wait3A_533 = tpu.memref_slice %arg2[%dma_wait3A_529, %dma_wait3A_530, %dma_wait3A_531, %dma_wait3A_532] : memref<16x1x512x512xf32, #tpu.memory_space<hbm>> -> memref<1x1x16x512xf32, #tpu.memory_space<hbm>>
    %dma_wait3A_534 = tpu.memref_squeeze %dma_wait3A_533 : memref<1x1x16x512xf32, #tpu.memory_space<hbm>> -> memref<16x512xf32, #tpu.memory_space<hbm>>
    %dma_wait3A_535 = arith.constant 0 : i32
    %dma_wait3A_536 = arith.constant 0 : i32
    %dma_wait3A_537 = tpu.memref_slice %arg2[%dma_wait3A_529, %dma_wait3A_530, %dma_wait3A_535, %dma_wait3A_536] : memref<16x1x512x512xf32, #tpu.memory_space<hbm>> -> memref<1x1x16x512xf32, #tpu.memory_space<hbm>>
    %dma_wait3A_538 = tpu.memref_squeeze %dma_wait3A_537 : memref<1x1x16x512xf32, #tpu.memory_space<hbm>> -> memref<16x512xf32, #tpu.memory_space<hbm>>
    tpu.wait_dma2 semaphore(%arg12 : memref<!tpu.dma_semaphore, #tpu.memory_space<semaphore_mem>>) src(%dma_wait3A_538 : memref<16x512xf32, #tpu.memory_space<hbm>>) dst(%arg5 : memref<16x512xf32, #tpu.memory_space<vmem>>)
    %dma_wait3A_539 = arith.constant 0 : i32
    %dma_wait3A_540 = arith.constant 0 : i32
    %dma_wait3A_541 = arith.constant 0 : i32
    %dma_wait3A_542 = arith.constant 0 : i32
    %dma_wait3A_543 = tpu.memref_slice %arg2[%dma_wait3A_539, %dma_wait3A_540, %dma_wait3A_541, %dma_wait3A_542] : memref<16x1x512x512xf32, #tpu.memory_space<hbm>> -> memref<1x1x16x512xf32, #tpu.memory_space<hbm>>
    %dma_wait3A_544 = tpu.memref_squeeze %dma_wait3A_543 : memref<1x1x16x512xf32, #tpu.memory_space<hbm>> -> memref<16x512xf32, #tpu.memory_space<hbm>>
    %dma_wait3A_545 = arith.constant 0 : i32
    %dma_wait3A_546 = arith.constant 0 : i32
    %dma_wait3A_547 = tpu.memref_slice %arg2[%dma_wait3A_539, %dma_wait3A_540, %dma_wait3A_545, %dma_wait3A_546] : memref<16x1x512x512xf32, #tpu.memory_space<hbm>> -> memref<1x1x16x512xf32, #tpu.memory_space<hbm>>
    %dma_wait3A_548 = tpu.memref_squeeze %dma_wait3A_547 : memref<1x1x16x512xf32, #tpu.memory_space<hbm>> -> memref<16x512xf32, #tpu.memory_space<hbm>>
    tpu.wait_dma2 semaphore(%arg12 : memref<!tpu.dma_semaphore, #tpu.memory_space<semaphore_mem>>) src(%dma_wait3A_548 : memref<16x512xf32, #tpu.memory_space<hbm>>) dst(%arg6 : memref<16x512xf32, #tpu.memory_space<vmem>>)
    %dma_wait3A_549 = arith.constant 0 : i32
    %dma_wait3A_550 = arith.constant 0 : i32
    %dma_wait3A_551 = arith.constant 0 : i32
    %dma_wait3A_552 = arith.constant 0 : i32
    %dma_wait3A_553 = tpu.memref_slice %arg2[%dma_wait3A_549, %dma_wait3A_550, %dma_wait3A_551, %dma_wait3A_552] : memref<16x1x512x512xf32, #tpu.memory_space<hbm>> -> memref<1x1x16x512xf32, #tpu.memory_space<hbm>>
    %dma_wait3A_554 = tpu.memref_squeeze %dma_wait3A_553 : memref<1x1x16x512xf32, #tpu.memory_space<hbm>> -> memref<16x512xf32, #tpu.memory_space<hbm>>
    %dma_wait3A_555 = arith.constant 0 : i32
    %dma_wait3A_556 = arith.constant 0 : i32
    %dma_wait3A_557 = tpu.memref_slice %arg2[%dma_wait3A_549, %dma_wait3A_550, %dma_wait3A_555, %dma_wait3A_556] : memref<16x1x512x512xf32, #tpu.memory_space<hbm>> -> memref<1x1x16x512xf32, #tpu.memory_space<hbm>>
    %dma_wait3A_558 = tpu.memref_squeeze %dma_wait3A_557 : memref<1x1x16x512xf32, #tpu.memory_space<hbm>> -> memref<16x512xf32, #tpu.memory_space<hbm>>
    tpu.wait_dma2 semaphore(%arg12 : memref<!tpu.dma_semaphore, #tpu.memory_space<semaphore_mem>>) src(%dma_wait3A_558 : memref<16x512xf32, #tpu.memory_space<hbm>>) dst(%arg7 : memref<16x512xf32, #tpu.memory_space<vmem>>)
    %scan3A_559 = arith.constant 0 : i32
    %scan3A_560 = arith.constant 0 : i32
    %scan3A_561 = arith.constant 128 : i32
    %scan3A_562 = arith.addi %scan3A_560, %scan3A_561 : i32
    %scan3A_563 = arith.constant 1 : i32
    scf.for %scan3A_601 = %scan3A_560 to %scan3A_562 step %scan3A_563  : i32 {
      %shift_right_arithmetic3A = arith.constant 3 : i32
      %shift_right_arithmetic3A_602 = arith.shrsi %scan3A_601, %shift_right_arithmetic3A : i32
      %and3A_603 = arith.constant 7 : i32
      %and3A_604 = arith.andi %scan3A_601, %and3A_603 : i32
      %mul3A_605 = arith.constant 64 : i32
      %mul3A_606 = arith.muli %and3A_604, %mul3A_605 : i32
      %add3A_607 = arith.constant 0 : i32
      %add3A_608 = arith.addi %mul3A_606, %add3A_607 : i32
      %get3A = arith.index_cast %shift_right_arithmetic3A_602 : i32 to index
      %get3A_609 = arith.index_cast %add3A_608 : i32 to index
      %get3A_610 = tpu.vector_load %arg5[%get3A, %get3A_609] {strides = array<i32>} : memref<16x512xf32, #tpu.memory_space<vmem>>, vector<16xf32>,
      %get3A_611 = arith.index_cast %shift_right_arithmetic3A_602 : i32 to index
      %get3A_612 = arith.index_cast %add3A_608 : i32 to index
      %get3A_613 = tpu.vector_load %arg6[%get3A_611, %get3A_612] {strides = array<i32>} : memref<16x512xf32, #tpu.memory_space<vmem>>, vector<16xf32>,
      %get3A_614 = arith.index_cast %shift_right_arithmetic3A_602 : i32 to index
      %get3A_615 = arith.index_cast %add3A_608 : i32 to index
      %get3A_616 = tpu.vector_load %arg7[%get3A_614, %get3A_615] {strides = array<i32>} : memref<16x512xf32, #tpu.memory_space<vmem>>, vector<16xf32>,
      %add3A_617 = arith.constant 16 : i32
      %add3A_618 = arith.addi %mul3A_606, %add3A_617 : i32
      %get3A_619 = arith.index_cast %shift_right_arithmetic3A_602 : i32 to index
      %get3A_620 = arith.index_cast %add3A_618 : i32 to index
      %get3A_621 = tpu.vector_load %arg5[%get3A_619, %get3A_620] {strides = array<i32>} : memref<16x512xf32, #tpu.memory_space<vmem>>, vector<16xf32>,
      %get3A_622 = arith.index_cast %shift_right_arithmetic3A_602 : i32 to index
      %get3A_623 = arith.index_cast %add3A_618 : i32 to index
      %get3A_624 = tpu.vector_load %arg6[%get3A_622, %get3A_623] {strides = array<i32>} : memref<16x512xf32, #tpu.memory_space<vmem>>, vector<16xf32>,
      %get3A_625 = arith.index_cast %shift_right_arithmetic3A_602 : i32 to index
      %get3A_626 = arith.index_cast %add3A_618 : i32 to index
      %get3A_627 = tpu.vector_load %arg7[%get3A_625, %get3A_626] {strides = array<i32>} : memref<16x512xf32, #tpu.memory_space<vmem>>, vector<16xf32>,
      %add3A_628 = arith.constant 32 : i32
      %add3A_629 = arith.addi %mul3A_606, %add3A_628 : i32
      %get3A_630 = arith.index_cast %shift_right_arithmetic3A_602 : i32 to index
      %get3A_631 = arith.index_cast %add3A_629 : i32 to index
      %get3A_632 = tpu.vector_load %arg5[%get3A_630, %get3A_631] {strides = array<i32>} : memref<16x512xf32, #tpu.memory_space<vmem>>, vector<16xf32>,
      %get3A_633 = arith.index_cast %shift_right_arithmetic3A_602 : i32 to index
      %get3A_634 = arith.index_cast %add3A_629 : i32 to index
      %get3A_635 = tpu.vector_load %arg6[%get3A_633, %get3A_634] {strides = array<i32>} : memref<16x512xf32, #tpu.memory_space<vmem>>, vector<16xf32>,
      %get3A_636 = arith.index_cast %shift_right_arithmetic3A_602 : i32 to index
      %get3A_637 = arith.index_cast %add3A_629 : i32 to index
      %get3A_638 = tpu.vector_load %arg7[%get3A_636, %get3A_637] {strides = array<i32>} : memref<16x512xf32, #tpu.memory_space<vmem>>, vector<16xf32>,
      %add3A_639 = arith.constant 48 : i32
      %add3A_640 = arith.addi %mul3A_606, %add3A_639 : i32
      %get3A_641 = arith.index_cast %shift_right_arithmetic3A_602 : i32 to index
      %get3A_642 = arith.index_cast %add3A_640 : i32 to index
      %get3A_643 = tpu.vector_load %arg5[%get3A_641, %get3A_642] {strides = array<i32>} : memref<16x512xf32, #tpu.memory_space<vmem>>, vector<16xf32>,
      %get3A_644 = arith.index_cast %shift_right_arithmetic3A_602 : i32 to index
      %get3A_645 = arith.index_cast %add3A_640 : i32 to index
      %get3A_646 = tpu.vector_load %arg6[%get3A_644, %get3A_645] {strides = array<i32>} : memref<16x512xf32, #tpu.memory_space<vmem>>, vector<16xf32>,
      %get3A_647 = arith.index_cast %shift_right_arithmetic3A_602 : i32 to index
      %get3A_648 = arith.index_cast %add3A_640 : i32 to index
      %get3A_649 = tpu.vector_load %arg7[%get3A_647, %get3A_648] {strides = array<i32>} : memref<16x512xf32, #tpu.memory_space<vmem>>, vector<16xf32>,
      %sub3A_650 = arith.subf %get3A_610, %get3A_613 : vector<16xf32>
      %add3A_651 = arith.constant 9.99999974E-5 : f32
      %add3A_652 = vector.broadcast %add3A_651 : f32 to vector<16xf32>
      %add3A_653 = arith.addf %get3A_613, %add3A_652 : vector<16xf32>
      %div3A_654 = arith.divf %sub3A_650, %add3A_653 : vector<16xf32>
      %mul3A_655 = arith.mulf %div3A_654, %div3A_654 : vector<16xf32>
      %add3A_656 = arith.constant 4.000000e-04 : f32
      %add3A_657 = vector.broadcast %add3A_656 : f32 to vector<16xf32>
      %add3A_658 = arith.addf %mul3A_655, %add3A_657 : vector<16xf32>
      %bitcast3A = vector.bitcast %add3A_658 : vector<16xf32> to vector<16xi32>
      %shift_right_arithmetic3A_659 = arith.constant 1 : i32
      %shift_right_arithmetic3A_660 = vector.broadcast %shift_right_arithmetic3A_659 : i32 to vector<16xi32>
      %shift_right_arithmetic3A_661 = arith.shrsi %bitcast3A, %shift_right_arithmetic3A_660 : vector<16xi32>
      %sub3A_662 = arith.constant 1597463007 : i32
      %sub3A_663 = vector.broadcast %sub3A_662 : i32 to vector<16xi32>
      %sub3A_664 = arith.subi %sub3A_663, %shift_right_arithmetic3A_661 : vector<16xi32>
      %bitcast3A_665 = vector.bitcast %sub3A_664 : vector<16xi32> to vector<16xf32>
      %mul3A_666 = arith.constant 5.000000e-01 : f32
      %mul3A_667 = vector.broadcast %mul3A_666 : f32 to vector<16xf32>
      %mul3A_668 = arith.mulf %mul3A_667, %add3A_658 : vector<16xf32>
      %mul3A_669 = arith.mulf %mul3A_668, %bitcast3A_665 : vector<16xf32>
      %mul3A_670 = arith.mulf %mul3A_669, %bitcast3A_665 : vector<16xf32>
      %sub3A_671 = arith.constant 1.500000e+00 : f32
      %sub3A_672 = vector.broadcast %sub3A_671 : f32 to vector<16xf32>
      %sub3A_673 = arith.subf %sub3A_672, %mul3A_670 : vector<16xf32>
      %mul3A_674 = arith.mulf %bitcast3A_665, %sub3A_673 : vector<16xf32>
      %mul3A_675 = arith.mulf %add3A_658, %mul3A_674 : vector<16xf32>
      %sub3A_676 = arith.constant 2.000000e-02 : f32
      %sub3A_677 = vector.broadcast %sub3A_676 : f32 to vector<16xf32>
      %sub3A_678 = arith.subf %mul3A_675, %sub3A_677 : vector<16xf32>
      %mul3A_679 = arith.mulf %sub3A_678, %get3A_616 : vector<16xf32>
      %abs3A = math.absf %div3A_654 : vector<16xf32>
      %mul3A_680 = arith.mulf %abs3A, %mul3A_674 : vector<16xf32>
      %mul3A_681 = arith.constant 1.000000e+01 : f32
      %mul3A_682 = vector.broadcast %mul3A_681 : f32 to vector<16xf32>
      %mul3A_683 = arith.mulf %mul3A_680, %mul3A_682 : vector<16xf32>
      %min3A = arith.constant 9.000000e+00 : f32
      %min3A_684 = vector.broadcast %min3A : f32 to vector<16xf32>
      %min3A_685 = arith.minimumf %mul3A_683, %min3A_684 : vector<16xf32>
      %convert_element_type3A = arith.fptosi %min3A_685 : vector<16xf32> to vector<16xi32>
      %mul3A_686 = arith.constant 16 : i32
      %mul3A_687 = vector.broadcast %mul3A_686 : i32 to vector<16xi32>
      %mul3A_688 = arith.muli %convert_element_type3A, %mul3A_687 : vector<16xi32>
      %add3A_689 = arith.addi %mul3A_688, %iota3A : vector<16xi32>
      %sub3A_690 = arith.subf %get3A_621, %get3A_624 : vector<16xf32>
      %add3A_691 = arith.constant 9.99999974E-5 : f32
      %add3A_692 = vector.broadcast %add3A_691 : f32 to vector<16xf32>
      %add3A_693 = arith.addf %get3A_624, %add3A_692 : vector<16xf32>
      %div3A_694 = arith.divf %sub3A_690, %add3A_693 : vector<16xf32>
      %mul3A_695 = arith.mulf %div3A_694, %div3A_694 : vector<16xf32>
      %add3A_696 = arith.constant 4.000000e-04 : f32
      %add3A_697 = vector.broadcast %add3A_696 : f32 to vector<16xf32>
      %add3A_698 = arith.addf %mul3A_695, %add3A_697 : vector<16xf32>
      %bitcast3A_699 = vector.bitcast %add3A_698 : vector<16xf32> to vector<16xi32>
      %shift_right_arithmetic3A_700 = arith.constant 1 : i32
      %shift_right_arithmetic3A_701 = vector.broadcast %shift_right_arithmetic3A_700 : i32 to vector<16xi32>
      %shift_right_arithmetic3A_702 = arith.shrsi %bitcast3A_699, %shift_right_arithmetic3A_701 : vector<16xi32>
      %sub3A_703 = arith.constant 1597463007 : i32
      %sub3A_704 = vector.broadcast %sub3A_703 : i32 to vector<16xi32>
      %sub3A_705 = arith.subi %sub3A_704, %shift_right_arithmetic3A_702 : vector<16xi32>
      %bitcast3A_706 = vector.bitcast %sub3A_705 : vector<16xi32> to vector<16xf32>
      %mul3A_707 = arith.constant 5.000000e-01 : f32
      %mul3A_708 = vector.broadcast %mul3A_707 : f32 to vector<16xf32>
      %mul3A_709 = arith.mulf %mul3A_708, %add3A_698 : vector<16xf32>
      %mul3A_710 = arith.mulf %mul3A_709, %bitcast3A_706 : vector<16xf32>
      %mul3A_711 = arith.mulf %mul3A_710, %bitcast3A_706 : vector<16xf32>
      %sub3A_712 = arith.constant 1.500000e+00 : f32
      %sub3A_713 = vector.broadcast %sub3A_712 : f32 to vector<16xf32>
      %sub3A_714 = arith.subf %sub3A_713, %mul3A_711 : vector<16xf32>
      %mul3A_715 = arith.mulf %bitcast3A_706, %sub3A_714 : vector<16xf32>
      %mul3A_716 = arith.mulf %add3A_698, %mul3A_715 : vector<16xf32>
      %sub3A_717 = arith.constant 2.000000e-02 : f32
      %sub3A_718 = vector.broadcast %sub3A_717 : f32 to vector<16xf32>
      %sub3A_719 = arith.subf %mul3A_716, %sub3A_718 : vector<16xf32>
      %mul3A_720 = arith.mulf %sub3A_719, %get3A_627 : vector<16xf32>
      %abs3A_721 = math.absf %div3A_694 : vector<16xf32>
      %mul3A_722 = arith.mulf %abs3A_721, %mul3A_715 : vector<16xf32>
      %mul3A_723 = arith.constant 1.000000e+01 : f32
      %mul3A_724 = vector.broadcast %mul3A_723 : f32 to vector<16xf32>
      %mul3A_725 = arith.mulf %mul3A_722, %mul3A_724 : vector<16xf32>
      %min3A_726 = arith.constant 9.000000e+00 : f32
      %min3A_727 = vector.broadcast %min3A_726 : f32 to vector<16xf32>
      %min3A_728 = arith.minimumf %mul3A_725, %min3A_727 : vector<16xf32>
      %convert_element_type3A_729 = arith.fptosi %min3A_728 : vector<16xf32> to vector<16xi32>
      %mul3A_730 = arith.constant 16 : i32
      %mul3A_731 = vector.broadcast %mul3A_730 : i32 to vector<16xi32>
      %mul3A_732 = arith.muli %convert_element_type3A_729, %mul3A_731 : vector<16xi32>
      %add3A_733 = arith.addi %mul3A_732, %iota3A : vector<16xi32>
      %sub3A_734 = arith.subf %get3A_632, %get3A_635 : vector<16xf32>
      %add3A_735 = arith.constant 9.99999974E-5 : f32
      %add3A_736 = vector.broadcast %add3A_735 : f32 to vector<16xf32>
      %add3A_737 = arith.addf %get3A_635, %add3A_736 : vector<16xf32>
      %div3A_738 = arith.divf %sub3A_734, %add3A_737 : vector<16xf32>
      %mul3A_739 = arith.mulf %div3A_738, %div3A_738 : vector<16xf32>
      %add3A_740 = arith.constant 4.000000e-04 : f32
      %add3A_741 = vector.broadcast %add3A_740 : f32 to vector<16xf32>
      %add3A_742 = arith.addf %mul3A_739, %add3A_741 : vector<16xf32>
      %bitcast3A_743 = vector.bitcast %add3A_742 : vector<16xf32> to vector<16xi32>
      %shift_right_arithmetic3A_744 = arith.constant 1 : i32
      %shift_right_arithmetic3A_745 = vector.broadcast %shift_right_arithmetic3A_744 : i32 to vector<16xi32>
      %shift_right_arithmetic3A_746 = arith.shrsi %bitcast3A_743, %shift_right_arithmetic3A_745 : vector<16xi32>
      %sub3A_747 = arith.constant 1597463007 : i32
      %sub3A_748 = vector.broadcast %sub3A_747 : i32 to vector<16xi32>
      %sub3A_749 = arith.subi %sub3A_748, %shift_right_arithmetic3A_746 : vector<16xi32>
      %bitcast3A_750 = vector.bitcast %sub3A_749 : vector<16xi32> to vector<16xf32>
      %mul3A_751 = arith.constant 5.000000e-01 : f32
      %mul3A_752 = vector.broadcast %mul3A_751 : f32 to vector<16xf32>
      %mul3A_753 = arith.mulf %mul3A_752, %add3A_742 : vector<16xf32>
      %mul3A_754 = arith.mulf %mul3A_753, %bitcast3A_750 : vector<16xf32>
      %mul3A_755 = arith.mulf %mul3A_754, %bitcast3A_750 : vector<16xf32>
      %sub3A_756 = arith.constant 1.500000e+00 : f32
      %sub3A_757 = vector.broadcast %sub3A_756 : f32 to vector<16xf32>
      %sub3A_758 = arith.subf %sub3A_757, %mul3A_755 : vector<16xf32>
      %mul3A_759 = arith.mulf %bitcast3A_750, %sub3A_758 : vector<16xf32>
      %mul3A_760 = arith.mulf %add3A_742, %mul3A_759 : vector<16xf32>
      %sub3A_761 = arith.constant 2.000000e-02 : f32
      %sub3A_762 = vector.broadcast %sub3A_761 : f32 to vector<16xf32>
      %sub3A_763 = arith.subf %mul3A_760, %sub3A_762 : vector<16xf32>
      %mul3A_764 = arith.mulf %sub3A_763, %get3A_638 : vector<16xf32>
      %abs3A_765 = math.absf %div3A_738 : vector<16xf32>
      %mul3A_766 = arith.mulf %abs3A_765, %mul3A_759 : vector<16xf32>
      %mul3A_767 = arith.constant 1.000000e+01 : f32
      %mul3A_768 = vector.broadcast %mul3A_767 : f32 to vector<16xf32>
      %mul3A_769 = arith.mulf %mul3A_766, %mul3A_768 : vector<16xf32>
      %min3A_770 = arith.constant 9.000000e+00 : f32
      %min3A_771 = vector.broadcast %min3A_770 : f32 to vector<16xf32>
      %min3A_772 = arith.minimumf %mul3A_769, %min3A_771 : vector<16xf32>
      %convert_element_type3A_773 = arith.fptosi %min3A_772 : vector<16xf32> to vector<16xi32>
      %mul3A_774 = arith.constant 16 : i32
      %mul3A_775 = vector.broadcast %mul3A_774 : i32 to vector<16xi32>
      %mul3A_776 = arith.muli %convert_element_type3A_773, %mul3A_775 : vector<16xi32>
      %add3A_777 = arith.addi %mul3A_776, %iota3A : vector<16xi32>
      %sub3A_778 = arith.subf %get3A_643, %get3A_646 : vector<16xf32>
      %add3A_779 = arith.constant 9.99999974E-5 : f32
      %add3A_780 = vector.broadcast %add3A_779 : f32 to vector<16xf32>
      %add3A_781 = arith.addf %get3A_646, %add3A_780 : vector<16xf32>
      %div3A_782 = arith.divf %sub3A_778, %add3A_781 : vector<16xf32>
      %mul3A_783 = arith.mulf %div3A_782, %div3A_782 : vector<16xf32>
      %add3A_784 = arith.constant 4.000000e-04 : f32
      %add3A_785 = vector.broadcast %add3A_784 : f32 to vector<16xf32>
      %add3A_786 = arith.addf %mul3A_783, %add3A_785 : vector<16xf32>
      %bitcast3A_787 = vector.bitcast %add3A_786 : vector<16xf32> to vector<16xi32>
      %shift_right_arithmetic3A_788 = arith.constant 1 : i32
      %shift_right_arithmetic3A_789 = vector.broadcast %shift_right_arithmetic3A_788 : i32 to vector<16xi32>
      %shift_right_arithmetic3A_790 = arith.shrsi %bitcast3A_787, %shift_right_arithmetic3A_789 : vector<16xi32>
      %sub3A_791 = arith.constant 1597463007 : i32
      %sub3A_792 = vector.broadcast %sub3A_791 : i32 to vector<16xi32>
      %sub3A_793 = arith.subi %sub3A_792, %shift_right_arithmetic3A_790 : vector<16xi32>
      %bitcast3A_794 = vector.bitcast %sub3A_793 : vector<16xi32> to vector<16xf32>
      %mul3A_795 = arith.constant 5.000000e-01 : f32
      %mul3A_796 = vector.broadcast %mul3A_795 : f32 to vector<16xf32>
      %mul3A_797 = arith.mulf %mul3A_796, %add3A_786 : vector<16xf32>
      %mul3A_798 = arith.mulf %mul3A_797, %bitcast3A_794 : vector<16xf32>
      %mul3A_799 = arith.mulf %mul3A_798, %bitcast3A_794 : vector<16xf32>
      %sub3A_800 = arith.constant 1.500000e+00 : f32
      %sub3A_801 = vector.broadcast %sub3A_800 : f32 to vector<16xf32>
      %sub3A_802 = arith.subf %sub3A_801, %mul3A_799 : vector<16xf32>
      %mul3A_803 = arith.mulf %bitcast3A_794, %sub3A_802 : vector<16xf32>
      %mul3A_804 = arith.mulf %add3A_786, %mul3A_803 : vector<16xf32>
      %sub3A_805 = arith.constant 2.000000e-02 : f32
      %sub3A_806 = vector.broadcast %sub3A_805 : f32 to vector<16xf32>
      %sub3A_807 = arith.subf %mul3A_804, %sub3A_806 : vector<16xf32>
      %mul3A_808 = arith.mulf %sub3A_807, %get3A_649 : vector<16xf32>
      %abs3A_809 = math.absf %div3A_782 : vector<16xf32>
      %mul3A_810 = arith.mulf %abs3A_809, %mul3A_803 : vector<16xf32>
      %mul3A_811 = arith.constant 1.000000e+01 : f32
      %mul3A_812 = vector.broadcast %mul3A_811 : f32 to vector<16xf32>
      %mul3A_813 = arith.mulf %mul3A_810, %mul3A_812 : vector<16xf32>
      %min3A_814 = arith.constant 9.000000e+00 : f32
      %min3A_815 = vector.broadcast %min3A_814 : f32 to vector<16xf32>
      %min3A_816 = arith.minimumf %mul3A_813, %min3A_815 : vector<16xf32>
      %convert_element_type3A_817 = arith.fptosi %min3A_816 : vector<16xf32> to vector<16xi32>
      %mul3A_818 = arith.constant 16 : i32
      %mul3A_819 = vector.broadcast %mul3A_818 : i32 to vector<16xi32>
      %mul3A_820 = arith.muli %convert_element_type3A_817, %mul3A_819 : vector<16xi32>
      %add3A_821 = arith.addi %mul3A_820, %iota3A : vector<16xi32>
      tpu.vector_store_idx %arg11[%add3A_689], %mul3A_679 {add = true} : memref<512xf32, #tpu.memory_space<vmem>>[vector<16xi32>], vector<16xf32>,
      %add3A_822 = arith.constant 256 : i32
      %add3A_823 = vector.broadcast %add3A_822 : i32 to vector<16xi32>
      %add3A_824 = arith.addi %add3A_689, %add3A_823 : vector<16xi32>
      %gt3A = arith.constant 0.000000e+00 : f32
      %gt3A_825 = vector.broadcast %gt3A : f32 to vector<16xf32>
      %gt3A_826 = arith.cmpf ogt, %get3A_616, %gt3A_825 : vector<16xf32>
      tpu.vector_store_idx %arg11[%add3A_824], %broadcast_in_dim3A_6 masked %gt3A_826 {add = true} : memref<512xf32, #tpu.memory_space<vmem>>[vector<16xi32>], vector<16xf32>, vector<16xi1>
      tpu.vector_store_idx %arg11[%add3A_733], %mul3A_720 {add = true} : memref<512xf32, #tpu.memory_space<vmem>>[vector<16xi32>], vector<16xf32>,
      %add3A_827 = arith.constant 256 : i32
      %add3A_828 = vector.broadcast %add3A_827 : i32 to vector<16xi32>
      %add3A_829 = arith.addi %add3A_733, %add3A_828 : vector<16xi32>
      %gt3A_830 = arith.constant 0.000000e+00 : f32
      %gt3A_831 = vector.broadcast %gt3A_830 : f32 to vector<16xf32>
      %gt3A_832 = arith.cmpf ogt, %get3A_627, %gt3A_831 : vector<16xf32>
      tpu.vector_store_idx %arg11[%add3A_829], %broadcast_in_dim3A_6 masked %gt3A_832 {add = true} : memref<512xf32, #tpu.memory_space<vmem>>[vector<16xi32>], vector<16xf32>, vector<16xi1>
      tpu.vector_store_idx %arg11[%add3A_777], %mul3A_764 {add = true} : memref<512xf32, #tpu.memory_space<vmem>>[vector<16xi32>], vector<16xf32>,
      %add3A_833 = arith.constant 256 : i32
      %add3A_834 = vector.broadcast %add3A_833 : i32 to vector<16xi32>
      %add3A_835 = arith.addi %add3A_777, %add3A_834 : vector<16xi32>
      %gt3A_836 = arith.constant 0.000000e+00 : f32
      %gt3A_837 = vector.broadcast %gt3A_836 : f32 to vector<16xf32>
      %gt3A_838 = arith.cmpf ogt, %get3A_638, %gt3A_837 : vector<16xf32>
      tpu.vector_store_idx %arg11[%add3A_835], %broadcast_in_dim3A_6 masked %gt3A_838 {add = true} : memref<512xf32, #tpu.memory_space<vmem>>[vector<16xi32>], vector<16xf32>, vector<16xi1>
      tpu.vector_store_idx %arg11[%add3A_821], %mul3A_808 {add = true} : memref<512xf32, #tpu.memory_space<vmem>>[vector<16xi32>], vector<16xf32>,
      %add3A_839 = arith.constant 256 : i32
      %add3A_840 = vector.broadcast %add3A_839 : i32 to vector<16xi32>
      %add3A_841 = arith.addi %add3A_821, %add3A_840 : vector<16xi32>
      %gt3A_842 = arith.constant 0.000000e+00 : f32
      %gt3A_843 = vector.broadcast %gt3A_842 : f32 to vector<16xf32>
      %gt3A_844 = arith.cmpf ogt, %get3A_649, %gt3A_843 : vector<16xf32>
      tpu.vector_store_idx %arg11[%add3A_841], %broadcast_in_dim3A_6 masked %gt3A_844 {add = true} : memref<512xf32, #tpu.memory_space<vmem>>[vector<16xi32>], vector<16xf32>, vector<16xi1>
    }
    %scan3A_564 = arith.constant 128 : i32
    %dma_wait3A_565 = arith.constant 0 : i32
    %dma_wait3A_566 = arith.constant 0 : i32
    %dma_wait3A_567 = arith.constant 0 : i32
    %dma_wait3A_568 = arith.constant 0 : i32
    %dma_wait3A_569 = tpu.memref_slice %arg2[%dma_wait3A_565, %dma_wait3A_566, %dma_wait3A_567, %dma_wait3A_568] : memref<16x1x512x512xf32, #tpu.memory_space<hbm>> -> memref<1x1x16x512xf32, #tpu.memory_space<hbm>>
    %dma_wait3A_570 = tpu.memref_squeeze %dma_wait3A_569 : memref<1x1x16x512xf32, #tpu.memory_space<hbm>> -> memref<16x512xf32, #tpu.memory_space<hbm>>
    %dma_wait3A_571 = arith.constant 0 : i32
    %dma_wait3A_572 = arith.constant 0 : i32
    %dma_wait3A_573 = tpu.memref_slice %arg2[%dma_wait3A_565, %dma_wait3A_566, %dma_wait3A_571, %dma_wait3A_572] : memref<16x1x512x512xf32, #tpu.memory_space<hbm>> -> memref<1x1x16x512xf32, #tpu.memory_space<hbm>>
    %dma_wait3A_574 = tpu.memref_squeeze %dma_wait3A_573 : memref<1x1x16x512xf32, #tpu.memory_space<hbm>> -> memref<16x512xf32, #tpu.memory_space<hbm>>
    tpu.wait_dma2 semaphore(%arg13 : memref<!tpu.dma_semaphore, #tpu.memory_space<semaphore_mem>>) src(%dma_wait3A_574 : memref<16x512xf32, #tpu.memory_space<hbm>>) dst(%arg8 : memref<16x512xf32, #tpu.memory_space<vmem>>)
    %dma_wait3A_575 = arith.constant 0 : i32
    %dma_wait3A_576 = arith.constant 0 : i32
    %dma_wait3A_577 = arith.constant 0 : i32
    %dma_wait3A_578 = arith.constant 0 : i32
    %dma_wait3A_579 = tpu.memref_slice %arg2[%dma_wait3A_575, %dma_wait3A_576, %dma_wait3A_577, %dma_wait3A_578] : memref<16x1x512x512xf32, #tpu.memory_space<hbm>> -> memref<1x1x16x512xf32, #tpu.memory_space<hbm>>
    %dma_wait3A_580 = tpu.memref_squeeze %dma_wait3A_579 : memref<1x1x16x512xf32, #tpu.memory_space<hbm>> -> memref<16x512xf32, #tpu.memory_space<hbm>>
    %dma_wait3A_581 = arith.constant 0 : i32
    %dma_wait3A_582 = arith.constant 0 : i32
    %dma_wait3A_583 = tpu.memref_slice %arg2[%dma_wait3A_575, %dma_wait3A_576, %dma_wait3A_581, %dma_wait3A_582] : memref<16x1x512x512xf32, #tpu.memory_space<hbm>> -> memref<1x1x16x512xf32, #tpu.memory_space<hbm>>
    %dma_wait3A_584 = tpu.memref_squeeze %dma_wait3A_583 : memref<1x1x16x512xf32, #tpu.memory_space<hbm>> -> memref<16x512xf32, #tpu.memory_space<hbm>>
    tpu.wait_dma2 semaphore(%arg13 : memref<!tpu.dma_semaphore, #tpu.memory_space<semaphore_mem>>) src(%dma_wait3A_584 : memref<16x512xf32, #tpu.memory_space<hbm>>) dst(%arg9 : memref<16x512xf32, #tpu.memory_space<vmem>>)
    %dma_wait3A_585 = arith.constant 0 : i32
    %dma_wait3A_586 = arith.constant 0 : i32
    %dma_wait3A_587 = arith.constant 0 : i32
    %dma_wait3A_588 = arith.constant 0 : i32
    %dma_wait3A_589 = tpu.memref_slice %arg2[%dma_wait3A_585, %dma_wait3A_586, %dma_wait3A_587, %dma_wait3A_588] : memref<16x1x512x512xf32, #tpu.memory_space<hbm>> -> memref<1x1x16x512xf32, #tpu.memory_space<hbm>>
    %dma_wait3A_590 = tpu.memref_squeeze %dma_wait3A_589 : memref<1x1x16x512xf32, #tpu.memory_space<hbm>> -> memref<16x512xf32, #tpu.memory_space<hbm>>
    %dma_wait3A_591 = arith.constant 0 : i32
    %dma_wait3A_592 = arith.constant 0 : i32
    %dma_wait3A_593 = tpu.memref_slice %arg2[%dma_wait3A_585, %dma_wait3A_586, %dma_wait3A_591, %dma_wait3A_592] : memref<16x1x512x512xf32, #tpu.memory_space<hbm>> -> memref<1x1x16x512xf32, #tpu.memory_space<hbm>>
    %dma_wait3A_594 = tpu.memref_squeeze %dma_wait3A_593 : memref<1x1x16x512xf32, #tpu.memory_space<hbm>> -> memref<16x512xf32, #tpu.memory_space<hbm>>
    tpu.wait_dma2 semaphore(%arg13 : memref<!tpu.dma_semaphore, #tpu.memory_space<semaphore_mem>>) src(%dma_wait3A_594 : memref<16x512xf32, #tpu.memory_space<hbm>>) dst(%arg10 : memref<16x512xf32, #tpu.memory_space<vmem>>)
    %scan3A_595 = arith.constant 0 : i32
    %scan3A_596 = arith.constant 0 : i32
    %scan3A_597 = arith.constant 128 : i32
    %scan3A_598 = arith.addi %scan3A_596, %scan3A_597 : i32
    %scan3A_599 = arith.constant 1 : i32
    scf.for %scan3A_601 = %scan3A_596 to %scan3A_598 step %scan3A_599  : i32 {
      %shift_right_arithmetic3A = arith.constant 3 : i32
      %shift_right_arithmetic3A_602 = arith.shrsi %scan3A_601, %shift_right_arithmetic3A : i32
      %and3A_603 = arith.constant 7 : i32
      %and3A_604 = arith.andi %scan3A_601, %and3A_603 : i32
      %mul3A_605 = arith.constant 64 : i32
      %mul3A_606 = arith.muli %and3A_604, %mul3A_605 : i32
      %add3A_607 = arith.constant 0 : i32
      %add3A_608 = arith.addi %mul3A_606, %add3A_607 : i32
      %get3A = arith.index_cast %shift_right_arithmetic3A_602 : i32 to index
      %get3A_609 = arith.index_cast %add3A_608 : i32 to index
      %get3A_610 = tpu.vector_load %arg8[%get3A, %get3A_609] {strides = array<i32>} : memref<16x512xf32, #tpu.memory_space<vmem>>, vector<16xf32>,
      %get3A_611 = arith.index_cast %shift_right_arithmetic3A_602 : i32 to index
      %get3A_612 = arith.index_cast %add3A_608 : i32 to index
      %get3A_613 = tpu.vector_load %arg9[%get3A_611, %get3A_612] {strides = array<i32>} : memref<16x512xf32, #tpu.memory_space<vmem>>, vector<16xf32>,
      %get3A_614 = arith.index_cast %shift_right_arithmetic3A_602 : i32 to index
      %get3A_615 = arith.index_cast %add3A_608 : i32 to index
      %get3A_616 = tpu.vector_load %arg10[%get3A_614, %get3A_615] {strides = array<i32>} : memref<16x512xf32, #tpu.memory_space<vmem>>, vector<16xf32>,
      %add3A_617 = arith.constant 16 : i32
      %add3A_618 = arith.addi %mul3A_606, %add3A_617 : i32
      %get3A_619 = arith.index_cast %shift_right_arithmetic3A_602 : i32 to index
      %get3A_620 = arith.index_cast %add3A_618 : i32 to index
      %get3A_621 = tpu.vector_load %arg8[%get3A_619, %get3A_620] {strides = array<i32>} : memref<16x512xf32, #tpu.memory_space<vmem>>, vector<16xf32>,
      %get3A_622 = arith.index_cast %shift_right_arithmetic3A_602 : i32 to index
      %get3A_623 = arith.index_cast %add3A_618 : i32 to index
      %get3A_624 = tpu.vector_load %arg9[%get3A_622, %get3A_623] {strides = array<i32>} : memref<16x512xf32, #tpu.memory_space<vmem>>, vector<16xf32>,
      %get3A_625 = arith.index_cast %shift_right_arithmetic3A_602 : i32 to index
      %get3A_626 = arith.index_cast %add3A_618 : i32 to index
      %get3A_627 = tpu.vector_load %arg10[%get3A_625, %get3A_626] {strides = array<i32>} : memref<16x512xf32, #tpu.memory_space<vmem>>, vector<16xf32>,
      %add3A_628 = arith.constant 32 : i32
      %add3A_629 = arith.addi %mul3A_606, %add3A_628 : i32
      %get3A_630 = arith.index_cast %shift_right_arithmetic3A_602 : i32 to index
      %get3A_631 = arith.index_cast %add3A_629 : i32 to index
      %get3A_632 = tpu.vector_load %arg8[%get3A_630, %get3A_631] {strides = array<i32>} : memref<16x512xf32, #tpu.memory_space<vmem>>, vector<16xf32>,
      %get3A_633 = arith.index_cast %shift_right_arithmetic3A_602 : i32 to index
      %get3A_634 = arith.index_cast %add3A_629 : i32 to index
      %get3A_635 = tpu.vector_load %arg9[%get3A_633, %get3A_634] {strides = array<i32>} : memref<16x512xf32, #tpu.memory_space<vmem>>, vector<16xf32>,
      %get3A_636 = arith.index_cast %shift_right_arithmetic3A_602 : i32 to index
      %get3A_637 = arith.index_cast %add3A_629 : i32 to index
      %get3A_638 = tpu.vector_load %arg10[%get3A_636, %get3A_637] {strides = array<i32>} : memref<16x512xf32, #tpu.memory_space<vmem>>, vector<16xf32>,
      %add3A_639 = arith.constant 48 : i32
      %add3A_640 = arith.addi %mul3A_606, %add3A_639 : i32
      %get3A_641 = arith.index_cast %shift_right_arithmetic3A_602 : i32 to index
      %get3A_642 = arith.index_cast %add3A_640 : i32 to index
      %get3A_643 = tpu.vector_load %arg8[%get3A_641, %get3A_642] {strides = array<i32>} : memref<16x512xf32, #tpu.memory_space<vmem>>, vector<16xf32>,
      %get3A_644 = arith.index_cast %shift_right_arithmetic3A_602 : i32 to index
      %get3A_645 = arith.index_cast %add3A_640 : i32 to index
      %get3A_646 = tpu.vector_load %arg9[%get3A_644, %get3A_645] {strides = array<i32>} : memref<16x512xf32, #tpu.memory_space<vmem>>, vector<16xf32>,
      %get3A_647 = arith.index_cast %shift_right_arithmetic3A_602 : i32 to index
      %get3A_648 = arith.index_cast %add3A_640 : i32 to index
      %get3A_649 = tpu.vector_load %arg10[%get3A_647, %get3A_648] {strides = array<i32>} : memref<16x512xf32, #tpu.memory_space<vmem>>, vector<16xf32>,
      %sub3A_650 = arith.subf %get3A_610, %get3A_613 : vector<16xf32>
      %add3A_651 = arith.constant 9.99999974E-5 : f32
      %add3A_652 = vector.broadcast %add3A_651 : f32 to vector<16xf32>
      %add3A_653 = arith.addf %get3A_613, %add3A_652 : vector<16xf32>
      %div3A_654 = arith.divf %sub3A_650, %add3A_653 : vector<16xf32>
      %mul3A_655 = arith.mulf %div3A_654, %div3A_654 : vector<16xf32>
      %add3A_656 = arith.constant 4.000000e-04 : f32
      %add3A_657 = vector.broadcast %add3A_656 : f32 to vector<16xf32>
      %add3A_658 = arith.addf %mul3A_655, %add3A_657 : vector<16xf32>
      %bitcast3A = vector.bitcast %add3A_658 : vector<16xf32> to vector<16xi32>
      %shift_right_arithmetic3A_659 = arith.constant 1 : i32
      %shift_right_arithmetic3A_660 = vector.broadcast %shift_right_arithmetic3A_659 : i32 to vector<16xi32>
      %shift_right_arithmetic3A_661 = arith.shrsi %bitcast3A, %shift_right_arithmetic3A_660 : vector<16xi32>
      %sub3A_662 = arith.constant 1597463007 : i32
      %sub3A_663 = vector.broadcast %sub3A_662 : i32 to vector<16xi32>
      %sub3A_664 = arith.subi %sub3A_663, %shift_right_arithmetic3A_661 : vector<16xi32>
      %bitcast3A_665 = vector.bitcast %sub3A_664 : vector<16xi32> to vector<16xf32>
      %mul3A_666 = arith.constant 5.000000e-01 : f32
      %mul3A_667 = vector.broadcast %mul3A_666 : f32 to vector<16xf32>
      %mul3A_668 = arith.mulf %mul3A_667, %add3A_658 : vector<16xf32>
      %mul3A_669 = arith.mulf %mul3A_668, %bitcast3A_665 : vector<16xf32>
      %mul3A_670 = arith.mulf %mul3A_669, %bitcast3A_665 : vector<16xf32>
      %sub3A_671 = arith.constant 1.500000e+00 : f32
      %sub3A_672 = vector.broadcast %sub3A_671 : f32 to vector<16xf32>
      %sub3A_673 = arith.subf %sub3A_672, %mul3A_670 : vector<16xf32>
      %mul3A_674 = arith.mulf %bitcast3A_665, %sub3A_673 : vector<16xf32>
      %mul3A_675 = arith.mulf %add3A_658, %mul3A_674 : vector<16xf32>
      %sub3A_676 = arith.constant 2.000000e-02 : f32
      %sub3A_677 = vector.broadcast %sub3A_676 : f32 to vector<16xf32>
      %sub3A_678 = arith.subf %mul3A_675, %sub3A_677 : vector<16xf32>
      %mul3A_679 = arith.mulf %sub3A_678, %get3A_616 : vector<16xf32>
      %abs3A = math.absf %div3A_654 : vector<16xf32>
      %mul3A_680 = arith.mulf %abs3A, %mul3A_674 : vector<16xf32>
      %mul3A_681 = arith.constant 1.000000e+01 : f32
      %mul3A_682 = vector.broadcast %mul3A_681 : f32 to vector<16xf32>
      %mul3A_683 = arith.mulf %mul3A_680, %mul3A_682 : vector<16xf32>
      %min3A = arith.constant 9.000000e+00 : f32
      %min3A_684 = vector.broadcast %min3A : f32 to vector<16xf32>
      %min3A_685 = arith.minimumf %mul3A_683, %min3A_684 : vector<16xf32>
      %convert_element_type3A = arith.fptosi %min3A_685 : vector<16xf32> to vector<16xi32>
      %mul3A_686 = arith.constant 16 : i32
      %mul3A_687 = vector.broadcast %mul3A_686 : i32 to vector<16xi32>
      %mul3A_688 = arith.muli %convert_element_type3A, %mul3A_687 : vector<16xi32>
      %add3A_689 = arith.addi %mul3A_688, %iota3A : vector<16xi32>
      %sub3A_690 = arith.subf %get3A_621, %get3A_624 : vector<16xf32>
      %add3A_691 = arith.constant 9.99999974E-5 : f32
      %add3A_692 = vector.broadcast %add3A_691 : f32 to vector<16xf32>
      %add3A_693 = arith.addf %get3A_624, %add3A_692 : vector<16xf32>
      %div3A_694 = arith.divf %sub3A_690, %add3A_693 : vector<16xf32>
      %mul3A_695 = arith.mulf %div3A_694, %div3A_694 : vector<16xf32>
      %add3A_696 = arith.constant 4.000000e-04 : f32
      %add3A_697 = vector.broadcast %add3A_696 : f32 to vector<16xf32>
      %add3A_698 = arith.addf %mul3A_695, %add3A_697 : vector<16xf32>
      %bitcast3A_699 = vector.bitcast %add3A_698 : vector<16xf32> to vector<16xi32>
      %shift_right_arithmetic3A_700 = arith.constant 1 : i32
      %shift_right_arithmetic3A_701 = vector.broadcast %shift_right_arithmetic3A_700 : i32 to vector<16xi32>
      %shift_right_arithmetic3A_702 = arith.shrsi %bitcast3A_699, %shift_right_arithmetic3A_701 : vector<16xi32>
      %sub3A_703 = arith.constant 1597463007 : i32
      %sub3A_704 = vector.broadcast %sub3A_703 : i32 to vector<16xi32>
      %sub3A_705 = arith.subi %sub3A_704, %shift_right_arithmetic3A_702 : vector<16xi32>
      %bitcast3A_706 = vector.bitcast %sub3A_705 : vector<16xi32> to vector<16xf32>
      %mul3A_707 = arith.constant 5.000000e-01 : f32
      %mul3A_708 = vector.broadcast %mul3A_707 : f32 to vector<16xf32>
      %mul3A_709 = arith.mulf %mul3A_708, %add3A_698 : vector<16xf32>
      %mul3A_710 = arith.mulf %mul3A_709, %bitcast3A_706 : vector<16xf32>
      %mul3A_711 = arith.mulf %mul3A_710, %bitcast3A_706 : vector<16xf32>
      %sub3A_712 = arith.constant 1.500000e+00 : f32
      %sub3A_713 = vector.broadcast %sub3A_712 : f32 to vector<16xf32>
      %sub3A_714 = arith.subf %sub3A_713, %mul3A_711 : vector<16xf32>
      %mul3A_715 = arith.mulf %bitcast3A_706, %sub3A_714 : vector<16xf32>
      %mul3A_716 = arith.mulf %add3A_698, %mul3A_715 : vector<16xf32>
      %sub3A_717 = arith.constant 2.000000e-02 : f32
      %sub3A_718 = vector.broadcast %sub3A_717 : f32 to vector<16xf32>
      %sub3A_719 = arith.subf %mul3A_716, %sub3A_718 : vector<16xf32>
      %mul3A_720 = arith.mulf %sub3A_719, %get3A_627 : vector<16xf32>
      %abs3A_721 = math.absf %div3A_694 : vector<16xf32>
      %mul3A_722 = arith.mulf %abs3A_721, %mul3A_715 : vector<16xf32>
      %mul3A_723 = arith.constant 1.000000e+01 : f32
      %mul3A_724 = vector.broadcast %mul3A_723 : f32 to vector<16xf32>
      %mul3A_725 = arith.mulf %mul3A_722, %mul3A_724 : vector<16xf32>
      %min3A_726 = arith.constant 9.000000e+00 : f32
      %min3A_727 = vector.broadcast %min3A_726 : f32 to vector<16xf32>
      %min3A_728 = arith.minimumf %mul3A_725, %min3A_727 : vector<16xf32>
      %convert_element_type3A_729 = arith.fptosi %min3A_728 : vector<16xf32> to vector<16xi32>
      %mul3A_730 = arith.constant 16 : i32
      %mul3A_731 = vector.broadcast %mul3A_730 : i32 to vector<16xi32>
      %mul3A_732 = arith.muli %convert_element_type3A_729, %mul3A_731 : vector<16xi32>
      %add3A_733 = arith.addi %mul3A_732, %iota3A : vector<16xi32>
      %sub3A_734 = arith.subf %get3A_632, %get3A_635 : vector<16xf32>
      %add3A_735 = arith.constant 9.99999974E-5 : f32
      %add3A_736 = vector.broadcast %add3A_735 : f32 to vector<16xf32>
      %add3A_737 = arith.addf %get3A_635, %add3A_736 : vector<16xf32>
      %div3A_738 = arith.divf %sub3A_734, %add3A_737 : vector<16xf32>
      %mul3A_739 = arith.mulf %div3A_738, %div3A_738 : vector<16xf32>
      %add3A_740 = arith.constant 4.000000e-04 : f32
      %add3A_741 = vector.broadcast %add3A_740 : f32 to vector<16xf32>
      %add3A_742 = arith.addf %mul3A_739, %add3A_741 : vector<16xf32>
      %bitcast3A_743 = vector.bitcast %add3A_742 : vector<16xf32> to vector<16xi32>
      %shift_right_arithmetic3A_744 = arith.constant 1 : i32
      %shift_right_arithmetic3A_745 = vector.broadcast %shift_right_arithmetic3A_744 : i32 to vector<16xi32>
      %shift_right_arithmetic3A_746 = arith.shrsi %bitcast3A_743, %shift_right_arithmetic3A_745 : vector<16xi32>
      %sub3A_747 = arith.constant 1597463007 : i32
      %sub3A_748 = vector.broadcast %sub3A_747 : i32 to vector<16xi32>
      %sub3A_749 = arith.subi %sub3A_748, %shift_right_arithmetic3A_746 : vector<16xi32>
      %bitcast3A_750 = vector.bitcast %sub3A_749 : vector<16xi32> to vector<16xf32>
      %mul3A_751 = arith.constant 5.000000e-01 : f32
      %mul3A_752 = vector.broadcast %mul3A_751 : f32 to vector<16xf32>
      %mul3A_753 = arith.mulf %mul3A_752, %add3A_742 : vector<16xf32>
      %mul3A_754 = arith.mulf %mul3A_753, %bitcast3A_750 : vector<16xf32>
      %mul3A_755 = arith.mulf %mul3A_754, %bitcast3A_750 : vector<16xf32>
      %sub3A_756 = arith.constant 1.500000e+00 : f32
      %sub3A_757 = vector.broadcast %sub3A_756 : f32 to vector<16xf32>
      %sub3A_758 = arith.subf %sub3A_757, %mul3A_755 : vector<16xf32>
      %mul3A_759 = arith.mulf %bitcast3A_750, %sub3A_758 : vector<16xf32>
      %mul3A_760 = arith.mulf %add3A_742, %mul3A_759 : vector<16xf32>
      %sub3A_761 = arith.constant 2.000000e-02 : f32
      %sub3A_762 = vector.broadcast %sub3A_761 : f32 to vector<16xf32>
      %sub3A_763 = arith.subf %mul3A_760, %sub3A_762 : vector<16xf32>
      %mul3A_764 = arith.mulf %sub3A_763, %get3A_638 : vector<16xf32>
      %abs3A_765 = math.absf %div3A_738 : vector<16xf32>
      %mul3A_766 = arith.mulf %abs3A_765, %mul3A_759 : vector<16xf32>
      %mul3A_767 = arith.constant 1.000000e+01 : f32
      %mul3A_768 = vector.broadcast %mul3A_767 : f32 to vector<16xf32>
      %mul3A_769 = arith.mulf %mul3A_766, %mul3A_768 : vector<16xf32>
      %min3A_770 = arith.constant 9.000000e+00 : f32
      %min3A_771 = vector.broadcast %min3A_770 : f32 to vector<16xf32>
      %min3A_772 = arith.minimumf %mul3A_769, %min3A_771 : vector<16xf32>
      %convert_element_type3A_773 = arith.fptosi %min3A_772 : vector<16xf32> to vector<16xi32>
      %mul3A_774 = arith.constant 16 : i32
      %mul3A_775 = vector.broadcast %mul3A_774 : i32 to vector<16xi32>
      %mul3A_776 = arith.muli %convert_element_type3A_773, %mul3A_775 : vector<16xi32>
      %add3A_777 = arith.addi %mul3A_776, %iota3A : vector<16xi32>
      %sub3A_778 = arith.subf %get3A_643, %get3A_646 : vector<16xf32>
      %add3A_779 = arith.constant 9.99999974E-5 : f32
      %add3A_780 = vector.broadcast %add3A_779 : f32 to vector<16xf32>
      %add3A_781 = arith.addf %get3A_646, %add3A_780 : vector<16xf32>
      %div3A_782 = arith.divf %sub3A_778, %add3A_781 : vector<16xf32>
      %mul3A_783 = arith.mulf %div3A_782, %div3A_782 : vector<16xf32>
      %add3A_784 = arith.constant 4.000000e-04 : f32
      %add3A_785 = vector.broadcast %add3A_784 : f32 to vector<16xf32>
      %add3A_786 = arith.addf %mul3A_783, %add3A_785 : vector<16xf32>
      %bitcast3A_787 = vector.bitcast %add3A_786 : vector<16xf32> to vector<16xi32>
      %shift_right_arithmetic3A_788 = arith.constant 1 : i32
      %shift_right_arithmetic3A_789 = vector.broadcast %shift_right_arithmetic3A_788 : i32 to vector<16xi32>
      %shift_right_arithmetic3A_790 = arith.shrsi %bitcast3A_787, %shift_right_arithmetic3A_789 : vector<16xi32>
      %sub3A_791 = arith.constant 1597463007 : i32
      %sub3A_792 = vector.broadcast %sub3A_791 : i32 to vector<16xi32>
      %sub3A_793 = arith.subi %sub3A_792, %shift_right_arithmetic3A_790 : vector<16xi32>
      %bitcast3A_794 = vector.bitcast %sub3A_793 : vector<16xi32> to vector<16xf32>
      %mul3A_795 = arith.constant 5.000000e-01 : f32
      %mul3A_796 = vector.broadcast %mul3A_795 : f32 to vector<16xf32>
      %mul3A_797 = arith.mulf %mul3A_796, %add3A_786 : vector<16xf32>
      %mul3A_798 = arith.mulf %mul3A_797, %bitcast3A_794 : vector<16xf32>
      %mul3A_799 = arith.mulf %mul3A_798, %bitcast3A_794 : vector<16xf32>
      %sub3A_800 = arith.constant 1.500000e+00 : f32
      %sub3A_801 = vector.broadcast %sub3A_800 : f32 to vector<16xf32>
      %sub3A_802 = arith.subf %sub3A_801, %mul3A_799 : vector<16xf32>
      %mul3A_803 = arith.mulf %bitcast3A_794, %sub3A_802 : vector<16xf32>
      %mul3A_804 = arith.mulf %add3A_786, %mul3A_803 : vector<16xf32>
      %sub3A_805 = arith.constant 2.000000e-02 : f32
      %sub3A_806 = vector.broadcast %sub3A_805 : f32 to vector<16xf32>
      %sub3A_807 = arith.subf %mul3A_804, %sub3A_806 : vector<16xf32>
      %mul3A_808 = arith.mulf %sub3A_807, %get3A_649 : vector<16xf32>
      %abs3A_809 = math.absf %div3A_782 : vector<16xf32>
      %mul3A_810 = arith.mulf %abs3A_809, %mul3A_803 : vector<16xf32>
      %mul3A_811 = arith.constant 1.000000e+01 : f32
      %mul3A_812 = vector.broadcast %mul3A_811 : f32 to vector<16xf32>
      %mul3A_813 = arith.mulf %mul3A_810, %mul3A_812 : vector<16xf32>
      %min3A_814 = arith.constant 9.000000e+00 : f32
      %min3A_815 = vector.broadcast %min3A_814 : f32 to vector<16xf32>
      %min3A_816 = arith.minimumf %mul3A_813, %min3A_815 : vector<16xf32>
      %convert_element_type3A_817 = arith.fptosi %min3A_816 : vector<16xf32> to vector<16xi32>
      %mul3A_818 = arith.constant 16 : i32
      %mul3A_819 = vector.broadcast %mul3A_818 : i32 to vector<16xi32>
      %mul3A_820 = arith.muli %convert_element_type3A_817, %mul3A_819 : vector<16xi32>
      %add3A_821 = arith.addi %mul3A_820, %iota3A : vector<16xi32>
      tpu.vector_store_idx %arg11[%add3A_689], %mul3A_679 {add = true} : memref<512xf32, #tpu.memory_space<vmem>>[vector<16xi32>], vector<16xf32>,
      %add3A_822 = arith.constant 256 : i32
      %add3A_823 = vector.broadcast %add3A_822 : i32 to vector<16xi32>
      %add3A_824 = arith.addi %add3A_689, %add3A_823 : vector<16xi32>
      %gt3A = arith.constant 0.000000e+00 : f32
      %gt3A_825 = vector.broadcast %gt3A : f32 to vector<16xf32>
      %gt3A_826 = arith.cmpf ogt, %get3A_616, %gt3A_825 : vector<16xf32>
      tpu.vector_store_idx %arg11[%add3A_824], %broadcast_in_dim3A_6 masked %gt3A_826 {add = true} : memref<512xf32, #tpu.memory_space<vmem>>[vector<16xi32>], vector<16xf32>, vector<16xi1>
      tpu.vector_store_idx %arg11[%add3A_733], %mul3A_720 {add = true} : memref<512xf32, #tpu.memory_space<vmem>>[vector<16xi32>], vector<16xf32>,
      %add3A_827 = arith.constant 256 : i32
      %add3A_828 = vector.broadcast %add3A_827 : i32 to vector<16xi32>
      %add3A_829 = arith.addi %add3A_733, %add3A_828 : vector<16xi32>
      %gt3A_830 = arith.constant 0.000000e+00 : f32
      %gt3A_831 = vector.broadcast %gt3A_830 : f32 to vector<16xf32>
      %gt3A_832 = arith.cmpf ogt, %get3A_627, %gt3A_831 : vector<16xf32>
      tpu.vector_store_idx %arg11[%add3A_829], %broadcast_in_dim3A_6 masked %gt3A_832 {add = true} : memref<512xf32, #tpu.memory_space<vmem>>[vector<16xi32>], vector<16xf32>, vector<16xi1>
      tpu.vector_store_idx %arg11[%add3A_777], %mul3A_764 {add = true} : memref<512xf32, #tpu.memory_space<vmem>>[vector<16xi32>], vector<16xf32>,
      %add3A_833 = arith.constant 256 : i32
      %add3A_834 = vector.broadcast %add3A_833 : i32 to vector<16xi32>
      %add3A_835 = arith.addi %add3A_777, %add3A_834 : vector<16xi32>
      %gt3A_836 = arith.constant 0.000000e+00 : f32
      %gt3A_837 = vector.broadcast %gt3A_836 : f32 to vector<16xf32>
      %gt3A_838 = arith.cmpf ogt, %get3A_638, %gt3A_837 : vector<16xf32>
      tpu.vector_store_idx %arg11[%add3A_835], %broadcast_in_dim3A_6 masked %gt3A_838 {add = true} : memref<512xf32, #tpu.memory_space<vmem>>[vector<16xi32>], vector<16xf32>, vector<16xi1>
      tpu.vector_store_idx %arg11[%add3A_821], %mul3A_808 {add = true} : memref<512xf32, #tpu.memory_space<vmem>>[vector<16xi32>], vector<16xf32>,
      %add3A_839 = arith.constant 256 : i32
      %add3A_840 = vector.broadcast %add3A_839 : i32 to vector<16xi32>
      %add3A_841 = arith.addi %add3A_821, %add3A_840 : vector<16xi32>
      %gt3A_842 = arith.constant 0.000000e+00 : f32
      %gt3A_843 = vector.broadcast %gt3A_842 : f32 to vector<16xf32>
      %gt3A_844 = arith.cmpf ogt, %get3A_649, %gt3A_843 : vector<16xf32>
      tpu.vector_store_idx %arg11[%add3A_841], %broadcast_in_dim3A_6 masked %gt3A_844 {add = true} : memref<512xf32, #tpu.memory_space<vmem>>[vector<16xi32>], vector<16xf32>, vector<16xi1>
    }
    %scan3A_600 = arith.constant 128 : i32
    "tpu.region"() ({
      %run_scoped3A = tpu.sem_alloc : memref<!tpu.dma_semaphore, #tpu.memory_space<semaphore_mem>>
      %dma_start3A_601 = arith.constant 0 : i32
      %dma_start3A_602 = tpu.memref_slice %arg4[%add3A, %dma_start3A_601] : memref<32x512xf32, #tpu.memory_space<hbm>> -> memref<1x512xf32, #tpu.memory_space<hbm>>
      %dma_start3A_603 = tpu.memref_squeeze %dma_start3A_602 : memref<1x512xf32, #tpu.memory_space<hbm>> -> memref<512xf32, #tpu.memory_space<hbm>>
      %dma_start3A_604 = arith.constant 0 : i32
      %dma_start3A_605 = tpu.memref_slice %arg4[%add3A, %dma_start3A_604] : memref<32x512xf32, #tpu.memory_space<hbm>> -> memref<1x512xf32, #tpu.memory_space<hbm>>
      %dma_start3A_606 = tpu.memref_squeeze %dma_start3A_605 : memref<1x512xf32, #tpu.memory_space<hbm>> -> memref<512xf32, #tpu.memory_space<hbm>>
      tpu.enqueue_dma source(%arg11 : memref<512xf32, #tpu.memory_space<vmem>>) target(%dma_start3A_606 : memref<512xf32, #tpu.memory_space<hbm>>) target_semaphore(%run_scoped3A : memref<!tpu.dma_semaphore, #tpu.memory_space<semaphore_mem>>)
      %dma_wait3A_607 = arith.constant 0 : i32
      %dma_wait3A_608 = tpu.memref_slice %arg4[%add3A, %dma_wait3A_607] : memref<32x512xf32, #tpu.memory_space<hbm>> -> memref<1x512xf32, #tpu.memory_space<hbm>>
      %dma_wait3A_609 = tpu.memref_squeeze %dma_wait3A_608 : memref<1x512xf32, #tpu.memory_space<hbm>> -> memref<512xf32, #tpu.memory_space<hbm>>
      %dma_wait3A_610 = arith.constant 0 : i32
      %dma_wait3A_611 = tpu.memref_slice %arg4[%add3A, %dma_wait3A_610] : memref<32x512xf32, #tpu.memory_space<hbm>> -> memref<1x512xf32, #tpu.memory_space<hbm>>
      %dma_wait3A_612 = tpu.memref_squeeze %dma_wait3A_611 : memref<1x512xf32, #tpu.memory_space<hbm>> -> memref<512xf32, #tpu.memory_space<hbm>>
      tpu.wait_dma2 semaphore(%run_scoped3A : memref<!tpu.dma_semaphore, #tpu.memory_space<semaphore_mem>>) src(%arg11 : memref<512xf32, #tpu.memory_space<vmem>>) dst(%dma_wait3A_612 : memref<512xf32, #tpu.memory_space<hbm>>)
      tpu.yield
    }) : () -> ()
    return
  }
}

module attributes {stable_mosaic.version = 14 : i64} {
  func.func @_tc_body(%arg0: i32, %arg1: memref<1x1x512x512xf32, #tpu.memory_space<vmem>>, %arg2: memref<1x2x512x512xf32, #tpu.memory_space<vmem>>, %arg3: memref<32x512xf32, #tpu.memory_space<vmem>>) attributes {dimension_semantics = [#tpu.dimension_semantics<arbitrary>], iteration_bounds = array<i64: 10>, scalar_prefetch = 0 : i64, scratch_operands = 0 : i64, tpu.core_type = #tpu.core_type<tc>, window_params = [{transform_indices = @transform_0, window_bounds = array<i64: 1, 1, 512, 512>}, {transform_indices = @transform_1, window_bounds = array<i64: 1, 2, 512, 512>}, {pipeline_mode = #tpu.pipeline_mode<synchronous>, transform_indices = @transform_2, window_bounds = array<i64: 32, 512>}]} {
    %eq3A = arith.constant 0 : i32
    %eq3A_0 = arith.cmpi eq, %arg0, %eq3A : i32
    %convert_element_type3A = arith.extui %eq3A_0 : i1 to i32
    %cond3A = arith.constant 0 : i32
    %cond3A_1 = arith.cmpi ne, %convert_element_type3A, %cond3A : i32
    scf.if %cond3A_1 {
      %broadcast_in_dim3A_334 = arith.constant 0.000000e+00 : f32
      %broadcast_in_dim3A_335 = vector.broadcast %broadcast_in_dim3A_334 : f32 to vector<32x512xf32>
      %swap3A_336 = arith.constant 0 : index
      %swap3A_337 = arith.constant 0 : index
      %swap3A_338 = vector.load %arg3[%swap3A_336, %swap3A_337] : memref<32x512xf32, #tpu.memory_space<vmem>>, vector<32x512xf32>
      tpu.vector_store %arg3[%swap3A_336, %swap3A_337], %broadcast_in_dim3A_335 {strides = array<i32>} : memref<32x512xf32, #tpu.memory_space<vmem>>, vector<32x512xf32>,
    } else {
    }
    %get3A = arith.constant 0 : index
    %get3A_2 = arith.constant 0 : index
    %get3A_3 = arith.constant 0 : index
    %get3A_4 = arith.constant 0 : index
    %get3A_5 = vector.load %arg1[%get3A, %get3A_2, %get3A_3, %get3A_4] : memref<1x1x512x512xf32, #tpu.memory_space<vmem>>, vector<1x1x512x512xf32>
    %get3A_6 = vector.shape_cast %get3A_5 : vector<1x1x512x512xf32> to vector<512x512xf32>
    %get3A_7 = arith.constant 0 : index
    %get3A_8 = arith.constant 0 : index
    %get3A_9 = arith.constant 0 : index
    %get3A_10 = arith.constant 0 : index
    %get3A_11 = vector.load %arg2[%get3A_7, %get3A_8, %get3A_9, %get3A_10] : memref<1x2x512x512xf32, #tpu.memory_space<vmem>>, vector<1x1x512x512xf32>
    %get3A_12 = vector.shape_cast %get3A_11 : vector<1x1x512x512xf32> to vector<512x512xf32>
    %get3A_13 = arith.constant 0 : index
    %get3A_14 = arith.constant 1 : index
    %get3A_15 = arith.constant 0 : index
    %get3A_16 = arith.constant 0 : index
    %get3A_17 = vector.load %arg2[%get3A_13, %get3A_14, %get3A_15, %get3A_16] : memref<1x2x512x512xf32, #tpu.memory_space<vmem>>, vector<1x1x512x512xf32>
    %get3A_18 = vector.shape_cast %get3A_17 : vector<1x1x512x512xf32> to vector<512x512xf32>
    %sub3A = arith.subf %get3A_6, %get3A_12 : vector<512x512xf32>
    %add3A = arith.constant 9.99999974E-5 : f32
    %add3A_19 = vector.broadcast %add3A : f32 to vector<512x512xf32>
    %add3A_20 = arith.addf %get3A_12, %add3A_19 : vector<512x512xf32>
    %div3A = arith.divf %sub3A, %add3A_20 : vector<512x512xf32>
    %mul3A = arith.mulf %div3A, %div3A : vector<512x512xf32>
    %add3A_21 = arith.constant 4.000000e-04 : f32
    %add3A_22 = vector.broadcast %add3A_21 : f32 to vector<512x512xf32>
    %add3A_23 = arith.addf %mul3A, %add3A_22 : vector<512x512xf32>
    %rsqrt3A = math.rsqrt %add3A_23 : vector<512x512xf32>
    %mul3A_24 = arith.mulf %add3A_23, %rsqrt3A : vector<512x512xf32>
    %sub3A_25 = arith.constant 2.000000e-02 : f32
    %sub3A_26 = vector.broadcast %sub3A_25 : f32 to vector<512x512xf32>
    %sub3A_27 = arith.subf %mul3A_24, %sub3A_26 : vector<512x512xf32>
    %mul3A_28 = arith.mulf %sub3A_27, %get3A_18 : vector<512x512xf32>
    %abs3A = math.absf %div3A : vector<512x512xf32>
    %mul3A_29 = arith.mulf %abs3A, %rsqrt3A : vector<512x512xf32>
    %mul3A_30 = arith.constant 1.000000e+01 : f32
    %mul3A_31 = vector.broadcast %mul3A_30 : f32 to vector<512x512xf32>
    %mul3A_32 = arith.mulf %mul3A_29, %mul3A_31 : vector<512x512xf32>
    %min3A = arith.constant 9.000000e+00 : f32
    %min3A_33 = vector.broadcast %min3A : f32 to vector<512x512xf32>
    %min3A_34 = arith.minimumf %mul3A_32, %min3A_33 : vector<512x512xf32>
    %convert_element_type3A_35 = arith.fptosi %min3A_34 : vector<512x512xf32> to vector<512x512xi32>
    %gt3A = arith.constant 0.000000e+00 : f32
    %gt3A_36 = vector.broadcast %gt3A : f32 to vector<512x512xf32>
    %gt3A_37 = arith.cmpf ogt, %get3A_18, %gt3A_36 : vector<512x512xf32>
    %broadcast_in_dim3A = arith.constant 1.000000e+00 : f32
    %broadcast_in_dim3A_38 = vector.broadcast %broadcast_in_dim3A : f32 to vector<1x512xf32>
    %eq3A_39 = arith.constant 0 : i32
    %eq3A_40 = vector.broadcast %eq3A_39 : i32 to vector<512x512xi32>
    %eq3A_41 = arith.cmpi eq, %convert_element_type3A_35, %eq3A_40 : vector<512x512xi32>
    %jit3A = arith.constant 0.000000e+00 : f32
    %broadcast_in_dim3A_42 = vector.broadcast %jit3A : f32 to vector<512x512xf32>
    %select_n3A = arith.select %eq3A_41, %mul3A_28, %broadcast_in_dim3A_42 : vector<512x512xi1>, vector<512x512xf32>
    %dot_general3A = arith.constant dense<0.000000e+00> : vector<1x512xf32>
    %dot_general3A_43 = tpu.matmul %broadcast_in_dim3A_38, %select_n3A, %dot_general3A {dimension_numbers = #tpu.dot_dimension_numbers<[1], [0], [0], [1], [0, 0, 1, 1], [], []>, transpose_lhs_hint = false} : vector<1x512xf32>, vector<512x512xf32>, vector<1x512xf32> -> vector<1x512xf32>
    %get3A_44 = arith.constant 0 : index
    %get3A_45 = arith.constant 0 : index
    %get3A_46 = vector.load %arg3[%get3A_44, %get3A_45] : memref<32x512xf32, #tpu.memory_space<vmem>>, vector<1x512xf32>
    %add3A_47 = arith.addf %get3A_46, %dot_general3A_43 : vector<1x512xf32>
    %swap3A = arith.constant 0 : index
    %swap3A_48 = arith.constant 0 : index
    %swap3A_49 = vector.load %arg3[%swap3A, %swap3A_48] : memref<32x512xf32, #tpu.memory_space<vmem>>, vector<1x512xf32>
    tpu.vector_store %arg3[%swap3A, %swap3A_48], %add3A_47 {strides = array<i32>} : memref<32x512xf32, #tpu.memory_space<vmem>>, vector<1x512xf32>,
    %and3A = arith.andi %eq3A_41, %gt3A_37 : vector<512x512xi1>
    %jit3A_50 = arith.constant 1.000000e+00 : f32
    %jit3A_51 = arith.constant 0.000000e+00 : f32
    %broadcast_in_dim3A_52 = vector.broadcast %jit3A_50 : f32 to vector<512x512xf32>
    %broadcast_in_dim3A_53 = vector.broadcast %jit3A_51 : f32 to vector<512x512xf32>
    %select_n3A_54 = arith.select %and3A, %broadcast_in_dim3A_52, %broadcast_in_dim3A_53 : vector<512x512xi1>, vector<512x512xf32>
    %dot_general3A_55 = arith.constant dense<0.000000e+00> : vector<1x512xf32>
    %dot_general3A_56 = tpu.matmul %broadcast_in_dim3A_38, %select_n3A_54, %dot_general3A_55 {dimension_numbers = #tpu.dot_dimension_numbers<[1], [0], [0], [1], [0, 0, 1, 1], [], []>, transpose_lhs_hint = false} : vector<1x512xf32>, vector<512x512xf32>, vector<1x512xf32> -> vector<1x512xf32>
    %get3A_57 = arith.constant 16 : index
    %get3A_58 = arith.constant 0 : index
    %get3A_59 = vector.load %arg3[%get3A_57, %get3A_58] : memref<32x512xf32, #tpu.memory_space<vmem>>, vector<1x512xf32>
    %add3A_60 = arith.addf %get3A_59, %dot_general3A_56 : vector<1x512xf32>
    %swap3A_61 = arith.constant 16 : index
    %swap3A_62 = arith.constant 0 : index
    %swap3A_63 = vector.load %arg3[%swap3A_61, %swap3A_62] : memref<32x512xf32, #tpu.memory_space<vmem>>, vector<1x512xf32>
    tpu.vector_store %arg3[%swap3A_61, %swap3A_62], %add3A_60 {strides = array<i32>} : memref<32x512xf32, #tpu.memory_space<vmem>>, vector<1x512xf32>,
    %eq3A_64 = arith.constant 1 : i32
    %eq3A_65 = vector.broadcast %eq3A_64 : i32 to vector<512x512xi32>
    %eq3A_66 = arith.cmpi eq, %convert_element_type3A_35, %eq3A_65 : vector<512x512xi32>
    %jit3A_67 = arith.constant 0.000000e+00 : f32
    %broadcast_in_dim3A_68 = vector.broadcast %jit3A_67 : f32 to vector<512x512xf32>
    %select_n3A_69 = arith.select %eq3A_66, %mul3A_28, %broadcast_in_dim3A_68 : vector<512x512xi1>, vector<512x512xf32>
    %dot_general3A_70 = arith.constant dense<0.000000e+00> : vector<1x512xf32>
    %dot_general3A_71 = tpu.matmul %broadcast_in_dim3A_38, %select_n3A_69, %dot_general3A_70 {dimension_numbers = #tpu.dot_dimension_numbers<[1], [0], [0], [1], [0, 0, 1, 1], [], []>, transpose_lhs_hint = false} : vector<1x512xf32>, vector<512x512xf32>, vector<1x512xf32> -> vector<1x512xf32>
    %get3A_72 = arith.constant 1 : index
    %get3A_73 = arith.constant 0 : index
    %get3A_74 = vector.load %arg3[%get3A_72, %get3A_73] : memref<32x512xf32, #tpu.memory_space<vmem>>, vector<1x512xf32>
    %add3A_75 = arith.addf %get3A_74, %dot_general3A_71 : vector<1x512xf32>
    %swap3A_76 = arith.constant 1 : index
    %swap3A_77 = arith.constant 0 : index
    %swap3A_78 = vector.load %arg3[%swap3A_76, %swap3A_77] : memref<32x512xf32, #tpu.memory_space<vmem>>, vector<1x512xf32>
    tpu.vector_store %arg3[%swap3A_76, %swap3A_77], %add3A_75 {strides = array<i32>} : memref<32x512xf32, #tpu.memory_space<vmem>>, vector<1x512xf32>,
    %and3A_79 = arith.andi %eq3A_66, %gt3A_37 : vector<512x512xi1>
    %jit3A_80 = arith.constant 1.000000e+00 : f32
    %jit3A_81 = arith.constant 0.000000e+00 : f32
    %broadcast_in_dim3A_82 = vector.broadcast %jit3A_80 : f32 to vector<512x512xf32>
    %broadcast_in_dim3A_83 = vector.broadcast %jit3A_81 : f32 to vector<512x512xf32>
    %select_n3A_84 = arith.select %and3A_79, %broadcast_in_dim3A_82, %broadcast_in_dim3A_83 : vector<512x512xi1>, vector<512x512xf32>
    %dot_general3A_85 = arith.constant dense<0.000000e+00> : vector<1x512xf32>
    %dot_general3A_86 = tpu.matmul %broadcast_in_dim3A_38, %select_n3A_84, %dot_general3A_85 {dimension_numbers = #tpu.dot_dimension_numbers<[1], [0], [0], [1], [0, 0, 1, 1], [], []>, transpose_lhs_hint = false} : vector<1x512xf32>, vector<512x512xf32>, vector<1x512xf32> -> vector<1x512xf32>
    %get3A_87 = arith.constant 17 : index
    %get3A_88 = arith.constant 0 : index
    %get3A_89 = vector.load %arg3[%get3A_87, %get3A_88] : memref<32x512xf32, #tpu.memory_space<vmem>>, vector<1x512xf32>
    %add3A_90 = arith.addf %get3A_89, %dot_general3A_86 : vector<1x512xf32>
    %swap3A_91 = arith.constant 17 : index
    %swap3A_92 = arith.constant 0 : index
    %swap3A_93 = vector.load %arg3[%swap3A_91, %swap3A_92] : memref<32x512xf32, #tpu.memory_space<vmem>>, vector<1x512xf32>
    tpu.vector_store %arg3[%swap3A_91, %swap3A_92], %add3A_90 {strides = array<i32>} : memref<32x512xf32, #tpu.memory_space<vmem>>, vector<1x512xf32>,
    %eq3A_94 = arith.constant 2 : i32
    %eq3A_95 = vector.broadcast %eq3A_94 : i32 to vector<512x512xi32>
    %eq3A_96 = arith.cmpi eq, %convert_element_type3A_35, %eq3A_95 : vector<512x512xi32>
    %jit3A_97 = arith.constant 0.000000e+00 : f32
    %broadcast_in_dim3A_98 = vector.broadcast %jit3A_97 : f32 to vector<512x512xf32>
    %select_n3A_99 = arith.select %eq3A_96, %mul3A_28, %broadcast_in_dim3A_98 : vector<512x512xi1>, vector<512x512xf32>
    %dot_general3A_100 = arith.constant dense<0.000000e+00> : vector<1x512xf32>
    %dot_general3A_101 = tpu.matmul %broadcast_in_dim3A_38, %select_n3A_99, %dot_general3A_100 {dimension_numbers = #tpu.dot_dimension_numbers<[1], [0], [0], [1], [0, 0, 1, 1], [], []>, transpose_lhs_hint = false} : vector<1x512xf32>, vector<512x512xf32>, vector<1x512xf32> -> vector<1x512xf32>
    %get3A_102 = arith.constant 2 : index
    %get3A_103 = arith.constant 0 : index
    %get3A_104 = vector.load %arg3[%get3A_102, %get3A_103] : memref<32x512xf32, #tpu.memory_space<vmem>>, vector<1x512xf32>
    %add3A_105 = arith.addf %get3A_104, %dot_general3A_101 : vector<1x512xf32>
    %swap3A_106 = arith.constant 2 : index
    %swap3A_107 = arith.constant 0 : index
    %swap3A_108 = vector.load %arg3[%swap3A_106, %swap3A_107] : memref<32x512xf32, #tpu.memory_space<vmem>>, vector<1x512xf32>
    tpu.vector_store %arg3[%swap3A_106, %swap3A_107], %add3A_105 {strides = array<i32>} : memref<32x512xf32, #tpu.memory_space<vmem>>, vector<1x512xf32>,
    %and3A_109 = arith.andi %eq3A_96, %gt3A_37 : vector<512x512xi1>
    %jit3A_110 = arith.constant 1.000000e+00 : f32
    %jit3A_111 = arith.constant 0.000000e+00 : f32
    %broadcast_in_dim3A_112 = vector.broadcast %jit3A_110 : f32 to vector<512x512xf32>
    %broadcast_in_dim3A_113 = vector.broadcast %jit3A_111 : f32 to vector<512x512xf32>
    %select_n3A_114 = arith.select %and3A_109, %broadcast_in_dim3A_112, %broadcast_in_dim3A_113 : vector<512x512xi1>, vector<512x512xf32>
    %dot_general3A_115 = arith.constant dense<0.000000e+00> : vector<1x512xf32>
    %dot_general3A_116 = tpu.matmul %broadcast_in_dim3A_38, %select_n3A_114, %dot_general3A_115 {dimension_numbers = #tpu.dot_dimension_numbers<[1], [0], [0], [1], [0, 0, 1, 1], [], []>, transpose_lhs_hint = false} : vector<1x512xf32>, vector<512x512xf32>, vector<1x512xf32> -> vector<1x512xf32>
    %get3A_117 = arith.constant 18 : index
    %get3A_118 = arith.constant 0 : index
    %get3A_119 = vector.load %arg3[%get3A_117, %get3A_118] : memref<32x512xf32, #tpu.memory_space<vmem>>, vector<1x512xf32>
    %add3A_120 = arith.addf %get3A_119, %dot_general3A_116 : vector<1x512xf32>
    %swap3A_121 = arith.constant 18 : index
    %swap3A_122 = arith.constant 0 : index
    %swap3A_123 = vector.load %arg3[%swap3A_121, %swap3A_122] : memref<32x512xf32, #tpu.memory_space<vmem>>, vector<1x512xf32>
    tpu.vector_store %arg3[%swap3A_121, %swap3A_122], %add3A_120 {strides = array<i32>} : memref<32x512xf32, #tpu.memory_space<vmem>>, vector<1x512xf32>,
    %eq3A_124 = arith.constant 3 : i32
    %eq3A_125 = vector.broadcast %eq3A_124 : i32 to vector<512x512xi32>
    %eq3A_126 = arith.cmpi eq, %convert_element_type3A_35, %eq3A_125 : vector<512x512xi32>
    %jit3A_127 = arith.constant 0.000000e+00 : f32
    %broadcast_in_dim3A_128 = vector.broadcast %jit3A_127 : f32 to vector<512x512xf32>
    %select_n3A_129 = arith.select %eq3A_126, %mul3A_28, %broadcast_in_dim3A_128 : vector<512x512xi1>, vector<512x512xf32>
    %dot_general3A_130 = arith.constant dense<0.000000e+00> : vector<1x512xf32>
    %dot_general3A_131 = tpu.matmul %broadcast_in_dim3A_38, %select_n3A_129, %dot_general3A_130 {dimension_numbers = #tpu.dot_dimension_numbers<[1], [0], [0], [1], [0, 0, 1, 1], [], []>, transpose_lhs_hint = false} : vector<1x512xf32>, vector<512x512xf32>, vector<1x512xf32> -> vector<1x512xf32>
    %get3A_132 = arith.constant 3 : index
    %get3A_133 = arith.constant 0 : index
    %get3A_134 = vector.load %arg3[%get3A_132, %get3A_133] : memref<32x512xf32, #tpu.memory_space<vmem>>, vector<1x512xf32>
    %add3A_135 = arith.addf %get3A_134, %dot_general3A_131 : vector<1x512xf32>
    %swap3A_136 = arith.constant 3 : index
    %swap3A_137 = arith.constant 0 : index
    %swap3A_138 = vector.load %arg3[%swap3A_136, %swap3A_137] : memref<32x512xf32, #tpu.memory_space<vmem>>, vector<1x512xf32>
    tpu.vector_store %arg3[%swap3A_136, %swap3A_137], %add3A_135 {strides = array<i32>} : memref<32x512xf32, #tpu.memory_space<vmem>>, vector<1x512xf32>,
    %and3A_139 = arith.andi %eq3A_126, %gt3A_37 : vector<512x512xi1>
    %jit3A_140 = arith.constant 1.000000e+00 : f32
    %jit3A_141 = arith.constant 0.000000e+00 : f32
    %broadcast_in_dim3A_142 = vector.broadcast %jit3A_140 : f32 to vector<512x512xf32>
    %broadcast_in_dim3A_143 = vector.broadcast %jit3A_141 : f32 to vector<512x512xf32>
    %select_n3A_144 = arith.select %and3A_139, %broadcast_in_dim3A_142, %broadcast_in_dim3A_143 : vector<512x512xi1>, vector<512x512xf32>
    %dot_general3A_145 = arith.constant dense<0.000000e+00> : vector<1x512xf32>
    %dot_general3A_146 = tpu.matmul %broadcast_in_dim3A_38, %select_n3A_144, %dot_general3A_145 {dimension_numbers = #tpu.dot_dimension_numbers<[1], [0], [0], [1], [0, 0, 1, 1], [], []>, transpose_lhs_hint = false} : vector<1x512xf32>, vector<512x512xf32>, vector<1x512xf32> -> vector<1x512xf32>
    %get3A_147 = arith.constant 19 : index
    %get3A_148 = arith.constant 0 : index
    %get3A_149 = vector.load %arg3[%get3A_147, %get3A_148] : memref<32x512xf32, #tpu.memory_space<vmem>>, vector<1x512xf32>
    %add3A_150 = arith.addf %get3A_149, %dot_general3A_146 : vector<1x512xf32>
    %swap3A_151 = arith.constant 19 : index
    %swap3A_152 = arith.constant 0 : index
    %swap3A_153 = vector.load %arg3[%swap3A_151, %swap3A_152] : memref<32x512xf32, #tpu.memory_space<vmem>>, vector<1x512xf32>
    tpu.vector_store %arg3[%swap3A_151, %swap3A_152], %add3A_150 {strides = array<i32>} : memref<32x512xf32, #tpu.memory_space<vmem>>, vector<1x512xf32>,
    %eq3A_154 = arith.constant 4 : i32
    %eq3A_155 = vector.broadcast %eq3A_154 : i32 to vector<512x512xi32>
    %eq3A_156 = arith.cmpi eq, %convert_element_type3A_35, %eq3A_155 : vector<512x512xi32>
    %jit3A_157 = arith.constant 0.000000e+00 : f32
    %broadcast_in_dim3A_158 = vector.broadcast %jit3A_157 : f32 to vector<512x512xf32>
    %select_n3A_159 = arith.select %eq3A_156, %mul3A_28, %broadcast_in_dim3A_158 : vector<512x512xi1>, vector<512x512xf32>
    %dot_general3A_160 = arith.constant dense<0.000000e+00> : vector<1x512xf32>
    %dot_general3A_161 = tpu.matmul %broadcast_in_dim3A_38, %select_n3A_159, %dot_general3A_160 {dimension_numbers = #tpu.dot_dimension_numbers<[1], [0], [0], [1], [0, 0, 1, 1], [], []>, transpose_lhs_hint = false} : vector<1x512xf32>, vector<512x512xf32>, vector<1x512xf32> -> vector<1x512xf32>
    %get3A_162 = arith.constant 4 : index
    %get3A_163 = arith.constant 0 : index
    %get3A_164 = vector.load %arg3[%get3A_162, %get3A_163] : memref<32x512xf32, #tpu.memory_space<vmem>>, vector<1x512xf32>
    %add3A_165 = arith.addf %get3A_164, %dot_general3A_161 : vector<1x512xf32>
    %swap3A_166 = arith.constant 4 : index
    %swap3A_167 = arith.constant 0 : index
    %swap3A_168 = vector.load %arg3[%swap3A_166, %swap3A_167] : memref<32x512xf32, #tpu.memory_space<vmem>>, vector<1x512xf32>
    tpu.vector_store %arg3[%swap3A_166, %swap3A_167], %add3A_165 {strides = array<i32>} : memref<32x512xf32, #tpu.memory_space<vmem>>, vector<1x512xf32>,
    %and3A_169 = arith.andi %eq3A_156, %gt3A_37 : vector<512x512xi1>
    %jit3A_170 = arith.constant 1.000000e+00 : f32
    %jit3A_171 = arith.constant 0.000000e+00 : f32
    %broadcast_in_dim3A_172 = vector.broadcast %jit3A_170 : f32 to vector<512x512xf32>
    %broadcast_in_dim3A_173 = vector.broadcast %jit3A_171 : f32 to vector<512x512xf32>
    %select_n3A_174 = arith.select %and3A_169, %broadcast_in_dim3A_172, %broadcast_in_dim3A_173 : vector<512x512xi1>, vector<512x512xf32>
    %dot_general3A_175 = arith.constant dense<0.000000e+00> : vector<1x512xf32>
    %dot_general3A_176 = tpu.matmul %broadcast_in_dim3A_38, %select_n3A_174, %dot_general3A_175 {dimension_numbers = #tpu.dot_dimension_numbers<[1], [0], [0], [1], [0, 0, 1, 1], [], []>, transpose_lhs_hint = false} : vector<1x512xf32>, vector<512x512xf32>, vector<1x512xf32> -> vector<1x512xf32>
    %get3A_177 = arith.constant 20 : index
    %get3A_178 = arith.constant 0 : index
    %get3A_179 = vector.load %arg3[%get3A_177, %get3A_178] : memref<32x512xf32, #tpu.memory_space<vmem>>, vector<1x512xf32>
    %add3A_180 = arith.addf %get3A_179, %dot_general3A_176 : vector<1x512xf32>
    %swap3A_181 = arith.constant 20 : index
    %swap3A_182 = arith.constant 0 : index
    %swap3A_183 = vector.load %arg3[%swap3A_181, %swap3A_182] : memref<32x512xf32, #tpu.memory_space<vmem>>, vector<1x512xf32>
    tpu.vector_store %arg3[%swap3A_181, %swap3A_182], %add3A_180 {strides = array<i32>} : memref<32x512xf32, #tpu.memory_space<vmem>>, vector<1x512xf32>,
    %eq3A_184 = arith.constant 5 : i32
    %eq3A_185 = vector.broadcast %eq3A_184 : i32 to vector<512x512xi32>
    %eq3A_186 = arith.cmpi eq, %convert_element_type3A_35, %eq3A_185 : vector<512x512xi32>
    %jit3A_187 = arith.constant 0.000000e+00 : f32
    %broadcast_in_dim3A_188 = vector.broadcast %jit3A_187 : f32 to vector<512x512xf32>
    %select_n3A_189 = arith.select %eq3A_186, %mul3A_28, %broadcast_in_dim3A_188 : vector<512x512xi1>, vector<512x512xf32>
    %dot_general3A_190 = arith.constant dense<0.000000e+00> : vector<1x512xf32>
    %dot_general3A_191 = tpu.matmul %broadcast_in_dim3A_38, %select_n3A_189, %dot_general3A_190 {dimension_numbers = #tpu.dot_dimension_numbers<[1], [0], [0], [1], [0, 0, 1, 1], [], []>, transpose_lhs_hint = false} : vector<1x512xf32>, vector<512x512xf32>, vector<1x512xf32> -> vector<1x512xf32>
    %get3A_192 = arith.constant 5 : index
    %get3A_193 = arith.constant 0 : index
    %get3A_194 = vector.load %arg3[%get3A_192, %get3A_193] : memref<32x512xf32, #tpu.memory_space<vmem>>, vector<1x512xf32>
    %add3A_195 = arith.addf %get3A_194, %dot_general3A_191 : vector<1x512xf32>
    %swap3A_196 = arith.constant 5 : index
    %swap3A_197 = arith.constant 0 : index
    %swap3A_198 = vector.load %arg3[%swap3A_196, %swap3A_197] : memref<32x512xf32, #tpu.memory_space<vmem>>, vector<1x512xf32>
    tpu.vector_store %arg3[%swap3A_196, %swap3A_197], %add3A_195 {strides = array<i32>} : memref<32x512xf32, #tpu.memory_space<vmem>>, vector<1x512xf32>,
    %and3A_199 = arith.andi %eq3A_186, %gt3A_37 : vector<512x512xi1>
    %jit3A_200 = arith.constant 1.000000e+00 : f32
    %jit3A_201 = arith.constant 0.000000e+00 : f32
    %broadcast_in_dim3A_202 = vector.broadcast %jit3A_200 : f32 to vector<512x512xf32>
    %broadcast_in_dim3A_203 = vector.broadcast %jit3A_201 : f32 to vector<512x512xf32>
    %select_n3A_204 = arith.select %and3A_199, %broadcast_in_dim3A_202, %broadcast_in_dim3A_203 : vector<512x512xi1>, vector<512x512xf32>
    %dot_general3A_205 = arith.constant dense<0.000000e+00> : vector<1x512xf32>
    %dot_general3A_206 = tpu.matmul %broadcast_in_dim3A_38, %select_n3A_204, %dot_general3A_205 {dimension_numbers = #tpu.dot_dimension_numbers<[1], [0], [0], [1], [0, 0, 1, 1], [], []>, transpose_lhs_hint = false} : vector<1x512xf32>, vector<512x512xf32>, vector<1x512xf32> -> vector<1x512xf32>
    %get3A_207 = arith.constant 21 : index
    %get3A_208 = arith.constant 0 : index
    %get3A_209 = vector.load %arg3[%get3A_207, %get3A_208] : memref<32x512xf32, #tpu.memory_space<vmem>>, vector<1x512xf32>
    %add3A_210 = arith.addf %get3A_209, %dot_general3A_206 : vector<1x512xf32>
    %swap3A_211 = arith.constant 21 : index
    %swap3A_212 = arith.constant 0 : index
    %swap3A_213 = vector.load %arg3[%swap3A_211, %swap3A_212] : memref<32x512xf32, #tpu.memory_space<vmem>>, vector<1x512xf32>
    tpu.vector_store %arg3[%swap3A_211, %swap3A_212], %add3A_210 {strides = array<i32>} : memref<32x512xf32, #tpu.memory_space<vmem>>, vector<1x512xf32>,
    %eq3A_214 = arith.constant 6 : i32
    %eq3A_215 = vector.broadcast %eq3A_214 : i32 to vector<512x512xi32>
    %eq3A_216 = arith.cmpi eq, %convert_element_type3A_35, %eq3A_215 : vector<512x512xi32>
    %jit3A_217 = arith.constant 0.000000e+00 : f32
    %broadcast_in_dim3A_218 = vector.broadcast %jit3A_217 : f32 to vector<512x512xf32>
    %select_n3A_219 = arith.select %eq3A_216, %mul3A_28, %broadcast_in_dim3A_218 : vector<512x512xi1>, vector<512x512xf32>
    %dot_general3A_220 = arith.constant dense<0.000000e+00> : vector<1x512xf32>
    %dot_general3A_221 = tpu.matmul %broadcast_in_dim3A_38, %select_n3A_219, %dot_general3A_220 {dimension_numbers = #tpu.dot_dimension_numbers<[1], [0], [0], [1], [0, 0, 1, 1], [], []>, transpose_lhs_hint = false} : vector<1x512xf32>, vector<512x512xf32>, vector<1x512xf32> -> vector<1x512xf32>
    %get3A_222 = arith.constant 6 : index
    %get3A_223 = arith.constant 0 : index
    %get3A_224 = vector.load %arg3[%get3A_222, %get3A_223] : memref<32x512xf32, #tpu.memory_space<vmem>>, vector<1x512xf32>
    %add3A_225 = arith.addf %get3A_224, %dot_general3A_221 : vector<1x512xf32>
    %swap3A_226 = arith.constant 6 : index
    %swap3A_227 = arith.constant 0 : index
    %swap3A_228 = vector.load %arg3[%swap3A_226, %swap3A_227] : memref<32x512xf32, #tpu.memory_space<vmem>>, vector<1x512xf32>
    tpu.vector_store %arg3[%swap3A_226, %swap3A_227], %add3A_225 {strides = array<i32>} : memref<32x512xf32, #tpu.memory_space<vmem>>, vector<1x512xf32>,
    %and3A_229 = arith.andi %eq3A_216, %gt3A_37 : vector<512x512xi1>
    %jit3A_230 = arith.constant 1.000000e+00 : f32
    %jit3A_231 = arith.constant 0.000000e+00 : f32
    %broadcast_in_dim3A_232 = vector.broadcast %jit3A_230 : f32 to vector<512x512xf32>
    %broadcast_in_dim3A_233 = vector.broadcast %jit3A_231 : f32 to vector<512x512xf32>
    %select_n3A_234 = arith.select %and3A_229, %broadcast_in_dim3A_232, %broadcast_in_dim3A_233 : vector<512x512xi1>, vector<512x512xf32>
    %dot_general3A_235 = arith.constant dense<0.000000e+00> : vector<1x512xf32>
    %dot_general3A_236 = tpu.matmul %broadcast_in_dim3A_38, %select_n3A_234, %dot_general3A_235 {dimension_numbers = #tpu.dot_dimension_numbers<[1], [0], [0], [1], [0, 0, 1, 1], [], []>, transpose_lhs_hint = false} : vector<1x512xf32>, vector<512x512xf32>, vector<1x512xf32> -> vector<1x512xf32>
    %get3A_237 = arith.constant 22 : index
    %get3A_238 = arith.constant 0 : index
    %get3A_239 = vector.load %arg3[%get3A_237, %get3A_238] : memref<32x512xf32, #tpu.memory_space<vmem>>, vector<1x512xf32>
    %add3A_240 = arith.addf %get3A_239, %dot_general3A_236 : vector<1x512xf32>
    %swap3A_241 = arith.constant 22 : index
    %swap3A_242 = arith.constant 0 : index
    %swap3A_243 = vector.load %arg3[%swap3A_241, %swap3A_242] : memref<32x512xf32, #tpu.memory_space<vmem>>, vector<1x512xf32>
    tpu.vector_store %arg3[%swap3A_241, %swap3A_242], %add3A_240 {strides = array<i32>} : memref<32x512xf32, #tpu.memory_space<vmem>>, vector<1x512xf32>,
    %eq3A_244 = arith.constant 7 : i32
    %eq3A_245 = vector.broadcast %eq3A_244 : i32 to vector<512x512xi32>
    %eq3A_246 = arith.cmpi eq, %convert_element_type3A_35, %eq3A_245 : vector<512x512xi32>
    %jit3A_247 = arith.constant 0.000000e+00 : f32
    %broadcast_in_dim3A_248 = vector.broadcast %jit3A_247 : f32 to vector<512x512xf32>
    %select_n3A_249 = arith.select %eq3A_246, %mul3A_28, %broadcast_in_dim3A_248 : vector<512x512xi1>, vector<512x512xf32>
    %dot_general3A_250 = arith.constant dense<0.000000e+00> : vector<1x512xf32>
    %dot_general3A_251 = tpu.matmul %broadcast_in_dim3A_38, %select_n3A_249, %dot_general3A_250 {dimension_numbers = #tpu.dot_dimension_numbers<[1], [0], [0], [1], [0, 0, 1, 1], [], []>, transpose_lhs_hint = false} : vector<1x512xf32>, vector<512x512xf32>, vector<1x512xf32> -> vector<1x512xf32>
    %get3A_252 = arith.constant 7 : index
    %get3A_253 = arith.constant 0 : index
    %get3A_254 = vector.load %arg3[%get3A_252, %get3A_253] : memref<32x512xf32, #tpu.memory_space<vmem>>, vector<1x512xf32>
    %add3A_255 = arith.addf %get3A_254, %dot_general3A_251 : vector<1x512xf32>
    %swap3A_256 = arith.constant 7 : index
    %swap3A_257 = arith.constant 0 : index
    %swap3A_258 = vector.load %arg3[%swap3A_256, %swap3A_257] : memref<32x512xf32, #tpu.memory_space<vmem>>, vector<1x512xf32>
    tpu.vector_store %arg3[%swap3A_256, %swap3A_257], %add3A_255 {strides = array<i32>} : memref<32x512xf32, #tpu.memory_space<vmem>>, vector<1x512xf32>,
    %and3A_259 = arith.andi %eq3A_246, %gt3A_37 : vector<512x512xi1>
    %jit3A_260 = arith.constant 1.000000e+00 : f32
    %jit3A_261 = arith.constant 0.000000e+00 : f32
    %broadcast_in_dim3A_262 = vector.broadcast %jit3A_260 : f32 to vector<512x512xf32>
    %broadcast_in_dim3A_263 = vector.broadcast %jit3A_261 : f32 to vector<512x512xf32>
    %select_n3A_264 = arith.select %and3A_259, %broadcast_in_dim3A_262, %broadcast_in_dim3A_263 : vector<512x512xi1>, vector<512x512xf32>
    %dot_general3A_265 = arith.constant dense<0.000000e+00> : vector<1x512xf32>
    %dot_general3A_266 = tpu.matmul %broadcast_in_dim3A_38, %select_n3A_264, %dot_general3A_265 {dimension_numbers = #tpu.dot_dimension_numbers<[1], [0], [0], [1], [0, 0, 1, 1], [], []>, transpose_lhs_hint = false} : vector<1x512xf32>, vector<512x512xf32>, vector<1x512xf32> -> vector<1x512xf32>
    %get3A_267 = arith.constant 23 : index
    %get3A_268 = arith.constant 0 : index
    %get3A_269 = vector.load %arg3[%get3A_267, %get3A_268] : memref<32x512xf32, #tpu.memory_space<vmem>>, vector<1x512xf32>
    %add3A_270 = arith.addf %get3A_269, %dot_general3A_266 : vector<1x512xf32>
    %swap3A_271 = arith.constant 23 : index
    %swap3A_272 = arith.constant 0 : index
    %swap3A_273 = vector.load %arg3[%swap3A_271, %swap3A_272] : memref<32x512xf32, #tpu.memory_space<vmem>>, vector<1x512xf32>
    tpu.vector_store %arg3[%swap3A_271, %swap3A_272], %add3A_270 {strides = array<i32>} : memref<32x512xf32, #tpu.memory_space<vmem>>, vector<1x512xf32>,
    %eq3A_274 = arith.constant 8 : i32
    %eq3A_275 = vector.broadcast %eq3A_274 : i32 to vector<512x512xi32>
    %eq3A_276 = arith.cmpi eq, %convert_element_type3A_35, %eq3A_275 : vector<512x512xi32>
    %jit3A_277 = arith.constant 0.000000e+00 : f32
    %broadcast_in_dim3A_278 = vector.broadcast %jit3A_277 : f32 to vector<512x512xf32>
    %select_n3A_279 = arith.select %eq3A_276, %mul3A_28, %broadcast_in_dim3A_278 : vector<512x512xi1>, vector<512x512xf32>
    %dot_general3A_280 = arith.constant dense<0.000000e+00> : vector<1x512xf32>
    %dot_general3A_281 = tpu.matmul %broadcast_in_dim3A_38, %select_n3A_279, %dot_general3A_280 {dimension_numbers = #tpu.dot_dimension_numbers<[1], [0], [0], [1], [0, 0, 1, 1], [], []>, transpose_lhs_hint = false} : vector<1x512xf32>, vector<512x512xf32>, vector<1x512xf32> -> vector<1x512xf32>
    %get3A_282 = arith.constant 8 : index
    %get3A_283 = arith.constant 0 : index
    %get3A_284 = vector.load %arg3[%get3A_282, %get3A_283] : memref<32x512xf32, #tpu.memory_space<vmem>>, vector<1x512xf32>
    %add3A_285 = arith.addf %get3A_284, %dot_general3A_281 : vector<1x512xf32>
    %swap3A_286 = arith.constant 8 : index
    %swap3A_287 = arith.constant 0 : index
    %swap3A_288 = vector.load %arg3[%swap3A_286, %swap3A_287] : memref<32x512xf32, #tpu.memory_space<vmem>>, vector<1x512xf32>
    tpu.vector_store %arg3[%swap3A_286, %swap3A_287], %add3A_285 {strides = array<i32>} : memref<32x512xf32, #tpu.memory_space<vmem>>, vector<1x512xf32>,
    %and3A_289 = arith.andi %eq3A_276, %gt3A_37 : vector<512x512xi1>
    %jit3A_290 = arith.constant 1.000000e+00 : f32
    %jit3A_291 = arith.constant 0.000000e+00 : f32
    %broadcast_in_dim3A_292 = vector.broadcast %jit3A_290 : f32 to vector<512x512xf32>
    %broadcast_in_dim3A_293 = vector.broadcast %jit3A_291 : f32 to vector<512x512xf32>
    %select_n3A_294 = arith.select %and3A_289, %broadcast_in_dim3A_292, %broadcast_in_dim3A_293 : vector<512x512xi1>, vector<512x512xf32>
    %dot_general3A_295 = arith.constant dense<0.000000e+00> : vector<1x512xf32>
    %dot_general3A_296 = tpu.matmul %broadcast_in_dim3A_38, %select_n3A_294, %dot_general3A_295 {dimension_numbers = #tpu.dot_dimension_numbers<[1], [0], [0], [1], [0, 0, 1, 1], [], []>, transpose_lhs_hint = false} : vector<1x512xf32>, vector<512x512xf32>, vector<1x512xf32> -> vector<1x512xf32>
    %get3A_297 = arith.constant 24 : index
    %get3A_298 = arith.constant 0 : index
    %get3A_299 = vector.load %arg3[%get3A_297, %get3A_298] : memref<32x512xf32, #tpu.memory_space<vmem>>, vector<1x512xf32>
    %add3A_300 = arith.addf %get3A_299, %dot_general3A_296 : vector<1x512xf32>
    %swap3A_301 = arith.constant 24 : index
    %swap3A_302 = arith.constant 0 : index
    %swap3A_303 = vector.load %arg3[%swap3A_301, %swap3A_302] : memref<32x512xf32, #tpu.memory_space<vmem>>, vector<1x512xf32>
    tpu.vector_store %arg3[%swap3A_301, %swap3A_302], %add3A_300 {strides = array<i32>} : memref<32x512xf32, #tpu.memory_space<vmem>>, vector<1x512xf32>,
    %eq3A_304 = arith.constant 9 : i32
    %eq3A_305 = vector.broadcast %eq3A_304 : i32 to vector<512x512xi32>
    %eq3A_306 = arith.cmpi eq, %convert_element_type3A_35, %eq3A_305 : vector<512x512xi32>
    %jit3A_307 = arith.constant 0.000000e+00 : f32
    %broadcast_in_dim3A_308 = vector.broadcast %jit3A_307 : f32 to vector<512x512xf32>
    %select_n3A_309 = arith.select %eq3A_306, %mul3A_28, %broadcast_in_dim3A_308 : vector<512x512xi1>, vector<512x512xf32>
    %dot_general3A_310 = arith.constant dense<0.000000e+00> : vector<1x512xf32>
    %dot_general3A_311 = tpu.matmul %broadcast_in_dim3A_38, %select_n3A_309, %dot_general3A_310 {dimension_numbers = #tpu.dot_dimension_numbers<[1], [0], [0], [1], [0, 0, 1, 1], [], []>, transpose_lhs_hint = false} : vector<1x512xf32>, vector<512x512xf32>, vector<1x512xf32> -> vector<1x512xf32>
    %get3A_312 = arith.constant 9 : index
    %get3A_313 = arith.constant 0 : index
    %get3A_314 = vector.load %arg3[%get3A_312, %get3A_313] : memref<32x512xf32, #tpu.memory_space<vmem>>, vector<1x512xf32>
    %add3A_315 = arith.addf %get3A_314, %dot_general3A_311 : vector<1x512xf32>
    %swap3A_316 = arith.constant 9 : index
    %swap3A_317 = arith.constant 0 : index
    %swap3A_318 = vector.load %arg3[%swap3A_316, %swap3A_317] : memref<32x512xf32, #tpu.memory_space<vmem>>, vector<1x512xf32>
    tpu.vector_store %arg3[%swap3A_316, %swap3A_317], %add3A_315 {strides = array<i32>} : memref<32x512xf32, #tpu.memory_space<vmem>>, vector<1x512xf32>,
    %and3A_319 = arith.andi %eq3A_306, %gt3A_37 : vector<512x512xi1>
    %jit3A_320 = arith.constant 1.000000e+00 : f32
    %jit3A_321 = arith.constant 0.000000e+00 : f32
    %broadcast_in_dim3A_322 = vector.broadcast %jit3A_320 : f32 to vector<512x512xf32>
    %broadcast_in_dim3A_323 = vector.broadcast %jit3A_321 : f32 to vector<512x512xf32>
    %select_n3A_324 = arith.select %and3A_319, %broadcast_in_dim3A_322, %broadcast_in_dim3A_323 : vector<512x512xi1>, vector<512x512xf32>
    %dot_general3A_325 = arith.constant dense<0.000000e+00> : vector<1x512xf32>
    %dot_general3A_326 = tpu.matmul %broadcast_in_dim3A_38, %select_n3A_324, %dot_general3A_325 {dimension_numbers = #tpu.dot_dimension_numbers<[1], [0], [0], [1], [0, 0, 1, 1], [], []>, transpose_lhs_hint = false} : vector<1x512xf32>, vector<512x512xf32>, vector<1x512xf32> -> vector<1x512xf32>
    %get3A_327 = arith.constant 25 : index
    %get3A_328 = arith.constant 0 : index
    %get3A_329 = vector.load %arg3[%get3A_327, %get3A_328] : memref<32x512xf32, #tpu.memory_space<vmem>>, vector<1x512xf32>
    %add3A_330 = arith.addf %get3A_329, %dot_general3A_326 : vector<1x512xf32>
    %swap3A_331 = arith.constant 25 : index
    %swap3A_332 = arith.constant 0 : index
    %swap3A_333 = vector.load %arg3[%swap3A_331, %swap3A_332] : memref<32x512xf32, #tpu.memory_space<vmem>>, vector<1x512xf32>
    tpu.vector_store %arg3[%swap3A_331, %swap3A_332], %add3A_330 {strides = array<i32>} : memref<32x512xf32, #tpu.memory_space<vmem>>, vector<1x512xf32>,
    return
  }
  func.func @transform_0(%arg0: i32) -> (i32, i32, i32, i32) {
    %add3A = arith.constant 6 : i32
    %add3A_0 = arith.addi %arg0, %add3A : i32
    %c0_i32 = arith.constant 0 : i32
    %c0_i32_1 = arith.constant 0 : i32
    %c0_i32_2 = arith.constant 0 : i32
    %c0_i32_3 = arith.constant 0 : i32
    return %add3A_0, %c0_i32, %c0_i32_1, %c0_i32_2 : i32, i32, i32, i32
  }
  func.func @transform_1(%arg0: i32) -> (i32, i32, i32, i32) {
    %add3A = arith.constant 6 : i32
    %add3A_0 = arith.addi %arg0, %add3A : i32
    %c0_i32 = arith.constant 0 : i32
    %c0_i32_1 = arith.constant 0 : i32
    %c0_i32_2 = arith.constant 0 : i32
    %c0_i32_3 = arith.constant 0 : i32
    return %add3A_0, %c0_i32, %c0_i32_1, %c0_i32_2 : i32, i32, i32, i32
  }
  func.func @transform_2(%arg0: i32) -> (i32, i32) {
    %c0_i32 = arith.constant 0 : i32
    %c0_i32_0 = arith.constant 0 : i32
    %c0_i32_1 = arith.constant 0 : i32
    return %c0_i32, %c0_i32_0 : i32, i32
  }
}

module attributes {stable_mosaic.version = 14 : i64} {
  func.func @_epi_body(%arg0: memref<32x512xf32, #tpu.memory_space<vmem>>, %arg1: memref<32x512xf32, #tpu.memory_space<vmem>>, %arg2: memref<1x1xf32, #tpu.memory_space<smem>>) attributes {dimension_semantics = [], scalar_prefetch = 0 : i64, scratch_operands = 0 : i64, tpu.core_type = #tpu.core_type<tc>} {
    %get3A = arith.constant 0 : index
    %get3A_0 = arith.constant 0 : index
    %get3A_1 = vector.load %arg0[%get3A, %get3A_0] : memref<32x512xf32, #tpu.memory_space<vmem>>, vector<32x512xf32>
    %reduce_sum3A = arith.constant dense<0.000000e+00> : vector<512xf32>
    %reduce_sum3A_2 = vector.multi_reduction <add>, %get3A_1, %reduce_sum3A [0] : vector<32x512xf32> to vector<512xf32>
    %broadcast_in_dim3A = vector.shape_cast %reduce_sum3A_2 : vector<512xf32> to vector<1x512xf32>
    %iota3A = tpu.iota {dimensions = array<i32: 1>} : vector<32x512xi32>
    %jit3A = arith.constant 16 : i32
    %div3A = vector.broadcast %jit3A : i32 to vector<32x512xi32>
    %div3A_3 = arith.divsi %iota3A, %div3A : vector<32x512xi32>
    %sign3A = arith.constant 0 : i32
    %sign3A_4 = vector.broadcast %sign3A : i32 to vector<32x512xi32>
    %sign3A_5 = arith.cmpi sgt, %iota3A, %sign3A_4 : vector<32x512xi32>
    %sign3A_6 = arith.extui %sign3A_5 : vector<32x512xi1> to vector<32x512xi32>
    %sign3A_7 = arith.constant 0 : i32
    %sign3A_8 = vector.broadcast %sign3A_7 : i32 to vector<32x512xi32>
    %sign3A_9 = arith.cmpi slt, %iota3A, %sign3A_8 : vector<32x512xi32>
    %sign3A_10 = arith.extui %sign3A_9 : vector<32x512xi1> to vector<32x512xi32>
    %sign3A_11 = arith.subi %sign3A_6, %sign3A_10 : vector<32x512xi32>
    %sign3A_12 = arith.constant 0 : i32
    %sign3A_13 = arith.cmpi sgt, %jit3A, %sign3A_12 : i32
    %sign3A_14 = arith.extui %sign3A_13 : i1 to i32
    %sign3A_15 = arith.constant 0 : i32
    %sign3A_16 = arith.cmpi slt, %jit3A, %sign3A_15 : i32
    %sign3A_17 = arith.extui %sign3A_16 : i1 to i32
    %sign3A_18 = arith.subi %sign3A_14, %sign3A_17 : i32
    %ne3A = vector.broadcast %sign3A_18 : i32 to vector<32x512xi32>
    %ne3A_19 = arith.cmpi ne, %sign3A_11, %ne3A : vector<32x512xi32>
    %rem3A = vector.broadcast %jit3A : i32 to vector<32x512xi32>
    %rem3A_20 = arith.remsi %iota3A, %rem3A : vector<32x512xi32>
    %ne3A_21 = arith.constant 0 : i32
    %ne3A_22 = vector.broadcast %ne3A_21 : i32 to vector<32x512xi32>
    %ne3A_23 = arith.cmpi ne, %rem3A_20, %ne3A_22 : vector<32x512xi32>
    %and3A = arith.andi %ne3A_19, %ne3A_23 : vector<32x512xi1>
    %sub3A = arith.constant 1 : i32
    %sub3A_24 = vector.broadcast %sub3A : i32 to vector<32x512xi32>
    %sub3A_25 = arith.subi %div3A_3, %sub3A_24 : vector<32x512xi32>
    %select_n3A = arith.select %and3A, %sub3A_25, %div3A_3 : vector<32x512xi1>, vector<32x512xi32>
    %iota3A_26 = tpu.iota {dimensions = array<i32: 0>} : vector<32x512xi32>
    %eq3A = arith.cmpi eq, %select_n3A, %iota3A_26 : vector<32x512xi32>
    %convert_element_type3A = arith.extui %eq3A : vector<32x512xi1> to vector<32x512xi32>
    %convert_element_type3A_27 = arith.sitofp %convert_element_type3A : vector<32x512xi32> to vector<32x512xf32>
    %dot_general3A = arith.constant dense<0.000000e+00> : vector<32x1xf32>
    %dot_general3A_28 = tpu.matmul %convert_element_type3A_27, %broadcast_in_dim3A, %dot_general3A {dimension_numbers = #tpu.dot_dimension_numbers<[1], [1], [0], [0], [0, 0, 1, 0], [], []>, transpose_lhs_hint = false} : vector<32x512xf32>, vector<1x512xf32>, vector<32x1xf32> -> vector<32x1xf32>
    %get3A_29 = arith.constant 0 : index
    %get3A_30 = arith.constant 0 : index
    %get3A_31 = vector.load %arg1[%get3A_29, %get3A_30] : memref<32x512xf32, #tpu.memory_space<vmem>>, vector<32x512xf32>
    %reduce_sum3A_32 = arith.constant dense<0.000000e+00> : vector<32xf32>
    %reduce_sum3A_33 = vector.multi_reduction <add>, %get3A_31, %reduce_sum3A_32 [1] : vector<32x512xf32> to vector<32xf32>
    %broadcast_in_dim3A_34 = vector.shape_cast %reduce_sum3A_33 : vector<32xf32> to vector<32x1xf32>
    %add3A = arith.addf %dot_general3A_28, %broadcast_in_dim3A_34 : vector<32x1xf32>
    %slice3A = vector.extract_strided_slice %add3A {offsets = [0, 0], sizes = [16, 1], strides = [1, 1]} : vector<32x1xf32> to vector<16x1xf32>
    %slice3A_35 = vector.extract_strided_slice %add3A {offsets = [16, 0], sizes = [16, 1], strides = [1, 1]} : vector<32x1xf32> to vector<16x1xf32>
    %reduce_sum3A_36 = vector.shape_cast %slice3A_35 : vector<16x1xf32> to vector<1x16x1xf32>
    %reduce_sum3A_37 = arith.constant dense<0.000000e+00> : vector<1xf32>
    %reduce_sum3A_38 = vector.multi_reduction <add>, %reduce_sum3A_36, %reduce_sum3A_37 [1, 2] : vector<1x16x1xf32> to vector<1xf32>
    %reduce_sum3A_39 = vector.shape_cast %reduce_sum3A_38 : vector<1xf32> to vector<1x1x1xf32>
    %reduce_sum3A_40 = vector.extract %reduce_sum3A_39[0, 0, 0] : f32 from vector<1x1x1xf32>
    %max3A = arith.constant 1.000000e+00 : f32
    %max3A_41 = arith.maximumf %reduce_sum3A_40, %max3A : f32
    %gt3A = arith.constant 0.000000e+00 : f32
    %gt3A_42 = vector.broadcast %gt3A : f32 to vector<16x1xf32>
    %gt3A_43 = arith.cmpf ogt, %slice3A_35, %gt3A_42 : vector<16x1xf32>
    %mul3A = arith.constant 2.500000e-01 : f32
    %mul3A_44 = vector.broadcast %mul3A : f32 to vector<16x1xf32>
    %mul3A_45 = arith.mulf %mul3A_44, %slice3A_35 : vector<16x1xf32>
    %max3A_46 = arith.constant 9.99999996E-13 : f32
    %max3A_47 = vector.broadcast %max3A_46 : f32 to vector<16x1xf32>
    %max3A_48 = arith.maximumf %mul3A_45, %max3A_47 : vector<16x1xf32>
    %div3A_49 = vector.broadcast %max3A_41 : f32 to vector<16x1xf32>
    %div3A_50 = arith.divf %div3A_49, %max3A_48 : vector<16x1xf32>
    %jit3A_51 = arith.constant 0.000000e+00 : f32
    %broadcast_in_dim3A_52 = vector.broadcast %jit3A_51 : f32 to vector<16x1xf32>
    %select_n3A_53 = arith.select %gt3A_43, %div3A_50, %broadcast_in_dim3A_52 : vector<16x1xi1>, vector<16x1xf32>
    %jit3A_54 = arith.constant 1.000000e+00 : f32
    %jit3A_55 = arith.constant 0.000000e+00 : f32
    %broadcast_in_dim3A_56 = vector.broadcast %jit3A_54 : f32 to vector<16x1xf32>
    %broadcast_in_dim3A_57 = vector.broadcast %jit3A_55 : f32 to vector<16x1xf32>
    %select_n3A_58 = arith.select %gt3A_43, %broadcast_in_dim3A_56, %broadcast_in_dim3A_57 : vector<16x1xi1>, vector<16x1xf32>
    %reduce_sum3A_59 = vector.shape_cast %select_n3A_58 : vector<16x1xf32> to vector<1x16x1xf32>
    %reduce_sum3A_60 = arith.constant dense<0.000000e+00> : vector<1xf32>
    %reduce_sum3A_61 = vector.multi_reduction <add>, %reduce_sum3A_59, %reduce_sum3A_60 [1, 2] : vector<1x16x1xf32> to vector<1xf32>
    %reduce_sum3A_62 = vector.shape_cast %reduce_sum3A_61 : vector<1xf32> to vector<1x1x1xf32>
    %reduce_sum3A_63 = vector.extract %reduce_sum3A_62[0, 0, 0] : f32 from vector<1x1x1xf32>
    %mul3A_64 = arith.mulf %select_n3A_53, %slice3A : vector<16x1xf32>
    %reduce_sum3A_65 = vector.shape_cast %mul3A_64 : vector<16x1xf32> to vector<1x16x1xf32>
    %reduce_sum3A_66 = arith.constant dense<0.000000e+00> : vector<1xf32>
    %reduce_sum3A_67 = vector.multi_reduction <add>, %reduce_sum3A_65, %reduce_sum3A_66 [1, 2] : vector<1x16x1xf32> to vector<1xf32>
    %reduce_sum3A_68 = vector.shape_cast %reduce_sum3A_67 : vector<1xf32> to vector<1x1x1xf32>
    %reduce_sum3A_69 = vector.extract %reduce_sum3A_68[0, 0, 0] : f32 from vector<1x1x1xf32>
    %max3A_70 = arith.constant 1.000000e+00 : f32
    %max3A_71 = arith.maximumf %reduce_sum3A_63, %max3A_70 : f32
    %div3A_72 = arith.divf %reduce_sum3A_69, %max3A_71 : f32
    %div3A_73 = arith.divf %div3A_72, %max3A_41 : f32
    %swap3A = arith.constant 0 : index
    %swap3A_74 = arith.constant 0 : index
    %swap3A_75 = memref.load %arg2[%swap3A, %swap3A_74] : memref<1x1xf32, #tpu.memory_space<smem>>
    memref.store %div3A_73, %arg2[%swap3A, %swap3A_74] : memref<1x1xf32, #tpu.memory_space<smem>>
    return
  }
}

</mosaic_0001>

<sc_bundles>
// kernel: kernel.5.cloned.1.call-start
scs
__scs_entry_jumppad:
0x0: {  	(pc) =	sbr.rel $0x88, $3  }
0x1: {  	(tag) =	ssettag $0x0;
	lr =	simm.s32 $0x1  }
0x2: {  	[smem:$0x3F9F] =	sst lr;
	_ =	strace $0xD0000000  }
0x3: {  	_ = 	snop  }
0x4: {  	_ = 	snop  }
0x5: {  	_ = 	snop  }
0x6: {  	_ = 	snop  }
0x7: {  	_ = 	snop  }
__scs_overlays_trampoline_lowered:
0x8: {  	[smem:$0x3FAE] =	sst s0  }
0x9: {  	[smem:$0x3FAF] =	sst s1  }
0xa: {  	[smem:$0x3FB0] =	sst s2  }
0xb: {  	[smem:$0x3FB1] =	sst s3  }
0xc: {  	[smem:$0x3FB2] =	sst s4  }
0xd: {  	[smem:$0x3FB3] =	sst s5  }
0xe: {  	[smem:$0x3FB4] =	sst s6  }
0xf: {  	[smem:$0x3FB5] =	sst s7  }
0x10: {  	[smem:$0x3FB6] =	sst s8  }
0x11: {  	[smem:$0x3FB7] =	sst s9;
	s0 =	simm.s32 @!p0 $0x0  }
0x12: {  	s1 =	sld [smem:$0x3F9D];
	s0 =	simm.s32 @p0 $0x1  }
0x13: {  	[smem:$0x3FB8] =	sst s0;
	s0 =	simm.s32 @!p1 $0x0  }
0x14: {  	s2 =	sld [smem:$0x3F9C];
	s0 =	simm.s32 @p1 $0x1  }
0x15: {  	[smem:$0x3FB9] =	sst s0;
	s0 =	simm.s32 @!p2 $0x0  }
0x16: {  	s3 =	sld [smem:$0x3FDB];
	s0 =	simm.s32 @p2 $0x1  }
0x17: {  	s4 =	simm.s32 $0x1BF5;
	[smem:$0x3FBB] =	sst s0  }
0x18: {  	s0 =	sld [smem:$0x3F9E];
	_ =	swait.ge [sflag:s4], $0x0  }
0x19: {  	s7 =	sld [smem:$0x3F9F]  }
0x1a: {  	s8 =	sadd.s32 $0xFFFFE003, lr  }
0x1b: {  	s9 =	sadd.s32 $0xFFFFFEF7, lr;
	s5 =	simm.s32 $0xFFFFFFFF;
	p2 =	slt.u32 s8, $0xFFFFF086  }
0x1c: {  	p1 =	slt.u32 s9, $0xF7A;
	s5 =	simm.s32 @!p2 $0x0  }
0x1d: {  	s5 =	simm.s32 @p1 $0x1;
	p0 =	seq.s32 s7, s2  }
0x1e: {  	s7 =	smul.u32 @!p0 $0xF7A, s2;
	p2 =	seq.s32 @!p0 s5, $0x0  }
0x1f: {  	s9 =	smul.u32 $0xF7A, s1;
	s8 =	simm.s32 @!p0 $0x1BF5;
	p2 =	por !p2, p0  }
0x20: {  	[sflag:s8] =	ssyncset.s32 @!p0 $0xFFFFF086;
	s6 =	sadd.s32 @!p0 s3, s7;
	s7 =	simm.s32 @!p0 $0x108  }
0x21: {  	s3 =	sadd.s32 s3, s9;
	s6 =	sadd.s32 @!p0 $0x88, s6;
	s7 =	simm.s32 @p2 $0x1082  }
0x22: {  	[simem:s7], [sflag:s8] =	dma.local @!p0 [hbm:s6], $0xF7A  }
0x23: {  	s9 =	sor.u32 $0xD0000000, s2;
	s6 =	simm.s32 $0x108;
	_ =	swait.ge @!p0 [sflag:s8], $0x0  }
0x24: {  	s3 =	sadd.s32 $0x88, s3;
	s6 =	simm.s32 @!p1 $0x1082;
	[sflag:s4] =	ssyncset.s32 $0xFFFFF086  }
0x25: {  	[simem:s6], [sflag:s4] =	dma.local [hbm:s3], $0xF7A  }
0x26: {  	[smem:$0x3F9F] =	sst s1;
	(tag) =	ssettag s2;
	_ =	strace s9  }
0x27: {  	s1 =	sld [smem:$0x3FAF]  }
0x28: {  	s2 =	sld [smem:$0x3FB0]  }
0x29: {  	s4 =	sld [smem:$0x3FB2]  }
0x2a: {  	p0 =	seq.s32 s5, $0x0;
	s5 =	sld [smem:$0x3FB3]  }
0x2b: {  	s6 =	sld [smem:$0x3FB4]  }
0x2c: {  	s7 =	sld [smem:$0x3FB5]  }
0x2d: {  	s3 =	simm.s32 $0x108;
	s8 =	sld [smem:$0x3FB6]  }
0x2e: {  	s3 =	simm.s32 @!p0 $0x1082;
	s9 =	sld [smem:$0x3FB7]  }
0x2f: {  	lr =	sadd.s32 s0, s3;
	s0 =	sld [smem:$0x3FAE]  }
0x30: {  	s3 =	sld [smem:$0x3FB1]  }
0x31: {  	[smem:$0x3FBA] =	sst s10  }
0x32: {  	s10 =	sld [smem:$0x3FB8];
	_ =	sdelay $0x3  }
0x33: {  	p0 =	seq.s32 s10, $0x1;
	s10 =	sld [smem:$0x3FBA];
	_ =	sdelay $0x3  }
0x34: {  	[smem:$0x3FBA] =	sst s10  }
0x35: {  	s10 =	sld [smem:$0x3FB9];
	_ =	sdelay $0x3  }
0x36: {  	p1 =	seq.s32 s10, $0x1;
	s10 =	sld [smem:$0x3FBA];
	_ =	sdelay $0x3  }
0x37: {  	[smem:$0x3FBA] =	sst s10  }
0x38: {  	s10 =	sld [smem:$0x3FBB]  }
0x39: {  	_ = 	snop;
	(pc) =	sbr.ind lr, $3  }
0x3a: {  	_ = 	snop  }
0x3b: {  	_ = 	snop  }
0x3c: {  	p2 =	seq.s32 s10, $0x1;
	s10 =	sld [smem:$0x3FBA]  }
0x3d: {  	_ =	shalt  }
0x3e: {  	_ =	shalt  }
0x3f: {  	_ =	shalt  }
0x40: {  	_ =	shalt  }
0x41: {  	_ =	shalt  }
0x42: {  	_ =	shalt  }
0x43: {  	_ =	shalt  }
0x44: {  	_ =	shalt  }
0x45: {  	_ =	shalt  }
0x46: {  	_ =	shalt  }
0x47: {  	_ =	shalt  }
0x48: {  	_ =	shalt  }
0x49: {  	_ =	shalt  }
0x4a: {  	_ =	shalt  }
0x4b: {  	_ =	shalt  }
0x4c: {  	_ =	shalt  }
0x4d: {  	_ =	shalt  }
0x4e: {  	_ =	shalt  }
0x4f: {  	_ =	shalt  }
0x50: {  	_ =	shalt  }
0x51: {  	_ =	shalt  }
0x52: {  	_ =	shalt  }
0x53: {  	_ =	shalt  }
0x54: {  	_ =	shalt  }
0x55: {  	_ =	shalt  }
0x56: {  	_ =	shalt  }
0x57: {  	_ =	shalt  }
0x58: {  	_ =	shalt  }
0x59: {  	_ =	shalt  }
0x5a: {  	_ =	shalt  }
0x5b: {  	_ =	shalt  }
0x5c: {  	_ =	shalt  }
0x5d: {  	_ =	shalt  }
0x5e: {  	_ =	shalt  }
0x5f: {  	_ =	shalt  }
0x60: {  	_ =	shalt  }
0x61: {  	_ =	shalt  }
0x62: {  	_ =	shalt  }
0x63: {  	_ =	shalt  }
0x64: {  	_ =	shalt  }
0x65: {  	_ =	shalt  }
0x66: {  	_ =	shalt  }
0x67: {  	_ =	shalt  }
0x68: {  	_ =	shalt  }
0x69: {  	_ =	shalt  }
0x6a: {  	_ =	shalt  }
0x6b: {  	_ =	shalt  }
0x6c: {  	_ =	shalt  }
0x6d: {  	_ =	shalt  }
0x6e: {  	_ =	shalt  }
0x6f: {  	_ =	shalt  }
0x70: {  	_ =	shalt  }
0x71: {  	_ =	shalt  }
0x72: {  	_ =	shalt  }
0x73: {  	_ =	shalt  }
0x74: {  	_ =	shalt  }
0x75: {  	_ =	shalt  }
0x76: {  	_ =	shalt  }
0x77: {  	_ =	shalt  }
0x78: {  	_ =	shalt  }
0x79: {  	_ =	shalt  }
0x7a: {  	_ =	shalt  }
0x7b: {  	_ =	shalt  }
0x7c: {  	_ =	shalt  }
0x7d: {  	_ =	shalt  }
0x7e: {  	_ =	shalt  }
0x7f: {  	_ =	shalt  }
0x80: {  	_ =	shalt  }
0x81: {  	_ =	shalt  }
0x82: {  	_ =	shalt  }
0x83: {  	_ =	shalt  }
0x84: {  	_ =	shalt  }
0x85: {  	_ =	shalt  }
0x86: {  	_ =	shalt  }
0x87: {  	_ =	shalt  }
.Lfunc_end0:
.L_simem_size_0:
called_computation_lowered:
.L_overlay_start_0:
0x88: {  	s2 =	sld [smem:$0x3FD9]  }
0x89: {  	s3 =	sld [smem:$0x3FFE];
	_ =	sdelay $0x1  }
0x8a: {  	s1 =	srdreg.scid  }
0x8b: {  	s0 =	sand.u32 $0x1, s1  }
0x8c: {  	s17 =	sshll.u32 s0, $0xA;
	s2 =	sadd.s32 s3, s2  }
0x8d: {  	s2 =	sadd.s32 s2, s17  }
0x8e: {  	[smem:$0x3FC6] =	sst s2  }
0x8f: {  	_ = 	snop  }
0x90: {  	s2 =	sld [smem:$0x3FC9]  }
0x91: {  	s18 =	sld [smem:$0x3FC8];
	(tm) =	ssettm $0x1  }
0x92: {  	s4 =	sld [smem:$0x3FFB];
	_ =	sdelay $0x3  }
0x93: {  	_ =	strace s4  }
0x94: {  	s4 =	sld [smem:$0x3FFC];
	_ =	sdelay $0x3  }
0x95: {  	_ =	strace s4  }
0x96: {  	s4 =	sld [smem:$0x3FFD];
	_ =	sdelay $0x3  }
0x97: {  	_ =	strace s4  }
0x98: {  	_ =	strace $0x8FFFFFFF  }
0x99: {  	s19 =	sld [smem:$0x3FDB];
	_ =	sdelay $0x1  }
0x9a: {  	s5 =	simm.s32 $_scs_section_size  }
0x9b: {  	s6 =	simm.s32 $_size__tile_overlayer_lowered;
	s7 =	simm.s32 $_tile_overlayer_lowered  }
0x9c: {  	s22 =	simm.s32 $0x1BFF;
	s21 =	sshll.u32 s7, $0x1;
	s4 =	sadd.s32 s5, s19  }
0x9d: {  	s8 =	simm.s32 $0x0;
	s20 =	sshll.u32 s6, $0x1;
	s6 =	sadd.s32 s21, s4  }
0x9e: {  	[timem:s8], [sflag:s22] =	dma.local [hbm:s6], s20  }
0x9f: {  	_ =	swait.ge [sflag:s22], s20  }
0xa0: {  	s5 =	ssub.s32 $0x0, s20;
	[sflag:s22] =	ssyncset.done $0x0  }
0xa1: {  	[sflag:s22] =	ssyncadd.s32 s5;
	_ =	sdelay $0x1  }
0xa2: {  	s23 =	simm.s32 $0x1B8B  }
0xa3: {  	_ =	swait.ge [sflag:s23], $0x1  }
0xa4: {  	[sflag:s23] =	ssyncset.done $0x0  }
0xa5: {  	s25 =	simm.s32 $0x1B8E;
	s24 =	sld [smem:$0x3FFE];
	[sflag:s23] =	ssyncadd.s32 $0xFFFFFFFF  }
0xa6: {  	s26 =	simm.s32 $execute0_lowered;
	[smem:$0x3FD2] =	sst s25  }
0xa7: {  	s6 =	sshll.u32 s26, $0x1;
	_ =	strace $0x80000046;
	[dreg:$0x1] =	wrdreg $0xFFFFFFFF  }
0xa8: {  	s28 =	simm.s32 $_size_execute0_lowered;
	s4 =	sadd.s32 s4, s6;
	[dreg:$0x0] =	wrdreg $0x0  }
0xa9: {  	s6 =	sshll.u32 s28, $0x1;
	[dreg:$0x2] =	wrdreg s4  }
0xaa: {  	[dreg:$0x3] =	wrdreg s6  }
0xab: {  	[dreg:$0x4] =	wrdreg $0xC0  }
0xac: {  	_ =	task [dreg:s8], $0x5FFFF  }
0xad: {  	[dreg:$0x1] =	wrdreg $0xFFFFFFFF  }
0xae: {  	[dreg:$0x0] =	wrdreg $0x60  }
0xaf: {  	[dreg:$0x2] =	wrdreg s2  }
0xb0: {  	[dreg:$0x3] =	wrdreg s18  }
0xb1: {  	[dreg:$0x4] =	wrdreg s24  }
0xb2: {  	[dreg:$0x5] =	wrdreg $0x9  }
0xb3: {  	_ =	task.clear_ibuf [dreg:s8], $0x6FFFF;
	_ =	strace $0x90000046  }
0xb4: {  	s29 =	simm.s32 $0x9;
	_ =	strace $0x80000048  }
0xb5: {  	_ =	swait.ge [sflag:s29], $0x1  }
0xb6: {  	[sflag:s29] =	ssyncadd.s32 $0xFFFFFFFF  }
0xb7: {  	_ =	strace $0x90000048  }
0xb8: {  	_ =	sfence  }
0xb9: {  	s30 =	sld [smem:$0x0];
	_ =	sdelay $0x2  }
0xba: {  	s31 =	sshll.u32 s1, $0xD;
	s1 =	sshrl.u32 s1, $0x2  }
0xbb: {  	s3 =	sand.u32 $0x4000, s31;
	s1 =	sadd.s32 s1, s30  }
0xbc: {  	s0 =	sor.u32 s3, s0;
	s1 =	sshll.u32 s1, $0x11  }
0xbd: {  	s0 =	sor.u32 s1, s0  }
0xbe: {  	s0 =	sadd.s32 $0x8F2B, s0  }
0xbf: {  	[sflag:s0] =	ssyncadd.remote.s32 $0x1  }
0xc0: {  	_ =	sfence.sel $0xFFFF  }
0xc1: {  	[dreg:$0x0] =	wrdreg $0xFFFFFFFF;
	(pc) =	sbr.abs _section_cstart, $3  }
0xc2: {  	[dreg:$0x1] =	wrdreg $0xFFFFFFFF  }
0xc3: {  	_ =	task.clear_ibuf [dreg:s8], $0x2FFFF;
	_ =	strace $0x9FFFFFFF  }
0xc4: {  	(tm) =	ssettm $0x7FFFFFFF  }
0xc5: {  	_ =	shalt  }
tec
execute0_lowered:
.L_overlay_start_1:
0x0: {  	(tag) =	ssettag $0x1  }
0x1: {  	s0 =	rddreg [dreg:$0x0]  }
0x2: {  	s1 =	rddreg [dreg:$0x1]  }
0x3: {  	s6 =	stileid.u32;
	s2 =	srdreg.scid  }
0x4: {  	s4 =	rddreg [dreg:$0x2];
	s28 =	simm.s32 $0xA000;
	s29 =	simm.s32 $0x1  }
0x5: {  	s30 =	simm.s32 $0xC000;
	s31 =	simm.s32 $0x2;
	s5 =	sand.u32 $0x1, s2  }
0x6: {  	s3 =	sshll.u32 s6, $0x1;
	s2 =	simm.s32 $0x0;
	s7 =	sshll.u32 s6, $0x7  }
0x7: {  	s20 =	sadd.s32 $0x8000, s1;
	s3 =	sor.u32 s5, s3;
	[smem:$0x7FF] =	sst s2  }
0x8: {  	s7 =	sand.u32 $0x600, s7;
	s5 =	ssub.s32 $0x2, s5;
	s6 =	smul.u32 $0x60, s3  }
0x9: {  	_ =	strace $0x80000047;
	s8 =	smul.u32 $0xC000, s3;
	s9 =	sshrl.u32 s5, $0x1  }
0xa: {  	s4 =	sadd.s32 s7, s4;
	s3 =	sshll.u32 s3, $0x4;
	s5 =	ssub.s32 s5, s9  }
0xb: {  	s3 =	sand.u32 $0x70, s3;
	s15 =	sshrl.u32 s6, $0x9;
	s8 =	sand.u32 $0x3C000, s8  }
0xc: {  	s19 =	sadd.s32 $0x20, s6;
	s25 =	sadd.s32 $0x30, s6;
	s10 =	sshll.u32 s15, $0x12  }
0xd: {  	s7 =	sshll.u32 s15, $0x13;
	s21 =	sshrl.u32 s19, $0x9;
	s26 =	sshrl.u32 s25, $0x9  }
0xe: {  	s15 =	sadd.s32 $0x40, s6;
	s6 =	sadd.s32 $0x50, s6;
	s16 =	sor.u32 s8, s10  }
0xf: {  	s11 =	sor.u32 s8, s7;
	s8 =	sor.u32 $0x2000, s8;
	s22 =	sshll.u32 s21, $0x12  }
0x10: {  	s12 =	sshll.u32 s26, $0x12;
	s9 =	sshrl.u32 s16, $0x3;
	s17 =	sshrl.u32 s11, $0x3  }
0x11: {  	s10 =	sor.u32 s8, s10;
	s7 =	sor.u32 s8, s7;
	s9 =	sadd.s32 s0, s9  }
0x12: {  	s8 =	sshll.u32 s21, $0x13;
	s11 =	sadd.s32 s1, s17;
	[dreg:$0x4] =	wrdreg s9  }
0x13: {  	s10 =	sshrl.u32 s10, $0x3;
	[dreg:$0x5] =	wrdreg s11;
	s9 =	sadd.s32 s17, s20  }
0x14: {  	s7 =	sshrl.u32 s7, $0x3;
	s18 =	sadd.s32 s0, s10;
	[dreg:$0x6] =	wrdreg s9  }
0x15: {  	s16 =	sshrl.u32 s15, $0x9;
	s23 =	sadd.s32 s1, s7;
	[dreg:$0x7] =	wrdreg s18  }
0x16: {  	s7 =	sadd.s32 s7, s20;
	s10 =	sshll.u32 s25, $0x9;
	[dreg:$0x8] =	wrdreg s23  }
0x17: {  	s17 =	sshll.u32 s16, $0x12;
	s9 =	sshll.u32 s19, $0x9;
	[dreg:$0x9] =	wrdreg s7  }
0x18: {  	s10 =	sand.u32 $0x3E000, s10;
	s23 =	sshrl.u32 s6, $0x9;
	s6 =	sshll.u32 s6, $0x9  }
0x19: {  	s9 =	sand.u32 $0x3C000, s9;
	s14 =	sor.u32 s10, s12;
	s6 =	sand.u32 $0x3E000, s6  }
0x1a: {  	s24 =	sor.u32 s9, s22;
	s8 =	sor.u32 s9, s8;
	s9 =	sshll.u32 s26, $0x13  }
0x1b: {  	s22 =	sshll.u32 s16, $0x13;
	s26 =	sadd.s32 s3, s4;
	s7 =	sshrl.u32 s24, $0x3  }
0x1c: {  	s8 =	sshrl.u32 s8, $0x3;
	s9 =	sor.u32 s10, s9;
	s7 =	sadd.s32 s0, s7  }
0x1d: {  	s24 =	sshll.u32 s23, $0x12;
	s13 =	sadd.s32 s1, s8;
	[dreg:$0xa] =	wrdreg s7  }
0x1e: {  	s8 =	sadd.s32 s8, s20;
	s18 =	sshrl.u32 s9, $0x3;
	[dreg:$0xb] =	wrdreg s13  }
0x1f: {  	s9 =	sor.u32 s6, s24;
	s24 =	simm.s32 $0x4000;
	[dreg:$0xc] =	wrdreg s8  }
0x20: {  	s7 =	sshrl.u32 s14, $0x3;
	s8 =	sshll.u32 s15, $0x9;
	s13 =	sadd.s32 s1, s18  }
0x21: {  	s14 =	sadd.s32 s18, s20;
	s25 =	sshrl.u32 s9, $0x3;
	s8 =	sand.u32 $0x3C000, s8  }
0x22: {  	s12 =	sadd.s32 s0, s7;
	s18 =	sadd.s32 s0, s25;
	s25 =	simm.s32 $0x6000  }
0x23: {  	s19 =	sor.u32 s8, s17;
	s7 =	sor.u32 s8, s22;
	s8 =	sshll.u32 s23, $0x13  }
0x24: {  	s22 =	smax.u32 s5, $0x1;
	s23 =	simm.s32 $0x2000;
	s21 =	sshrl.u32 s19, $0x3  }
0x25: {  	s7 =	sshrl.u32 s7, $0x3;
	s6 =	sor.u32 s6, s8;
	s15 =	sadd.s32 s0, s21  }
0x26: {  	s16 =	sadd.s32 s1, s7;
	s17 =	sadd.s32 s7, s20;
	s6 =	sshrl.u32 s6, $0x3  }
0x27: {  	v0 =	vlaneseq.u32;
	s21 =	sadd.s32 $0x800, s26;
	s26 =	simm.s32 $0x8000;
	s0 =	simm.s32 $0x0  }
0x28: {  	v1 =	vimm.f32 $0.0e+00;
	v3 =	vimm.f32 $1.000000000e+00;
	v2 =	vor.u32 $0x100, v0;
	s19 =	sadd.s32 s1, s6;
	s20 =	sadd.s32 s6, s20;
	s1 =	simm.s32 $0x3  }
.LBB2_1:
0x29: {  	[tilespmem:$0xC000] =	vst v1  }
0x2a: {  	[tilespmem:$0xC010] =	vst v1  }
0x2b: {  	[tilespmem:$0xC020] =	vst v1  }
0x2c: {  	[tilespmem:$0xC030] =	vst v1  }
0x2d: {  	[tilespmem:$0xC040] =	vst v1  }
0x2e: {  	[tilespmem:$0xC050] =	vst v1  }
0x2f: {  	[tilespmem:$0xC060] =	vst v1  }
0x30: {  	[tilespmem:$0xC070] =	vst v1  }
0x31: {  	[tilespmem:$0xC080] =	vst v1  }
0x32: {  	[tilespmem:$0xC090] =	vst v1  }
0x33: {  	[tilespmem:$0xC0A0] =	vst v1  }
0x34: {  	[tilespmem:$0xC0B0] =	vst v1  }
0x35: {  	[tilespmem:$0xC0C0] =	vst v1  }
0x36: {  	[tilespmem:$0xC0D0] =	vst v1  }
0x37: {  	[tilespmem:$0xC0E0] =	vst v1  }
0x38: {  	[tilespmem:$0xC0F0] =	vst v1  }
0x39: {  	[tilespmem:$0xC100] =	vst v1  }
0x3a: {  	[tilespmem:$0xC110] =	vst v1  }
0x3b: {  	[tilespmem:$0xC120] =	vst v1  }
0x3c: {  	[tilespmem:$0xC130] =	vst v1  }
0x3d: {  	[tilespmem:$0xC140] =	vst v1  }
0x3e: {  	[tilespmem:$0xC150] =	vst v1  }
0x3f: {  	[tilespmem:$0xC160] =	vst v1  }
0x40: {  	[tilespmem:$0xC170] =	vst v1  }
0x41: {  	[tilespmem:$0xC180] =	vst v1  }
0x42: {  	[tilespmem:$0xC190] =	vst v1  }
0x43: {  	[tilespmem:$0xC1A0] =	vst v1  }
0x44: {  	[tilespmem:$0xC1B0] =	vst v1  }
0x45: {  	[tilespmem:$0xC1C0] =	vst v1  }
0x46: {  	[tilespmem:$0xC1D0] =	vst v1  }
0x47: {  	[tilespmem:$0xC1E0] =	vst v1  }
0x48: {  	[tilespmem:$0xC1F0] =	vst v1;
	s3 =	rddreg [dreg:$0x4]  }
0x49: {  	[tilespmem:s2], [sflag:$0x1] =	stream.linear.gather [hbm4b:s3+s2], $0x2000, $0x38;
	[tilespmem:$0xC200] =	vst v63  }
0x4a: {  	s5 =	rddreg [dreg:$0x5]  }
0x4b: {  	[tilespmem:s23], [sflag:$0x1] =	stream.linear.gather [hbm4b:s5+s2], $0x2000, $0x38;
	[tilespmem:$0xC200] =	vst v63  }
0x4c: {  	s6 =	rddreg [dreg:$0x6]  }
0x4d: {  	[tilespmem:s24], [sflag:$0x1] =	stream.linear.gather [hbm4b:s6+s2], $0x2000, $0x38;
	[tilespmem:$0xC200] =	vst v63  }
0x4e: {  	s7 =	rddreg [dreg:$0x7]  }
0x4f: {  	[tilespmem:s25], [sflag:$0x2] =	stream.linear.gather [hbm4b:s7+s2], $0x2000, $0x38;
	[tilespmem:$0xC200] =	vst v63  }
0x50: {  	s8 =	rddreg [dreg:$0x8]  }
0x51: {  	[tilespmem:s26], [sflag:$0x2] =	stream.linear.gather [hbm4b:s8+s2], $0x2000, $0x38;
	[tilespmem:$0xC200] =	vst v63  }
0x52: {  	s9 =	rddreg [dreg:$0x9]  }
0x53: {  	[tilespmem:s28], [sflag:$0x2] =	stream.linear.gather [hbm4b:s9+s2], $0x2000, $0x38;
	[tilespmem:$0xC200] =	vst v63  }
0x54: {  	_ =	swait.ge [sflag:s29], $0x2000  }
0x55: {  	[sflag:s29] =	ssyncset.done $0x0  }
0x56: {  	[sflag:s29] =	ssyncadd.s32 $0xFFFFE000  }
0x57: {  	_ =	swait.ge [sflag:s29], $0x2000  }
0x58: {  	s10 =	sand.u32 $0x40, s2;
	s4 =	simm.s32 $0x0;
	[sflag:s29] =	ssyncset.done $0x0  }
0x59: {  	s4 =	sand.u32 $0x1000, s4;
	s5 =	sand.u32 $0xC00, s2;
	[sflag:s29] =	ssyncadd.s32 $0xFFFFE000  }
0x5a: {  	s3 =	sor.u32 s10, s5;
	s6 =	simm.s32 $0x0;
	_ =	swait.ge [sflag:s29], $0x2000  }
0x5b: {  	s3 =	sor.u32 s4, s3;
	s11 =	sand.u32 $0x380, s6;
	[sflag:s29] =	ssyncset.done $0x0  }
0x5c: {  	s3 =	sor.u32 s11, s3;
	[sflag:s29] =	ssyncadd.s32 $0xFFFFE000  }
0x5d: {  	v9 =	vld [tilespmem:s3+$0x2000]  }
0x5e: {  	v8 =	vld [tilespmem:s3+$0x2010];
	_ =	sdelay $0x1  }
0x5f: {  	v7 =	vld [tilespmem:s3+$0x2020]  }
0x60: {  	v6 =	vld [tilespmem:s3+$0x2030]  }
0x61: {  	v4 =	vadd.f32 $9.999999740e-05, v9  }
0x62: {  	v11 =	vld [tilespmem:s3+$0x10];
	v10 =	vadd.f32 $9.999999740e-05, v8  }
0x63: {  	(erf) = vrcp.f32 v4  }
0x64: {  	v12 =	vld [tilespmem:s3+$0x0];
	v13 =	vadd.f32 $9.999999740e-05, v7;
	(erf) = vrcp.f32 v10  }
0x65: {  	v14 =	vadd.f32 $9.999999740e-05, v6  }
0x66: {  	s5 =	simm.s32 $0x200;
	v5 =	vld [tilespmem:s3+$0x4000];
	(erf) = vrcp.f32 v13  }
0x67: {  	s4 =	simm.s32 $0x40;
	s10 =	sand.u32 $0xC00, s5;
	v8 =	vsub.f32 v11, v8;
	v11 =	vld [tilespmem:s3+$0x30];
	(erf) = vrcp.f32 v14  }
0x68: {  	s6 =	simm.s32 $0x2;
	s7 =	simm.s32 $0x40;
	s9 =	sand.u32 $0x40, s4;
	v4 =	vld [tilespmem:s3+$0x4010]  }
0x69: {  	s8 =	sand.u32 $0x1000, s7;
	s7 =	simm.s32 $0x10;
	s9 =	sor.u32 s9, s10;
	v9 =	vsub.f32 v12, v9;
	v10 =	vld [tilespmem:s3+$0x20]  }
.LBB2_2:
0x6a: {  	s11 =	sand.u32 $0x380, s7  }
0x6b: {  	s8 =	sor.u32 s8, s9;
	s7 =	smov.u32 s6;
	s10 =	sadd.s32 $0x1, s6  }
0x6c: {  	p0 =	sne.s32 s6, $0x7F;
	s8 =	sor.u32 s11, s8;
	v12 =	vpop (erf)  }
0x6d: {  	v9 =	vmul.f32 v12, v9;
	v12 =	vpop (erf)  }
0x6e: {  	v8 =	vmul.f32 v12, v8;
	v7 =	vsub.f32 v10, v7  }
0x6f: {  	v10 =	vmul.f32 v9, v9;
	v6 =	vsub.f32 v11, v6;
	v11 =	vpop (erf)  }
0x70: {  	v12 =	vmul.f32 v8, v8;
	v7 =	vmul.f32 v11, v7;
	v11 =	vpop (erf)  }
0x71: {  	v10 =	vadd.f32 $3.999999900e-04, v10;
	v6 =	vmul.f32 v11, v6  }
0x72: {  	v11 =	vadd.f32 $3.999999900e-04, v12;
	v12 =	vmul.f32 v7, v7  }
0x73: {  	v13 =	vshra.s32 v10, $0x1;
	v14 =	vmul.f32 $5.000000000e-01, v10;
	v15 =	vmul.f32 v6, v6  }
0x74: {  	v16 =	vld [tilespmem:s3+$0x4020];
	v13 =	vsub.s32 $0x5F3759DF, v13;
	v17 =	vshra.s32 v11, $0x1;
	v18 =	vmul.f32 $5.000000000e-01, v11  }
0x75: {  	v12 =	vadd.f32 $3.999999900e-04, v12;
	v17 =	vsub.s32 $0x5F3759DF, v17;
	v15 =	vadd.f32 $3.999999900e-04, v15  }
0x76: {  	v14 =	vmul.f32 v13, v14;
	v18 =	vmul.f32 v17, v18  }
0x77: {  	v19 =	vshra.s32 v12, $0x1;
	v20 =	vshra.s32 v15, $0x1;
	v21 =	vmul.f32 $5.000000000e-01, v15  }
0x78: {  	v22 =	vmul.f32 $5.000000000e-01, v12;
	v14 =	vmul.f32 v13, v14;
	v19 =	vsub.s32 $0x5F3759DF, v19  }
0x79: {  	vm0 =	vgt.f32 v5, $0.0e+00;
	v18 =	vmul.f32 v17, v18;
	v20 =	vsub.s32 $0x5F3759DF, v20  }
0x7a: {  	v22 =	vmul.f32 v19, v22;
	v14 =	vsub.f32 $1.500000000e+00, v14;
	v21 =	vmul.f32 v20, v21  }
0x7b: {  	v7 =	vand.u32 $0x7FFFFFFF, v7;
	v6 =	vand.u32 $0x7FFFFFFF, v6;
	v18 =	vsub.f32 $1.500000000e+00, v18  }
0x7c: {  	v8 =	vand.u32 $0x7FFFFFFF, v8;
	v13 =	vmul.f32 v13, v14;
	v14 =	vmul.f32 v19, v22  }
0x7d: {  	v9 =	vand.u32 $0x7FFFFFFF, v9;
	v17 =	vmul.f32 v17, v18;
	v18 =	vmul.f32 v20, v21  }
0x7e: {  	v10 =	vmul.f32 v13, v10;
	v9 =	vmul.f32 v13, v9;
	v13 =	vsub.f32 $1.500000000e+00, v14  }
0x7f: {  	v11 =	vmul.f32 v17, v11;
	v8 =	vmul.f32 v17, v8;
	v14 =	vsub.f32 $1.500000000e+00, v18  }
0x80: {  	v10 =	vadd.f32 $-1.999999960e-02, v10;
	v9 =	vmul.f32 $1.000000000e+01, v9;
	v13 =	vmul.f32 v19, v13  }
0x81: {  	v11 =	vadd.f32 $-1.999999960e-02, v11;
	v8 =	vmul.f32 $1.000000000e+01, v8;
	v14 =	vmul.f32 v20, v14  }
0x82: {  	v5 =	vmul.f32 v10, v5;
	v9 =	vmin.f32 v9, $9.000000000e+00;
	v7 =	vmul.f32 v13, v7  }
0x83: {  	v9 =	vtrunc.f32 v9;
	v8 =	vmin.f32 v8, $9.000000000e+00;
	v6 =	vmul.f32 v14, v6  }
0x84: {  	vm2 =	vgt.f32 v4, $0.0e+00;
	v9 =	vcvt.f32.s32 v9;
	v7 =	vmul.f32 $1.000000000e+01, v7  }
0x85: {  	vm1 =	vgt.f32 v16, $0.0e+00;
	v8 =	vtrunc.f32 v8;
	v6 =	vmul.f32 $1.000000000e+01, v6  }
0x86: {  	v8 =	vcvt.f32.s32 v8;
	v9 =	vshll.u32 v9, $0x4;
	v7 =	vmin.f32 v7, $9.000000000e+00  }
0x87: {  	v7 =	vtrunc.f32 v7;
	v6 =	vmin.f32 v6, $9.000000000e+00;
	v10 =	vor.u32 v0, v9  }
0x88: {  	v8 =	vshll.u32 v8, $0x4;
	v9 =	vadd.s32 v2, v9;
	v7 =	vcvt.f32.s32 v7;
	v17 =	vld [tilespmem:s3+$0x4030];
	s3 =	smov.u32 s8  }
0x89: {  	v12 =	vmul.f32 v13, v12;
	v6 =	vtrunc.f32 v6;
	v13 =	vor.u32 v0, v8  }
0x8a: {  	v8 =	vadd.s32 v2, v8;
	v6 =	vcvt.f32.s32 v6;
	v7 =	vshll.u32 v7, $0x4  }
0x8b: {  	v4 =	vmul.f32 v11, v4;
	v11 =	vadd.f32 $-1.999999960e-02, v12;
	v12 =	vor.u32 v0, v7  }
0x8c: {  	v14 =	vmul.f32 v14, v15;
	v6 =	vshll.u32 v6, $0x4;
	[tilespmem:v10+s30+$0x0] =	vst.idx.add.f32.msk $0xffff, v5;
	v5 =	vadd.s32 v2, v7  }
0x8d: {  	v7 =	vmul.f32 v11, v16;
	[tilespmem:v9+s30+$0x0] =	vst.idx.add.f32.msk vm0, v3;
	v9 =	vor.u32 v0, v6;
	vm0 =	vgt.f32 v17, $0.0e+00  }
0x8e: {  	v10 =	vadd.f32 $-1.999999960e-02, v14;
	[tilespmem:v13+s30+$0x0] =	vst.idx.add.f32.msk $0xffff, v4;
	v4 =	vadd.s32 v2, v6  }
0x8f: {  	[tilespmem:v8+s30+$0x0] =	vst.idx.add.f32.msk vm2, v3  }
0x90: {  	v6 =	vmul.f32 v10, v17;
	[tilespmem:v12+s30+$0x0] =	vst.idx.add.f32.msk $0xffff, v7  }
0x91: {  	[tilespmem:v5+s30+$0x0] =	vst.idx.add.f32.msk vm1, v3  }
0x92: {  	[tilespmem:v9+s30+$0x0] =	vst.idx.add.f32.msk $0xffff, v6  }
0x93: {  	[tilespmem:v4+s30+$0x0] =	vst.idx.add.f32.msk vm0, v3  }
0x94: {  	v9 =	vld [tilespmem:s3+$0x2000]  }
0x95: {  	v8 =	vld [tilespmem:s3+$0x2010]  }
0x96: {  	v5 =	vld [tilespmem:s3+$0x4000]  }
0x97: {  	v7 =	vld [tilespmem:s3+$0x2020]  }
0x98: {  	v6 =	vld [tilespmem:s3+$0x2030]  }
0x99: {  	v10 =	vld [tilespmem:s3+$0x10];
	v4 =	vadd.f32 $9.999999740e-05, v9  }
0x9a: {  	v11 =	vld [tilespmem:s3+$0x0];
	v12 =	vadd.f32 $9.999999740e-05, v8  }
0x9b: {  	(erf) = vrcp.f32 v4  }
0x9c: {  	v13 =	vadd.f32 $9.999999740e-05, v7;
	(erf) = vrcp.f32 v12  }
0x9d: {  	v12 =	vadd.f32 $9.999999740e-05, v6  }
.Ltmp0:
0x9e: {  	v4 =	vld [tilespmem:s3+$0x4010];
	v8 =	vsub.f32 v10, v8;
	(erf) = vrcp.f32 v13;
	(pc) =	sbr.rel @p0 .LBB2_2-.Ltmp0, $4  }
0x9f: {  	s4 =	sadd.s32 $0x40, s4;
	s5 =	sadd.s32 $0x200, s5;
	v9 =	vsub.f32 v11, v9;
	(erf) = vrcp.f32 v12  }
0xa0: {  	s6 =	sand.u32 $0x40, s4;
	s9 =	sand.u32 $0xC00, s5  }
0xa1: {  	s9 =	sor.u32 s6, s9;
	s8 =	sshll.u32 s7, $0x6;
	v10 =	vld [tilespmem:s3+$0x20]  }
0xa2: {  	s6 =	smov.u32 s10;
	s7 =	sshll.u32 s7, $0x4;
	s8 =	sand.u32 $0x1000, s8;
	v11 =	vld [tilespmem:s3+$0x30]  }
0xa3: {  	_ = 	snop  }
0xa4: {  	v12 =	vpop (erf)  }
0xa5: {  	v9 =	vmul.f32 v12, v9  }
0xa6: {  	v34 =	vpop (erf)  }
0xa7: {  	v8 =	vmul.f32 v34, v8;
	v7 =	vsub.f32 v10, v7;
	v10 =	vmul.f32 v9, v9  }
0xa8: {  	v6 =	vsub.f32 v11, v6;
	v11 =	vpop (erf)  }
0xa9: {  	v12 =	vmul.f32 v8, v8;
	v7 =	vmul.f32 v11, v7;
	v11 =	vpop (erf);
	v10 =	vadd.f32 $3.999999900e-04, v10  }
0xaa: {  	vm0 =	vgt.f32 v5, $0.0e+00;
	v6 =	vmul.f32 v11, v6  }
0xab: {  	v11 =	vadd.f32 $3.999999900e-04, v12;
	v35 =	vmul.f32 v7, v7;
	v13 =	vshra.s32 v10, $0x1  }
0xac: {  	v14 =	vmul.f32 $5.000000000e-01, v10;
	v15 =	vmul.f32 v6, v6;
	v13 =	vsub.s32 $0x5F3759DF, v13  }
0xad: {  	v16 =	vshra.s32 v11, $0x1;
	v17 =	vmul.f32 $5.000000000e-01, v11;
	v12 =	vadd.f32 $3.999999900e-04, v35  }
0xae: {  	v16 =	vsub.s32 $0x5F3759DF, v16;
	v15 =	vadd.f32 $3.999999900e-04, v15;
	v14 =	vmul.f32 v13, v14  }
0xaf: {  	vm1 =	vgt.f32 v4, $0.0e+00;
	v17 =	vmul.f32 v16, v17;
	v18 =	vshra.s32 v12, $0x1  }
0xb0: {  	v21 =	vmul.f32 $5.000000000e-01, v12;
	v19 =	vshra.s32 v15, $0x1;
	v14 =	vmul.f32 v13, v14  }
0xb1: {  	v20 =	vmul.f32 $5.000000000e-01, v15;
	v18 =	vsub.s32 $0x5F3759DF, v18;
	v17 =	vmul.f32 v16, v17  }
0xb2: {  	v19 =	vsub.s32 $0x5F3759DF, v19;
	v21 =	vmul.f32 v18, v21;
	v14 =	vsub.f32 $1.500000000e+00, v14  }
0xb3: {  	v9 =	vand.u32 $0x7FFFFFFF, v9;
	v20 =	vmul.f32 v19, v20;
	v17 =	vsub.f32 $1.500000000e+00, v17  }
0xb4: {  	v8 =	vand.u32 $0x7FFFFFFF, v8;
	v36 =	vmul.f32 v18, v21;
	v13 =	vmul.f32 v13, v14  }
0xb5: {  	v7 =	vand.u32 $0x7FFFFFFF, v7;
	v37 =	vmul.f32 v19, v20;
	v16 =	vmul.f32 v16, v17  }
0xb6: {  	v40 =	vld [tilespmem:s3+$0x4020];
	v38 =	vsub.f32 $1.500000000e+00, v36;
	v10 =	vmul.f32 v13, v10;
	v9 =	vmul.f32 v13, v9  }
0xb7: {  	v39 =	vsub.f32 $1.500000000e+00, v37;
	v11 =	vmul.f32 v16, v11;
	v8 =	vmul.f32 v16, v8  }
0xb8: {  	v13 =	vmul.f32 v18, v38;
	v10 =	vadd.f32 $-1.999999960e-02, v10;
	v9 =	vmul.f32 $1.000000000e+01, v9  }
0xb9: {  	v6 =	vand.u32 $0x7FFFFFFF, v6;
	v14 =	vmul.f32 v19, v39;
	v8 =	vmul.f32 $1.000000000e+01, v8  }
0xba: {  	v7 =	vmul.f32 v13, v7;
	v5 =	vmul.f32 v10, v5;
	v9 =	vmin.f32 v9, $9.000000000e+00  }
0xbb: {  	vm2 =	vgt.f32 v40, $0.0e+00;
	v6 =	vmul.f32 v14, v6;
	v9 =	vtrunc.f32 v9  }
0xbc: {  	v8 =	vmin.f32 v8, $9.000000000e+00;
	v7 =	vmul.f32 $1.000000000e+01, v7;
	v9 =	vcvt.f32.s32 v9  }
0xbd: {  	v11 =	vadd.f32 $-1.999999960e-02, v11;
	v8 =	vtrunc.f32 v8;
	v6 =	vmul.f32 $1.000000000e+01, v6  }
0xbe: {  	v8 =	vcvt.f32.s32 v8;
	v7 =	vmin.f32 v7, $9.000000000e+00;
	v9 =	vshll.u32 v9, $0x4  }
0xbf: {  	v7 =	vtrunc.f32 v7;
	v6 =	vmin.f32 v6, $9.000000000e+00;
	v10 =	vor.u32 v0, v9  }
0xc0: {  	v41 =	vld [tilespmem:s3+$0x4030];
	v8 =	vshll.u32 v8, $0x4;
	v7 =	vcvt.f32.s32 v7;
	v9 =	vadd.s32 v2, v9  }
0xc1: {  	v12 =	vmul.f32 v13, v12;
	v6 =	vtrunc.f32 v6;
	v42 =	vor.u32 v0, v8  }
0xc2: {  	v6 =	vcvt.f32.s32 v6;
	v8 =	vadd.s32 v2, v8;
	v7 =	vshll.u32 v7, $0x4  }
0xc3: {  	v14 =	vmul.f32 v14, v15;
	v4 =	vmul.f32 v11, v4;
	v43 =	vor.u32 v0, v7  }
0xc4: {  	v11 =	vadd.f32 $-1.999999960e-02, v12;
	v6 =	vshll.u32 v6, $0x4;
	[tilespmem:v10+s30+$0x0] =	vst.idx.add.f32.msk $0xffff, v5;
	v5 =	vadd.s32 v2, v7  }
0xc5: {  	vm11 =	vgt.f32 v41, $0.0e+00;
	v7 =	vor.u32 v0, v6;
	[tilespmem:v9+s30+$0x0] =	vst.idx.add.f32.msk vm0, v3  }
0xc6: {  	v10 =	vadd.f32 $-1.999999960e-02, v14;
	v9 =	vmul.f32 v11, v40;
	[tilespmem:v42+s30+$0x0] =	vst.idx.add.f32.msk $0xffff, v4;
	v4 =	vadd.s32 v2, v6  }
0xc7: {  	[tilespmem:v8+s30+$0x0] =	vst.idx.add.f32.msk vm1, v3  }
0xc8: {  	v6 =	vmul.f32 v10, v41;
	[tilespmem:v43+s30+$0x0] =	vst.idx.add.f32.msk $0xffff, v9  }
0xc9: {  	[tilespmem:v5+s30+$0x0] =	vst.idx.add.f32.msk vm2, v3  }
0xca: {  	s7 =	sand.u32 $0x380, s7;
	s4 =	sor.u32 s8, s9;
	[tilespmem:v7+s30+$0x0] =	vst.idx.add.f32.msk $0xffff, v6  }
0xcb: {  	s3 =	sor.u32 s7, s4;
	[tilespmem:v4+s30+$0x0] =	vst.idx.add.f32.msk vm11, v3  }
0xcc: {  	v4 =	vld [tilespmem:s3+$0x2000];
	_ =	sdelay $0x1  }
0xcd: {  	v5 =	vld [tilespmem:s3+$0x2010];
	_ =	sdelay $0x1  }
0xce: {  	v6 =	vld [tilespmem:s3+$0x2020]  }
0xcf: {  	v7 =	vld [tilespmem:s3+$0x2030];
	v8 =	vadd.f32 $9.999999740e-05, v4;
	_ =	sdelay $0x1  }
0xd0: {  	v9 =	vadd.f32 $9.999999740e-05, v5;
	(erf) = vrcp.f32 v8;
	_ =	sdelay $0x1  }
0xd1: {  	v8 =	vadd.f32 $9.999999740e-05, v6;
	(erf) = vrcp.f32 v9  }
0xd2: {  	v10 =	vld [tilespmem:s3+$0x0];
	v9 =	vadd.f32 $9.999999740e-05, v7  }
0xd3: {  	(erf) = vrcp.f32 v8;
	v8 =	vld [tilespmem:s3+$0x10]  }
0xd4: {  	(erf) = vrcp.f32 v9;
	_ =	sdelay $0x1  }
0xd5: {  	v9 =	vld [tilespmem:s3+$0x20]  }
0xd6: {  	v11 =	vld [tilespmem:s3+$0x30];
	v4 =	vsub.f32 v10, v4  }
0xd7: {  	v5 =	vsub.f32 v8, v5;
	v8 =	vpop (erf)  }
0xd8: {  	v4 =	vmul.f32 v8, v4  }
0xd9: {  	v8 =	vpop (erf)  }
0xda: {  	v6 =	vsub.f32 v9, v6;
	v5 =	vmul.f32 v8, v5;
	v8 =	vmul.f32 v4, v4  }
0xdb: {  	v7 =	vsub.f32 v11, v7;
	v9 =	vpop (erf)  }
0xdc: {  	v6 =	vmul.f32 v9, v6;
	v9 =	vpop (erf);
	v10 =	vmul.f32 v5, v5;
	v8 =	vadd.f32 $3.999999900e-04, v8  }
0xdd: {  	v7 =	vmul.f32 v9, v7  }
0xde: {  	v9 =	vadd.f32 $3.999999900e-04, v10;
	v10 =	vmul.f32 v6, v6;
	v11 =	vshra.s32 v8, $0x1  }
0xdf: {  	v45 =	vmul.f32 v7, v7;
	v44 =	vmul.f32 $5.000000000e-01, v8;
	v11 =	vsub.s32 $0x5F3759DF, v11  }
0xe0: {  	v47 =	vshra.s32 v9, $0x1;
	v48 =	vmul.f32 $5.000000000e-01, v9;
	v10 =	vadd.f32 $3.999999900e-04, v10  }
0xe1: {  	v13 =	vadd.f32 $3.999999900e-04, v45;
	v15 =	vsub.s32 $0x5F3759DF, v47;
	v12 =	vmul.f32 v11, v44  }
0xe2: {  	v46 =	vld [tilespmem:s3+$0x4000];
	v16 =	vmul.f32 v15, v48;
	v49 =	vshra.s32 v10, $0x1  }
0xe3: {  	v50 =	vshra.s32 v13, $0x1;
	v51 =	vmul.f32 $5.000000000e-01, v13;
	v12 =	vmul.f32 v11, v12  }
0xe4: {  	v52 =	vmul.f32 $5.000000000e-01, v10;
	v18 =	vsub.s32 $0x5F3759DF, v50;
	v16 =	vmul.f32 v15, v16  }
0xe5: {  	v17 =	vsub.s32 $0x5F3759DF, v49;
	v19 =	vmul.f32 v18, v51;
	v12 =	vsub.f32 $1.500000000e+00, v12  }
0xe6: {  	v55 =	vld [tilespmem:s3+$0x4010];
	v20 =	vmul.f32 v17, v52;
	v16 =	vsub.f32 $1.500000000e+00, v16  }
0xe7: {  	vm12 =	vgt.f32 v46, $0.0e+00;
	v54 =	vmul.f32 v18, v19;
	v11 =	vmul.f32 v11, v12  }
0xe8: {  	v4 =	vand.u32 $0x7FFFFFFF, v4;
	v53 =	vmul.f32 v17, v20;
	v15 =	vmul.f32 v15, v16  }
0xe9: {  	v5 =	vand.u32 $0x7FFFFFFF, v5;
	v56 =	vsub.f32 $1.500000000e+00, v54;
	v8 =	vmul.f32 v11, v8  }
0xea: {  	v57 =	vld [tilespmem:s3+$0x4020];
	v4 =	vmul.f32 v11, v4;
	v11 =	vsub.f32 $1.500000000e+00, v53;
	v9 =	vmul.f32 v15, v9  }
0xeb: {  	vm13 =	vgt.f32 v55, $0.0e+00;
	v5 =	vmul.f32 v15, v5;
	v15 =	vmul.f32 v18, v56  }
0xec: {  	v6 =	vand.u32 $0x7FFFFFFF, v6;
	v4 =	vmul.f32 $1.000000000e+01, v4;
	v11 =	vmul.f32 v17, v11  }
0xed: {  	v7 =	vand.u32 $0x7FFFFFFF, v7;
	v8 =	vadd.f32 $-1.999999960e-02, v8;
	v5 =	vmul.f32 $1.000000000e+01, v5  }
0xee: {  	v7 =	vmul.f32 v15, v7;
	v4 =	vmin.f32 v4, $9.000000000e+00;
	v6 =	vmul.f32 v11, v6  }
0xef: {  	vm14 =	vgt.f32 v57, $0.0e+00;
	v8 =	vmul.f32 v8, v46;
	v4 =	vtrunc.f32 v4  }
0xf0: {  	v5 =	vmin.f32 v5, $9.000000000e+00;
	v4 =	vcvt.f32.s32 v4;
	v6 =	vmul.f32 $1.000000000e+01, v6  }
0xf1: {  	v9 =	vadd.f32 $-1.999999960e-02, v9;
	v7 =	vmul.f32 $1.000000000e+01, v7;
	v5 =	vtrunc.f32 v5  }
0xf2: {  	v5 =	vcvt.f32.s32 v5;
	v4 =	vshll.u32 v4, $0x4;
	v6 =	vmin.f32 v6, $9.000000000e+00  }
0xf3: {  	v7 =	vmin.f32 v7, $9.000000000e+00;
	v6 =	vtrunc.f32 v6;
	v58 =	vor.u32 v0, v4  }
0xf4: {  	v59 =	vld [tilespmem:s3+$0x4030];
	v5 =	vshll.u32 v5, $0x4;
	v4 =	vadd.s32 v2, v4;
	v6 =	vcvt.f32.s32 v6  }
0xf5: {  	v10 =	vmul.f32 v11, v10;
	v7 =	vtrunc.f32 v7;
	v11 =	vor.u32 v0, v5  }
0xf6: {  	v7 =	vcvt.f32.s32 v7;
	v5 =	vadd.s32 v2, v5;
	v6 =	vshll.u32 v6, $0x4  }
0xf7: {  	v13 =	vmul.f32 v15, v13;
	v9 =	vmul.f32 v9, v55;
	v60 =	vor.u32 v0, v6  }
0xf8: {  	v10 =	vadd.f32 $-1.999999960e-02, v10;
	v7 =	vshll.u32 v7, $0x4;
	v6 =	vadd.s32 v2, v6;
	[tilespmem:v58+s30+$0x0] =	vst.idx.add.f32.msk $0xffff, v8  }
0xf9: {  	vm15 =	vgt.f32 v59, $0.0e+00;
	[tilespmem:v4+s30+$0x0] =	vst.idx.add.f32.msk vm12, v3;
	v4 =	vor.u32 v0, v7  }
0xfa: {  	v8 =	vmul.f32 v10, v57;
	v10 =	vadd.f32 $-1.999999960e-02, v13;
	v7 =	vadd.s32 v2, v7;
	[tilespmem:v11+s30+$0x0] =	vst.idx.add.f32.msk $0xffff, v9  }
0xfb: {  	[tilespmem:v5+s30+$0x0] =	vst.idx.add.f32.msk vm13, v3  }
0xfc: {  	v5 =	vmul.f32 v10, v59;
	[tilespmem:v60+s30+$0x0] =	vst.idx.add.f32.msk $0xffff, v8  }
0xfd: {  	[tilespmem:v6+s30+$0x0] =	vst.idx.add.f32.msk vm14, v3  }
0xfe: {  	[tilespmem:v4+s30+$0x0] =	vst.idx.add.f32.msk $0xffff, v5  }
0xff: {  	s10 =	simm.s32 $0x0;
	s11 =	rddreg [dreg:$0xa];
	[tilespmem:v7+s30+$0x0] =	vst.idx.add.f32.msk vm15, v3  }
0x100: {  	[tilespmem:s10], [sflag:$0x1] =	stream.linear.gather [hbm4b:s11+s10], $0x2000, $0x38;
	[tilespmem:$0xC200] =	vst v63  }
0x101: {  	s5 =	rddreg [dreg:$0xb]  }
0x102: {  	[tilespmem:s23], [sflag:$0x1] =	stream.linear.gather [hbm4b:s5+s10], $0x2000, $0x38;
	[tilespmem:$0xC200] =	vst v63  }
0x103: {  	s6 =	rddreg [dreg:$0xc]  }
0x104: {  	[tilespmem:s24], [sflag:$0x1] =	stream.linear.gather [hbm4b:s6+s10], $0x2000, $0x38;
	[tilespmem:$0xC200] =	vst v63  }
0x105: {  	_ =	swait.ge [sflag:s31], $0x2000  }
0x106: {  	[sflag:s31] =	ssyncset.done $0x0  }
0x107: {  	[sflag:s31] =	ssyncadd.s32 $0xFFFFE000  }
0x108: {  	_ =	swait.ge [sflag:s31], $0x2000  }
0x109: {  	s7 =	sand.u32 $0x40, s10;
	s3 =	sand.u32 $0xC00, s10;
	[sflag:s31] =	ssyncset.done $0x0  }
0x10a: {  	s3 =	sor.u32 s7, s3;
	s5 =	simm.s32 $0x0;
	[sflag:s31] =	ssyncadd.s32 $0xFFFFE000  }
0x10b: {  	s5 =	sand.u32 $0x1000, s5;
	s6 =	simm.s32 $0x0;
	_ =	swait.ge [sflag:s31], $0x2000  }
0x10c: {  	s3 =	sor.u32 s5, s3;
	s8 =	sand.u32 $0x380, s6;
	[sflag:s31] =	ssyncset.done $0x0  }
0x10d: {  	s3 =	sor.u32 s8, s3;
	[sflag:s31] =	ssyncadd.s32 $0xFFFFE000  }
0x10e: {  	v9 =	vld [tilespmem:s3+$0x8000]  }
0x10f: {  	v8 =	vld [tilespmem:s3+$0x8010];
	_ =	sdelay $0x1  }
0x110: {  	v7 =	vld [tilespmem:s3+$0x8020]  }
0x111: {  	v6 =	vld [tilespmem:s3+$0x8030]  }
0x112: {  	v4 =	vadd.f32 $9.999999740e-05, v9  }
0x113: {  	v11 =	vld [tilespmem:s3+$0x6010];
	v10 =	vadd.f32 $9.999999740e-05, v8  }
0x114: {  	(erf) = vrcp.f32 v4  }
0x115: {  	v61 =	vld [tilespmem:s3+$0x6000];
	v62 =	vadd.f32 $9.999999740e-05, v7;
	(erf) = vrcp.f32 v10  }
0x116: {  	v63 =	vadd.f32 $9.999999740e-05, v6  }
0x117: {  	v5 =	vld [tilespmem:s3+$0xA000];
	(erf) = vrcp.f32 v62  }
0x118: {  	s9 =	simm.s32 $0x40;
	s4 =	simm.s32 $0x40;
	s5 =	simm.s32 $0x200;
	v8 =	vsub.f32 v11, v8;
	v11 =	vld [tilespmem:s3+$0x6030];
	(erf) = vrcp.f32 v63  }
0x119: {  	s7 =	simm.s32 $0x10;
	s6 =	sand.u32 $0x40, s4;
	s11 =	sand.u32 $0xC00, s5;
	v4 =	vld [tilespmem:s3+$0xA010]  }
0x11a: {  	s10 =	simm.s32 $0x2;
	s8 =	sand.u32 $0x1000, s9;
	s9 =	sor.u32 s6, s11;
	v9 =	vsub.f32 v61, v9;
	v10 =	vld [tilespmem:s3+$0x6020]  }
.LBB2_4:
0x11b: {  	s11 =	sand.u32 $0x380, s7  }
0x11c: {  	s8 =	sor.u32 s8, s9;
	s7 =	smov.u32 s10;
	s6 =	sadd.s32 $0x1, s10  }
0x11d: {  	p0 =	sne.s32 s10, $0x7F;
	s8 =	sor.u32 s11, s8;
	v12 =	vpop (erf)  }
0x11e: {  	v9 =	vmul.f32 v12, v9;
	v12 =	vpop (erf)  }
0x11f: {  	v8 =	vmul.f32 v12, v8;
	v7 =	vsub.f32 v10, v7  }
0x120: {  	v10 =	vmul.f32 v9, v9;
	v6 =	vsub.f32 v11, v6;
	v11 =	vpop (erf)  }
0x121: {  	v12 =	vmul.f32 v8, v8;
	v7 =	vmul.f32 v11, v7;
	v11 =	vpop (erf)  }
0x122: {  	v10 =	vadd.f32 $3.999999900e-04, v10;
	v6 =	vmul.f32 v11, v6  }
0x123: {  	v11 =	vadd.f32 $3.999999900e-04, v12;
	v12 =	vmul.f32 v7, v7  }
0x124: {  	v13 =	vshra.s32 v10, $0x1;
	v14 =	vmul.f32 $5.000000000e-01, v10;
	v15 =	vmul.f32 v6, v6  }
0x125: {  	v16 =	vld [tilespmem:s3+$0xA020];
	v13 =	vsub.s32 $0x5F3759DF, v13;
	v17 =	vshra.s32 v11, $0x1;
	v18 =	vmul.f32 $5.000000000e-01, v11  }
0x126: {  	v12 =	vadd.f32 $3.999999900e-04, v12;
	v17 =	vsub.s32 $0x5F3759DF, v17;
	v15 =	vadd.f32 $3.999999900e-04, v15  }
0x127: {  	v14 =	vmul.f32 v13, v14;
	v18 =	vmul.f32 v17, v18  }
0x128: {  	v19 =	vshra.s32 v12, $0x1;
	v20 =	vshra.s32 v15, $0x1;
	v21 =	vmul.f32 $5.000000000e-01, v15  }
0x129: {  	v22 =	vmul.f32 $5.000000000e-01, v12;
	v14 =	vmul.f32 v13, v14;
	v19 =	vsub.s32 $0x5F3759DF, v19  }
0x12a: {  	vm0 =	vgt.f32 v5, $0.0e+00;
	v18 =	vmul.f32 v17, v18;
	v20 =	vsub.s32 $0x5F3759DF, v20  }
0x12b: {  	v22 =	vmul.f32 v19, v22;
	v14 =	vsub.f32 $1.500000000e+00, v14;
	v21 =	vmul.f32 v20, v21  }
0x12c: {  	v7 =	vand.u32 $0x7FFFFFFF, v7;
	v6 =	vand.u32 $0x7FFFFFFF, v6;
	v18 =	vsub.f32 $1.500000000e+00, v18  }
0x12d: {  	v8 =	vand.u32 $0x7FFFFFFF, v8;
	v13 =	vmul.f32 v13, v14;
	v14 =	vmul.f32 v19, v22  }
0x12e: {  	v9 =	vand.u32 $0x7FFFFFFF, v9;
	v17 =	vmul.f32 v17, v18;
	v18 =	vmul.f32 v20, v21  }
0x12f: {  	v10 =	vmul.f32 v13, v10;
	v9 =	vmul.f32 v13, v9;
	v13 =	vsub.f32 $1.500000000e+00, v14  }
0x130: {  	v11 =	vmul.f32 v17, v11;
	v8 =	vmul.f32 v17, v8;
	v14 =	vsub.f32 $1.500000000e+00, v18  }
0x131: {  	v10 =	vadd.f32 $-1.999999960e-02, v10;
	v9 =	vmul.f32 $1.000000000e+01, v9;
	v13 =	vmul.f32 v19, v13  }
0x132: {  	v11 =	vadd.f32 $-1.999999960e-02, v11;
	v8 =	vmul.f32 $1.000000000e+01, v8;
	v14 =	vmul.f32 v20, v14  }
0x133: {  	v5 =	vmul.f32 v10, v5;
	v9 =	vmin.f32 v9, $9.000000000e+00;
	v7 =	vmul.f32 v13, v7  }
0x134: {  	v9 =	vtrunc.f32 v9;
	v8 =	vmin.f32 v8, $9.000000000e+00;
	v6 =	vmul.f32 v14, v6  }
0x135: {  	vm2 =	vgt.f32 v4, $0.0e+00;
	v9 =	vcvt.f32.s32 v9;
	v7 =	vmul.f32 $1.000000000e+01, v7  }
0x136: {  	vm1 =	vgt.f32 v16, $0.0e+00;
	v8 =	vtrunc.f32 v8;
	v6 =	vmul.f32 $1.000000000e+01, v6  }
0x137: {  	v8 =	vcvt.f32.s32 v8;
	v9 =	vshll.u32 v9, $0x4;
	v7 =	vmin.f32 v7, $9.000000000e+00  }
0x138: {  	v7 =	vtrunc.f32 v7;
	v6 =	vmin.f32 v6, $9.000000000e+00;
	v10 =	vor.u32 v0, v9  }
0x139: {  	v8 =	vshll.u32 v8, $0x4;
	v9 =	vadd.s32 v2, v9;
	v7 =	vcvt.f32.s32 v7;
	v17 =	vld [tilespmem:s3+$0xA030];
	s3 =	smov.u32 s8  }
0x13a: {  	v12 =	vmul.f32 v13, v12;
	v6 =	vtrunc.f32 v6;
	v13 =	vor.u32 v0, v8  }
0x13b: {  	v8 =	vadd.s32 v2, v8;
	v6 =	vcvt.f32.s32 v6;
	v7 =	vshll.u32 v7, $0x4  }
0x13c: {  	v4 =	vmul.f32 v11, v4;
	v11 =	vadd.f32 $-1.999999960e-02, v12;
	v12 =	vor.u32 v0, v7  }
0x13d: {  	v14 =	vmul.f32 v14, v15;
	v6 =	vshll.u32 v6, $0x4;
	[tilespmem:v10+s30+$0x0] =	vst.idx.add.f32.msk $0xffff, v5;
	v5 =	vadd.s32 v2, v7  }
0x13e: {  	v7 =	vmul.f32 v11, v16;
	[tilespmem:v9+s30+$0x0] =	vst.idx.add.f32.msk vm0, v3;
	v9 =	vor.u32 v0, v6;
	vm0 =	vgt.f32 v17, $0.0e+00  }
0x13f: {  	v10 =	vadd.f32 $-1.999999960e-02, v14;
	[tilespmem:v13+s30+$0x0] =	vst.idx.add.f32.msk $0xffff, v4;
	v4 =	vadd.s32 v2, v6  }
0x140: {  	[tilespmem:v8+s30+$0x0] =	vst.idx.add.f32.msk vm2, v3  }
0x141: {  	v6 =	vmul.f32 v10, v17;
	[tilespmem:v12+s30+$0x0] =	vst.idx.add.f32.msk $0xffff, v7  }
0x142: {  	[tilespmem:v5+s30+$0x0] =	vst.idx.add.f32.msk vm1, v3  }
0x143: {  	[tilespmem:v9+s30+$0x0] =	vst.idx.add.f32.msk $0xffff, v6  }
0x144: {  	[tilespmem:v4+s30+$0x0] =	vst.idx.add.f32.msk vm0, v3  }
0x145: {  	v9 =	vld [tilespmem:s3+$0x8000]  }
0x146: {  	v8 =	vld [tilespmem:s3+$0x8010]  }
0x147: {  	v5 =	vld [tilespmem:s3+$0xA000]  }
0x148: {  	v7 =	vld [tilespmem:s3+$0x8020]  }
0x149: {  	v6 =	vld [tilespmem:s3+$0x8030]  }
0x14a: {  	v10 =	vld [tilespmem:s3+$0x6010];
	v4 =	vadd.f32 $9.999999740e-05, v9  }
0x14b: {  	v11 =	vld [tilespmem:s3+$0x6000];
	v12 =	vadd.f32 $9.999999740e-05, v8  }
0x14c: {  	(erf) = vrcp.f32 v4  }
0x14d: {  	v13 =	vadd.f32 $9.999999740e-05, v7;
	(erf) = vrcp.f32 v12  }
0x14e: {  	v12 =	vadd.f32 $9.999999740e-05, v6  }
.Ltmp1:
0x14f: {  	v4 =	vld [tilespmem:s3+$0xA010];
	v8 =	vsub.f32 v10, v8;
	(erf) = vrcp.f32 v13;
	(pc) =	sbr.rel @p0 .LBB2_4-.Ltmp1, $4  }
0x150: {  	s4 =	sadd.s32 $0x40, s4;
	s5 =	sadd.s32 $0x200, s5;
	v9 =	vsub.f32 v11, v9;
	(erf) = vrcp.f32 v12  }
0x151: {  	s9 =	sand.u32 $0x40, s4;
	s10 =	sand.u32 $0xC00, s5  }
0x152: {  	s9 =	sor.u32 s9, s10;
	s8 =	sshll.u32 s7, $0x6;
	v10 =	vld [tilespmem:s3+$0x6020]  }
0x153: {  	s10 =	smov.u32 s6;
	s7 =	sshll.u32 s7, $0x4;
	s8 =	sand.u32 $0x1000, s8;
	v11 =	vld [tilespmem:s3+$0x6030]  }
0x154: {  	_ = 	snop  }
0x155: {  	v12 =	vpop (erf)  }
0x156: {  	v9 =	vmul.f32 v12, v9  }
0x157: {  	v34 =	vpop (erf)  }
0x158: {  	v8 =	vmul.f32 v34, v8;
	v7 =	vsub.f32 v10, v7;
	v10 =	vmul.f32 v9, v9  }
0x159: {  	v6 =	vsub.f32 v11, v6;
	v11 =	vpop (erf)  }
0x15a: {  	v12 =	vmul.f32 v8, v8;
	v7 =	vmul.f32 v11, v7;
	v11 =	vpop (erf);
	v10 =	vadd.f32 $3.999999900e-04, v10  }
0x15b: {  	vm0 =	vgt.f32 v5, $0.0e+00;
	v6 =	vmul.f32 v11, v6  }
0x15c: {  	v11 =	vadd.f32 $3.999999900e-04, v12;
	v35 =	vmul.f32 v7, v7;
	v13 =	vshra.s32 v10, $0x1  }
0x15d: {  	v14 =	vmul.f32 $5.000000000e-01, v10;
	v15 =	vmul.f32 v6, v6;
	v13 =	vsub.s32 $0x5F3759DF, v13  }
0x15e: {  	v16 =	vshra.s32 v11, $0x1;
	v17 =	vmul.f32 $5.000000000e-01, v11;
	v12 =	vadd.f32 $3.999999900e-04, v35  }
0x15f: {  	v16 =	vsub.s32 $0x5F3759DF, v16;
	v15 =	vadd.f32 $3.999999900e-04, v15;
	v14 =	vmul.f32 v13, v14  }
0x160: {  	vm1 =	vgt.f32 v4, $0.0e+00;
	v17 =	vmul.f32 v16, v17;
	v18 =	vshra.s32 v12, $0x1  }
0x161: {  	v21 =	vmul.f32 $5.000000000e-01, v12;
	v19 =	vshra.s32 v15, $0x1;
	v14 =	vmul.f32 v13, v14  }
0x162: {  	v20 =	vmul.f32 $5.000000000e-01, v15;
	v18 =	vsub.s32 $0x5F3759DF, v18;
	v17 =	vmul.f32 v16, v17  }
0x163: {  	v19 =	vsub.s32 $0x5F3759DF, v19;
	v21 =	vmul.f32 v18, v21;
	v14 =	vsub.f32 $1.500000000e+00, v14  }
0x164: {  	v9 =	vand.u32 $0x7FFFFFFF, v9;
	v20 =	vmul.f32 v19, v20;
	v17 =	vsub.f32 $1.500000000e+00, v17  }
0x165: {  	v8 =	vand.u32 $0x7FFFFFFF, v8;
	v36 =	vmul.f32 v18, v21;
	v13 =	vmul.f32 v13, v14  }
0x166: {  	v7 =	vand.u32 $0x7FFFFFFF, v7;
	v37 =	vmul.f32 v19, v20;
	v16 =	vmul.f32 v16, v17  }
0x167: {  	v40 =	vld [tilespmem:s3+$0xA020];
	v38 =	vsub.f32 $1.500000000e+00, v36;
	v10 =	vmul.f32 v13, v10;
	v9 =	vmul.f32 v13, v9  }
0x168: {  	v39 =	vsub.f32 $1.500000000e+00, v37;
	v11 =	vmul.f32 v16, v11;
	v8 =	vmul.f32 v16, v8  }
0x169: {  	v13 =	vmul.f32 v18, v38;
	v10 =	vadd.f32 $-1.999999960e-02, v10;
	v9 =	vmul.f32 $1.000000000e+01, v9  }
0x16a: {  	v6 =	vand.u32 $0x7FFFFFFF, v6;
	v14 =	vmul.f32 v19, v39;
	v8 =	vmul.f32 $1.000000000e+01, v8  }
0x16b: {  	v7 =	vmul.f32 v13, v7;
	v5 =	vmul.f32 v10, v5;
	v9 =	vmin.f32 v9, $9.000000000e+00  }
0x16c: {  	vm2 =	vgt.f32 v40, $0.0e+00;
	v6 =	vmul.f32 v14, v6;
	v9 =	vtrunc.f32 v9  }
0x16d: {  	v8 =	vmin.f32 v8, $9.000000000e+00;
	v7 =	vmul.f32 $1.000000000e+01, v7;
	v9 =	vcvt.f32.s32 v9  }
0x16e: {  	v11 =	vadd.f32 $-1.999999960e-02, v11;
	v8 =	vtrunc.f32 v8;
	v6 =	vmul.f32 $1.000000000e+01, v6  }
0x16f: {  	v8 =	vcvt.f32.s32 v8;
	v7 =	vmin.f32 v7, $9.000000000e+00;
	v9 =	vshll.u32 v9, $0x4  }
0x170: {  	v7 =	vtrunc.f32 v7;
	v6 =	vmin.f32 v6, $9.000000000e+00;
	v10 =	vor.u32 v0, v9  }
0x171: {  	v41 =	vld [tilespmem:s3+$0xA030];
	v8 =	vshll.u32 v8, $0x4;
	v7 =	vcvt.f32.s32 v7;
	v9 =	vadd.s32 v2, v9  }
0x172: {  	v12 =	vmul.f32 v13, v12;
	v6 =	vtrunc.f32 v6;
	v42 =	vor.u32 v0, v8  }
0x173: {  	v6 =	vcvt.f32.s32 v6;
	v8 =	vadd.s32 v2, v8;
	v7 =	vshll.u32 v7, $0x4  }
0x174: {  	v14 =	vmul.f32 v14, v15;
	v4 =	vmul.f32 v11, v4;
	v43 =	vor.u32 v0, v7  }
0x175: {  	v11 =	vadd.f32 $-1.999999960e-02, v12;
	v6 =	vshll.u32 v6, $0x4;
	[tilespmem:v10+s30+$0x0] =	vst.idx.add.f32.msk $0xffff, v5;
	v5 =	vadd.s32 v2, v7  }
0x176: {  	vm11 =	vgt.f32 v41, $0.0e+00;
	v7 =	vor.u32 v0, v6;
	[tilespmem:v9+s30+$0x0] =	vst.idx.add.f32.msk vm0, v3  }
0x177: {  	v10 =	vadd.f32 $-1.999999960e-02, v14;
	v9 =	vmul.f32 v11, v40;
	[tilespmem:v42+s30+$0x0] =	vst.idx.add.f32.msk $0xffff, v4;
	v4 =	vadd.s32 v2, v6  }
0x178: {  	[tilespmem:v8+s30+$0x0] =	vst.idx.add.f32.msk vm1, v3  }
0x179: {  	v6 =	vmul.f32 v10, v41;
	[tilespmem:v43+s30+$0x0] =	vst.idx.add.f32.msk $0xffff, v9  }
0x17a: {  	[tilespmem:v5+s30+$0x0] =	vst.idx.add.f32.msk vm2, v3  }
0x17b: {  	s5 =	sand.u32 $0x380, s7;
	s4 =	sor.u32 s8, s9;
	[tilespmem:v7+s30+$0x0] =	vst.idx.add.f32.msk $0xffff, v6  }
0x17c: {  	s3 =	sor.u32 s5, s4;
	[tilespmem:v4+s30+$0x0] =	vst.idx.add.f32.msk vm11, v3  }
0x17d: {  	v4 =	vld [tilespmem:s3+$0x8000];
	_ =	sdelay $0x1  }
0x17e: {  	v5 =	vld [tilespmem:s3+$0x8010];
	_ =	sdelay $0x1  }
0x17f: {  	v6 =	vld [tilespmem:s3+$0x8020]  }
0x180: {  	v7 =	vld [tilespmem:s3+$0x8030];
	v8 =	vadd.f32 $9.999999740e-05, v4;
	_ =	sdelay $0x1  }
0x181: {  	v9 =	vadd.f32 $9.999999740e-05, v5;
	(erf) = vrcp.f32 v8;
	_ =	sdelay $0x1  }
0x182: {  	v8 =	vadd.f32 $9.999999740e-05, v6;
	(erf) = vrcp.f32 v9  }
0x183: {  	v10 =	vld [tilespmem:s3+$0x6000];
	v9 =	vadd.f32 $9.999999740e-05, v7  }
0x184: {  	(erf) = vrcp.f32 v8;
	v8 =	vld [tilespmem:s3+$0x6010]  }
0x185: {  	(erf) = vrcp.f32 v9;
	_ =	sdelay $0x1  }
0x186: {  	v9 =	vld [tilespmem:s3+$0x6020]  }
0x187: {  	v11 =	vld [tilespmem:s3+$0x6030];
	v4 =	vsub.f32 v10, v4  }
0x188: {  	v5 =	vsub.f32 v8, v5;
	v8 =	vpop (erf)  }
0x189: {  	v4 =	vmul.f32 v8, v4  }
0x18a: {  	v8 =	vpop (erf)  }
0x18b: {  	v6 =	vsub.f32 v9, v6;
	v5 =	vmul.f32 v8, v5;
	v8 =	vmul.f32 v4, v4  }
0x18c: {  	v7 =	vsub.f32 v11, v7;
	v9 =	vpop (erf)  }
0x18d: {  	v6 =	vmul.f32 v9, v6;
	v9 =	vpop (erf);
	v10 =	vmul.f32 v5, v5;
	v8 =	vadd.f32 $3.999999900e-04, v8  }
0x18e: {  	v7 =	vmul.f32 v9, v7  }
0x18f: {  	v9 =	vadd.f32 $3.999999900e-04, v10;
	v10 =	vmul.f32 v6, v6;
	v11 =	vshra.s32 v8, $0x1  }
0x190: {  	v45 =	vmul.f32 v7, v7;
	v44 =	vmul.f32 $5.000000000e-01, v8;
	v11 =	vsub.s32 $0x5F3759DF, v11  }
0x191: {  	v47 =	vshra.s32 v9, $0x1;
	v48 =	vmul.f32 $5.000000000e-01, v9;
	v10 =	vadd.f32 $3.999999900e-04, v10  }
0x192: {  	v13 =	vadd.f32 $3.999999900e-04, v45;
	v15 =	vsub.s32 $0x5F3759DF, v47;
	v12 =	vmul.f32 v11, v44  }
0x193: {  	v46 =	vld [tilespmem:s3+$0xA000];
	v16 =	vmul.f32 v15, v48;
	v49 =	vshra.s32 v10, $0x1  }
0x194: {  	v50 =	vshra.s32 v13, $0x1;
	v51 =	vmul.f32 $5.000000000e-01, v13;
	v12 =	vmul.f32 v11, v12  }
0x195: {  	v52 =	vmul.f32 $5.000000000e-01, v10;
	v18 =	vsub.s32 $0x5F3759DF, v50;
	v16 =	vmul.f32 v15, v16  }
0x196: {  	v17 =	vsub.s32 $0x5F3759DF, v49;
	v19 =	vmul.f32 v18, v51;
	v12 =	vsub.f32 $1.500000000e+00, v12  }
0x197: {  	v55 =	vld [tilespmem:s3+$0xA010];
	v20 =	vmul.f32 v17, v52;
	v16 =	vsub.f32 $1.500000000e+00, v16  }
0x198: {  	vm12 =	vgt.f32 v46, $0.0e+00;
	v54 =	vmul.f32 v18, v19;
	v11 =	vmul.f32 v11, v12  }
0x199: {  	v4 =	vand.u32 $0x7FFFFFFF, v4;
	v53 =	vmul.f32 v17, v20;
	v15 =	vmul.f32 v15, v16  }
0x19a: {  	v5 =	vand.u32 $0x7FFFFFFF, v5;
	v56 =	vsub.f32 $1.500000000e+00, v54;
	v8 =	vmul.f32 v11, v8  }
0x19b: {  	v57 =	vld [tilespmem:s3+$0xA020];
	v4 =	vmul.f32 v11, v4;
	v11 =	vsub.f32 $1.500000000e+00, v53;
	v9 =	vmul.f32 v15, v9  }
0x19c: {  	vm13 =	vgt.f32 v55, $0.0e+00;
	v5 =	vmul.f32 v15, v5;
	v15 =	vmul.f32 v18, v56  }
0x19d: {  	v6 =	vand.u32 $0x7FFFFFFF, v6;
	v4 =	vmul.f32 $1.000000000e+01, v4;
	v11 =	vmul.f32 v17, v11  }
0x19e: {  	v7 =	vand.u32 $0x7FFFFFFF, v7;
	v8 =	vadd.f32 $-1.999999960e-02, v8;
	v5 =	vmul.f32 $1.000000000e+01, v5  }
0x19f: {  	v7 =	vmul.f32 v15, v7;
	v4 =	vmin.f32 v4, $9.000000000e+00;
	v6 =	vmul.f32 v11, v6  }
0x1a0: {  	vm14 =	vgt.f32 v57, $0.0e+00;
	v8 =	vmul.f32 v8, v46;
	v4 =	vtrunc.f32 v4  }
0x1a1: {  	v5 =	vmin.f32 v5, $9.000000000e+00;
	v4 =	vcvt.f32.s32 v4;
	v6 =	vmul.f32 $1.000000000e+01, v6  }
0x1a2: {  	v9 =	vadd.f32 $-1.999999960e-02, v9;
	v7 =	vmul.f32 $1.000000000e+01, v7;
	v5 =	vtrunc.f32 v5  }
0x1a3: {  	v5 =	vcvt.f32.s32 v5;
	v4 =	vshll.u32 v4, $0x4;
	v6 =	vmin.f32 v6, $9.000000000e+00  }
0x1a4: {  	v7 =	vmin.f32 v7, $9.000000000e+00;
	v6 =	vtrunc.f32 v6;
	v58 =	vor.u32 v0, v4  }
0x1a5: {  	v59 =	vld [tilespmem:s3+$0xA030];
	v5 =	vshll.u32 v5, $0x4;
	v4 =	vadd.s32 v2, v4;
	v6 =	vcvt.f32.s32 v6  }
0x1a6: {  	v10 =	vmul.f32 v11, v10;
	v7 =	vtrunc.f32 v7;
	v11 =	vor.u32 v0, v5  }
0x1a7: {  	v7 =	vcvt.f32.s32 v7;
	v5 =	vadd.s32 v2, v5;
	v6 =	vshll.u32 v6, $0x4  }
0x1a8: {  	v13 =	vmul.f32 v15, v13;
	v9 =	vmul.f32 v9, v55;
	v60 =	vor.u32 v0, v6  }
0x1a9: {  	v10 =	vadd.f32 $-1.999999960e-02, v10;
	v7 =	vshll.u32 v7, $0x4;
	v6 =	vadd.s32 v2, v6;
	[tilespmem:v58+s30+$0x0] =	vst.idx.add.f32.msk $0xffff, v8  }
0x1aa: {  	vm15 =	vgt.f32 v59, $0.0e+00;
	[tilespmem:v4+s30+$0x0] =	vst.idx.add.f32.msk vm12, v3;
	v4 =	vor.u32 v0, v7  }
0x1ab: {  	v8 =	vmul.f32 v10, v57;
	v10 =	vadd.f32 $-1.999999960e-02, v13;
	v7 =	vadd.s32 v2, v7;
	[tilespmem:v11+s30+$0x0] =	vst.idx.add.f32.msk $0xffff, v9  }
0x1ac: {  	[tilespmem:v5+s30+$0x0] =	vst.idx.add.f32.msk vm13, v3  }
0x1ad: {  	v5 =	vmul.f32 v10, v59;
	[tilespmem:v60+s30+$0x0] =	vst.idx.add.f32.msk $0xffff, v8  }
0x1ae: {  	[tilespmem:v6+s30+$0x0] =	vst.idx.add.f32.msk vm14, v3  }
0x1af: {  	[tilespmem:v4+s30+$0x0] =	vst.idx.add.f32.msk $0xffff, v5  }
0x1b0: {  	s6 =	simm.s32 $0x0;
	[tilespmem:v7+s30+$0x0] =	vst.idx.add.f32.msk vm15, v3  }
0x1b1: {  	[tilespmem:s25], [sflag:$0x2] =	stream.linear.gather [hbm4b:s12+s6], $0x2000, $0x38;
	[tilespmem:$0xC200] =	vst v63  }
0x1b2: {  	_ = 	snop  }
0x1b3: {  	[tilespmem:s26], [sflag:$0x2] =	stream.linear.gather [hbm4b:s13+s6], $0x2000, $0x38;
	[tilespmem:$0xC200] =	vst v63  }
0x1b4: {  	_ = 	snop  }
0x1b5: {  	[tilespmem:s28], [sflag:$0x2] =	stream.linear.gather [hbm4b:s14+s6], $0x2000, $0x38;
	[tilespmem:$0xC200] =	vst v63  }
0x1b6: {  	_ =	swait.ge [sflag:s29], $0x2000  }
0x1b7: {  	[sflag:s29] =	ssyncset.done $0x0  }
0x1b8: {  	[sflag:s29] =	ssyncadd.s32 $0xFFFFE000  }
0x1b9: {  	_ =	swait.ge [sflag:s29], $0x2000  }
0x1ba: {  	s7 =	sand.u32 $0x40, s6;
	s5 =	simm.s32 $0x0;
	[sflag:s29] =	ssyncset.done $0x0  }
0x1bb: {  	s5 =	sand.u32 $0x1000, s5;
	s3 =	sand.u32 $0xC00, s6;
	[sflag:s29] =	ssyncadd.s32 $0xFFFFE000  }
0x1bc: {  	s3 =	sor.u32 s7, s3;
	s6 =	simm.s32 $0x0;
	_ =	swait.ge [sflag:s29], $0x2000  }
0x1bd: {  	s3 =	sor.u32 s5, s3;
	s8 =	sand.u32 $0x380, s6;
	[sflag:s29] =	ssyncset.done $0x0  }
0x1be: {  	s3 =	sor.u32 s8, s3;
	[sflag:s29] =	ssyncadd.s32 $0xFFFFE000  }
0x1bf: {  	v9 =	vld [tilespmem:s3+$0x2000]  }
0x1c0: {  	v8 =	vld [tilespmem:s3+$0x2010];
	_ =	sdelay $0x1  }
0x1c1: {  	v7 =	vld [tilespmem:s3+$0x2020]  }
0x1c2: {  	v6 =	vld [tilespmem:s3+$0x2030]  }
0x1c3: {  	v4 =	vadd.f32 $9.999999740e-05, v9  }
0x1c4: {  	v11 =	vld [tilespmem:s3+$0x10];
	v10 =	vadd.f32 $9.999999740e-05, v8  }
0x1c5: {  	(erf) = vrcp.f32 v4  }
0x1c6: {  	v61 =	vld [tilespmem:s3+$0x0];
	v62 =	vadd.f32 $9.999999740e-05, v7;
	(erf) = vrcp.f32 v10  }
0x1c7: {  	v63 =	vadd.f32 $9.999999740e-05, v6  }
0x1c8: {  	v5 =	vld [tilespmem:s3+$0x4000];
	(erf) = vrcp.f32 v62  }
0x1c9: {  	s10 =	simm.s32 $0x2;
	s4 =	simm.s32 $0x40;
	s5 =	simm.s32 $0x200;
	v8 =	vsub.f32 v11, v8;
	v11 =	vld [tilespmem:s3+$0x30];
	(erf) = vrcp.f32 v63  }
0x1ca: {  	s9 =	simm.s32 $0x40;
	s11 =	sand.u32 $0xC00, s5;
	s6 =	sand.u32 $0x40, s4;
	v4 =	vld [tilespmem:s3+$0x4010]  }
0x1cb: {  	s7 =	simm.s32 $0x10;
	s8 =	sand.u32 $0x1000, s9;
	s9 =	sor.u32 s6, s11;
	v9 =	vsub.f32 v61, v9;
	v10 =	vld [tilespmem:s3+$0x20]  }
.LBB2_6:
0x1cc: {  	s11 =	sand.u32 $0x380, s7  }
0x1cd: {  	s8 =	sor.u32 s8, s9;
	s7 =	smov.u32 s10;
	s6 =	sadd.s32 $0x1, s10  }
0x1ce: {  	p0 =	sne.s32 s10, $0x7F;
	s8 =	sor.u32 s11, s8;
	v12 =	vpop (erf)  }
0x1cf: {  	v9 =	vmul.f32 v12, v9;
	v12 =	vpop (erf)  }
0x1d0: {  	v8 =	vmul.f32 v12, v8;
	v7 =	vsub.f32 v10, v7  }
0x1d1: {  	v10 =	vmul.f32 v9, v9;
	v6 =	vsub.f32 v11, v6;
	v11 =	vpop (erf)  }
0x1d2: {  	v12 =	vmul.f32 v8, v8;
	v7 =	vmul.f32 v11, v7;
	v11 =	vpop (erf)  }
0x1d3: {  	v10 =	vadd.f32 $3.999999900e-04, v10;
	v6 =	vmul.f32 v11, v6  }
0x1d4: {  	v11 =	vadd.f32 $3.999999900e-04, v12;
	v12 =	vmul.f32 v7, v7  }
0x1d5: {  	v13 =	vshra.s32 v10, $0x1;
	v14 =	vmul.f32 $5.000000000e-01, v10;
	v15 =	vmul.f32 v6, v6  }
0x1d6: {  	v16 =	vld [tilespmem:s3+$0x4020];
	v13 =	vsub.s32 $0x5F3759DF, v13;
	v17 =	vshra.s32 v11, $0x1;
	v18 =	vmul.f32 $5.000000000e-01, v11  }
0x1d7: {  	v12 =	vadd.f32 $3.999999900e-04, v12;
	v17 =	vsub.s32 $0x5F3759DF, v17;
	v15 =	vadd.f32 $3.999999900e-04, v15  }
0x1d8: {  	v14 =	vmul.f32 v13, v14;
	v18 =	vmul.f32 v17, v18  }
0x1d9: {  	v19 =	vshra.s32 v12, $0x1;
	v20 =	vshra.s32 v15, $0x1;
	v21 =	vmul.f32 $5.000000000e-01, v15  }
0x1da: {  	v22 =	vmul.f32 $5.000000000e-01, v12;
	v14 =	vmul.f32 v13, v14;
	v19 =	vsub.s32 $0x5F3759DF, v19  }
0x1db: {  	vm0 =	vgt.f32 v5, $0.0e+00;
	v18 =	vmul.f32 v17, v18;
	v20 =	vsub.s32 $0x5F3759DF, v20  }
0x1dc: {  	v22 =	vmul.f32 v19, v22;
	v14 =	vsub.f32 $1.500000000e+00, v14;
	v21 =	vmul.f32 v20, v21  }
0x1dd: {  	v7 =	vand.u32 $0x7FFFFFFF, v7;
	v6 =	vand.u32 $0x7FFFFFFF, v6;
	v18 =	vsub.f32 $1.500000000e+00, v18  }
0x1de: {  	v8 =	vand.u32 $0x7FFFFFFF, v8;
	v13 =	vmul.f32 v13, v14;
	v14 =	vmul.f32 v19, v22  }
0x1df: {  	v9 =	vand.u32 $0x7FFFFFFF, v9;
	v17 =	vmul.f32 v17, v18;
	v18 =	vmul.f32 v20, v21  }
0x1e0: {  	v10 =	vmul.f32 v13, v10;
	v9 =	vmul.f32 v13, v9;
	v13 =	vsub.f32 $1.500000000e+00, v14  }
0x1e1: {  	v11 =	vmul.f32 v17, v11;
	v8 =	vmul.f32 v17, v8;
	v14 =	vsub.f32 $1.500000000e+00, v18  }
0x1e2: {  	v10 =	vadd.f32 $-1.999999960e-02, v10;
	v9 =	vmul.f32 $1.000000000e+01, v9;
	v13 =	vmul.f32 v19, v13  }
0x1e3: {  	v11 =	vadd.f32 $-1.999999960e-02, v11;
	v8 =	vmul.f32 $1.000000000e+01, v8;
	v14 =	vmul.f32 v20, v14  }
0x1e4: {  	v5 =	vmul.f32 v10, v5;
	v9 =	vmin.f32 v9, $9.000000000e+00;
	v7 =	vmul.f32 v13, v7  }
0x1e5: {  	v9 =	vtrunc.f32 v9;
	v8 =	vmin.f32 v8, $9.000000000e+00;
	v6 =	vmul.f32 v14, v6  }
0x1e6: {  	vm2 =	vgt.f32 v4, $0.0e+00;
	v9 =	vcvt.f32.s32 v9;
	v7 =	vmul.f32 $1.000000000e+01, v7  }
0x1e7: {  	vm1 =	vgt.f32 v16, $0.0e+00;
	v8 =	vtrunc.f32 v8;
	v6 =	vmul.f32 $1.000000000e+01, v6  }
0x1e8: {  	v8 =	vcvt.f32.s32 v8;
	v9 =	vshll.u32 v9, $0x4;
	v7 =	vmin.f32 v7, $9.000000000e+00  }
0x1e9: {  	v7 =	vtrunc.f32 v7;
	v6 =	vmin.f32 v6, $9.000000000e+00;
	v10 =	vor.u32 v0, v9  }
0x1ea: {  	v8 =	vshll.u32 v8, $0x4;
	v9 =	vadd.s32 v2, v9;
	v7 =	vcvt.f32.s32 v7;
	v17 =	vld [tilespmem:s3+$0x4030];
	s3 =	smov.u32 s8  }
0x1eb: {  	v12 =	vmul.f32 v13, v12;
	v6 =	vtrunc.f32 v6;
	v13 =	vor.u32 v0, v8  }
0x1ec: {  	v8 =	vadd.s32 v2, v8;
	v6 =	vcvt.f32.s32 v6;
	v7 =	vshll.u32 v7, $0x4  }
0x1ed: {  	v4 =	vmul.f32 v11, v4;
	v11 =	vadd.f32 $-1.999999960e-02, v12;
	v12 =	vor.u32 v0, v7  }
0x1ee: {  	v14 =	vmul.f32 v14, v15;
	v6 =	vshll.u32 v6, $0x4;
	[tilespmem:v10+s30+$0x0] =	vst.idx.add.f32.msk $0xffff, v5;
	v5 =	vadd.s32 v2, v7  }
0x1ef: {  	v7 =	vmul.f32 v11, v16;
	[tilespmem:v9+s30+$0x0] =	vst.idx.add.f32.msk vm0, v3;
	v9 =	vor.u32 v0, v6;
	vm0 =	vgt.f32 v17, $0.0e+00  }
0x1f0: {  	v10 =	vadd.f32 $-1.999999960e-02, v14;
	[tilespmem:v13+s30+$0x0] =	vst.idx.add.f32.msk $0xffff, v4;
	v4 =	vadd.s32 v2, v6  }
0x1f1: {  	[tilespmem:v8+s30+$0x0] =	vst.idx.add.f32.msk vm2, v3  }
0x1f2: {  	v6 =	vmul.f32 v10, v17;
	[tilespmem:v12+s30+$0x0] =	vst.idx.add.f32.msk $0xffff, v7  }
0x1f3: {  	[tilespmem:v5+s30+$0x0] =	vst.idx.add.f32.msk vm1, v3  }
0x1f4: {  	[tilespmem:v9+s30+$0x0] =	vst.idx.add.f32.msk $0xffff, v6  }
0x1f5: {  	[tilespmem:v4+s30+$0x0] =	vst.idx.add.f32.msk vm0, v3  }
0x1f6: {  	v9 =	vld [tilespmem:s3+$0x2000]  }
0x1f7: {  	v8 =	vld [tilespmem:s3+$0x2010]  }
0x1f8: {  	v5 =	vld [tilespmem:s3+$0x4000]  }
0x1f9: {  	v7 =	vld [tilespmem:s3+$0x2020]  }
0x1fa: {  	v6 =	vld [tilespmem:s3+$0x2030]  }
0x1fb: {  	v10 =	vld [tilespmem:s3+$0x10];
	v4 =	vadd.f32 $9.999999740e-05, v9  }
0x1fc: {  	v11 =	vld [tilespmem:s3+$0x0];
	v12 =	vadd.f32 $9.999999740e-05, v8  }
0x1fd: {  	(erf) = vrcp.f32 v4  }
0x1fe: {  	v13 =	vadd.f32 $9.999999740e-05, v7;
	(erf) = vrcp.f32 v12  }
0x1ff: {  	v12 =	vadd.f32 $9.999999740e-05, v6  }
.Ltmp2:
0x200: {  	v4 =	vld [tilespmem:s3+$0x4010];
	v8 =	vsub.f32 v10, v8;
	(erf) = vrcp.f32 v13;
	(pc) =	sbr.rel @p0 .LBB2_6-.Ltmp2, $4  }
0x201: {  	s4 =	sadd.s32 $0x40, s4;
	s5 =	sadd.s32 $0x200, s5;
	v9 =	vsub.f32 v11, v9;
	(erf) = vrcp.f32 v12  }
0x202: {  	s9 =	sand.u32 $0x40, s4;
	s10 =	sand.u32 $0xC00, s5  }
0x203: {  	s9 =	sor.u32 s9, s10;
	s8 =	sshll.u32 s7, $0x6;
	v10 =	vld [tilespmem:s3+$0x20]  }
0x204: {  	s10 =	smov.u32 s6;
	s7 =	sshll.u32 s7, $0x4;
	s8 =	sand.u32 $0x1000, s8;
	v11 =	vld [tilespmem:s3+$0x30]  }
0x205: {  	_ = 	snop  }
0x206: {  	v12 =	vpop (erf)  }
0x207: {  	v9 =	vmul.f32 v12, v9  }
0x208: {  	v34 =	vpop (erf)  }
0x209: {  	v8 =	vmul.f32 v34, v8;
	v7 =	vsub.f32 v10, v7;
	v10 =	vmul.f32 v9, v9  }
0x20a: {  	v6 =	vsub.f32 v11, v6;
	v11 =	vpop (erf)  }
0x20b: {  	v12 =	vmul.f32 v8, v8;
	v7 =	vmul.f32 v11, v7;
	v11 =	vpop (erf);
	v10 =	vadd.f32 $3.999999900e-04, v10  }
0x20c: {  	vm0 =	vgt.f32 v5, $0.0e+00;
	v6 =	vmul.f32 v11, v6  }
0x20d: {  	v11 =	vadd.f32 $3.999999900e-04, v12;
	v35 =	vmul.f32 v7, v7;
	v13 =	vshra.s32 v10, $0x1  }
0x20e: {  	v14 =	vmul.f32 $5.000000000e-01, v10;
	v15 =	vmul.f32 v6, v6;
	v13 =	vsub.s32 $0x5F3759DF, v13  }
0x20f: {  	v16 =	vshra.s32 v11, $0x1;
	v17 =	vmul.f32 $5.000000000e-01, v11;
	v12 =	vadd.f32 $3.999999900e-04, v35  }
0x210: {  	v16 =	vsub.s32 $0x5F3759DF, v16;
	v15 =	vadd.f32 $3.999999900e-04, v15;
	v14 =	vmul.f32 v13, v14  }
0x211: {  	vm1 =	vgt.f32 v4, $0.0e+00;
	v17 =	vmul.f32 v16, v17;
	v18 =	vshra.s32 v12, $0x1  }
0x212: {  	v21 =	vmul.f32 $5.000000000e-01, v12;
	v19 =	vshra.s32 v15, $0x1;
	v14 =	vmul.f32 v13, v14  }
0x213: {  	v20 =	vmul.f32 $5.000000000e-01, v15;
	v18 =	vsub.s32 $0x5F3759DF, v18;
	v17 =	vmul.f32 v16, v17  }
0x214: {  	v19 =	vsub.s32 $0x5F3759DF, v19;
	v21 =	vmul.f32 v18, v21;
	v14 =	vsub.f32 $1.500000000e+00, v14  }
0x215: {  	v9 =	vand.u32 $0x7FFFFFFF, v9;
	v20 =	vmul.f32 v19, v20;
	v17 =	vsub.f32 $1.500000000e+00, v17  }
0x216: {  	v8 =	vand.u32 $0x7FFFFFFF, v8;
	v36 =	vmul.f32 v18, v21;
	v13 =	vmul.f32 v13, v14  }
0x217: {  	v7 =	vand.u32 $0x7FFFFFFF, v7;
	v37 =	vmul.f32 v19, v20;
	v16 =	vmul.f32 v16, v17  }
0x218: {  	v40 =	vld [tilespmem:s3+$0x4020];
	v38 =	vsub.f32 $1.500000000e+00, v36;
	v10 =	vmul.f32 v13, v10;
	v9 =	vmul.f32 v13, v9  }
0x219: {  	v39 =	vsub.f32 $1.500000000e+00, v37;
	v11 =	vmul.f32 v16, v11;
	v8 =	vmul.f32 v16, v8  }
0x21a: {  	v13 =	vmul.f32 v18, v38;
	v10 =	vadd.f32 $-1.999999960e-02, v10;
	v9 =	vmul.f32 $1.000000000e+01, v9  }
0x21b: {  	v6 =	vand.u32 $0x7FFFFFFF, v6;
	v14 =	vmul.f32 v19, v39;
	v8 =	vmul.f32 $1.000000000e+01, v8  }
0x21c: {  	v7 =	vmul.f32 v13, v7;
	v5 =	vmul.f32 v10, v5;
	v9 =	vmin.f32 v9, $9.000000000e+00  }
0x21d: {  	vm2 =	vgt.f32 v40, $0.0e+00;
	v6 =	vmul.f32 v14, v6;
	v9 =	vtrunc.f32 v9  }
0x21e: {  	v8 =	vmin.f32 v8, $9.000000000e+00;
	v7 =	vmul.f32 $1.000000000e+01, v7;
	v9 =	vcvt.f32.s32 v9  }
0x21f: {  	v11 =	vadd.f32 $-1.999999960e-02, v11;
	v8 =	vtrunc.f32 v8;
	v6 =	vmul.f32 $1.000000000e+01, v6  }
0x220: {  	v8 =	vcvt.f32.s32 v8;
	v7 =	vmin.f32 v7, $9.000000000e+00;
	v9 =	vshll.u32 v9, $0x4  }
0x221: {  	v7 =	vtrunc.f32 v7;
	v6 =	vmin.f32 v6, $9.000000000e+00;
	v10 =	vor.u32 v0, v9  }
0x222: {  	v41 =	vld [tilespmem:s3+$0x4030];
	v8 =	vshll.u32 v8, $0x4;
	v7 =	vcvt.f32.s32 v7;
	v9 =	vadd.s32 v2, v9  }
0x223: {  	v12 =	vmul.f32 v13, v12;
	v6 =	vtrunc.f32 v6;
	v42 =	vor.u32 v0, v8  }
0x224: {  	v6 =	vcvt.f32.s32 v6;
	v8 =	vadd.s32 v2, v8;
	v7 =	vshll.u32 v7, $0x4  }
0x225: {  	v14 =	vmul.f32 v14, v15;
	v4 =	vmul.f32 v11, v4;
	v43 =	vor.u32 v0, v7  }
0x226: {  	v11 =	vadd.f32 $-1.999999960e-02, v12;
	v6 =	vshll.u32 v6, $0x4;
	[tilespmem:v10+s30+$0x0] =	vst.idx.add.f32.msk $0xffff, v5;
	v5 =	vadd.s32 v2, v7  }
0x227: {  	vm11 =	vgt.f32 v41, $0.0e+00;
	v7 =	vor.u32 v0, v6;
	[tilespmem:v9+s30+$0x0] =	vst.idx.add.f32.msk vm0, v3  }
0x228: {  	v10 =	vadd.f32 $-1.999999960e-02, v14;
	v9 =	vmul.f32 v11, v40;
	[tilespmem:v42+s30+$0x0] =	vst.idx.add.f32.msk $0xffff, v4;
	v4 =	vadd.s32 v2, v6  }
0x229: {  	[tilespmem:v8+s30+$0x0] =	vst.idx.add.f32.msk vm1, v3  }
0x22a: {  	v6 =	vmul.f32 v10, v41;
	[tilespmem:v43+s30+$0x0] =	vst.idx.add.f32.msk $0xffff, v9  }
0x22b: {  	[tilespmem:v5+s30+$0x0] =	vst.idx.add.f32.msk vm2, v3  }
0x22c: {  	s5 =	sand.u32 $0x380, s7;
	s4 =	sor.u32 s8, s9;
	[tilespmem:v7+s30+$0x0] =	vst.idx.add.f32.msk $0xffff, v6  }
0x22d: {  	s3 =	sor.u32 s5, s4;
	[tilespmem:v4+s30+$0x0] =	vst.idx.add.f32.msk vm11, v3  }
0x22e: {  	v4 =	vld [tilespmem:s3+$0x2000];
	_ =	sdelay $0x1  }
0x22f: {  	v5 =	vld [tilespmem:s3+$0x2010];
	_ =	sdelay $0x1  }
0x230: {  	v6 =	vld [tilespmem:s3+$0x2020]  }
0x231: {  	v7 =	vld [tilespmem:s3+$0x2030];
	v8 =	vadd.f32 $9.999999740e-05, v4;
	_ =	sdelay $0x1  }
0x232: {  	v9 =	vadd.f32 $9.999999740e-05, v5;
	(erf) = vrcp.f32 v8;
	_ =	sdelay $0x1  }
0x233: {  	v8 =	vadd.f32 $9.999999740e-05, v6;
	(erf) = vrcp.f32 v9  }
0x234: {  	v10 =	vld [tilespmem:s3+$0x0];
	v9 =	vadd.f32 $9.999999740e-05, v7  }
0x235: {  	(erf) = vrcp.f32 v8;
	v8 =	vld [tilespmem:s3+$0x10]  }
0x236: {  	(erf) = vrcp.f32 v9;
	_ =	sdelay $0x1  }
0x237: {  	v9 =	vld [tilespmem:s3+$0x20]  }
0x238: {  	v11 =	vld [tilespmem:s3+$0x30];
	v4 =	vsub.f32 v10, v4  }
0x239: {  	v5 =	vsub.f32 v8, v5;
	v8 =	vpop (erf)  }
0x23a: {  	v4 =	vmul.f32 v8, v4  }
0x23b: {  	v8 =	vpop (erf)  }
0x23c: {  	v6 =	vsub.f32 v9, v6;
	v5 =	vmul.f32 v8, v5;
	v8 =	vmul.f32 v4, v4  }
0x23d: {  	v7 =	vsub.f32 v11, v7;
	v9 =	vpop (erf)  }
0x23e: {  	v6 =	vmul.f32 v9, v6;
	v9 =	vpop (erf);
	v10 =	vmul.f32 v5, v5;
	v8 =	vadd.f32 $3.999999900e-04, v8  }
0x23f: {  	v7 =	vmul.f32 v9, v7  }
0x240: {  	v9 =	vadd.f32 $3.999999900e-04, v10;
	v10 =	vmul.f32 v6, v6;
	v11 =	vshra.s32 v8, $0x1  }
0x241: {  	v45 =	vmul.f32 v7, v7;
	v44 =	vmul.f32 $5.000000000e-01, v8;
	v11 =	vsub.s32 $0x5F3759DF, v11  }
0x242: {  	v47 =	vshra.s32 v9, $0x1;
	v48 =	vmul.f32 $5.000000000e-01, v9;
	v10 =	vadd.f32 $3.999999900e-04, v10  }
0x243: {  	v13 =	vadd.f32 $3.999999900e-04, v45;
	v15 =	vsub.s32 $0x5F3759DF, v47;
	v12 =	vmul.f32 v11, v44  }
0x244: {  	v46 =	vld [tilespmem:s3+$0x4000];
	v16 =	vmul.f32 v15, v48;
	v49 =	vshra.s32 v10, $0x1  }
0x245: {  	v50 =	vshra.s32 v13, $0x1;
	v51 =	vmul.f32 $5.000000000e-01, v13;
	v12 =	vmul.f32 v11, v12  }
0x246: {  	v52 =	vmul.f32 $5.000000000e-01, v10;
	v18 =	vsub.s32 $0x5F3759DF, v50;
	v16 =	vmul.f32 v15, v16  }
0x247: {  	v17 =	vsub.s32 $0x5F3759DF, v49;
	v19 =	vmul.f32 v18, v51;
	v12 =	vsub.f32 $1.500000000e+00, v12  }
0x248: {  	v55 =	vld [tilespmem:s3+$0x4010];
	v20 =	vmul.f32 v17, v52;
	v16 =	vsub.f32 $1.500000000e+00, v16  }
0x249: {  	vm12 =	vgt.f32 v46, $0.0e+00;
	v54 =	vmul.f32 v18, v19;
	v11 =	vmul.f32 v11, v12  }
0x24a: {  	v4 =	vand.u32 $0x7FFFFFFF, v4;
	v53 =	vmul.f32 v17, v20;
	v15 =	vmul.f32 v15, v16  }
0x24b: {  	v5 =	vand.u32 $0x7FFFFFFF, v5;
	v56 =	vsub.f32 $1.500000000e+00, v54;
	v8 =	vmul.f32 v11, v8  }
0x24c: {  	v57 =	vld [tilespmem:s3+$0x4020];
	v4 =	vmul.f32 v11, v4;
	v11 =	vsub.f32 $1.500000000e+00, v53;
	v9 =	vmul.f32 v15, v9  }
0x24d: {  	vm13 =	vgt.f32 v55, $0.0e+00;
	v5 =	vmul.f32 v15, v5;
	v15 =	vmul.f32 v18, v56  }
0x24e: {  	v6 =	vand.u32 $0x7FFFFFFF, v6;
	v4 =	vmul.f32 $1.000000000e+01, v4;
	v11 =	vmul.f32 v17, v11  }
0x24f: {  	v7 =	vand.u32 $0x7FFFFFFF, v7;
	v8 =	vadd.f32 $-1.999999960e-02, v8;
	v5 =	vmul.f32 $1.000000000e+01, v5  }
0x250: {  	v7 =	vmul.f32 v15, v7;
	v4 =	vmin.f32 v4, $9.000000000e+00;
	v6 =	vmul.f32 v11, v6  }
0x251: {  	vm14 =	vgt.f32 v57, $0.0e+00;
	v8 =	vmul.f32 v8, v46;
	v4 =	vtrunc.f32 v4  }
0x252: {  	v5 =	vmin.f32 v5, $9.000000000e+00;
	v4 =	vcvt.f32.s32 v4;
	v6 =	vmul.f32 $1.000000000e+01, v6  }
0x253: {  	v9 =	vadd.f32 $-1.999999960e-02, v9;
	v7 =	vmul.f32 $1.000000000e+01, v7;
	v5 =	vtrunc.f32 v5  }
0x254: {  	v5 =	vcvt.f32.s32 v5;
	v4 =	vshll.u32 v4, $0x4;
	v6 =	vmin.f32 v6, $9.000000000e+00  }
0x255: {  	v7 =	vmin.f32 v7, $9.000000000e+00;
	v6 =	vtrunc.f32 v6;
	v58 =	vor.u32 v0, v4  }
0x256: {  	v59 =	vld [tilespmem:s3+$0x4030];
	v5 =	vshll.u32 v5, $0x4;
	v4 =	vadd.s32 v2, v4;
	v6 =	vcvt.f32.s32 v6  }
0x257: {  	v10 =	vmul.f32 v11, v10;
	v7 =	vtrunc.f32 v7;
	v11 =	vor.u32 v0, v5  }
0x258: {  	v7 =	vcvt.f32.s32 v7;
	v5 =	vadd.s32 v2, v5;
	v6 =	vshll.u32 v6, $0x4  }
0x259: {  	v13 =	vmul.f32 v15, v13;
	v9 =	vmul.f32 v9, v55;
	v60 =	vor.u32 v0, v6  }
0x25a: {  	v10 =	vadd.f32 $-1.999999960e-02, v10;
	v7 =	vshll.u32 v7, $0x4;
	v6 =	vadd.s32 v2, v6;
	[tilespmem:v58+s30+$0x0] =	vst.idx.add.f32.msk $0xffff, v8  }
0x25b: {  	vm15 =	vgt.f32 v59, $0.0e+00;
	[tilespmem:v4+s30+$0x0] =	vst.idx.add.f32.msk vm12, v3;
	v4 =	vor.u32 v0, v7  }
0x25c: {  	v8 =	vmul.f32 v10, v57;
	v10 =	vadd.f32 $-1.999999960e-02, v13;
	v7 =	vadd.s32 v2, v7;
	[tilespmem:v11+s30+$0x0] =	vst.idx.add.f32.msk $0xffff, v9  }
0x25d: {  	[tilespmem:v5+s30+$0x0] =	vst.idx.add.f32.msk vm13, v3  }
0x25e: {  	v5 =	vmul.f32 v10, v59;
	[tilespmem:v60+s30+$0x0] =	vst.idx.add.f32.msk $0xffff, v8  }
0x25f: {  	[tilespmem:v6+s30+$0x0] =	vst.idx.add.f32.msk vm14, v3  }
0x260: {  	[tilespmem:v4+s30+$0x0] =	vst.idx.add.f32.msk $0xffff, v5  }
0x261: {  	s6 =	simm.s32 $0x0;
	[tilespmem:v7+s30+$0x0] =	vst.idx.add.f32.msk vm15, v3  }
0x262: {  	[tilespmem:s6], [sflag:$0x1] =	stream.linear.gather [hbm4b:s15+s6], $0x2000, $0x38;
	[tilespmem:$0xC200] =	vst v63  }
0x263: {  	_ = 	snop  }
0x264: {  	[tilespmem:s23], [sflag:$0x1] =	stream.linear.gather [hbm4b:s16+s6], $0x2000, $0x38;
	[tilespmem:$0xC200] =	vst v63  }
0x265: {  	_ = 	snop  }
0x266: {  	[tilespmem:s24], [sflag:$0x1] =	stream.linear.gather [hbm4b:s17+s6], $0x2000, $0x38;
	[tilespmem:$0xC200] =	vst v63  }
0x267: {  	_ =	swait.ge [sflag:s31], $0x2000  }
0x268: {  	[sflag:s31] =	ssyncset.done $0x0  }
0x269: {  	[sflag:s31] =	ssyncadd.s32 $0xFFFFE000  }
0x26a: {  	_ =	swait.ge [sflag:s31], $0x2000  }
0x26b: {  	s7 =	sand.u32 $0x40, s6;
	s5 =	simm.s32 $0x0;
	[sflag:s31] =	ssyncset.done $0x0  }
0x26c: {  	s5 =	sand.u32 $0x1000, s5;
	s3 =	sand.u32 $0xC00, s6;
	[sflag:s31] =	ssyncadd.s32 $0xFFFFE000  }
0x26d: {  	s3 =	sor.u32 s7, s3;
	s6 =	simm.s32 $0x0;
	_ =	swait.ge [sflag:s31], $0x2000  }
0x26e: {  	s3 =	sor.u32 s5, s3;
	s8 =	sand.u32 $0x380, s6;
	[sflag:s31] =	ssyncset.done $0x0  }
0x26f: {  	s3 =	sor.u32 s8, s3;
	[sflag:s31] =	ssyncadd.s32 $0xFFFFE000  }
0x270: {  	v9 =	vld [tilespmem:s3+$0x8000]  }
0x271: {  	v8 =	vld [tilespmem:s3+$0x8010];
	_ =	sdelay $0x1  }
0x272: {  	v7 =	vld [tilespmem:s3+$0x8020]  }
0x273: {  	v6 =	vld [tilespmem:s3+$0x8030]  }
0x274: {  	v4 =	vadd.f32 $9.999999740e-05, v9  }
0x275: {  	v11 =	vld [tilespmem:s3+$0x6010];
	v10 =	vadd.f32 $9.999999740e-05, v8  }
0x276: {  	(erf) = vrcp.f32 v4  }
0x277: {  	v61 =	vld [tilespmem:s3+$0x6000];
	v62 =	vadd.f32 $9.999999740e-05, v7;
	(erf) = vrcp.f32 v10  }
0x278: {  	v63 =	vadd.f32 $9.999999740e-05, v6  }
0x279: {  	v5 =	vld [tilespmem:s3+$0xA000];
	(erf) = vrcp.f32 v62  }
0x27a: {  	s10 =	simm.s32 $0x2;
	s4 =	simm.s32 $0x40;
	s5 =	simm.s32 $0x200;
	v8 =	vsub.f32 v11, v8;
	v11 =	vld [tilespmem:s3+$0x6030];
	(erf) = vrcp.f32 v63  }
0x27b: {  	s9 =	simm.s32 $0x40;
	s11 =	sand.u32 $0xC00, s5;
	s6 =	sand.u32 $0x40, s4;
	v4 =	vld [tilespmem:s3+$0xA010]  }
0x27c: {  	s7 =	simm.s32 $0x10;
	s8 =	sand.u32 $0x1000, s9;
	s9 =	sor.u32 s6, s11;
	v9 =	vsub.f32 v61, v9;
	v10 =	vld [tilespmem:s3+$0x6020]  }
.LBB2_8:
0x27d: {  	s11 =	sand.u32 $0x380, s7  }
0x27e: {  	s8 =	sor.u32 s8, s9;
	s7 =	smov.u32 s10;
	s6 =	sadd.s32 $0x1, s10  }
0x27f: {  	p0 =	sne.s32 s10, $0x7F;
	s8 =	sor.u32 s11, s8;
	v12 =	vpop (erf)  }
0x280: {  	v9 =	vmul.f32 v12, v9;
	v12 =	vpop (erf)  }
0x281: {  	v8 =	vmul.f32 v12, v8;
	v7 =	vsub.f32 v10, v7  }
0x282: {  	v10 =	vmul.f32 v9, v9;
	v6 =	vsub.f32 v11, v6;
	v11 =	vpop (erf)  }
0x283: {  	v12 =	vmul.f32 v8, v8;
	v7 =	vmul.f32 v11, v7;
	v11 =	vpop (erf)  }
0x284: {  	v10 =	vadd.f32 $3.999999900e-04, v10;
	v6 =	vmul.f32 v11, v6  }
0x285: {  	v11 =	vadd.f32 $3.999999900e-04, v12;
	v12 =	vmul.f32 v7, v7  }
0x286: {  	v13 =	vshra.s32 v10, $0x1;
	v14 =	vmul.f32 $5.000000000e-01, v10;
	v15 =	vmul.f32 v6, v6  }
0x287: {  	v16 =	vld [tilespmem:s3+$0xA020];
	v13 =	vsub.s32 $0x5F3759DF, v13;
	v17 =	vshra.s32 v11, $0x1;
	v18 =	vmul.f32 $5.000000000e-01, v11  }
0x288: {  	v12 =	vadd.f32 $3.999999900e-04, v12;
	v17 =	vsub.s32 $0x5F3759DF, v17;
	v15 =	vadd.f32 $3.999999900e-04, v15  }
0x289: {  	v14 =	vmul.f32 v13, v14;
	v18 =	vmul.f32 v17, v18  }
0x28a: {  	v19 =	vshra.s32 v12, $0x1;
	v20 =	vshra.s32 v15, $0x1;
	v21 =	vmul.f32 $5.000000000e-01, v15  }
0x28b: {  	v22 =	vmul.f32 $5.000000000e-01, v12;
	v14 =	vmul.f32 v13, v14;
	v19 =	vsub.s32 $0x5F3759DF, v19  }
0x28c: {  	vm0 =	vgt.f32 v5, $0.0e+00;
	v18 =	vmul.f32 v17, v18;
	v20 =	vsub.s32 $0x5F3759DF, v20  }
0x28d: {  	v22 =	vmul.f32 v19, v22;
	v14 =	vsub.f32 $1.500000000e+00, v14;
	v21 =	vmul.f32 v20, v21  }
0x28e: {  	v7 =	vand.u32 $0x7FFFFFFF, v7;
	v6 =	vand.u32 $0x7FFFFFFF, v6;
	v18 =	vsub.f32 $1.500000000e+00, v18  }
0x28f: {  	v8 =	vand.u32 $0x7FFFFFFF, v8;
	v13 =	vmul.f32 v13, v14;
	v14 =	vmul.f32 v19, v22  }
0x290: {  	v9 =	vand.u32 $0x7FFFFFFF, v9;
	v17 =	vmul.f32 v17, v18;
	v18 =	vmul.f32 v20, v21  }
0x291: {  	v10 =	vmul.f32 v13, v10;
	v9 =	vmul.f32 v13, v9;
	v13 =	vsub.f32 $1.500000000e+00, v14  }
0x292: {  	v11 =	vmul.f32 v17, v11;
	v8 =	vmul.f32 v17, v8;
	v14 =	vsub.f32 $1.500000000e+00, v18  }
0x293: {  	v10 =	vadd.f32 $-1.999999960e-02, v10;
	v9 =	vmul.f32 $1.000000000e+01, v9;
	v13 =	vmul.f32 v19, v13  }
0x294: {  	v11 =	vadd.f32 $-1.999999960e-02, v11;
	v8 =	vmul.f32 $1.000000000e+01, v8;
	v14 =	vmul.f32 v20, v14  }
0x295: {  	v5 =	vmul.f32 v10, v5;
	v9 =	vmin.f32 v9, $9.000000000e+00;
	v7 =	vmul.f32 v13, v7  }
0x296: {  	v9 =	vtrunc.f32 v9;
	v8 =	vmin.f32 v8, $9.000000000e+00;
	v6 =	vmul.f32 v14, v6  }
0x297: {  	vm2 =	vgt.f32 v4, $0.0e+00;
	v9 =	vcvt.f32.s32 v9;
	v7 =	vmul.f32 $1.000000000e+01, v7  }
0x298: {  	vm1 =	vgt.f32 v16, $0.0e+00;
	v8 =	vtrunc.f32 v8;
	v6 =	vmul.f32 $1.000000000e+01, v6  }
0x299: {  	v8 =	vcvt.f32.s32 v8;
	v9 =	vshll.u32 v9, $0x4;
	v7 =	vmin.f32 v7, $9.000000000e+00  }
0x29a: {  	v7 =	vtrunc.f32 v7;
	v6 =	vmin.f32 v6, $9.000000000e+00;
	v10 =	vor.u32 v0, v9  }
0x29b: {  	v8 =	vshll.u32 v8, $0x4;
	v9 =	vadd.s32 v2, v9;
	v7 =	vcvt.f32.s32 v7;
	v17 =	vld [tilespmem:s3+$0xA030];
	s3 =	smov.u32 s8  }
0x29c: {  	v12 =	vmul.f32 v13, v12;
	v6 =	vtrunc.f32 v6;
	v13 =	vor.u32 v0, v8  }
0x29d: {  	v8 =	vadd.s32 v2, v8;
	v6 =	vcvt.f32.s32 v6;
	v7 =	vshll.u32 v7, $0x4  }
0x29e: {  	v4 =	vmul.f32 v11, v4;
	v11 =	vadd.f32 $-1.999999960e-02, v12;
	v12 =	vor.u32 v0, v7  }
0x29f: {  	v14 =	vmul.f32 v14, v15;
	v6 =	vshll.u32 v6, $0x4;
	[tilespmem:v10+s30+$0x0] =	vst.idx.add.f32.msk $0xffff, v5;
	v5 =	vadd.s32 v2, v7  }
0x2a0: {  	v7 =	vmul.f32 v11, v16;
	[tilespmem:v9+s30+$0x0] =	vst.idx.add.f32.msk vm0, v3;
	v9 =	vor.u32 v0, v6;
	vm0 =	vgt.f32 v17, $0.0e+00  }
0x2a1: {  	v10 =	vadd.f32 $-1.999999960e-02, v14;
	[tilespmem:v13+s30+$0x0] =	vst.idx.add.f32.msk $0xffff, v4;
	v4 =	vadd.s32 v2, v6  }
0x2a2: {  	[tilespmem:v8+s30+$0x0] =	vst.idx.add.f32.msk vm2, v3  }
0x2a3: {  	v6 =	vmul.f32 v10, v17;
	[tilespmem:v12+s30+$0x0] =	vst.idx.add.f32.msk $0xffff, v7  }
0x2a4: {  	[tilespmem:v5+s30+$0x0] =	vst.idx.add.f32.msk vm1, v3  }
0x2a5: {  	[tilespmem:v9+s30+$0x0] =	vst.idx.add.f32.msk $0xffff, v6  }
0x2a6: {  	[tilespmem:v4+s30+$0x0] =	vst.idx.add.f32.msk vm0, v3  }
0x2a7: {  	v9 =	vld [tilespmem:s3+$0x8000]  }
0x2a8: {  	v8 =	vld [tilespmem:s3+$0x8010]  }
0x2a9: {  	v5 =	vld [tilespmem:s3+$0xA000]  }
0x2aa: {  	v7 =	vld [tilespmem:s3+$0x8020]  }
0x2ab: {  	v6 =	vld [tilespmem:s3+$0x8030]  }
0x2ac: {  	v10 =	vld [tilespmem:s3+$0x6010];
	v4 =	vadd.f32 $9.999999740e-05, v9  }
0x2ad: {  	v11 =	vld [tilespmem:s3+$0x6000];
	v12 =	vadd.f32 $9.999999740e-05, v8  }
0x2ae: {  	(erf) = vrcp.f32 v4  }
0x2af: {  	v13 =	vadd.f32 $9.999999740e-05, v7;
	(erf) = vrcp.f32 v12  }
0x2b0: {  	v12 =	vadd.f32 $9.999999740e-05, v6  }
.Ltmp3:
0x2b1: {  	v4 =	vld [tilespmem:s3+$0xA010];
	v8 =	vsub.f32 v10, v8;
	(erf) = vrcp.f32 v13;
	(pc) =	sbr.rel @p0 .LBB2_8-.Ltmp3, $4  }
0x2b2: {  	s4 =	sadd.s32 $0x40, s4;
	s5 =	sadd.s32 $0x200, s5;
	v9 =	vsub.f32 v11, v9;
	(erf) = vrcp.f32 v12  }
0x2b3: {  	s9 =	sand.u32 $0x40, s4;
	s10 =	sand.u32 $0xC00, s5  }
0x2b4: {  	s9 =	sor.u32 s9, s10;
	s8 =	sshll.u32 s7, $0x6;
	v10 =	vld [tilespmem:s3+$0x6020]  }
0x2b5: {  	s10 =	smov.u32 s6;
	s7 =	sshll.u32 s7, $0x4;
	s8 =	sand.u32 $0x1000, s8;
	v11 =	vld [tilespmem:s3+$0x6030]  }
0x2b6: {  	_ = 	snop  }
0x2b7: {  	v12 =	vpop (erf)  }
0x2b8: {  	v9 =	vmul.f32 v12, v9  }
0x2b9: {  	v34 =	vpop (erf)  }
0x2ba: {  	v8 =	vmul.f32 v34, v8;
	v7 =	vsub.f32 v10, v7;
	v10 =	vmul.f32 v9, v9  }
0x2bb: {  	v6 =	vsub.f32 v11, v6;
	v11 =	vpop (erf)  }
0x2bc: {  	v12 =	vmul.f32 v8, v8;
	v7 =	vmul.f32 v11, v7;
	v11 =	vpop (erf);
	v10 =	vadd.f32 $3.999999900e-04, v10  }
0x2bd: {  	vm0 =	vgt.f32 v5, $0.0e+00;
	v6 =	vmul.f32 v11, v6  }
0x2be: {  	v11 =	vadd.f32 $3.999999900e-04, v12;
	v35 =	vmul.f32 v7, v7;
	v13 =	vshra.s32 v10, $0x1  }
0x2bf: {  	v14 =	vmul.f32 $5.000000000e-01, v10;
	v15 =	vmul.f32 v6, v6;
	v13 =	vsub.s32 $0x5F3759DF, v13  }
0x2c0: {  	v16 =	vshra.s32 v11, $0x1;
	v17 =	vmul.f32 $5.000000000e-01, v11;
	v12 =	vadd.f32 $3.999999900e-04, v35  }
0x2c1: {  	v16 =	vsub.s32 $0x5F3759DF, v16;
	v15 =	vadd.f32 $3.999999900e-04, v15;
	v14 =	vmul.f32 v13, v14  }
0x2c2: {  	vm1 =	vgt.f32 v4, $0.0e+00;
	v17 =	vmul.f32 v16, v17;
	v18 =	vshra.s32 v12, $0x1  }
0x2c3: {  	v21 =	vmul.f32 $5.000000000e-01, v12;
	v19 =	vshra.s32 v15, $0x1;
	v14 =	vmul.f32 v13, v14  }
0x2c4: {  	v20 =	vmul.f32 $5.000000000e-01, v15;
	v18 =	vsub.s32 $0x5F3759DF, v18;
	v17 =	vmul.f32 v16, v17  }
0x2c5: {  	v19 =	vsub.s32 $0x5F3759DF, v19;
	v21 =	vmul.f32 v18, v21;
	v14 =	vsub.f32 $1.500000000e+00, v14  }
0x2c6: {  	v9 =	vand.u32 $0x7FFFFFFF, v9;
	v20 =	vmul.f32 v19, v20;
	v17 =	vsub.f32 $1.500000000e+00, v17  }
0x2c7: {  	v8 =	vand.u32 $0x7FFFFFFF, v8;
	v36 =	vmul.f32 v18, v21;
	v13 =	vmul.f32 v13, v14  }
0x2c8: {  	v7 =	vand.u32 $0x7FFFFFFF, v7;
	v37 =	vmul.f32 v19, v20;
	v16 =	vmul.f32 v16, v17  }
0x2c9: {  	v40 =	vld [tilespmem:s3+$0xA020];
	v38 =	vsub.f32 $1.500000000e+00, v36;
	v10 =	vmul.f32 v13, v10;
	v9 =	vmul.f32 v13, v9  }
0x2ca: {  	v39 =	vsub.f32 $1.500000000e+00, v37;
	v11 =	vmul.f32 v16, v11;
	v8 =	vmul.f32 v16, v8  }
0x2cb: {  	v13 =	vmul.f32 v18, v38;
	v10 =	vadd.f32 $-1.999999960e-02, v10;
	v9 =	vmul.f32 $1.000000000e+01, v9  }
0x2cc: {  	v6 =	vand.u32 $0x7FFFFFFF, v6;
	v14 =	vmul.f32 v19, v39;
	v8 =	vmul.f32 $1.000000000e+01, v8  }
0x2cd: {  	v7 =	vmul.f32 v13, v7;
	v5 =	vmul.f32 v10, v5;
	v9 =	vmin.f32 v9, $9.000000000e+00  }
0x2ce: {  	vm2 =	vgt.f32 v40, $0.0e+00;
	v6 =	vmul.f32 v14, v6;
	v9 =	vtrunc.f32 v9  }
0x2cf: {  	v8 =	vmin.f32 v8, $9.000000000e+00;
	v7 =	vmul.f32 $1.000000000e+01, v7;
	v9 =	vcvt.f32.s32 v9  }
0x2d0: {  	v11 =	vadd.f32 $-1.999999960e-02, v11;
	v8 =	vtrunc.f32 v8;
	v6 =	vmul.f32 $1.000000000e+01, v6  }
0x2d1: {  	v8 =	vcvt.f32.s32 v8;
	v7 =	vmin.f32 v7, $9.000000000e+00;
	v9 =	vshll.u32 v9, $0x4  }
0x2d2: {  	v7 =	vtrunc.f32 v7;
	v6 =	vmin.f32 v6, $9.000000000e+00;
	v10 =	vor.u32 v0, v9  }
0x2d3: {  	v41 =	vld [tilespmem:s3+$0xA030];
	v8 =	vshll.u32 v8, $0x4;
	v7 =	vcvt.f32.s32 v7;
	v9 =	vadd.s32 v2, v9  }
0x2d4: {  	v12 =	vmul.f32 v13, v12;
	v6 =	vtrunc.f32 v6;
	v42 =	vor.u32 v0, v8  }
0x2d5: {  	v6 =	vcvt.f32.s32 v6;
	v8 =	vadd.s32 v2, v8;
	v7 =	vshll.u32 v7, $0x4  }
0x2d6: {  	v14 =	vmul.f32 v14, v15;
	v4 =	vmul.f32 v11, v4;
	v43 =	vor.u32 v0, v7  }
0x2d7: {  	v11 =	vadd.f32 $-1.999999960e-02, v12;
	v6 =	vshll.u32 v6, $0x4;
	[tilespmem:v10+s30+$0x0] =	vst.idx.add.f32.msk $0xffff, v5;
	v5 =	vadd.s32 v2, v7  }
0x2d8: {  	vm11 =	vgt.f32 v41, $0.0e+00;
	v7 =	vor.u32 v0, v6;
	[tilespmem:v9+s30+$0x0] =	vst.idx.add.f32.msk vm0, v3  }
0x2d9: {  	v10 =	vadd.f32 $-1.999999960e-02, v14;
	v9 =	vmul.f32 v11, v40;
	[tilespmem:v42+s30+$0x0] =	vst.idx.add.f32.msk $0xffff, v4;
	v4 =	vadd.s32 v2, v6  }
0x2da: {  	[tilespmem:v8+s30+$0x0] =	vst.idx.add.f32.msk vm1, v3  }
0x2db: {  	v6 =	vmul.f32 v10, v41;
	[tilespmem:v43+s30+$0x0] =	vst.idx.add.f32.msk $0xffff, v9  }
0x2dc: {  	[tilespmem:v5+s30+$0x0] =	vst.idx.add.f32.msk vm2, v3  }
0x2dd: {  	s5 =	sand.u32 $0x380, s7;
	s4 =	sor.u32 s8, s9;
	[tilespmem:v7+s30+$0x0] =	vst.idx.add.f32.msk $0xffff, v6  }
0x2de: {  	s3 =	sor.u32 s5, s4;
	[tilespmem:v4+s30+$0x0] =	vst.idx.add.f32.msk vm11, v3  }
0x2df: {  	v4 =	vld [tilespmem:s3+$0x8000];
	_ =	sdelay $0x1  }
0x2e0: {  	v5 =	vld [tilespmem:s3+$0x8010];
	_ =	sdelay $0x1  }
0x2e1: {  	v6 =	vld [tilespmem:s3+$0x8020]  }
0x2e2: {  	v7 =	vld [tilespmem:s3+$0x8030];
	v8 =	vadd.f32 $9.999999740e-05, v4;
	_ =	sdelay $0x1  }
0x2e3: {  	v9 =	vadd.f32 $9.999999740e-05, v5;
	(erf) = vrcp.f32 v8;
	_ =	sdelay $0x1  }
0x2e4: {  	v8 =	vadd.f32 $9.999999740e-05, v6;
	(erf) = vrcp.f32 v9  }
0x2e5: {  	v10 =	vld [tilespmem:s3+$0x6000];
	v9 =	vadd.f32 $9.999999740e-05, v7  }
0x2e6: {  	(erf) = vrcp.f32 v8;
	v8 =	vld [tilespmem:s3+$0x6010]  }
0x2e7: {  	(erf) = vrcp.f32 v9;
	_ =	sdelay $0x1  }
0x2e8: {  	v9 =	vld [tilespmem:s3+$0x6020]  }
0x2e9: {  	v11 =	vld [tilespmem:s3+$0x6030];
	v4 =	vsub.f32 v10, v4  }
0x2ea: {  	v5 =	vsub.f32 v8, v5;
	v8 =	vpop (erf)  }
0x2eb: {  	v4 =	vmul.f32 v8, v4  }
0x2ec: {  	v8 =	vpop (erf)  }
0x2ed: {  	v6 =	vsub.f32 v9, v6;
	v5 =	vmul.f32 v8, v5;
	v8 =	vmul.f32 v4, v4  }
0x2ee: {  	v7 =	vsub.f32 v11, v7;
	v9 =	vpop (erf)  }
0x2ef: {  	v6 =	vmul.f32 v9, v6;
	v9 =	vpop (erf);
	v10 =	vmul.f32 v5, v5;
	v8 =	vadd.f32 $3.999999900e-04, v8  }
0x2f0: {  	v7 =	vmul.f32 v9, v7  }
0x2f1: {  	v9 =	vadd.f32 $3.999999900e-04, v10;
	v10 =	vmul.f32 v6, v6;
	v11 =	vshra.s32 v8, $0x1  }
0x2f2: {  	v45 =	vmul.f32 v7, v7;
	v44 =	vmul.f32 $5.000000000e-01, v8;
	v11 =	vsub.s32 $0x5F3759DF, v11  }
0x2f3: {  	v47 =	vshra.s32 v9, $0x1;
	v48 =	vmul.f32 $5.000000000e-01, v9;
	v10 =	vadd.f32 $3.999999900e-04, v10  }
0x2f4: {  	v13 =	vadd.f32 $3.999999900e-04, v45;
	v15 =	vsub.s32 $0x5F3759DF, v47;
	v12 =	vmul.f32 v11, v44  }
0x2f5: {  	v46 =	vld [tilespmem:s3+$0xA000];
	v16 =	vmul.f32 v15, v48;
	v49 =	vshra.s32 v10, $0x1  }
0x2f6: {  	v50 =	vshra.s32 v13, $0x1;
	v51 =	vmul.f32 $5.000000000e-01, v13;
	v12 =	vmul.f32 v11, v12  }
0x2f7: {  	v52 =	vmul.f32 $5.000000000e-01, v10;
	v18 =	vsub.s32 $0x5F3759DF, v50;
	v16 =	vmul.f32 v15, v16  }
0x2f8: {  	v17 =	vsub.s32 $0x5F3759DF, v49;
	v19 =	vmul.f32 v18, v51;
	v12 =	vsub.f32 $1.500000000e+00, v12  }
0x2f9: {  	v55 =	vld [tilespmem:s3+$0xA010];
	v20 =	vmul.f32 v17, v52;
	v16 =	vsub.f32 $1.500000000e+00, v16  }
0x2fa: {  	vm12 =	vgt.f32 v46, $0.0e+00;
	v54 =	vmul.f32 v18, v19;
	v11 =	vmul.f32 v11, v12  }
0x2fb: {  	v4 =	vand.u32 $0x7FFFFFFF, v4;
	v53 =	vmul.f32 v17, v20;
	v15 =	vmul.f32 v15, v16  }
0x2fc: {  	v5 =	vand.u32 $0x7FFFFFFF, v5;
	v56 =	vsub.f32 $1.500000000e+00, v54;
	v8 =	vmul.f32 v11, v8  }
0x2fd: {  	v57 =	vld [tilespmem:s3+$0xA020];
	v4 =	vmul.f32 v11, v4;
	v11 =	vsub.f32 $1.500000000e+00, v53;
	v9 =	vmul.f32 v15, v9  }
0x2fe: {  	vm13 =	vgt.f32 v55, $0.0e+00;
	v5 =	vmul.f32 v15, v5;
	v15 =	vmul.f32 v18, v56  }
0x2ff: {  	v6 =	vand.u32 $0x7FFFFFFF, v6;
	v4 =	vmul.f32 $1.000000000e+01, v4;
	v11 =	vmul.f32 v17, v11  }
0x300: {  	v7 =	vand.u32 $0x7FFFFFFF, v7;
	v8 =	vadd.f32 $-1.999999960e-02, v8;
	v5 =	vmul.f32 $1.000000000e+01, v5  }
0x301: {  	v7 =	vmul.f32 v15, v7;
	v4 =	vmin.f32 v4, $9.000000000e+00;
	v6 =	vmul.f32 v11, v6  }
0x302: {  	vm14 =	vgt.f32 v57, $0.0e+00;
	v8 =	vmul.f32 v8, v46;
	v4 =	vtrunc.f32 v4  }
0x303: {  	v5 =	vmin.f32 v5, $9.000000000e+00;
	v4 =	vcvt.f32.s32 v4;
	v6 =	vmul.f32 $1.000000000e+01, v6  }
0x304: {  	v9 =	vadd.f32 $-1.999999960e-02, v9;
	v7 =	vmul.f32 $1.000000000e+01, v7;
	v5 =	vtrunc.f32 v5  }
0x305: {  	v5 =	vcvt.f32.s32 v5;
	v4 =	vshll.u32 v4, $0x4;
	v6 =	vmin.f32 v6, $9.000000000e+00  }
0x306: {  	v7 =	vmin.f32 v7, $9.000000000e+00;
	v6 =	vtrunc.f32 v6;
	v58 =	vor.u32 v0, v4  }
0x307: {  	v59 =	vld [tilespmem:s3+$0xA030];
	v5 =	vshll.u32 v5, $0x4;
	v4 =	vadd.s32 v2, v4;
	v6 =	vcvt.f32.s32 v6  }
0x308: {  	v10 =	vmul.f32 v11, v10;
	v7 =	vtrunc.f32 v7;
	v11 =	vor.u32 v0, v5  }
0x309: {  	v7 =	vcvt.f32.s32 v7;
	v5 =	vadd.s32 v2, v5;
	v6 =	vshll.u32 v6, $0x4  }
0x30a: {  	v13 =	vmul.f32 v15, v13;
	v9 =	vmul.f32 v9, v55;
	v60 =	vor.u32 v0, v6  }
0x30b: {  	v10 =	vadd.f32 $-1.999999960e-02, v10;
	v7 =	vshll.u32 v7, $0x4;
	v6 =	vadd.s32 v2, v6;
	[tilespmem:v58+s30+$0x0] =	vst.idx.add.f32.msk $0xffff, v8  }
0x30c: {  	vm15 =	vgt.f32 v59, $0.0e+00;
	[tilespmem:v4+s30+$0x0] =	vst.idx.add.f32.msk vm12, v3;
	v4 =	vor.u32 v0, v7  }
0x30d: {  	v8 =	vmul.f32 v10, v57;
	v10 =	vadd.f32 $-1.999999960e-02, v13;
	v7 =	vadd.s32 v2, v7;
	[tilespmem:v11+s30+$0x0] =	vst.idx.add.f32.msk $0xffff, v9  }
0x30e: {  	[tilespmem:v5+s30+$0x0] =	vst.idx.add.f32.msk vm13, v3  }
0x30f: {  	v5 =	vmul.f32 v10, v59;
	[tilespmem:v60+s30+$0x0] =	vst.idx.add.f32.msk $0xffff, v8  }
0x310: {  	[tilespmem:v6+s30+$0x0] =	vst.idx.add.f32.msk vm14, v3  }
0x311: {  	[tilespmem:v4+s30+$0x0] =	vst.idx.add.f32.msk $0xffff, v5  }
0x312: {  	s6 =	simm.s32 $0x0;
	[tilespmem:v7+s30+$0x0] =	vst.idx.add.f32.msk vm15, v3  }
0x313: {  	[tilespmem:s25], [sflag:$0x2] =	stream.linear.gather [hbm4b:s18+s6], $0x2000, $0x38;
	[tilespmem:$0xC200] =	vst v63  }
0x314: {  	_ = 	snop  }
0x315: {  	[tilespmem:s26], [sflag:$0x2] =	stream.linear.gather [hbm4b:s19+s6], $0x2000, $0x38;
	[tilespmem:$0xC200] =	vst v63  }
0x316: {  	_ = 	snop  }
0x317: {  	[tilespmem:s28], [sflag:$0x2] =	stream.linear.gather [hbm4b:s20+s6], $0x2000, $0x38;
	[tilespmem:$0xC200] =	vst v63  }
0x318: {  	_ =	swait.ge [sflag:s29], $0x2000  }
0x319: {  	[sflag:s29] =	ssyncset.done $0x0  }
0x31a: {  	[sflag:s29] =	ssyncadd.s32 $0xFFFFE000  }
0x31b: {  	_ =	swait.ge [sflag:s29], $0x2000  }
0x31c: {  	s7 =	sand.u32 $0x40, s6;
	s5 =	simm.s32 $0x0;
	[sflag:s29] =	ssyncset.done $0x0  }
0x31d: {  	s5 =	sand.u32 $0x1000, s5;
	s3 =	sand.u32 $0xC00, s6;
	[sflag:s29] =	ssyncadd.s32 $0xFFFFE000  }
0x31e: {  	s3 =	sor.u32 s7, s3;
	s6 =	simm.s32 $0x0;
	_ =	swait.ge [sflag:s29], $0x2000  }
0x31f: {  	s3 =	sor.u32 s5, s3;
	s8 =	sand.u32 $0x380, s6;
	[sflag:s29] =	ssyncset.done $0x0  }
0x320: {  	s3 =	sor.u32 s8, s3;
	[sflag:s29] =	ssyncadd.s32 $0xFFFFE000  }
0x321: {  	v9 =	vld [tilespmem:s3+$0x2000]  }
0x322: {  	v8 =	vld [tilespmem:s3+$0x2010];
	_ =	sdelay $0x1  }
0x323: {  	v7 =	vld [tilespmem:s3+$0x2020]  }
0x324: {  	v6 =	vld [tilespmem:s3+$0x2030]  }
0x325: {  	v4 =	vadd.f32 $9.999999740e-05, v9  }
0x326: {  	v11 =	vld [tilespmem:s3+$0x10];
	v10 =	vadd.f32 $9.999999740e-05, v8  }
0x327: {  	(erf) = vrcp.f32 v4  }
0x328: {  	v61 =	vld [tilespmem:s3+$0x0];
	v62 =	vadd.f32 $9.999999740e-05, v7;
	(erf) = vrcp.f32 v10  }
0x329: {  	v63 =	vadd.f32 $9.999999740e-05, v6  }
0x32a: {  	v5 =	vld [tilespmem:s3+$0x4000];
	(erf) = vrcp.f32 v62  }
0x32b: {  	s10 =	simm.s32 $0x2;
	s4 =	simm.s32 $0x40;
	s5 =	simm.s32 $0x200;
	v8 =	vsub.f32 v11, v8;
	v11 =	vld [tilespmem:s3+$0x30];
	(erf) = vrcp.f32 v63  }
0x32c: {  	s9 =	simm.s32 $0x40;
	s11 =	sand.u32 $0xC00, s5;
	s6 =	sand.u32 $0x40, s4;
	v4 =	vld [tilespmem:s3+$0x4010]  }
0x32d: {  	s7 =	simm.s32 $0x10;
	s8 =	sand.u32 $0x1000, s9;
	s9 =	sor.u32 s6, s11;
	v9 =	vsub.f32 v61, v9;
	v10 =	vld [tilespmem:s3+$0x20]  }
.LBB2_10:
0x32e: {  	s11 =	sand.u32 $0x380, s7  }
0x32f: {  	s8 =	sor.u32 s8, s9;
	s7 =	smov.u32 s10;
	s6 =	sadd.s32 $0x1, s10  }
0x330: {  	p0 =	sne.s32 s10, $0x7F;
	s8 =	sor.u32 s11, s8;
	v12 =	vpop (erf)  }
0x331: {  	v9 =	vmul.f32 v12, v9;
	v12 =	vpop (erf)  }
0x332: {  	v8 =	vmul.f32 v12, v8;
	v7 =	vsub.f32 v10, v7  }
0x333: {  	v10 =	vmul.f32 v9, v9;
	v6 =	vsub.f32 v11, v6;
	v11 =	vpop (erf)  }
0x334: {  	v12 =	vmul.f32 v8, v8;
	v7 =	vmul.f32 v11, v7;
	v11 =	vpop (erf)  }
0x335: {  	v10 =	vadd.f32 $3.999999900e-04, v10;
	v6 =	vmul.f32 v11, v6  }
0x336: {  	v11 =	vadd.f32 $3.999999900e-04, v12;
	v12 =	vmul.f32 v7, v7  }
0x337: {  	v13 =	vshra.s32 v10, $0x1;
	v14 =	vmul.f32 $5.000000000e-01, v10;
	v15 =	vmul.f32 v6, v6  }
0x338: {  	v16 =	vld [tilespmem:s3+$0x4020];
	v13 =	vsub.s32 $0x5F3759DF, v13;
	v17 =	vshra.s32 v11, $0x1;
	v18 =	vmul.f32 $5.000000000e-01, v11  }
0x339: {  	v12 =	vadd.f32 $3.999999900e-04, v12;
	v17 =	vsub.s32 $0x5F3759DF, v17;
	v15 =	vadd.f32 $3.999999900e-04, v15  }
0x33a: {  	v14 =	vmul.f32 v13, v14;
	v18 =	vmul.f32 v17, v18  }
0x33b: {  	v19 =	vshra.s32 v12, $0x1;
	v20 =	vshra.s32 v15, $0x1;
	v21 =	vmul.f32 $5.000000000e-01, v15  }
0x33c: {  	v22 =	vmul.f32 $5.000000000e-01, v12;
	v14 =	vmul.f32 v13, v14;
	v19 =	vsub.s32 $0x5F3759DF, v19  }
0x33d: {  	vm0 =	vgt.f32 v5, $0.0e+00;
	v18 =	vmul.f32 v17, v18;
	v20 =	vsub.s32 $0x5F3759DF, v20  }
0x33e: {  	v22 =	vmul.f32 v19, v22;
	v14 =	vsub.f32 $1.500000000e+00, v14;
	v21 =	vmul.f32 v20, v21  }
0x33f: {  	v7 =	vand.u32 $0x7FFFFFFF, v7;
	v6 =	vand.u32 $0x7FFFFFFF, v6;
	v18 =	vsub.f32 $1.500000000e+00, v18  }
0x340: {  	v8 =	vand.u32 $0x7FFFFFFF, v8;
	v13 =	vmul.f32 v13, v14;
	v14 =	vmul.f32 v19, v22  }
0x341: {  	v9 =	vand.u32 $0x7FFFFFFF, v9;
	v17 =	vmul.f32 v17, v18;
	v18 =	vmul.f32 v20, v21  }
0x342: {  	v10 =	vmul.f32 v13, v10;
	v9 =	vmul.f32 v13, v9;
	v13 =	vsub.f32 $1.500000000e+00, v14  }
0x343: {  	v11 =	vmul.f32 v17, v11;
	v8 =	vmul.f32 v17, v8;
	v14 =	vsub.f32 $1.500000000e+00, v18  }
0x344: {  	v10 =	vadd.f32 $-1.999999960e-02, v10;
	v9 =	vmul.f32 $1.000000000e+01, v9;
	v13 =	vmul.f32 v19, v13  }
0x345: {  	v11 =	vadd.f32 $-1.999999960e-02, v11;
	v8 =	vmul.f32 $1.000000000e+01, v8;
	v14 =	vmul.f32 v20, v14  }
0x346: {  	v5 =	vmul.f32 v10, v5;
	v9 =	vmin.f32 v9, $9.000000000e+00;
	v7 =	vmul.f32 v13, v7  }
0x347: {  	v9 =	vtrunc.f32 v9;
	v8 =	vmin.f32 v8, $9.000000000e+00;
	v6 =	vmul.f32 v14, v6  }
0x348: {  	vm2 =	vgt.f32 v4, $0.0e+00;
	v9 =	vcvt.f32.s32 v9;
	v7 =	vmul.f32 $1.000000000e+01, v7  }
0x349: {  	vm1 =	vgt.f32 v16, $0.0e+00;
	v8 =	vtrunc.f32 v8;
	v6 =	vmul.f32 $1.000000000e+01, v6  }
0x34a: {  	v8 =	vcvt.f32.s32 v8;
	v9 =	vshll.u32 v9, $0x4;
	v7 =	vmin.f32 v7, $9.000000000e+00  }
0x34b: {  	v7 =	vtrunc.f32 v7;
	v6 =	vmin.f32 v6, $9.000000000e+00;
	v10 =	vor.u32 v0, v9  }
0x34c: {  	v8 =	vshll.u32 v8, $0x4;
	v9 =	vadd.s32 v2, v9;
	v7 =	vcvt.f32.s32 v7;
	v17 =	vld [tilespmem:s3+$0x4030];
	s3 =	smov.u32 s8  }
0x34d: {  	v12 =	vmul.f32 v13, v12;
	v6 =	vtrunc.f32 v6;
	v13 =	vor.u32 v0, v8  }
0x34e: {  	v8 =	vadd.s32 v2, v8;
	v6 =	vcvt.f32.s32 v6;
	v7 =	vshll.u32 v7, $0x4  }
0x34f: {  	v4 =	vmul.f32 v11, v4;
	v11 =	vadd.f32 $-1.999999960e-02, v12;
	v12 =	vor.u32 v0, v7  }
0x350: {  	v14 =	vmul.f32 v14, v15;
	v6 =	vshll.u32 v6, $0x4;
	[tilespmem:v10+s30+$0x0] =	vst.idx.add.f32.msk $0xffff, v5;
	v5 =	vadd.s32 v2, v7  }
0x351: {  	v7 =	vmul.f32 v11, v16;
	[tilespmem:v9+s30+$0x0] =	vst.idx.add.f32.msk vm0, v3;
	v9 =	vor.u32 v0, v6;
	vm0 =	vgt.f32 v17, $0.0e+00  }
0x352: {  	v10 =	vadd.f32 $-1.999999960e-02, v14;
	[tilespmem:v13+s30+$0x0] =	vst.idx.add.f32.msk $0xffff, v4;
	v4 =	vadd.s32 v2, v6  }
0x353: {  	[tilespmem:v8+s30+$0x0] =	vst.idx.add.f32.msk vm2, v3  }
0x354: {  	v6 =	vmul.f32 v10, v17;
	[tilespmem:v12+s30+$0x0] =	vst.idx.add.f32.msk $0xffff, v7  }
0x355: {  	[tilespmem:v5+s30+$0x0] =	vst.idx.add.f32.msk vm1, v3  }
0x356: {  	[tilespmem:v9+s30+$0x0] =	vst.idx.add.f32.msk $0xffff, v6  }
0x357: {  	[tilespmem:v4+s30+$0x0] =	vst.idx.add.f32.msk vm0, v3  }
0x358: {  	v9 =	vld [tilespmem:s3+$0x2000]  }
0x359: {  	v8 =	vld [tilespmem:s3+$0x2010]  }
0x35a: {  	v5 =	vld [tilespmem:s3+$0x4000]  }
0x35b: {  	v7 =	vld [tilespmem:s3+$0x2020]  }
0x35c: {  	v6 =	vld [tilespmem:s3+$0x2030]  }
0x35d: {  	v10 =	vld [tilespmem:s3+$0x10];
	v4 =	vadd.f32 $9.999999740e-05, v9  }
0x35e: {  	v11 =	vld [tilespmem:s3+$0x0];
	v12 =	vadd.f32 $9.999999740e-05, v8  }
0x35f: {  	(erf) = vrcp.f32 v4  }
0x360: {  	v13 =	vadd.f32 $9.999999740e-05, v7;
	(erf) = vrcp.f32 v12  }
0x361: {  	v12 =	vadd.f32 $9.999999740e-05, v6  }
.Ltmp4:
0x362: {  	v4 =	vld [tilespmem:s3+$0x4010];
	v8 =	vsub.f32 v10, v8;
	(erf) = vrcp.f32 v13;
	(pc) =	sbr.rel @p0 .LBB2_10-.Ltmp4, $4  }
0x363: {  	s4 =	sadd.s32 $0x40, s4;
	s5 =	sadd.s32 $0x200, s5;
	v9 =	vsub.f32 v11, v9;
	(erf) = vrcp.f32 v12  }
0x364: {  	s9 =	sand.u32 $0x40, s4;
	s10 =	sand.u32 $0xC00, s5  }
0x365: {  	s9 =	sor.u32 s9, s10;
	s8 =	sshll.u32 s7, $0x6;
	v10 =	vld [tilespmem:s3+$0x20]  }
0x366: {  	s10 =	smov.u32 s6;
	s7 =	sshll.u32 s7, $0x4;
	s8 =	sand.u32 $0x1000, s8;
	v11 =	vld [tilespmem:s3+$0x30]  }
0x367: {  	_ = 	snop  }
0x368: {  	v12 =	vpop (erf)  }
0x369: {  	v9 =	vmul.f32 v12, v9  }
0x36a: {  	v34 =	vpop (erf)  }
0x36b: {  	v8 =	vmul.f32 v34, v8;
	v7 =	vsub.f32 v10, v7;
	v10 =	vmul.f32 v9, v9  }
0x36c: {  	v6 =	vsub.f32 v11, v6;
	v11 =	vpop (erf)  }
0x36d: {  	v12 =	vmul.f32 v8, v8;
	v7 =	vmul.f32 v11, v7;
	v11 =	vpop (erf);
	v10 =	vadd.f32 $3.999999900e-04, v10  }
0x36e: {  	vm0 =	vgt.f32 v5, $0.0e+00;
	v6 =	vmul.f32 v11, v6  }
0x36f: {  	v11 =	vadd.f32 $3.999999900e-04, v12;
	v35 =	vmul.f32 v7, v7;
	v13 =	vshra.s32 v10, $0x1  }
0x370: {  	v14 =	vmul.f32 $5.000000000e-01, v10;
	v15 =	vmul.f32 v6, v6;
	v13 =	vsub.s32 $0x5F3759DF, v13  }
0x371: {  	v16 =	vshra.s32 v11, $0x1;
	v17 =	vmul.f32 $5.000000000e-01, v11;
	v12 =	vadd.f32 $3.999999900e-04, v35  }
0x372: {  	v16 =	vsub.s32 $0x5F3759DF, v16;
	v15 =	vadd.f32 $3.999999900e-04, v15;
	v14 =	vmul.f32 v13, v14  }
0x373: {  	vm1 =	vgt.f32 v4, $0.0e+00;
	v17 =	vmul.f32 v16, v17;
	v18 =	vshra.s32 v12, $0x1  }
0x374: {  	v21 =	vmul.f32 $5.000000000e-01, v12;
	v19 =	vshra.s32 v15, $0x1;
	v14 =	vmul.f32 v13, v14  }
0x375: {  	v20 =	vmul.f32 $5.000000000e-01, v15;
	v18 =	vsub.s32 $0x5F3759DF, v18;
	v17 =	vmul.f32 v16, v17  }
0x376: {  	v19 =	vsub.s32 $0x5F3759DF, v19;
	v21 =	vmul.f32 v18, v21;
	v14 =	vsub.f32 $1.500000000e+00, v14  }
0x377: {  	v9 =	vand.u32 $0x7FFFFFFF, v9;
	v20 =	vmul.f32 v19, v20;
	v17 =	vsub.f32 $1.500000000e+00, v17  }
0x378: {  	v8 =	vand.u32 $0x7FFFFFFF, v8;
	v36 =	vmul.f32 v18, v21;
	v13 =	vmul.f32 v13, v14  }
0x379: {  	v7 =	vand.u32 $0x7FFFFFFF, v7;
	v37 =	vmul.f32 v19, v20;
	v16 =	vmul.f32 v16, v17  }
0x37a: {  	v40 =	vld [tilespmem:s3+$0x4020];
	v38 =	vsub.f32 $1.500000000e+00, v36;
	v10 =	vmul.f32 v13, v10;
	v9 =	vmul.f32 v13, v9  }
0x37b: {  	v39 =	vsub.f32 $1.500000000e+00, v37;
	v11 =	vmul.f32 v16, v11;
	v8 =	vmul.f32 v16, v8  }
0x37c: {  	v13 =	vmul.f32 v18, v38;
	v10 =	vadd.f32 $-1.999999960e-02, v10;
	v9 =	vmul.f32 $1.000000000e+01, v9  }
0x37d: {  	v6 =	vand.u32 $0x7FFFFFFF, v6;
	v14 =	vmul.f32 v19, v39;
	v8 =	vmul.f32 $1.000000000e+01, v8  }
0x37e: {  	v7 =	vmul.f32 v13, v7;
	v5 =	vmul.f32 v10, v5;
	v9 =	vmin.f32 v9, $9.000000000e+00  }
0x37f: {  	vm2 =	vgt.f32 v40, $0.0e+00;
	v6 =	vmul.f32 v14, v6;
	v9 =	vtrunc.f32 v9  }
0x380: {  	v8 =	vmin.f32 v8, $9.000000000e+00;
	v7 =	vmul.f32 $1.000000000e+01, v7;
	v9 =	vcvt.f32.s32 v9  }
0x381: {  	v11 =	vadd.f32 $-1.999999960e-02, v11;
	v8 =	vtrunc.f32 v8;
	v6 =	vmul.f32 $1.000000000e+01, v6  }
0x382: {  	v8 =	vcvt.f32.s32 v8;
	v7 =	vmin.f32 v7, $9.000000000e+00;
	v9 =	vshll.u32 v9, $0x4  }
0x383: {  	v7 =	vtrunc.f32 v7;
	v6 =	vmin.f32 v6, $9.000000000e+00;
	v10 =	vor.u32 v0, v9  }
0x384: {  	v41 =	vld [tilespmem:s3+$0x4030];
	v8 =	vshll.u32 v8, $0x4;
	v7 =	vcvt.f32.s32 v7;
	v9 =	vadd.s32 v2, v9  }
0x385: {  	v12 =	vmul.f32 v13, v12;
	v6 =	vtrunc.f32 v6;
	v42 =	vor.u32 v0, v8  }
0x386: {  	v6 =	vcvt.f32.s32 v6;
	v8 =	vadd.s32 v2, v8;
	v7 =	vshll.u32 v7, $0x4  }
0x387: {  	v14 =	vmul.f32 v14, v15;
	v4 =	vmul.f32 v11, v4;
	v43 =	vor.u32 v0, v7  }
0x388: {  	v11 =	vadd.f32 $-1.999999960e-02, v12;
	v6 =	vshll.u32 v6, $0x4;
	[tilespmem:v10+s30+$0x0] =	vst.idx.add.f32.msk $0xffff, v5;
	v5 =	vadd.s32 v2, v7  }
0x389: {  	vm11 =	vgt.f32 v41, $0.0e+00;
	v7 =	vor.u32 v0, v6;
	[tilespmem:v9+s30+$0x0] =	vst.idx.add.f32.msk vm0, v3  }
0x38a: {  	v10 =	vadd.f32 $-1.999999960e-02, v14;
	v9 =	vmul.f32 v11, v40;
	[tilespmem:v42+s30+$0x0] =	vst.idx.add.f32.msk $0xffff, v4;
	v4 =	vadd.s32 v2, v6  }
0x38b: {  	[tilespmem:v8+s30+$0x0] =	vst.idx.add.f32.msk vm1, v3  }
0x38c: {  	v6 =	vmul.f32 v10, v41;
	[tilespmem:v43+s30+$0x0] =	vst.idx.add.f32.msk $0xffff, v9  }
0x38d: {  	[tilespmem:v5+s30+$0x0] =	vst.idx.add.f32.msk vm2, v3  }
0x38e: {  	s5 =	sand.u32 $0x380, s7;
	s4 =	sor.u32 s8, s9;
	[tilespmem:v7+s30+$0x0] =	vst.idx.add.f32.msk $0xffff, v6  }
0x38f: {  	s3 =	sor.u32 s5, s4;
	[tilespmem:v4+s30+$0x0] =	vst.idx.add.f32.msk vm11, v3  }
0x390: {  	v4 =	vld [tilespmem:s3+$0x2000];
	_ =	sdelay $0x1  }
0x391: {  	v5 =	vld [tilespmem:s3+$0x2010];
	_ =	sdelay $0x1  }
0x392: {  	v6 =	vld [tilespmem:s3+$0x2020]  }
0x393: {  	v7 =	vld [tilespmem:s3+$0x2030];
	v8 =	vadd.f32 $9.999999740e-05, v4;
	_ =	sdelay $0x1  }
0x394: {  	v9 =	vadd.f32 $9.999999740e-05, v5;
	(erf) = vrcp.f32 v8;
	_ =	sdelay $0x1  }
0x395: {  	v8 =	vadd.f32 $9.999999740e-05, v6;
	(erf) = vrcp.f32 v9  }
0x396: {  	v10 =	vld [tilespmem:s3+$0x0];
	v9 =	vadd.f32 $9.999999740e-05, v7  }
0x397: {  	(erf) = vrcp.f32 v8;
	v8 =	vld [tilespmem:s3+$0x10]  }
0x398: {  	(erf) = vrcp.f32 v9;
	_ =	sdelay $0x1  }
0x399: {  	v9 =	vld [tilespmem:s3+$0x20]  }
0x39a: {  	v11 =	vld [tilespmem:s3+$0x30];
	v4 =	vsub.f32 v10, v4  }
0x39b: {  	v5 =	vsub.f32 v8, v5;
	v8 =	vpop (erf)  }
0x39c: {  	v4 =	vmul.f32 v8, v4  }
0x39d: {  	v8 =	vpop (erf)  }
0x39e: {  	v6 =	vsub.f32 v9, v6;
	v5 =	vmul.f32 v8, v5;
	v8 =	vmul.f32 v4, v4  }
0x39f: {  	v7 =	vsub.f32 v11, v7;
	v9 =	vpop (erf)  }
0x3a0: {  	v6 =	vmul.f32 v9, v6;
	v9 =	vpop (erf);
	v10 =	vmul.f32 v5, v5;
	v8 =	vadd.f32 $3.999999900e-04, v8  }
0x3a1: {  	v7 =	vmul.f32 v9, v7  }
0x3a2: {  	v9 =	vadd.f32 $3.999999900e-04, v10;
	v10 =	vmul.f32 v6, v6;
	v11 =	vshra.s32 v8, $0x1  }
0x3a3: {  	v45 =	vmul.f32 v7, v7;
	v44 =	vmul.f32 $5.000000000e-01, v8;
	v11 =	vsub.s32 $0x5F3759DF, v11  }
0x3a4: {  	v47 =	vshra.s32 v9, $0x1;
	v48 =	vmul.f32 $5.000000000e-01, v9;
	v10 =	vadd.f32 $3.999999900e-04, v10  }
0x3a5: {  	v13 =	vadd.f32 $3.999999900e-04, v45;
	v15 =	vsub.s32 $0x5F3759DF, v47;
	v12 =	vmul.f32 v11, v44  }
0x3a6: {  	v46 =	vld [tilespmem:s3+$0x4000];
	v16 =	vmul.f32 v15, v48;
	v49 =	vshra.s32 v10, $0x1  }
0x3a7: {  	v50 =	vshra.s32 v13, $0x1;
	v51 =	vmul.f32 $5.000000000e-01, v13;
	v12 =	vmul.f32 v11, v12  }
0x3a8: {  	v52 =	vmul.f32 $5.000000000e-01, v10;
	v18 =	vsub.s32 $0x5F3759DF, v50;
	v16 =	vmul.f32 v15, v16  }
0x3a9: {  	v17 =	vsub.s32 $0x5F3759DF, v49;
	v19 =	vmul.f32 v18, v51;
	v12 =	vsub.f32 $1.500000000e+00, v12  }
0x3aa: {  	v55 =	vld [tilespmem:s3+$0x4010];
	v20 =	vmul.f32 v17, v52;
	v16 =	vsub.f32 $1.500000000e+00, v16  }
0x3ab: {  	vm12 =	vgt.f32 v46, $0.0e+00;
	v54 =	vmul.f32 v18, v19;
	v11 =	vmul.f32 v11, v12  }
0x3ac: {  	v4 =	vand.u32 $0x7FFFFFFF, v4;
	v53 =	vmul.f32 v17, v20;
	v15 =	vmul.f32 v15, v16  }
0x3ad: {  	v5 =	vand.u32 $0x7FFFFFFF, v5;
	v56 =	vsub.f32 $1.500000000e+00, v54;
	v8 =	vmul.f32 v11, v8  }
0x3ae: {  	v57 =	vld [tilespmem:s3+$0x4020];
	v4 =	vmul.f32 v11, v4;
	v11 =	vsub.f32 $1.500000000e+00, v53;
	v9 =	vmul.f32 v15, v9  }
0x3af: {  	vm13 =	vgt.f32 v55, $0.0e+00;
	v5 =	vmul.f32 v15, v5;
	v15 =	vmul.f32 v18, v56  }
0x3b0: {  	v6 =	vand.u32 $0x7FFFFFFF, v6;
	v4 =	vmul.f32 $1.000000000e+01, v4;
	v11 =	vmul.f32 v17, v11  }
0x3b1: {  	v7 =	vand.u32 $0x7FFFFFFF, v7;
	v8 =	vadd.f32 $-1.999999960e-02, v8;
	v5 =	vmul.f32 $1.000000000e+01, v5  }
0x3b2: {  	v7 =	vmul.f32 v15, v7;
	v4 =	vmin.f32 v4, $9.000000000e+00;
	v6 =	vmul.f32 v11, v6  }
0x3b3: {  	vm14 =	vgt.f32 v57, $0.0e+00;
	v8 =	vmul.f32 v8, v46;
	v4 =	vtrunc.f32 v4  }
0x3b4: {  	v5 =	vmin.f32 v5, $9.000000000e+00;
	v4 =	vcvt.f32.s32 v4;
	v6 =	vmul.f32 $1.000000000e+01, v6  }
0x3b5: {  	v9 =	vadd.f32 $-1.999999960e-02, v9;
	v7 =	vmul.f32 $1.000000000e+01, v7;
	v5 =	vtrunc.f32 v5  }
0x3b6: {  	v5 =	vcvt.f32.s32 v5;
	v4 =	vshll.u32 v4, $0x4;
	v6 =	vmin.f32 v6, $9.000000000e+00  }
0x3b7: {  	v7 =	vmin.f32 v7, $9.000000000e+00;
	v6 =	vtrunc.f32 v6;
	v58 =	vor.u32 v0, v4  }
0x3b8: {  	v59 =	vld [tilespmem:s3+$0x4030];
	v5 =	vshll.u32 v5, $0x4;
	v4 =	vadd.s32 v2, v4;
	v6 =	vcvt.f32.s32 v6  }
0x3b9: {  	v10 =	vmul.f32 v11, v10;
	v7 =	vtrunc.f32 v7;
	v11 =	vor.u32 v0, v5  }
0x3ba: {  	v7 =	vcvt.f32.s32 v7;
	v5 =	vadd.s32 v2, v5;
	v6 =	vshll.u32 v6, $0x4  }
0x3bb: {  	v13 =	vmul.f32 v15, v13;
	v9 =	vmul.f32 v9, v55;
	v60 =	vor.u32 v0, v6  }
0x3bc: {  	v10 =	vadd.f32 $-1.999999960e-02, v10;
	v7 =	vshll.u32 v7, $0x4;
	v6 =	vadd.s32 v2, v6;
	[tilespmem:v58+s30+$0x0] =	vst.idx.add.f32.msk $0xffff, v8  }
0x3bd: {  	vm15 =	vgt.f32 v59, $0.0e+00;
	[tilespmem:v4+s30+$0x0] =	vst.idx.add.f32.msk vm12, v3;
	v4 =	vor.u32 v0, v7  }
0x3be: {  	v8 =	vmul.f32 v10, v57;
	v10 =	vadd.f32 $-1.999999960e-02, v13;
	v7 =	vadd.s32 v2, v7;
	[tilespmem:v11+s30+$0x0] =	vst.idx.add.f32.msk $0xffff, v9  }
0x3bf: {  	[tilespmem:v5+s30+$0x0] =	vst.idx.add.f32.msk vm13, v3  }
0x3c0: {  	v5 =	vmul.f32 v10, v59;
	[tilespmem:v60+s30+$0x0] =	vst.idx.add.f32.msk $0xffff, v8  }
0x3c1: {  	[tilespmem:v6+s30+$0x0] =	vst.idx.add.f32.msk vm14, v3  }
0x3c2: {  	[tilespmem:v4+s30+$0x0] =	vst.idx.add.f32.msk $0xffff, v5  }
0x3c3: {  	[tilespmem:v7+s30+$0x0] =	vst.idx.add.f32.msk vm15, v3  }
0x3c4: {  	_ =	swait.ge [sflag:s31], $0x2000  }
0x3c5: {  	[sflag:s31] =	ssyncset.done $0x0  }
0x3c6: {  	[sflag:s31] =	ssyncadd.s32 $0xFFFFE000  }
0x3c7: {  	s6 =	simm.s32 $0x0;
	_ =	swait.ge [sflag:s31], $0x2000  }
0x3c8: {  	s7 =	sand.u32 $0x40, s6;
	s5 =	simm.s32 $0x0;
	[sflag:s31] =	ssyncset.done $0x0  }
0x3c9: {  	s5 =	sand.u32 $0x1000, s5;
	s3 =	sand.u32 $0xC00, s6;
	[sflag:s31] =	ssyncadd.s32 $0xFFFFE000  }
0x3ca: {  	s6 =	simm.s32 $0x0;
	s3 =	sor.u32 s7, s3;
	_ =	swait.ge [sflag:s31], $0x2000  }
0x3cb: {  	s8 =	sand.u32 $0x380, s6;
	s3 =	sor.u32 s5, s3;
	[sflag:s31] =	ssyncset.done $0x0  }
0x3cc: {  	s3 =	sor.u32 s8, s3;
	[sflag:s31] =	ssyncadd.s32 $0xFFFFE000  }
0x3cd: {  	v9 =	vld [tilespmem:s3+$0x8000]  }
0x3ce: {  	v8 =	vld [tilespmem:s3+$0x8010];
	_ =	sdelay $0x1  }
0x3cf: {  	v7 =	vld [tilespmem:s3+$0x8020]  }
0x3d0: {  	v6 =	vld [tilespmem:s3+$0x8030]  }
0x3d1: {  	v4 =	vadd.f32 $9.999999740e-05, v9  }
0x3d2: {  	v11 =	vld [tilespmem:s3+$0x6010];
	v10 =	vadd.f32 $9.999999740e-05, v8  }
0x3d3: {  	(erf) = vrcp.f32 v4  }
0x3d4: {  	v61 =	vld [tilespmem:s3+$0x6000];
	v62 =	vadd.f32 $9.999999740e-05, v7;
	(erf) = vrcp.f32 v10  }
0x3d5: {  	v63 =	vadd.f32 $9.999999740e-05, v6  }
0x3d6: {  	v5 =	vld [tilespmem:s3+$0xA000];
	(erf) = vrcp.f32 v62  }
0x3d7: {  	s10 =	simm.s32 $0x2;
	s4 =	simm.s32 $0x40;
	s5 =	simm.s32 $0x200;
	v8 =	vsub.f32 v11, v8;
	v11 =	vld [tilespmem:s3+$0x6030];
	(erf) = vrcp.f32 v63  }
0x3d8: {  	s9 =	simm.s32 $0x40;
	s6 =	sand.u32 $0x40, s4;
	s11 =	sand.u32 $0xC00, s5;
	v4 =	vld [tilespmem:s3+$0xA010]  }
0x3d9: {  	s7 =	simm.s32 $0x10;
	s8 =	sand.u32 $0x1000, s9;
	s9 =	sor.u32 s6, s11;
	v9 =	vsub.f32 v61, v9;
	v10 =	vld [tilespmem:s3+$0x6020]  }
.LBB2_12:
0x3da: {  	s11 =	sand.u32 $0x380, s7  }
0x3db: {  	s8 =	sor.u32 s8, s9;
	s7 =	smov.u32 s10;
	s6 =	sadd.s32 $0x1, s10  }
0x3dc: {  	p0 =	sne.s32 s10, $0x7F;
	s8 =	sor.u32 s11, s8;
	v12 =	vpop (erf)  }
0x3dd: {  	v9 =	vmul.f32 v12, v9;
	v12 =	vpop (erf)  }
0x3de: {  	v8 =	vmul.f32 v12, v8;
	v7 =	vsub.f32 v10, v7  }
0x3df: {  	v10 =	vmul.f32 v9, v9;
	v6 =	vsub.f32 v11, v6;
	v11 =	vpop (erf)  }
0x3e0: {  	v12 =	vmul.f32 v8, v8;
	v7 =	vmul.f32 v11, v7;
	v11 =	vpop (erf)  }
0x3e1: {  	v10 =	vadd.f32 $3.999999900e-04, v10;
	v6 =	vmul.f32 v11, v6  }
0x3e2: {  	v11 =	vadd.f32 $3.999999900e-04, v12;
	v12 =	vmul.f32 v7, v7  }
0x3e3: {  	v13 =	vshra.s32 v10, $0x1;
	v14 =	vmul.f32 $5.000000000e-01, v10;
	v15 =	vmul.f32 v6, v6  }
0x3e4: {  	v16 =	vld [tilespmem:s3+$0xA020];
	v13 =	vsub.s32 $0x5F3759DF, v13;
	v17 =	vshra.s32 v11, $0x1;
	v18 =	vmul.f32 $5.000000000e-01, v11  }
0x3e5: {  	v12 =	vadd.f32 $3.999999900e-04, v12;
	v17 =	vsub.s32 $0x5F3759DF, v17;
	v15 =	vadd.f32 $3.999999900e-04, v15  }
0x3e6: {  	v14 =	vmul.f32 v13, v14;
	v18 =	vmul.f32 v17, v18  }
0x3e7: {  	v19 =	vshra.s32 v12, $0x1;
	v20 =	vshra.s32 v15, $0x1;
	v21 =	vmul.f32 $5.000000000e-01, v15  }
0x3e8: {  	v22 =	vmul.f32 $5.000000000e-01, v12;
	v14 =	vmul.f32 v13, v14;
	v19 =	vsub.s32 $0x5F3759DF, v19  }
0x3e9: {  	vm0 =	vgt.f32 v5, $0.0e+00;
	v18 =	vmul.f32 v17, v18;
	v20 =	vsub.s32 $0x5F3759DF, v20  }
0x3ea: {  	v22 =	vmul.f32 v19, v22;
	v14 =	vsub.f32 $1.500000000e+00, v14;
	v21 =	vmul.f32 v20, v21  }
0x3eb: {  	v7 =	vand.u32 $0x7FFFFFFF, v7;
	v6 =	vand.u32 $0x7FFFFFFF, v6;
	v18 =	vsub.f32 $1.500000000e+00, v18  }
0x3ec: {  	v8 =	vand.u32 $0x7FFFFFFF, v8;
	v13 =	vmul.f32 v13, v14;
	v14 =	vmul.f32 v19, v22  }
0x3ed: {  	v9 =	vand.u32 $0x7FFFFFFF, v9;
	v17 =	vmul.f32 v17, v18;
	v18 =	vmul.f32 v20, v21  }
0x3ee: {  	v10 =	vmul.f32 v13, v10;
	v9 =	vmul.f32 v13, v9;
	v13 =	vsub.f32 $1.500000000e+00, v14  }
0x3ef: {  	v11 =	vmul.f32 v17, v11;
	v8 =	vmul.f32 v17, v8;
	v14 =	vsub.f32 $1.500000000e+00, v18  }
0x3f0: {  	v10 =	vadd.f32 $-1.999999960e-02, v10;
	v9 =	vmul.f32 $1.000000000e+01, v9;
	v13 =	vmul.f32 v19, v13  }
0x3f1: {  	v11 =	vadd.f32 $-1.999999960e-02, v11;
	v8 =	vmul.f32 $1.000000000e+01, v8;
	v14 =	vmul.f32 v20, v14  }
0x3f2: {  	v5 =	vmul.f32 v10, v5;
	v9 =	vmin.f32 v9, $9.000000000e+00;
	v7 =	vmul.f32 v13, v7  }
0x3f3: {  	v9 =	vtrunc.f32 v9;
	v8 =	vmin.f32 v8, $9.000000000e+00;
	v6 =	vmul.f32 v14, v6  }
0x3f4: {  	vm2 =	vgt.f32 v4, $0.0e+00;
	v9 =	vcvt.f32.s32 v9;
	v7 =	vmul.f32 $1.000000000e+01, v7  }
0x3f5: {  	vm1 =	vgt.f32 v16, $0.0e+00;
	v8 =	vtrunc.f32 v8;
	v6 =	vmul.f32 $1.000000000e+01, v6  }
0x3f6: {  	v8 =	vcvt.f32.s32 v8;
	v9 =	vshll.u32 v9, $0x4;
	v7 =	vmin.f32 v7, $9.000000000e+00  }
0x3f7: {  	v7 =	vtrunc.f32 v7;
	v6 =	vmin.f32 v6, $9.000000000e+00;
	v10 =	vor.u32 v0, v9  }
0x3f8: {  	v8 =	vshll.u32 v8, $0x4;
	v9 =	vadd.s32 v2, v9;
	v7 =	vcvt.f32.s32 v7;
	v17 =	vld [tilespmem:s3+$0xA030];
	s3 =	smov.u32 s8  }
0x3f9: {  	v12 =	vmul.f32 v13, v12;
	v6 =	vtrunc.f32 v6;
	v13 =	vor.u32 v0, v8  }
0x3fa: {  	v8 =	vadd.s32 v2, v8;
	v6 =	vcvt.f32.s32 v6;
	v7 =	vshll.u32 v7, $0x4  }
0x3fb: {  	v4 =	vmul.f32 v11, v4;
	v11 =	vadd.f32 $-1.999999960e-02, v12;
	v12 =	vor.u32 v0, v7  }
0x3fc: {  	v14 =	vmul.f32 v14, v15;
	v6 =	vshll.u32 v6, $0x4;
	[tilespmem:v10+s30+$0x0] =	vst.idx.add.f32.msk $0xffff, v5;
	v5 =	vadd.s32 v2, v7  }
0x3fd: {  	v7 =	vmul.f32 v11, v16;
	[tilespmem:v9+s30+$0x0] =	vst.idx.add.f32.msk vm0, v3;
	v9 =	vor.u32 v0, v6;
	vm0 =	vgt.f32 v17, $0.0e+00  }
0x3fe: {  	v10 =	vadd.f32 $-1.999999960e-02, v14;
	[tilespmem:v13+s30+$0x0] =	vst.idx.add.f32.msk $0xffff, v4;
	v4 =	vadd.s32 v2, v6  }
0x3ff: {  	[tilespmem:v8+s30+$0x0] =	vst.idx.add.f32.msk vm2, v3  }
0x400: {  	v6 =	vmul.f32 v10, v17;
	[tilespmem:v12+s30+$0x0] =	vst.idx.add.f32.msk $0xffff, v7  }
0x401: {  	[tilespmem:v5+s30+$0x0] =	vst.idx.add.f32.msk vm1, v3  }
0x402: {  	[tilespmem:v9+s30+$0x0] =	vst.idx.add.f32.msk $0xffff, v6  }
0x403: {  	[tilespmem:v4+s30+$0x0] =	vst.idx.add.f32.msk vm0, v3  }
0x404: {  	v9 =	vld [tilespmem:s3+$0x8000]  }
0x405: {  	v8 =	vld [tilespmem:s3+$0x8010]  }
0x406: {  	v5 =	vld [tilespmem:s3+$0xA000]  }
0x407: {  	v7 =	vld [tilespmem:s3+$0x8020]  }
0x408: {  	v6 =	vld [tilespmem:s3+$0x8030]  }
0x409: {  	v10 =	vld [tilespmem:s3+$0x6010];
	v4 =	vadd.f32 $9.999999740e-05, v9  }
0x40a: {  	v11 =	vld [tilespmem:s3+$0x6000];
	v12 =	vadd.f32 $9.999999740e-05, v8  }
0x40b: {  	(erf) = vrcp.f32 v4  }
0x40c: {  	v13 =	vadd.f32 $9.999999740e-05, v7;
	(erf) = vrcp.f32 v12  }
0x40d: {  	v12 =	vadd.f32 $9.999999740e-05, v6  }
.Ltmp5:
0x40e: {  	v4 =	vld [tilespmem:s3+$0xA010];
	v8 =	vsub.f32 v10, v8;
	(erf) = vrcp.f32 v13;
	(pc) =	sbr.rel @p0 .LBB2_12-.Ltmp5, $4  }
0x40f: {  	s4 =	sadd.s32 $0x40, s4;
	s5 =	sadd.s32 $0x200, s5;
	v9 =	vsub.f32 v11, v9;
	(erf) = vrcp.f32 v12  }
0x410: {  	s9 =	sand.u32 $0x40, s4;
	s10 =	sand.u32 $0xC00, s5  }
0x411: {  	s9 =	sor.u32 s9, s10;
	s8 =	sshll.u32 s7, $0x6;
	v10 =	vld [tilespmem:s3+$0x6020]  }
0x412: {  	s10 =	smov.u32 s6;
	s7 =	sshll.u32 s7, $0x4;
	s8 =	sand.u32 $0x1000, s8;
	v11 =	vld [tilespmem:s3+$0x6030]  }
0x413: {  	_ = 	snop  }
0x414: {  	v12 =	vpop (erf)  }
0x415: {  	v9 =	vmul.f32 v12, v9  }
0x416: {  	v51 =	vpop (erf)  }
0x417: {  	v8 =	vmul.f32 v51, v8;
	v7 =	vsub.f32 v10, v7;
	v52 =	vmul.f32 v9, v9  }
0x418: {  	v6 =	vsub.f32 v11, v6;
	v53 =	vpop (erf)  }
0x419: {  	v12 =	vmul.f32 v8, v8;
	v7 =	vmul.f32 v53, v7;
	v54 =	vpop (erf);
	v10 =	vadd.f32 $3.999999900e-04, v52  }
0x41a: {  	vm0 =	vgt.f32 v5, $0.0e+00;
	v6 =	vmul.f32 v54, v6  }
0x41b: {  	v55 =	vadd.f32 $3.999999900e-04, v12;
	v56 =	vmul.f32 v7, v7;
	v13 =	vshra.s32 v10, $0x1  }
0x41c: {  	v14 =	vmul.f32 $5.000000000e-01, v10;
	v15 =	vmul.f32 v6, v6;
	v13 =	vsub.s32 $0x5F3759DF, v13  }
0x41d: {  	v16 =	vshra.s32 v55, $0x1;
	v17 =	vmul.f32 $5.000000000e-01, v55;
	v12 =	vadd.f32 $3.999999900e-04, v56  }
0x41e: {  	v16 =	vsub.s32 $0x5F3759DF, v16;
	v15 =	vadd.f32 $3.999999900e-04, v15;
	v14 =	vmul.f32 v13, v14  }
0x41f: {  	vm1 =	vgt.f32 v4, $0.0e+00;
	v17 =	vmul.f32 v16, v17;
	v18 =	vshra.s32 v12, $0x1  }
0x420: {  	v61 =	vld [tilespmem:s3+$0xA020];
	v21 =	vmul.f32 $5.000000000e-01, v12;
	v19 =	vshra.s32 v15, $0x1;
	v14 =	vmul.f32 v13, v14  }
0x421: {  	v20 =	vmul.f32 $5.000000000e-01, v15;
	v18 =	vsub.s32 $0x5F3759DF, v18;
	v17 =	vmul.f32 v16, v17  }
0x422: {  	v19 =	vsub.s32 $0x5F3759DF, v19;
	v21 =	vmul.f32 v18, v21;
	v14 =	vsub.f32 $1.500000000e+00, v14  }
0x423: {  	v9 =	vand.u32 $0x7FFFFFFF, v9;
	v20 =	vmul.f32 v19, v20;
	v17 =	vsub.f32 $1.500000000e+00, v17  }
0x424: {  	v8 =	vand.u32 $0x7FFFFFFF, v8;
	v57 =	vmul.f32 v18, v21;
	v13 =	vmul.f32 v13, v14  }
0x425: {  	vm2 =	vgt.f32 v61, $0.0e+00;
	v58 =	vmul.f32 v19, v20;
	v16 =	vmul.f32 v16, v17  }
0x426: {  	v59 =	vsub.f32 $1.500000000e+00, v57;
	v10 =	vmul.f32 v13, v10;
	v9 =	vmul.f32 v13, v9  }
0x427: {  	v60 =	vsub.f32 $1.500000000e+00, v58;
	v11 =	vmul.f32 v16, v55;
	v8 =	vmul.f32 v16, v8  }
0x428: {  	v7 =	vand.u32 $0x7FFFFFFF, v7;
	v13 =	vmul.f32 v18, v59;
	v9 =	vmul.f32 $1.000000000e+01, v9  }
0x429: {  	v6 =	vand.u32 $0x7FFFFFFF, v6;
	v14 =	vmul.f32 v19, v60;
	v8 =	vmul.f32 $1.000000000e+01, v8  }
0x42a: {  	v7 =	vmul.f32 v13, v7;
	v12 =	vmul.f32 v13, v12;
	v9 =	vmin.f32 v9, $9.000000000e+00  }
0x42b: {  	v10 =	vadd.f32 $-1.999999960e-02, v10;
	v6 =	vmul.f32 v14, v6;
	v9 =	vtrunc.f32 v9  }
0x42c: {  	v8 =	vmin.f32 v8, $9.000000000e+00;
	v7 =	vmul.f32 $1.000000000e+01, v7;
	v9 =	vcvt.f32.s32 v9  }
0x42d: {  	v11 =	vadd.f32 $-1.999999960e-02, v11;
	v8 =	vtrunc.f32 v8;
	v6 =	vmul.f32 $1.000000000e+01, v6  }
0x42e: {  	v8 =	vcvt.f32.s32 v8;
	v7 =	vmin.f32 v7, $9.000000000e+00;
	v9 =	vshll.u32 v9, $0x4  }
0x42f: {  	v7 =	vtrunc.f32 v7;
	v6 =	vmin.f32 v6, $9.000000000e+00;
	v62 =	vor.u32 v0, v9  }
0x430: {  	v63 =	vld [tilespmem:s3+$0xA030];
	v8 =	vshll.u32 v8, $0x4;
	v7 =	vcvt.f32.s32 v7;
	v9 =	vadd.s32 v2, v9  }
0x431: {  	v5 =	vmul.f32 v10, v5;
	v6 =	vtrunc.f32 v6;
	v19 =	vor.u32 v0, v8  }
0x432: {  	v6 =	vcvt.f32.s32 v6;
	v8 =	vadd.s32 v2, v8;
	v7 =	vshll.u32 v7, $0x4  }
0x433: {  	v14 =	vmul.f32 v14, v15;
	v4 =	vmul.f32 v11, v4;
	v21 =	vor.u32 v0, v7  }
0x434: {  	v20 =	vadd.f32 $-1.999999960e-02, v12;
	v6 =	vshll.u32 v6, $0x4;
	[tilespmem:v62+s30+$0x0] =	vst.idx.add.f32.msk $0xffff, v5;
	v5 =	vadd.s32 v2, v7  }
0x435: {  	vm11 =	vgt.f32 v63, $0.0e+00;
	v22 =	vor.u32 v0, v6;
	[tilespmem:v9+s30+$0x0] =	vst.idx.add.f32.msk vm0, v3  }
0x436: {  	v24 =	vadd.f32 $-1.999999960e-02, v14;
	v23 =	vmul.f32 v20, v61;
	[tilespmem:v19+s30+$0x0] =	vst.idx.add.f32.msk $0xffff, v4;
	v4 =	vadd.s32 v2, v6  }
0x437: {  	[tilespmem:v8+s30+$0x0] =	vst.idx.add.f32.msk vm1, v3  }
0x438: {  	v25 =	vmul.f32 v24, v63;
	[tilespmem:v21+s30+$0x0] =	vst.idx.add.f32.msk $0xffff, v23  }
0x439: {  	[tilespmem:v5+s30+$0x0] =	vst.idx.add.f32.msk vm2, v3  }
0x43a: {  	s7 =	sand.u32 $0x380, s7;
	s4 =	sor.u32 s8, s9;
	[tilespmem:v22+s30+$0x0] =	vst.idx.add.f32.msk $0xffff, v25  }
0x43b: {  	s3 =	sor.u32 s7, s4;
	[tilespmem:v4+s30+$0x0] =	vst.idx.add.f32.msk vm11, v3  }
0x43c: {  	v4 =	vld [tilespmem:s3+$0x8000]  }
0x43d: {  	v5 =	vld [tilespmem:s3+$0x8010]  }
0x43e: {  	v6 =	vld [tilespmem:s3+$0x8020]  }
0x43f: {  	v7 =	vld [tilespmem:s3+$0x8030];
	_ =	sdelay $0x1  }
0x440: {  	v26 =	vadd.f32 $9.999999740e-05, v4  }
0x441: {  	v27 =	vadd.f32 $9.999999740e-05, v5  }
0x442: {  	v28 =	vadd.f32 $9.999999740e-05, v6;
	(erf) = vrcp.f32 v26  }
0x443: {  	v29 =	vadd.f32 $9.999999740e-05, v7;
	(erf) = vrcp.f32 v27  }
0x444: {  	(erf) = vrcp.f32 v28  }
0x445: {  	v30 =	vld [tilespmem:s3+$0x6000];
	(erf) = vrcp.f32 v29  }
0x446: {  	v31 =	vld [tilespmem:s3+$0x6010]  }
0x447: {  	v32 =	vld [tilespmem:s3+$0x6020]  }
0x448: {  	v33 =	vld [tilespmem:s3+$0x6030];
	_ =	sdelay $0x1  }
0x449: {  	v4 =	vsub.f32 v30, v4  }
0x44a: {  	v5 =	vsub.f32 v31, v5;
	v34 =	vpop (erf)  }
0x44b: {  	v45 =	vld [tilespmem:s3+$0xA000];
	v6 =	vsub.f32 v32, v6;
	v4 =	vmul.f32 v34, v4;
	v35 =	vpop (erf)  }
0x44c: {  	v7 =	vsub.f32 v33, v7;
	v5 =	vmul.f32 v35, v5;
	v37 =	vpop (erf)  }
0x44d: {  	v36 =	vmul.f32 v4, v4;
	v6 =	vmul.f32 v37, v6;
	v39 =	vpop (erf)  }
0x44e: {  	v38 =	vmul.f32 v5, v5;
	v7 =	vmul.f32 v39, v7  }
0x44f: {  	v8 =	vadd.f32 $3.999999900e-04, v36;
	v41 =	vmul.f32 v6, v6  }
0x450: {  	vm12 =	vgt.f32 v45, $0.0e+00;
	v40 =	vadd.f32 $3.999999900e-04, v38;
	v44 =	vmul.f32 v7, v7  }
0x451: {  	v42 =	vshra.s32 v8, $0x1;
	v43 =	vmul.f32 $5.000000000e-01, v8;
	v10 =	vadd.f32 $3.999999900e-04, v41  }
0x452: {  	v55 =	vld [tilespmem:s3+$0xA010];
	v11 =	vsub.s32 $0x5F3759DF, v42;
	v46 =	vshra.s32 v40, $0x1;
	v47 =	vmul.f32 $5.000000000e-01, v40  }
0x453: {  	v13 =	vadd.f32 $3.999999900e-04, v44;
	v15 =	vsub.s32 $0x5F3759DF, v46;
	v12 =	vmul.f32 v11, v43  }
0x454: {  	v57 =	vld [tilespmem:s3+$0xA020];
	v48 =	vshra.s32 v10, $0x1;
	v51 =	vmul.f32 $5.000000000e-01, v10;
	v16 =	vmul.f32 v15, v47  }
0x455: {  	v50 =	vmul.f32 $5.000000000e-01, v13;
	v17 =	vsub.s32 $0x5F3759DF, v48;
	v12 =	vmul.f32 v11, v12  }
0x456: {  	v49 =	vshra.s32 v13, $0x1;
	v20 =	vmul.f32 v17, v51;
	v16 =	vmul.f32 v15, v16  }
0x457: {  	vm13 =	vgt.f32 v55, $0.0e+00;
	v18 =	vsub.s32 $0x5F3759DF, v49;
	v12 =	vsub.f32 $1.500000000e+00, v12  }
0x458: {  	v19 =	vmul.f32 v18, v50;
	v52 =	vmul.f32 v17, v20;
	v16 =	vsub.f32 $1.500000000e+00, v16  }
0x459: {  	vm14 =	vgt.f32 v57, $0.0e+00;
	v4 =	vand.u32 $0x7FFFFFFF, v4;
	v11 =	vmul.f32 v11, v12  }
0x45a: {  	v53 =	vmul.f32 v18, v19;
	v54 =	vsub.f32 $1.500000000e+00, v52;
	v15 =	vmul.f32 v15, v16  }
0x45b: {  	v5 =	vand.u32 $0x7FFFFFFF, v5;
	v8 =	vmul.f32 v11, v8;
	v4 =	vmul.f32 v11, v4  }
0x45c: {  	v56 =	vsub.f32 $1.500000000e+00, v53;
	v11 =	vmul.f32 v17, v54;
	v9 =	vmul.f32 v15, v40  }
0x45d: {  	v6 =	vand.u32 $0x7FFFFFFF, v6;
	v5 =	vmul.f32 v15, v5;
	v4 =	vmul.f32 $1.000000000e+01, v4  }
0x45e: {  	v7 =	vand.u32 $0x7FFFFFFF, v7;
	v15 =	vmul.f32 v18, v56;
	v6 =	vmul.f32 v11, v6  }
0x45f: {  	v10 =	vmul.f32 v11, v10;
	v5 =	vmul.f32 $1.000000000e+01, v5;
	v4 =	vmin.f32 v4, $9.000000000e+00  }
0x460: {  	v8 =	vadd.f32 $-1.999999960e-02, v8;
	v7 =	vmul.f32 v15, v7;
	v4 =	vtrunc.f32 v4  }
0x461: {  	v6 =	vmul.f32 $1.000000000e+01, v6;
	v5 =	vmin.f32 v5, $9.000000000e+00;
	v4 =	vcvt.f32.s32 v4  }
0x462: {  	v9 =	vadd.f32 $-1.999999960e-02, v9;
	v7 =	vmul.f32 $1.000000000e+01, v7;
	v5 =	vtrunc.f32 v5  }
0x463: {  	v6 =	vmin.f32 v6, $9.000000000e+00;
	v5 =	vcvt.f32.s32 v5;
	v4 =	vshll.u32 v4, $0x4  }
0x464: {  	v6 =	vtrunc.f32 v6;
	v7 =	vmin.f32 v7, $9.000000000e+00;
	v58 =	vor.u32 v0, v4  }
0x465: {  	v59 =	vld [tilespmem:s3+$0xA030];
	v6 =	vcvt.f32.s32 v6;
	v5 =	vshll.u32 v5, $0x4;
	v4 =	vadd.s32 v2, v4  }
0x466: {  	v8 =	vmul.f32 v8, v45;
	v7 =	vtrunc.f32 v7;
	v60 =	vor.u32 v0, v5  }
0x467: {  	v7 =	vcvt.f32.s32 v7;
	v6 =	vshll.u32 v6, $0x4;
	v5 =	vadd.s32 v2, v5  }
0x468: {  	v13 =	vmul.f32 v15, v13;
	v10 =	vadd.f32 $-1.999999960e-02, v10;
	v61 =	vor.u32 v0, v6  }
0x469: {  	v9 =	vmul.f32 v9, v55;
	v7 =	vshll.u32 v7, $0x4;
	v6 =	vadd.s32 v2, v6;
	[tilespmem:v58+s30+$0x0] =	vst.idx.add.f32.msk $0xffff, v8  }
0x46a: {  	vm15 =	vgt.f32 v59, $0.0e+00;
	[tilespmem:v4+s30+$0x0] =	vst.idx.add.f32.msk vm12, v3;
	v4 =	vor.u32 v0, v7  }
0x46b: {  	v63 =	vadd.f32 $-1.999999960e-02, v13;
	v62 =	vmul.f32 v10, v57;
	v7 =	vadd.s32 v2, v7;
	[tilespmem:v60+s30+$0x0] =	vst.idx.add.f32.msk $0xffff, v9  }
0x46c: {  	[tilespmem:v5+s30+$0x0] =	vst.idx.add.f32.msk vm13, v3  }
0x46d: {  	v5 =	vmul.f32 v63, v59;
	[tilespmem:v61+s30+$0x0] =	vst.idx.add.f32.msk $0xffff, v62  }
0x46e: {  	s0 =	sadd.s32 $0x1, s0;
	[tilespmem:v6+s30+$0x0] =	vst.idx.add.f32.msk vm14, v3  }
0x46f: {  	p0 =	sne.s32 s0, s22;
	[tilespmem:v4+s30+$0x0] =	vst.idx.add.f32.msk $0xffff, v5  }
.Ltmp6:
0x470: {  	s10 =	simm.s32 $0x80;
	s11 =	simm.s32 $0x400;
	[tilespmem:v7+s30+$0x0] =	vst.idx.add.f32.msk vm15, v3;
	(pc) =	sbr.rel @p0 .LBB2_1-.Ltmp6, $4  }
0x471: {  	[hbm4b:s21+s10] =	stream.strided.scatter [tilespmem:s30], [sflag:$0x3], $0x200, s11, s10, $0x38;
	[tilespmem:$0xC200] =	vst v63  }
0x472: {  	_ =	swait.ge [sflag:s1], $0x200  }
0x473: {  	[sflag:s1] =	ssyncset.done $0x0  }
0x474: {  	[sflag:s1] =	ssyncadd.s32 $0xFFFFFE00  }
0x475: {  	_ =	sfence.sel $0x180000  }
0x476: {  	[bflag:$0x0] =	sbarrier.arrive $0xFFFF  }
0x477: {  	_ =	strace $0x90000047  }
0x478: {  	s0 =	stileid.u32;
	[bflag:$0x2] =	sbarrier.arrive $0xFFFF  }
0x479: {  	p0 =	sne.s32 s0, $0x0;
	s0 =	rddreg [dreg:$0x3]  }
0x47a: {  	s0 =	sadd.s32 @!p0 $0x100000, s0  }
0x47b: {  	[sflag:s0] =	ssyncadd.tile.s32 @!p0 $0x1;
	_ =	shalt  }
.Lfunc_end2:
_tile_overlayer_lowered:
.L_overlay_start_2:
0x47c: {  	(tag) =	ssettag $0x2  }
0x47d: {  	s0 =	rddreg [dreg:$0x0];
	s2 =	stileid.u32  }
0x47e: {  	s1 =	rddreg [dreg:$0x1];
	p0 =	sne.s32 s2, $0x0  }
0x47f: {  	s3 =	rddreg [dreg:$0x2];
	[bflag:$0x3] =	sbarrier.arrive $0xFFFF;
	s2 =	simm.s32 @!p0 $0x1C03  }
0x480: {  	[timem:s3], [sflag:s2] =	dma.local @!p0 [hbm:s0], s1  }
0x481: {  	s0 =	simm.s32 @!p0 $0x3  }
0x482: {  	_ =	swait.ge @!p0 [sflag:s0], s1  }
0x483: {  	s1 =	ssub.s32 @!p0 $0x0, s1;
	[sflag:s0] =	ssyncset.done @!p0 $0x0  }
0x484: {  	[sflag:s0] =	ssyncadd.s32 @!p0 s1  }
0x485: {  	[bflag:$0x3] =	sbarrier.arrive $0xFFFF  }
0x486: {  	_ =	shalt  }

</sc_bundles>
